<compile_context>
chip_gen: v7x
topology: tpu7x:2x2x1
jax: 0.10.2.dev20260603
libtpu: 0.0.44.dev20260713+nightly
codegen_flags: <defaults>
</compile_context>

<pallas_src>
import functools

import jax
import jax.numpy as jnp
from jax import lax
from jax.experimental import pallas as pl
from jax.experimental.pallas import tpu as pltpu
from jax.experimental.pallas import tpu_sc as plsc

P = 77
D = 768
LANES = 16
NC = 2
NS = 16
NW = NC * NS
C = 32
NBUF = 4
DGROUP = 16


def _body(nch, logb, idx_hbm, tok_hbm, pos_hbm, out_hbm, idx_v, rows_v, pidx_v,
          pos16_v, gsem, ssem):
    wid = lax.axis_index("s") * NC + lax.axis_index("c")
    base = wid * (nch * C)

    pltpu.sync_copy(idx_hbm.at[pl.ds(base, nch * C)], idx_v)
    p0 = lax.shift_right_logical(base, logb)
    pidx_v[...] = lax.min(lax.iota(jnp.int32, LANES) + p0, P - 1)
    pltpu.async_copy(pos_hbm.at[pidx_v], pos16_v, gsem.at[0]).wait()

    def gather(c, b):
        return pltpu.make_async_copy(tok_hbm.at[idx_v.at[pl.ds(c * C, C)]],
                                     rows_v.at[b], gsem.at[b])

    def scatter(c, b):
        off = base + c * C
        return pltpu.make_async_copy(rows_v.at[b], out_hbm.at[pl.ds(off, C)],
                                     ssem.at[b])

    def add_pos(c, b):
        prow = lax.shift_right_logical(base + c * C, logb) - p0
        for g in range(D // (LANES * DGROUP)):
            sls = [pl.ds((g * DGROUP + q) * LANES, LANES) for q in range(DGROUP)]
            pv = [pos16_v[prow, sl] for sl in sls]

            def jbody(j, _):
                xs = [rows_v[b, j, sl] for sl in sls]
                for sl, x, pvd in zip(sls, xs, pv):
                    rows_v[b, j, sl] = x + pvd
                return 0
            lax.fori_loop(0, C, jbody, 0)

    gather(0, 0).start()

    def cc_body(cc, _):
        for b in range(NBUF):
            c = cc * NBUF + b
            nb = (b + 1) % NBUF

            @pl.when(c + 1 < nch)
            def _():
                @pl.when(c + 1 >= NBUF)
                def _():
                    scatter(c + 1 - NBUF, nb).wait()
                gather(c + 1, nb).start()

            gather(c, b).wait()
            add_pos(c, b)
            scatter(c, b).start()
        return 0

    lax.fori_loop(0, nch // NBUF, cc_body, 0)
    for k in range(NBUF):
        scatter(nch - NBUF + k, (nch - NBUF + k) % NBUF).wait()


def kernel(input_tokens, token_embedding, position_embedding):
    B, p = input_tokens.shape
    assert p == P and token_embedding.shape[1] == D
    assert B & (B - 1) == 0
    logb = B.bit_length() - 1
    N = B * P
    assert N % (NW * C) == 0 and B % C == 0
    nch = N // (NW * C)

    idx = input_tokens.T.reshape(N).astype(jnp.int32)
    mesh = plsc.VectorSubcoreMesh(core_axis_name="c", subcore_axis_name="s",
                                  num_cores=NC, num_subcores=NS)
    run = pl.kernel(
        functools.partial(_body, nch, logb),
        out_type=jax.ShapeDtypeStruct((N, D), jnp.float32),
        mesh=mesh,
        scratch_types=[
            pltpu.VMEM((nch * C,), jnp.int32),
            pltpu.VMEM((NBUF, C, D), jnp.float32),
            pltpu.VMEM((LANES,), jnp.int32),
            pltpu.VMEM((LANES, D), jnp.float32),
            pltpu.SemaphoreType.DMA((NBUF,)),
            pltpu.SemaphoreType.DMA((NBUF,)),
        ],
    )
    out = run(idx, token_embedding, position_embedding)
    return out.reshape(P, B, D).transpose(1, 0, 2)

# --- scband reference (transcript-rebuilt; emitter-appended) ---
"""Pipeline reference for scband-clipembeddings-52561809769112 (READ-ONLY COPY).

The authoritative reference and input builder live on the scoring server;
editing this copy changes nothing except your own understanding.
"""

import jax, jax.numpy as jnp
import numpy as np

VOCAB = 49408
NUM_POS = 77
EMBED_DIM = 768
BATCH = 4096

def setup_inputs(seed: int = 0) -> dict:
    key = jax.random.key(seed)
    k1, k2, k3 = jax.random.split(key, 3)
    input_tokens = jax.random.randint(k1, (BATCH, NUM_POS), 0, VOCAB, dtype=jnp.int64 if jax.config.jax_enable_x64 else jnp.int32)
    token_embedding = jax.random.normal(k2, (VOCAB, EMBED_DIM), dtype=jnp.float32) * 0.02
    position_embedding = jax.random.normal(k3, (NUM_POS, EMBED_DIM), dtype=jnp.float32) * 0.02
    return {"input_tokens": input_tokens, "token_embedding": token_embedding, "position_embedding": position_embedding}

def reference(input_tokens, token_embedding, position_embedding):
    # token_embedding lookup (gather) + broadcast add of full position embedding table
    tok = jnp.take(token_embedding, input_tokens, axis=0)  # [B, 77, D]
    return tok + position_embedding[None, :, :]

if __name__ == "__main__":
    import jax
    _d = setup_inputs()
    print(jax.jit(kernel)(*tuple(_d.values())))

</pallas_src>

<mosaic_0001>
#map = affine_map<(d0, d1) -> (0)>
#map1 = affine_map<(d0, d1) -> (0, 0)>
module attributes {stable_mosaic.version = 14 : i64} {
  func.func @_body(%arg0: i32, %arg1: i32, %arg2: memref<315392xi32, #tpu.memory_space<hbm>>, %arg3: memref<49408x768xf32, #tpu.memory_space<hbm>>, %arg4: memref<77x768xf32, #tpu.memory_space<hbm>>, %arg5: memref<315392x768xf32, #tpu.memory_space<hbm>>, %arg6: memref<9856xi32, #tpu.memory_space<vmem>>, %arg7: memref<4x32x768xf32, #tpu.memory_space<vmem>>, %arg8: memref<16xi32, #tpu.memory_space<vmem>>, %arg9: memref<16x768xf32, #tpu.memory_space<vmem>>, %arg10: memref<4x!tpu.dma_semaphore, #tpu.memory_space<semaphore_mem>>, %arg11: memref<4x!tpu.dma_semaphore, #tpu.memory_space<semaphore_mem>>) attributes {dimension_semantics = [#tpu.dimension_semantics<core_parallel>, #tpu.dimension_semantics<subcore_parallel>], iteration_bounds = array<i64: 2, 16>, scalar_prefetch = 0 : i64, scratch_operands = 6 : i64, tpu.core_type = #tpu.core_type<sc_vector_subcore>, window_params = [{transform_indices = #map}, {transform_indices = #map1}, {transform_indices = #map1}, {transform_indices = #map1}]} {
    %mul3A = arith.constant 2 : i32
    %mul3A_0 = arith.muli %arg1, %mul3A : i32
    %add3A = arith.addi %mul3A_0, %arg0 : i32
    %mul3A_1 = arith.constant 9856 : i32
    %mul3A_2 = arith.muli %add3A, %mul3A_1 : i32
    "tpu.region"() ({
      %run_scoped3A = tpu.sem_alloc : memref<!tpu.dma_semaphore, #tpu.memory_space<semaphore_mem>>
      %dma_start3A_112 = tpu.memref_slice %arg2[%mul3A_2] : memref<315392xi32, #tpu.memory_space<hbm>> -> memref<9856xi32, #tpu.memory_space<hbm>>
      %dma_start3A_113 = tpu.memref_slice %arg2[%mul3A_2] : memref<315392xi32, #tpu.memory_space<hbm>> -> memref<9856xi32, #tpu.memory_space<hbm>>
      tpu.enqueue_dma source(%dma_start3A_113 : memref<9856xi32, #tpu.memory_space<hbm>>) target(%arg6 : memref<9856xi32, #tpu.memory_space<vmem>>) target_semaphore(%run_scoped3A : memref<!tpu.dma_semaphore, #tpu.memory_space<semaphore_mem>>)
      %dma_wait3A_114 = tpu.memref_slice %arg2[%mul3A_2] : memref<315392xi32, #tpu.memory_space<hbm>> -> memref<9856xi32, #tpu.memory_space<hbm>>
      %dma_wait3A_115 = tpu.memref_slice %arg2[%mul3A_2] : memref<315392xi32, #tpu.memory_space<hbm>> -> memref<9856xi32, #tpu.memory_space<hbm>>
      tpu.wait_dma2 semaphore(%run_scoped3A : memref<!tpu.dma_semaphore, #tpu.memory_space<semaphore_mem>>) src(%dma_wait3A_115 : memref<9856xi32, #tpu.memory_space<hbm>>) dst(%arg6 : memref<9856xi32, #tpu.memory_space<vmem>>)
      tpu.yield
    }) : () -> ()
    %shift_right_logical3A = arith.constant 12 : i32
    %shift_right_logical3A_3 = arith.shrui %mul3A_2, %shift_right_logical3A : i32
    %iota3A = tpu.iota {dimensions = array<i32: 0>} : vector<16xi32>
    %add3A_4 = vector.broadcast %shift_right_logical3A_3 : i32 to vector<16xi32>
    %add3A_5 = arith.addi %iota3A, %add3A_4 : vector<16xi32>
    %min3A = arith.constant 76 : i32
    %min3A_6 = vector.broadcast %min3A : i32 to vector<16xi32>
    %min3A_7 = arith.minsi %add3A_5, %min3A_6 : vector<16xi32>
    %swap3A = arith.constant 0 : index
    %swap3A_8 = tpu.vector_load %arg8[%swap3A] {strides = array<i32>} : memref<16xi32, #tpu.memory_space<vmem>>, vector<16xi32>,
    %swap3A_9 = vector.shape_cast %swap3A_8 : vector<16xi32> to vector<16xi32>
    %swap3A_10 = vector.shape_cast %min3A_7 : vector<16xi32> to vector<16xi32>
    tpu.vector_store %arg8[%swap3A], %swap3A_10 {strides = array<i32>} : memref<16xi32, #tpu.memory_space<vmem>>, vector<16xi32>,
    %dma_start3A = arith.constant 0 : i32
    %dma_start3A_11 = arith.constant 0 : i32
    %dma_start3A_12 = arith.constant 0 : i32
    %dma_start3A_13 = tpu.memref_slice %arg4[%dma_start3A_11, %dma_start3A_12] : memref<77x768xf32, #tpu.memory_space<hbm>> -> memref<77x768xf32, #tpu.memory_space<hbm>>
    %dma_start3A_14 = tpu.memref_slice %arg10[%dma_start3A] : memref<4x!tpu.dma_semaphore, #tpu.memory_space<semaphore_mem>> -> memref<1x!tpu.dma_semaphore, #tpu.memory_space<semaphore_mem>>
    %dma_start3A_15 = tpu.memref_squeeze %dma_start3A_14 : memref<1x!tpu.dma_semaphore, #tpu.memory_space<semaphore_mem>> -> memref<!tpu.dma_semaphore, #tpu.memory_space<semaphore_mem>>
    tpu.enqueue_indirect_dma source(%dma_start3A_13 : memref<77x768xf32, #tpu.memory_space<hbm>>) target(%arg9 : memref<16x768xf32, #tpu.memory_space<vmem>>) offsets(%arg8 : memref<16xi32, #tpu.memory_space<vmem>>) semaphore(%dma_start3A_15 : memref<!tpu.dma_semaphore, #tpu.memory_space<semaphore_mem>>)
    %dma_wait3A = arith.constant 0 : i32
    %dma_wait3A_16 = arith.constant 0 : i32
    %dma_wait3A_17 = arith.constant 0 : i32
    %dma_wait3A_18 = tpu.memref_slice %arg4[%dma_wait3A_16, %dma_wait3A_17] : memref<77x768xf32, #tpu.memory_space<hbm>> -> memref<77x768xf32, #tpu.memory_space<hbm>>
    %dma_wait3A_19 = tpu.memref_slice %arg10[%dma_wait3A] : memref<4x!tpu.dma_semaphore, #tpu.memory_space<semaphore_mem>> -> memref<1x!tpu.dma_semaphore, #tpu.memory_space<semaphore_mem>>
    %dma_wait3A_20 = tpu.memref_squeeze %dma_wait3A_19 : memref<1x!tpu.dma_semaphore, #tpu.memory_space<semaphore_mem>> -> memref<!tpu.dma_semaphore, #tpu.memory_space<semaphore_mem>>
    tpu.wait_indirect_dma semaphore(%dma_wait3A_20 : memref<!tpu.dma_semaphore, #tpu.memory_space<semaphore_mem>>) src(%dma_wait3A_18 : memref<77x768xf32, #tpu.memory_space<hbm>>) dst(%arg9 : memref<16x768xf32, #tpu.memory_space<vmem>>)
    %dma_start3A_21 = arith.constant 0 : i32
    %dma_start3A_22 = arith.constant 0 : i32
    %dma_start3A_23 = arith.constant 0 : i32
    %dma_start3A_24 = arith.constant 0 : i32
    %dma_start3A_25 = tpu.memref_slice %arg7[%dma_start3A_21, %dma_start3A_23, %dma_start3A_24] : memref<4x32x768xf32, #tpu.memory_space<vmem>> -> memref<1x32x768xf32, #tpu.memory_space<vmem>>
    %dma_start3A_26 = tpu.memref_squeeze %dma_start3A_25 : memref<1x32x768xf32, #tpu.memory_space<vmem>> -> memref<32x768xf32, #tpu.memory_space<vmem>>
    %dma_start3A_27 = arith.constant 0 : i32
    %dma_start3A_28 = tpu.memref_slice %arg6[%dma_start3A_27] : memref<9856xi32, #tpu.memory_space<vmem>> -> memref<32xi32, #tpu.memory_space<vmem>>
    %dma_start3A_29 = arith.constant 0 : i32
    %dma_start3A_30 = arith.constant 0 : i32
    %dma_start3A_31 = tpu.memref_slice %arg3[%dma_start3A_29, %dma_start3A_30] : memref<49408x768xf32, #tpu.memory_space<hbm>> -> memref<49408x768xf32, #tpu.memory_space<hbm>>
    %dma_start3A_32 = tpu.memref_slice %arg10[%dma_start3A_22] : memref<4x!tpu.dma_semaphore, #tpu.memory_space<semaphore_mem>> -> memref<1x!tpu.dma_semaphore, #tpu.memory_space<semaphore_mem>>
    %dma_start3A_33 = tpu.memref_squeeze %dma_start3A_32 : memref<1x!tpu.dma_semaphore, #tpu.memory_space<semaphore_mem>> -> memref<!tpu.dma_semaphore, #tpu.memory_space<semaphore_mem>>
    tpu.enqueue_indirect_dma source(%dma_start3A_31 : memref<49408x768xf32, #tpu.memory_space<hbm>>) target(%dma_start3A_26 : memref<32x768xf32, #tpu.memory_space<vmem>>) offsets(%dma_start3A_28 : memref<32xi32, #tpu.memory_space<vmem>>) semaphore(%dma_start3A_33 : memref<!tpu.dma_semaphore, #tpu.memory_space<semaphore_mem>>)
    %scan3A = arith.constant 0 : i32
    %scan3A_34 = arith.constant 0 : i32
    %scan3A_35 = arith.constant 77 : i32
    %scan3A_36 = arith.addi %scan3A_34, %scan3A_35 : i32
    %scan3A_37 = arith.constant 1 : i32
    %scan3A_38 = scf.for %scan3A_112 = %scan3A_34 to %scan3A_36 step %scan3A_37 iter_args(%scan3A_113 = %scan3A) -> (i32)  : i32 {
      %mul3A_114 = arith.constant 4 : i32
      %mul3A_115 = arith.muli %scan3A_112, %mul3A_114 : i32
      %add3A_116 = arith.constant 0 : i32
      %add3A_117 = arith.addi %mul3A_115, %add3A_116 : i32
      %add3A_118 = arith.constant 1 : i32
      %add3A_119 = arith.addi %add3A_117, %add3A_118 : i32
      %lt3A = arith.constant 308 : i32
      %lt3A_120 = arith.cmpi slt, %add3A_119, %lt3A : i32
      %convert_element_type3A = arith.extui %lt3A_120 : i1 to i32
      %cond3A = arith.constant 0 : i32
      %cond3A_121 = arith.cmpi ne, %convert_element_type3A, %cond3A : i32
      scf.if %cond3A_121 {
        %add3A_1162 = arith.constant 1 : i32
        %add3A_1163 = arith.addi %add3A_117, %add3A_1162 : i32
        %ge3A = arith.constant 4 : i32
        %ge3A_1164 = arith.cmpi sge, %add3A_1163, %ge3A : i32
        %convert_element_type3A_1165 = arith.extui %ge3A_1164 : i1 to i32
        %cond3A_1166 = arith.constant 0 : i32
        %cond3A_1167 = arith.cmpi ne, %convert_element_type3A_1165, %cond3A_1166 : i32
        scf.if %cond3A_1167 {
          %add3A_1184 = arith.constant 1 : i32
          %add3A_1185 = arith.addi %add3A_117, %add3A_1184 : i32
          %sub3A_1186 = arith.constant 4 : i32
          %sub3A_1187 = arith.subi %add3A_1185, %sub3A_1186 : i32
          %mul3A_1188 = arith.constant 32 : i32
          %mul3A_1189 = arith.muli %sub3A_1187, %mul3A_1188 : i32
          %add3A_1190 = arith.addi %mul3A_2, %mul3A_1189 : i32
          %dma_wait3A_1191 = arith.constant 1 : i32
          %dma_wait3A_1192 = arith.constant 1 : i32
          %dma_wait3A_1193 = arith.constant 0 : i32
          %dma_wait3A_1194 = arith.constant 0 : i32
          %dma_wait3A_1195 = tpu.memref_slice %arg7[%dma_wait3A_1191, %dma_wait3A_1193, %dma_wait3A_1194] : memref<4x32x768xf32, #tpu.memory_space<vmem>> -> memref<1x32x768xf32, #tpu.memory_space<vmem>>
          %dma_wait3A_1196 = tpu.memref_squeeze %dma_wait3A_1195 : memref<1x32x768xf32, #tpu.memory_space<vmem>> -> memref<32x768xf32, #tpu.memory_space<vmem>>
          %dma_wait3A_1197 = arith.constant 0 : i32
          %dma_wait3A_1198 = tpu.memref_slice %arg5[%add3A_1190, %dma_wait3A_1197] : memref<315392x768xf32, #tpu.memory_space<hbm>> -> memref<32x768xf32, #tpu.memory_space<hbm>>
          %dma_wait3A_1199 = tpu.memref_slice %arg11[%dma_wait3A_1192] : memref<4x!tpu.dma_semaphore, #tpu.memory_space<semaphore_mem>> -> memref<1x!tpu.dma_semaphore, #tpu.memory_space<semaphore_mem>>
          %dma_wait3A_1200 = tpu.memref_squeeze %dma_wait3A_1199 : memref<1x!tpu.dma_semaphore, #tpu.memory_space<semaphore_mem>> -> memref<!tpu.dma_semaphore, #tpu.memory_space<semaphore_mem>>
          %dma_wait3A_1201 = arith.constant 0 : i32
          %dma_wait3A_1202 = tpu.memref_slice %arg5[%add3A_1190, %dma_wait3A_1201] : memref<315392x768xf32, #tpu.memory_space<hbm>> -> memref<32x768xf32, #tpu.memory_space<hbm>>
          %dma_wait3A_1203 = arith.constant 0 : i32
          %dma_wait3A_1204 = arith.constant 0 : i32
          %dma_wait3A_1205 = tpu.memref_slice %arg7[%dma_wait3A_1191, %dma_wait3A_1203, %dma_wait3A_1204] : memref<4x32x768xf32, #tpu.memory_space<vmem>> -> memref<1x32x768xf32, #tpu.memory_space<vmem>>
          %dma_wait3A_1206 = tpu.memref_squeeze %dma_wait3A_1205 : memref<1x32x768xf32, #tpu.memory_space<vmem>> -> memref<32x768xf32, #tpu.memory_space<vmem>>
          tpu.wait_dma2 semaphore(%dma_wait3A_1200 : memref<!tpu.dma_semaphore, #tpu.memory_space<semaphore_mem>>) src(%dma_wait3A_1206 : memref<32x768xf32, #tpu.memory_space<vmem>>) dst(%dma_wait3A_1202 : memref<32x768xf32, #tpu.memory_space<hbm>>)
        } else {
        }
        %add3A_1168 = arith.constant 1 : i32
        %add3A_1169 = arith.addi %add3A_117, %add3A_1168 : i32
        %mul3A_1170 = arith.constant 32 : i32
        %mul3A_1171 = arith.muli %add3A_1169, %mul3A_1170 : i32
        %dma_start3A_1172 = arith.constant 1 : i32
        %dma_start3A_1173 = arith.constant 1 : i32
        %dma_start3A_1174 = arith.constant 0 : i32
        %dma_start3A_1175 = arith.constant 0 : i32
        %dma_start3A_1176 = tpu.memref_slice %arg7[%dma_start3A_1172, %dma_start3A_1174, %dma_start3A_1175] : memref<4x32x768xf32, #tpu.memory_space<vmem>> -> memref<1x32x768xf32, #tpu.memory_space<vmem>>
        %dma_start3A_1177 = tpu.memref_squeeze %dma_start3A_1176 : memref<1x32x768xf32, #tpu.memory_space<vmem>> -> memref<32x768xf32, #tpu.memory_space<vmem>>
        %dma_start3A_1178 = tpu.memref_slice %arg6[%mul3A_1171] : memref<9856xi32, #tpu.memory_space<vmem>> -> memref<32xi32, #tpu.memory_space<vmem>>
        %dma_start3A_1179 = arith.constant 0 : i32
        %dma_start3A_1180 = arith.constant 0 : i32
        %dma_start3A_1181 = tpu.memref_slice %arg3[%dma_start3A_1179, %dma_start3A_1180] : memref<49408x768xf32, #tpu.memory_space<hbm>> -> memref<49408x768xf32, #tpu.memory_space<hbm>>
        %dma_start3A_1182 = tpu.memref_slice %arg10[%dma_start3A_1173] : memref<4x!tpu.dma_semaphore, #tpu.memory_space<semaphore_mem>> -> memref<1x!tpu.dma_semaphore, #tpu.memory_space<semaphore_mem>>
        %dma_start3A_1183 = tpu.memref_squeeze %dma_start3A_1182 : memref<1x!tpu.dma_semaphore, #tpu.memory_space<semaphore_mem>> -> memref<!tpu.dma_semaphore, #tpu.memory_space<semaphore_mem>>
        tpu.enqueue_indirect_dma source(%dma_start3A_1181 : memref<49408x768xf32, #tpu.memory_space<hbm>>) target(%dma_start3A_1177 : memref<32x768xf32, #tpu.memory_space<vmem>>) offsets(%dma_start3A_1178 : memref<32xi32, #tpu.memory_space<vmem>>) semaphore(%dma_start3A_1183 : memref<!tpu.dma_semaphore, #tpu.memory_space<semaphore_mem>>)
      } else {
      }
      %mul3A_122 = arith.constant 32 : i32
      %mul3A_123 = arith.muli %add3A_117, %mul3A_122 : i32
      %dma_wait3A_124 = arith.constant 0 : i32
      %dma_wait3A_125 = arith.constant 0 : i32
      %dma_wait3A_126 = arith.constant 0 : i32
      %dma_wait3A_127 = arith.constant 0 : i32
      %dma_wait3A_128 = tpu.memref_slice %arg7[%dma_wait3A_124, %dma_wait3A_126, %dma_wait3A_127] : memref<4x32x768xf32, #tpu.memory_space<vmem>> -> memref<1x32x768xf32, #tpu.memory_space<vmem>>
      %dma_wait3A_129 = tpu.memref_squeeze %dma_wait3A_128 : memref<1x32x768xf32, #tpu.memory_space<vmem>> -> memref<32x768xf32, #tpu.memory_space<vmem>>
      %dma_wait3A_130 = tpu.memref_slice %arg6[%mul3A_123] : memref<9856xi32, #tpu.memory_space<vmem>> -> memref<32xi32, #tpu.memory_space<vmem>>
      %dma_wait3A_131 = arith.constant 0 : i32
      %dma_wait3A_132 = arith.constant 0 : i32
      %dma_wait3A_133 = tpu.memref_slice %arg3[%dma_wait3A_131, %dma_wait3A_132] : memref<49408x768xf32, #tpu.memory_space<hbm>> -> memref<49408x768xf32, #tpu.memory_space<hbm>>
      %dma_wait3A_134 = tpu.memref_slice %arg10[%dma_wait3A_125] : memref<4x!tpu.dma_semaphore, #tpu.memory_space<semaphore_mem>> -> memref<1x!tpu.dma_semaphore, #tpu.memory_space<semaphore_mem>>
      %dma_wait3A_135 = tpu.memref_squeeze %dma_wait3A_134 : memref<1x!tpu.dma_semaphore, #tpu.memory_space<semaphore_mem>> -> memref<!tpu.dma_semaphore, #tpu.memory_space<semaphore_mem>>
      tpu.wait_indirect_dma semaphore(%dma_wait3A_135 : memref<!tpu.dma_semaphore, #tpu.memory_space<semaphore_mem>>) src(%dma_wait3A_133 : memref<49408x768xf32, #tpu.memory_space<hbm>>) dst(%dma_wait3A_129 : memref<32x768xf32, #tpu.memory_space<vmem>>)
      %mul3A_136 = arith.constant 32 : i32
      %mul3A_137 = arith.muli %add3A_117, %mul3A_136 : i32
      %add3A_138 = arith.addi %mul3A_2, %mul3A_137 : i32
      %shift_right_logical3A_139 = arith.constant 12 : i32
      %shift_right_logical3A_140 = arith.shrui %add3A_138, %shift_right_logical3A_139 : i32
      %sub3A = arith.subi %shift_right_logical3A_140, %shift_right_logical3A_3 : i32
      %get3A = arith.index_cast %sub3A : i32 to index
      %get3A_141 = arith.constant 0 : index
      %get3A_142 = tpu.vector_load %arg9[%get3A, %get3A_141] {strides = array<i32>} : memref<16x768xf32, #tpu.memory_space<vmem>>, vector<1x16xf32>,
      %get3A_143 = vector.shape_cast %get3A_142 : vector<1x16xf32> to vector<16xf32>
      %get3A_144 = arith.index_cast %sub3A : i32 to index
      %get3A_145 = arith.constant 16 : index
      %get3A_146 = tpu.vector_load %arg9[%get3A_144, %get3A_145] {strides = array<i32>} : memref<16x768xf32, #tpu.memory_space<vmem>>, vector<1x16xf32>,
      %get3A_147 = vector.shape_cast %get3A_146 : vector<1x16xf32> to vector<16xf32>
      %get3A_148 = arith.index_cast %sub3A : i32 to index
      %get3A_149 = arith.constant 32 : index
      %get3A_150 = tpu.vector_load %arg9[%get3A_148, %get3A_149] {strides = array<i32>} : memref<16x768xf32, #tpu.memory_space<vmem>>, vector<1x16xf32>,
      %get3A_151 = vector.shape_cast %get3A_150 : vector<1x16xf32> to vector<16xf32>
      %get3A_152 = arith.index_cast %sub3A : i32 to index
      %get3A_153 = arith.constant 48 : index
      %get3A_154 = tpu.vector_load %arg9[%get3A_152, %get3A_153] {strides = array<i32>} : memref<16x768xf32, #tpu.memory_space<vmem>>, vector<1x16xf32>,
      %get3A_155 = vector.shape_cast %get3A_154 : vector<1x16xf32> to vector<16xf32>
      %get3A_156 = arith.index_cast %sub3A : i32 to index
      %get3A_157 = arith.constant 64 : index
      %get3A_158 = tpu.vector_load %arg9[%get3A_156, %get3A_157] {strides = array<i32>} : memref<16x768xf32, #tpu.memory_space<vmem>>, vector<1x16xf32>,
      %get3A_159 = vector.shape_cast %get3A_158 : vector<1x16xf32> to vector<16xf32>
      %get3A_160 = arith.index_cast %sub3A : i32 to index
      %get3A_161 = arith.constant 80 : index
      %get3A_162 = tpu.vector_load %arg9[%get3A_160, %get3A_161] {strides = array<i32>} : memref<16x768xf32, #tpu.memory_space<vmem>>, vector<1x16xf32>,
      %get3A_163 = vector.shape_cast %get3A_162 : vector<1x16xf32> to vector<16xf32>
      %get3A_164 = arith.index_cast %sub3A : i32 to index
      %get3A_165 = arith.constant 96 : index
      %get3A_166 = tpu.vector_load %arg9[%get3A_164, %get3A_165] {strides = array<i32>} : memref<16x768xf32, #tpu.memory_space<vmem>>, vector<1x16xf32>,
      %get3A_167 = vector.shape_cast %get3A_166 : vector<1x16xf32> to vector<16xf32>
      %get3A_168 = arith.index_cast %sub3A : i32 to index
      %get3A_169 = arith.constant 112 : index
      %get3A_170 = tpu.vector_load %arg9[%get3A_168, %get3A_169] {strides = array<i32>} : memref<16x768xf32, #tpu.memory_space<vmem>>, vector<1x16xf32>,
      %get3A_171 = vector.shape_cast %get3A_170 : vector<1x16xf32> to vector<16xf32>
      %get3A_172 = arith.index_cast %sub3A : i32 to index
      %get3A_173 = arith.constant 128 : index
      %get3A_174 = tpu.vector_load %arg9[%get3A_172, %get3A_173] {strides = array<i32>} : memref<16x768xf32, #tpu.memory_space<vmem>>, vector<1x16xf32>,
      %get3A_175 = vector.shape_cast %get3A_174 : vector<1x16xf32> to vector<16xf32>
      %get3A_176 = arith.index_cast %sub3A : i32 to index
      %get3A_177 = arith.constant 144 : index
      %get3A_178 = tpu.vector_load %arg9[%get3A_176, %get3A_177] {strides = array<i32>} : memref<16x768xf32, #tpu.memory_space<vmem>>, vector<1x16xf32>,
      %get3A_179 = vector.shape_cast %get3A_178 : vector<1x16xf32> to vector<16xf32>
      %get3A_180 = arith.index_cast %sub3A : i32 to index
      %get3A_181 = arith.constant 160 : index
      %get3A_182 = tpu.vector_load %arg9[%get3A_180, %get3A_181] {strides = array<i32>} : memref<16x768xf32, #tpu.memory_space<vmem>>, vector<1x16xf32>,
      %get3A_183 = vector.shape_cast %get3A_182 : vector<1x16xf32> to vector<16xf32>
      %get3A_184 = arith.index_cast %sub3A : i32 to index
      %get3A_185 = arith.constant 176 : index
      %get3A_186 = tpu.vector_load %arg9[%get3A_184, %get3A_185] {strides = array<i32>} : memref<16x768xf32, #tpu.memory_space<vmem>>, vector<1x16xf32>,
      %get3A_187 = vector.shape_cast %get3A_186 : vector<1x16xf32> to vector<16xf32>
      %get3A_188 = arith.index_cast %sub3A : i32 to index
      %get3A_189 = arith.constant 192 : index
      %get3A_190 = tpu.vector_load %arg9[%get3A_188, %get3A_189] {strides = array<i32>} : memref<16x768xf32, #tpu.memory_space<vmem>>, vector<1x16xf32>,
      %get3A_191 = vector.shape_cast %get3A_190 : vector<1x16xf32> to vector<16xf32>
      %get3A_192 = arith.index_cast %sub3A : i32 to index
      %get3A_193 = arith.constant 208 : index
      %get3A_194 = tpu.vector_load %arg9[%get3A_192, %get3A_193] {strides = array<i32>} : memref<16x768xf32, #tpu.memory_space<vmem>>, vector<1x16xf32>,
      %get3A_195 = vector.shape_cast %get3A_194 : vector<1x16xf32> to vector<16xf32>
      %get3A_196 = arith.index_cast %sub3A : i32 to index
      %get3A_197 = arith.constant 224 : index
      %get3A_198 = tpu.vector_load %arg9[%get3A_196, %get3A_197] {strides = array<i32>} : memref<16x768xf32, #tpu.memory_space<vmem>>, vector<1x16xf32>,
      %get3A_199 = vector.shape_cast %get3A_198 : vector<1x16xf32> to vector<16xf32>
      %get3A_200 = arith.index_cast %sub3A : i32 to index
      %get3A_201 = arith.constant 240 : index
      %get3A_202 = tpu.vector_load %arg9[%get3A_200, %get3A_201] {strides = array<i32>} : memref<16x768xf32, #tpu.memory_space<vmem>>, vector<1x16xf32>,
      %get3A_203 = vector.shape_cast %get3A_202 : vector<1x16xf32> to vector<16xf32>
      %scan3A_204 = arith.constant 0 : i32
      %scan3A_205 = arith.constant 0 : i32
      %scan3A_206 = arith.constant 32 : i32
      %scan3A_207 = arith.addi %scan3A_205, %scan3A_206 : i32
      %scan3A_208 = arith.constant 1 : i32
      %scan3A_209 = scf.for %scan3A_1162 = %scan3A_205 to %scan3A_207 step %scan3A_208 iter_args(%scan3A_1163 = %scan3A_204) -> (i32)  : i32 {
        %get3A_1164 = arith.constant 0 : i32
        %get3A_1165 = arith.index_cast %get3A_1164 : i32 to index
        %get3A_1166 = arith.index_cast %scan3A_1162 : i32 to index
        %get3A_1167 = arith.constant 0 : index
        %get3A_1168 = tpu.vector_load %arg7[%get3A_1165, %get3A_1166, %get3A_1167] {strides = array<i32>} : memref<4x32x768xf32, #tpu.memory_space<vmem>>, vector<1x1x16xf32>,
        %get3A_1169 = vector.shape_cast %get3A_1168 : vector<1x1x16xf32> to vector<16xf32>
        %get3A_1170 = arith.constant 0 : i32
        %get3A_1171 = arith.index_cast %get3A_1170 : i32 to index
        %get3A_1172 = arith.index_cast %scan3A_1162 : i32 to index
        %get3A_1173 = arith.constant 16 : index
        %get3A_1174 = tpu.vector_load %arg7[%get3A_1171, %get3A_1172, %get3A_1173] {strides = array<i32>} : memref<4x32x768xf32, #tpu.memory_space<vmem>>, vector<1x1x16xf32>,
        %get3A_1175 = vector.shape_cast %get3A_1174 : vector<1x1x16xf32> to vector<16xf32>
        %get3A_1176 = arith.constant 0 : i32
        %get3A_1177 = arith.index_cast %get3A_1176 : i32 to index
        %get3A_1178 = arith.index_cast %scan3A_1162 : i32 to index
        %get3A_1179 = arith.constant 32 : index
        %get3A_1180 = tpu.vector_load %arg7[%get3A_1177, %get3A_1178, %get3A_1179] {strides = array<i32>} : memref<4x32x768xf32, #tpu.memory_space<vmem>>, vector<1x1x16xf32>,
        %get3A_1181 = vector.shape_cast %get3A_1180 : vector<1x1x16xf32> to vector<16xf32>
        %get3A_1182 = arith.constant 0 : i32
        %get3A_1183 = arith.index_cast %get3A_1182 : i32 to index
        %get3A_1184 = arith.index_cast %scan3A_1162 : i32 to index
        %get3A_1185 = arith.constant 48 : index
        %get3A_1186 = tpu.vector_load %arg7[%get3A_1183, %get3A_1184, %get3A_1185] {strides = array<i32>} : memref<4x32x768xf32, #tpu.memory_space<vmem>>, vector<1x1x16xf32>,
        %get3A_1187 = vector.shape_cast %get3A_1186 : vector<1x1x16xf32> to vector<16xf32>
        %get3A_1188 = arith.constant 0 : i32
        %get3A_1189 = arith.index_cast %get3A_1188 : i32 to index
        %get3A_1190 = arith.index_cast %scan3A_1162 : i32 to index
        %get3A_1191 = arith.constant 64 : index
        %get3A_1192 = tpu.vector_load %arg7[%get3A_1189, %get3A_1190, %get3A_1191] {strides = array<i32>} : memref<4x32x768xf32, #tpu.memory_space<vmem>>, vector<1x1x16xf32>,
        %get3A_1193 = vector.shape_cast %get3A_1192 : vector<1x1x16xf32> to vector<16xf32>
        %get3A_1194 = arith.constant 0 : i32
        %get3A_1195 = arith.index_cast %get3A_1194 : i32 to index
        %get3A_1196 = arith.index_cast %scan3A_1162 : i32 to index
        %get3A_1197 = arith.constant 80 : index
        %get3A_1198 = tpu.vector_load %arg7[%get3A_1195, %get3A_1196, %get3A_1197] {strides = array<i32>} : memref<4x32x768xf32, #tpu.memory_space<vmem>>, vector<1x1x16xf32>,
        %get3A_1199 = vector.shape_cast %get3A_1198 : vector<1x1x16xf32> to vector<16xf32>
        %get3A_1200 = arith.constant 0 : i32
        %get3A_1201 = arith.index_cast %get3A_1200 : i32 to index
        %get3A_1202 = arith.index_cast %scan3A_1162 : i32 to index
        %get3A_1203 = arith.constant 96 : index
        %get3A_1204 = tpu.vector_load %arg7[%get3A_1201, %get3A_1202, %get3A_1203] {strides = array<i32>} : memref<4x32x768xf32, #tpu.memory_space<vmem>>, vector<1x1x16xf32>,
        %get3A_1205 = vector.shape_cast %get3A_1204 : vector<1x1x16xf32> to vector<16xf32>
        %get3A_1206 = arith.constant 0 : i32
        %get3A_1207 = arith.index_cast %get3A_1206 : i32 to index
        %get3A_1208 = arith.index_cast %scan3A_1162 : i32 to index
        %get3A_1209 = arith.constant 112 : index
        %get3A_1210 = tpu.vector_load %arg7[%get3A_1207, %get3A_1208, %get3A_1209] {strides = array<i32>} : memref<4x32x768xf32, #tpu.memory_space<vmem>>, vector<1x1x16xf32>,
        %get3A_1211 = vector.shape_cast %get3A_1210 : vector<1x1x16xf32> to vector<16xf32>
        %get3A_1212 = arith.constant 0 : i32
        %get3A_1213 = arith.index_cast %get3A_1212 : i32 to index
        %get3A_1214 = arith.index_cast %scan3A_1162 : i32 to index
        %get3A_1215 = arith.constant 128 : index
        %get3A_1216 = tpu.vector_load %arg7[%get3A_1213, %get3A_1214, %get3A_1215] {strides = array<i32>} : memref<4x32x768xf32, #tpu.memory_space<vmem>>, vector<1x1x16xf32>,
        %get3A_1217 = vector.shape_cast %get3A_1216 : vector<1x1x16xf32> to vector<16xf32>
        %get3A_1218 = arith.constant 0 : i32
        %get3A_1219 = arith.index_cast %get3A_1218 : i32 to index
        %get3A_1220 = arith.index_cast %scan3A_1162 : i32 to index
        %get3A_1221 = arith.constant 144 : index
        %get3A_1222 = tpu.vector_load %arg7[%get3A_1219, %get3A_1220, %get3A_1221] {strides = array<i32>} : memref<4x32x768xf32, #tpu.memory_space<vmem>>, vector<1x1x16xf32>,
        %get3A_1223 = vector.shape_cast %get3A_1222 : vector<1x1x16xf32> to vector<16xf32>
        %get3A_1224 = arith.constant 0 : i32
        %get3A_1225 = arith.index_cast %get3A_1224 : i32 to index
        %get3A_1226 = arith.index_cast %scan3A_1162 : i32 to index
        %get3A_1227 = arith.constant 160 : index
        %get3A_1228 = tpu.vector_load %arg7[%get3A_1225, %get3A_1226, %get3A_1227] {strides = array<i32>} : memref<4x32x768xf32, #tpu.memory_space<vmem>>, vector<1x1x16xf32>,
        %get3A_1229 = vector.shape_cast %get3A_1228 : vector<1x1x16xf32> to vector<16xf32>
        %get3A_1230 = arith.constant 0 : i32
        %get3A_1231 = arith.index_cast %get3A_1230 : i32 to index
        %get3A_1232 = arith.index_cast %scan3A_1162 : i32 to index
        %get3A_1233 = arith.constant 176 : index
        %get3A_1234 = tpu.vector_load %arg7[%get3A_1231, %get3A_1232, %get3A_1233] {strides = array<i32>} : memref<4x32x768xf32, #tpu.memory_space<vmem>>, vector<1x1x16xf32>,
        %get3A_1235 = vector.shape_cast %get3A_1234 : vector<1x1x16xf32> to vector<16xf32>
        %get3A_1236 = arith.constant 0 : i32
        %get3A_1237 = arith.index_cast %get3A_1236 : i32 to index
        %get3A_1238 = arith.index_cast %scan3A_1162 : i32 to index
        %get3A_1239 = arith.constant 192 : index
        %get3A_1240 = tpu.vector_load %arg7[%get3A_1237, %get3A_1238, %get3A_1239] {strides = array<i32>} : memref<4x32x768xf32, #tpu.memory_space<vmem>>, vector<1x1x16xf32>,
        %get3A_1241 = vector.shape_cast %get3A_1240 : vector<1x1x16xf32> to vector<16xf32>
        %get3A_1242 = arith.constant 0 : i32
        %get3A_1243 = arith.index_cast %get3A_1242 : i32 to index
        %get3A_1244 = arith.index_cast %scan3A_1162 : i32 to index
        %get3A_1245 = arith.constant 208 : index
        %get3A_1246 = tpu.vector_load %arg7[%get3A_1243, %get3A_1244, %get3A_1245] {strides = array<i32>} : memref<4x32x768xf32, #tpu.memory_space<vmem>>, vector<1x1x16xf32>,
        %get3A_1247 = vector.shape_cast %get3A_1246 : vector<1x1x16xf32> to vector<16xf32>
        %get3A_1248 = arith.constant 0 : i32
        %get3A_1249 = arith.index_cast %get3A_1248 : i32 to index
        %get3A_1250 = arith.index_cast %scan3A_1162 : i32 to index
        %get3A_1251 = arith.constant 224 : index
        %get3A_1252 = tpu.vector_load %arg7[%get3A_1249, %get3A_1250, %get3A_1251] {strides = array<i32>} : memref<4x32x768xf32, #tpu.memory_space<vmem>>, vector<1x1x16xf32>,
        %get3A_1253 = vector.shape_cast %get3A_1252 : vector<1x1x16xf32> to vector<16xf32>
        %get3A_1254 = arith.constant 0 : i32
        %get3A_1255 = arith.index_cast %get3A_1254 : i32 to index
        %get3A_1256 = arith.index_cast %scan3A_1162 : i32 to index
        %get3A_1257 = arith.constant 240 : index
        %get3A_1258 = tpu.vector_load %arg7[%get3A_1255, %get3A_1256, %get3A_1257] {strides = array<i32>} : memref<4x32x768xf32, #tpu.memory_space<vmem>>, vector<1x1x16xf32>,
        %get3A_1259 = vector.shape_cast %get3A_1258 : vector<1x1x16xf32> to vector<16xf32>
        %add3A_1260 = arith.addf %get3A_1169, %get3A_143 : vector<16xf32>
        %swap3A_1261 = arith.constant 0 : i32
        %swap3A_1262 = arith.index_cast %swap3A_1261 : i32 to index
        %swap3A_1263 = arith.index_cast %scan3A_1162 : i32 to index
        %swap3A_1264 = arith.constant 0 : index
        %swap3A_1265 = tpu.vector_load %arg7[%swap3A_1262, %swap3A_1263, %swap3A_1264] {strides = array<i32>} : memref<4x32x768xf32, #tpu.memory_space<vmem>>, vector<1x1x16xf32>,
        %swap3A_1266 = vector.shape_cast %swap3A_1265 : vector<1x1x16xf32> to vector<16xf32>
        %swap3A_1267 = vector.shape_cast %add3A_1260 : vector<16xf32> to vector<1x1x16xf32>
        tpu.vector_store %arg7[%swap3A_1262, %swap3A_1263, %swap3A_1264], %swap3A_1267 {strides = array<i32>} : memref<4x32x768xf32, #tpu.memory_space<vmem>>, vector<1x1x16xf32>,
        %add3A_1268 = arith.addf %get3A_1175, %get3A_147 : vector<16xf32>
        %swap3A_1269 = arith.constant 0 : i32
        %swap3A_1270 = arith.index_cast %swap3A_1269 : i32 to index
        %swap3A_1271 = arith.index_cast %scan3A_1162 : i32 to index
        %swap3A_1272 = arith.constant 16 : index
        %swap3A_1273 = tpu.vector_load %arg7[%swap3A_1270, %swap3A_1271, %swap3A_1272] {strides = array<i32>} : memref<4x32x768xf32, #tpu.memory_space<vmem>>, vector<1x1x16xf32>,
        %swap3A_1274 = vector.shape_cast %swap3A_1273 : vector<1x1x16xf32> to vector<16xf32>
        %swap3A_1275 = vector.shape_cast %add3A_1268 : vector<16xf32> to vector<1x1x16xf32>
        tpu.vector_store %arg7[%swap3A_1270, %swap3A_1271, %swap3A_1272], %swap3A_1275 {strides = array<i32>} : memref<4x32x768xf32, #tpu.memory_space<vmem>>, vector<1x1x16xf32>,
        %add3A_1276 = arith.addf %get3A_1181, %get3A_151 : vector<16xf32>
        %swap3A_1277 = arith.constant 0 : i32
        %swap3A_1278 = arith.index_cast %swap3A_1277 : i32 to index
        %swap3A_1279 = arith.index_cast %scan3A_1162 : i32 to index
        %swap3A_1280 = arith.constant 32 : index
        %swap3A_1281 = tpu.vector_load %arg7[%swap3A_1278, %swap3A_1279, %swap3A_1280] {strides = array<i32>} : memref<4x32x768xf32, #tpu.memory_space<vmem>>, vector<1x1x16xf32>,
        %swap3A_1282 = vector.shape_cast %swap3A_1281 : vector<1x1x16xf32> to vector<16xf32>
        %swap3A_1283 = vector.shape_cast %add3A_1276 : vector<16xf32> to vector<1x1x16xf32>
        tpu.vector_store %arg7[%swap3A_1278, %swap3A_1279, %swap3A_1280], %swap3A_1283 {strides = array<i32>} : memref<4x32x768xf32, #tpu.memory_space<vmem>>, vector<1x1x16xf32>,
        %add3A_1284 = arith.addf %get3A_1187, %get3A_155 : vector<16xf32>
        %swap3A_1285 = arith.constant 0 : i32
        %swap3A_1286 = arith.index_cast %swap3A_1285 : i32 to index
        %swap3A_1287 = arith.index_cast %scan3A_1162 : i32 to index
        %swap3A_1288 = arith.constant 48 : index
        %swap3A_1289 = tpu.vector_load %arg7[%swap3A_1286, %swap3A_1287, %swap3A_1288] {strides = array<i32>} : memref<4x32x768xf32, #tpu.memory_space<vmem>>, vector<1x1x16xf32>,
        %swap3A_1290 = vector.shape_cast %swap3A_1289 : vector<1x1x16xf32> to vector<16xf32>
        %swap3A_1291 = vector.shape_cast %add3A_1284 : vector<16xf32> to vector<1x1x16xf32>
        tpu.vector_store %arg7[%swap3A_1286, %swap3A_1287, %swap3A_1288], %swap3A_1291 {strides = array<i32>} : memref<4x32x768xf32, #tpu.memory_space<vmem>>, vector<1x1x16xf32>,
        %add3A_1292 = arith.addf %get3A_1193, %get3A_159 : vector<16xf32>
        %swap3A_1293 = arith.constant 0 : i32
        %swap3A_1294 = arith.index_cast %swap3A_1293 : i32 to index
        %swap3A_1295 = arith.index_cast %scan3A_1162 : i32 to index
        %swap3A_1296 = arith.constant 64 : index
        %swap3A_1297 = tpu.vector_load %arg7[%swap3A_1294, %swap3A_1295, %swap3A_1296] {strides = array<i32>} : memref<4x32x768xf32, #tpu.memory_space<vmem>>, vector<1x1x16xf32>,
        %swap3A_1298 = vector.shape_cast %swap3A_1297 : vector<1x1x16xf32> to vector<16xf32>
        %swap3A_1299 = vector.shape_cast %add3A_1292 : vector<16xf32> to vector<1x1x16xf32>
        tpu.vector_store %arg7[%swap3A_1294, %swap3A_1295, %swap3A_1296], %swap3A_1299 {strides = array<i32>} : memref<4x32x768xf32, #tpu.memory_space<vmem>>, vector<1x1x16xf32>,
        %add3A_1300 = arith.addf %get3A_1199, %get3A_163 : vector<16xf32>
        %swap3A_1301 = arith.constant 0 : i32
        %swap3A_1302 = arith.index_cast %swap3A_1301 : i32 to index
        %swap3A_1303 = arith.index_cast %scan3A_1162 : i32 to index
        %swap3A_1304 = arith.constant 80 : index
        %swap3A_1305 = tpu.vector_load %arg7[%swap3A_1302, %swap3A_1303, %swap3A_1304] {strides = array<i32>} : memref<4x32x768xf32, #tpu.memory_space<vmem>>, vector<1x1x16xf32>,
        %swap3A_1306 = vector.shape_cast %swap3A_1305 : vector<1x1x16xf32> to vector<16xf32>
        %swap3A_1307 = vector.shape_cast %add3A_1300 : vector<16xf32> to vector<1x1x16xf32>
        tpu.vector_store %arg7[%swap3A_1302, %swap3A_1303, %swap3A_1304], %swap3A_1307 {strides = array<i32>} : memref<4x32x768xf32, #tpu.memory_space<vmem>>, vector<1x1x16xf32>,
        %add3A_1308 = arith.addf %get3A_1205, %get3A_167 : vector<16xf32>
        %swap3A_1309 = arith.constant 0 : i32
        %swap3A_1310 = arith.index_cast %swap3A_1309 : i32 to index
        %swap3A_1311 = arith.index_cast %scan3A_1162 : i32 to index
        %swap3A_1312 = arith.constant 96 : index
        %swap3A_1313 = tpu.vector_load %arg7[%swap3A_1310, %swap3A_1311, %swap3A_1312] {strides = array<i32>} : memref<4x32x768xf32, #tpu.memory_space<vmem>>, vector<1x1x16xf32>,
        %swap3A_1314 = vector.shape_cast %swap3A_1313 : vector<1x1x16xf32> to vector<16xf32>
        %swap3A_1315 = vector.shape_cast %add3A_1308 : vector<16xf32> to vector<1x1x16xf32>
        tpu.vector_store %arg7[%swap3A_1310, %swap3A_1311, %swap3A_1312], %swap3A_1315 {strides = array<i32>} : memref<4x32x768xf32, #tpu.memory_space<vmem>>, vector<1x1x16xf32>,
        %add3A_1316 = arith.addf %get3A_1211, %get3A_171 : vector<16xf32>
        %swap3A_1317 = arith.constant 0 : i32
        %swap3A_1318 = arith.index_cast %swap3A_1317 : i32 to index
        %swap3A_1319 = arith.index_cast %scan3A_1162 : i32 to index
        %swap3A_1320 = arith.constant 112 : index
        %swap3A_1321 = tpu.vector_load %arg7[%swap3A_1318, %swap3A_1319, %swap3A_1320] {strides = array<i32>} : memref<4x32x768xf32, #tpu.memory_space<vmem>>, vector<1x1x16xf32>,
        %swap3A_1322 = vector.shape_cast %swap3A_1321 : vector<1x1x16xf32> to vector<16xf32>
        %swap3A_1323 = vector.shape_cast %add3A_1316 : vector<16xf32> to vector<1x1x16xf32>
        tpu.vector_store %arg7[%swap3A_1318, %swap3A_1319, %swap3A_1320], %swap3A_1323 {strides = array<i32>} : memref<4x32x768xf32, #tpu.memory_space<vmem>>, vector<1x1x16xf32>,
        %add3A_1324 = arith.addf %get3A_1217, %get3A_175 : vector<16xf32>
        %swap3A_1325 = arith.constant 0 : i32
        %swap3A_1326 = arith.index_cast %swap3A_1325 : i32 to index
        %swap3A_1327 = arith.index_cast %scan3A_1162 : i32 to index
        %swap3A_1328 = arith.constant 128 : index
        %swap3A_1329 = tpu.vector_load %arg7[%swap3A_1326, %swap3A_1327, %swap3A_1328] {strides = array<i32>} : memref<4x32x768xf32, #tpu.memory_space<vmem>>, vector<1x1x16xf32>,
        %swap3A_1330 = vector.shape_cast %swap3A_1329 : vector<1x1x16xf32> to vector<16xf32>
        %swap3A_1331 = vector.shape_cast %add3A_1324 : vector<16xf32> to vector<1x1x16xf32>
        tpu.vector_store %arg7[%swap3A_1326, %swap3A_1327, %swap3A_1328], %swap3A_1331 {strides = array<i32>} : memref<4x32x768xf32, #tpu.memory_space<vmem>>, vector<1x1x16xf32>,
        %add3A_1332 = arith.addf %get3A_1223, %get3A_179 : vector<16xf32>
        %swap3A_1333 = arith.constant 0 : i32
        %swap3A_1334 = arith.index_cast %swap3A_1333 : i32 to index
        %swap3A_1335 = arith.index_cast %scan3A_1162 : i32 to index
        %swap3A_1336 = arith.constant 144 : index
        %swap3A_1337 = tpu.vector_load %arg7[%swap3A_1334, %swap3A_1335, %swap3A_1336] {strides = array<i32>} : memref<4x32x768xf32, #tpu.memory_space<vmem>>, vector<1x1x16xf32>,
        %swap3A_1338 = vector.shape_cast %swap3A_1337 : vector<1x1x16xf32> to vector<16xf32>
        %swap3A_1339 = vector.shape_cast %add3A_1332 : vector<16xf32> to vector<1x1x16xf32>
        tpu.vector_store %arg7[%swap3A_1334, %swap3A_1335, %swap3A_1336], %swap3A_1339 {strides = array<i32>} : memref<4x32x768xf32, #tpu.memory_space<vmem>>, vector<1x1x16xf32>,
        %add3A_1340 = arith.addf %get3A_1229, %get3A_183 : vector<16xf32>
        %swap3A_1341 = arith.constant 0 : i32
        %swap3A_1342 = arith.index_cast %swap3A_1341 : i32 to index
        %swap3A_1343 = arith.index_cast %scan3A_1162 : i32 to index
        %swap3A_1344 = arith.constant 160 : index
        %swap3A_1345 = tpu.vector_load %arg7[%swap3A_1342, %swap3A_1343, %swap3A_1344] {strides = array<i32>} : memref<4x32x768xf32, #tpu.memory_space<vmem>>, vector<1x1x16xf32>,
        %swap3A_1346 = vector.shape_cast %swap3A_1345 : vector<1x1x16xf32> to vector<16xf32>
        %swap3A_1347 = vector.shape_cast %add3A_1340 : vector<16xf32> to vector<1x1x16xf32>
        tpu.vector_store %arg7[%swap3A_1342, %swap3A_1343, %swap3A_1344], %swap3A_1347 {strides = array<i32>} : memref<4x32x768xf32, #tpu.memory_space<vmem>>, vector<1x1x16xf32>,
        %add3A_1348 = arith.addf %get3A_1235, %get3A_187 : vector<16xf32>
        %swap3A_1349 = arith.constant 0 : i32
        %swap3A_1350 = arith.index_cast %swap3A_1349 : i32 to index
        %swap3A_1351 = arith.index_cast %scan3A_1162 : i32 to index
        %swap3A_1352 = arith.constant 176 : index
        %swap3A_1353 = tpu.vector_load %arg7[%swap3A_1350, %swap3A_1351, %swap3A_1352] {strides = array<i32>} : memref<4x32x768xf32, #tpu.memory_space<vmem>>, vector<1x1x16xf32>,
        %swap3A_1354 = vector.shape_cast %swap3A_1353 : vector<1x1x16xf32> to vector<16xf32>
        %swap3A_1355 = vector.shape_cast %add3A_1348 : vector<16xf32> to vector<1x1x16xf32>
        tpu.vector_store %arg7[%swap3A_1350, %swap3A_1351, %swap3A_1352], %swap3A_1355 {strides = array<i32>} : memref<4x32x768xf32, #tpu.memory_space<vmem>>, vector<1x1x16xf32>,
        %add3A_1356 = arith.addf %get3A_1241, %get3A_191 : vector<16xf32>
        %swap3A_1357 = arith.constant 0 : i32
        %swap3A_1358 = arith.index_cast %swap3A_1357 : i32 to index
        %swap3A_1359 = arith.index_cast %scan3A_1162 : i32 to index
        %swap3A_1360 = arith.constant 192 : index
        %swap3A_1361 = tpu.vector_load %arg7[%swap3A_1358, %swap3A_1359, %swap3A_1360] {strides = array<i32>} : memref<4x32x768xf32, #tpu.memory_space<vmem>>, vector<1x1x16xf32>,
        %swap3A_1362 = vector.shape_cast %swap3A_1361 : vector<1x1x16xf32> to vector<16xf32>
        %swap3A_1363 = vector.shape_cast %add3A_1356 : vector<16xf32> to vector<1x1x16xf32>
        tpu.vector_store %arg7[%swap3A_1358, %swap3A_1359, %swap3A_1360], %swap3A_1363 {strides = array<i32>} : memref<4x32x768xf32, #tpu.memory_space<vmem>>, vector<1x1x16xf32>,
        %add3A_1364 = arith.addf %get3A_1247, %get3A_195 : vector<16xf32>
        %swap3A_1365 = arith.constant 0 : i32
        %swap3A_1366 = arith.index_cast %swap3A_1365 : i32 to index
        %swap3A_1367 = arith.index_cast %scan3A_1162 : i32 to index
        %swap3A_1368 = arith.constant 208 : index
        %swap3A_1369 = tpu.vector_load %arg7[%swap3A_1366, %swap3A_1367, %swap3A_1368] {strides = array<i32>} : memref<4x32x768xf32, #tpu.memory_space<vmem>>, vector<1x1x16xf32>,
        %swap3A_1370 = vector.shape_cast %swap3A_1369 : vector<1x1x16xf32> to vector<16xf32>
        %swap3A_1371 = vector.shape_cast %add3A_1364 : vector<16xf32> to vector<1x1x16xf32>
        tpu.vector_store %arg7[%swap3A_1366, %swap3A_1367, %swap3A_1368], %swap3A_1371 {strides = array<i32>} : memref<4x32x768xf32, #tpu.memory_space<vmem>>, vector<1x1x16xf32>,
        %add3A_1372 = arith.addf %get3A_1253, %get3A_199 : vector<16xf32>
        %swap3A_1373 = arith.constant 0 : i32
        %swap3A_1374 = arith.index_cast %swap3A_1373 : i32 to index
        %swap3A_1375 = arith.index_cast %scan3A_1162 : i32 to index
        %swap3A_1376 = arith.constant 224 : index
        %swap3A_1377 = tpu.vector_load %arg7[%swap3A_1374, %swap3A_1375, %swap3A_1376] {strides = array<i32>} : memref<4x32x768xf32, #tpu.memory_space<vmem>>, vector<1x1x16xf32>,
        %swap3A_1378 = vector.shape_cast %swap3A_1377 : vector<1x1x16xf32> to vector<16xf32>
        %swap3A_1379 = vector.shape_cast %add3A_1372 : vector<16xf32> to vector<1x1x16xf32>
        tpu.vector_store %arg7[%swap3A_1374, %swap3A_1375, %swap3A_1376], %swap3A_1379 {strides = array<i32>} : memref<4x32x768xf32, #tpu.memory_space<vmem>>, vector<1x1x16xf32>,
        %add3A_1380 = arith.addf %get3A_1259, %get3A_203 : vector<16xf32>
        %swap3A_1381 = arith.constant 0 : i32
        %swap3A_1382 = arith.index_cast %swap3A_1381 : i32 to index
        %swap3A_1383 = arith.index_cast %scan3A_1162 : i32 to index
        %swap3A_1384 = arith.constant 240 : index
        %swap3A_1385 = tpu.vector_load %arg7[%swap3A_1382, %swap3A_1383, %swap3A_1384] {strides = array<i32>} : memref<4x32x768xf32, #tpu.memory_space<vmem>>, vector<1x1x16xf32>,
        %swap3A_1386 = vector.shape_cast %swap3A_1385 : vector<1x1x16xf32> to vector<16xf32>
        %swap3A_1387 = vector.shape_cast %add3A_1380 : vector<16xf32> to vector<1x1x16xf32>
        tpu.vector_store %arg7[%swap3A_1382, %swap3A_1383, %swap3A_1384], %swap3A_1387 {strides = array<i32>} : memref<4x32x768xf32, #tpu.memory_space<vmem>>, vector<1x1x16xf32>,
        %scan3A_1388 = arith.constant 0 : i32
        scf.yield %scan3A_1388 : i32
      }
      %scan3A_210 = arith.constant 32 : i32
      %get3A_211 = arith.index_cast %sub3A : i32 to index
      %get3A_212 = arith.constant 256 : index
      %get3A_213 = tpu.vector_load %arg9[%get3A_211, %get3A_212] {strides = array<i32>} : memref<16x768xf32, #tpu.memory_space<vmem>>, vector<1x16xf32>,
      %get3A_214 = vector.shape_cast %get3A_213 : vector<1x16xf32> to vector<16xf32>
      %get3A_215 = arith.index_cast %sub3A : i32 to index
      %get3A_216 = arith.constant 272 : index
      %get3A_217 = tpu.vector_load %arg9[%get3A_215, %get3A_216] {strides = array<i32>} : memref<16x768xf32, #tpu.memory_space<vmem>>, vector<1x16xf32>,
      %get3A_218 = vector.shape_cast %get3A_217 : vector<1x16xf32> to vector<16xf32>
      %get3A_219 = arith.index_cast %sub3A : i32 to index
      %get3A_220 = arith.constant 288 : index
      %get3A_221 = tpu.vector_load %arg9[%get3A_219, %get3A_220] {strides = array<i32>} : memref<16x768xf32, #tpu.memory_space<vmem>>, vector<1x16xf32>,
      %get3A_222 = vector.shape_cast %get3A_221 : vector<1x16xf32> to vector<16xf32>
      %get3A_223 = arith.index_cast %sub3A : i32 to index
      %get3A_224 = arith.constant 304 : index
      %get3A_225 = tpu.vector_load %arg9[%get3A_223, %get3A_224] {strides = array<i32>} : memref<16x768xf32, #tpu.memory_space<vmem>>, vector<1x16xf32>,
      %get3A_226 = vector.shape_cast %get3A_225 : vector<1x16xf32> to vector<16xf32>
      %get3A_227 = arith.index_cast %sub3A : i32 to index
      %get3A_228 = arith.constant 320 : index
      %get3A_229 = tpu.vector_load %arg9[%get3A_227, %get3A_228] {strides = array<i32>} : memref<16x768xf32, #tpu.memory_space<vmem>>, vector<1x16xf32>,
      %get3A_230 = vector.shape_cast %get3A_229 : vector<1x16xf32> to vector<16xf32>
      %get3A_231 = arith.index_cast %sub3A : i32 to index
      %get3A_232 = arith.constant 336 : index
      %get3A_233 = tpu.vector_load %arg9[%get3A_231, %get3A_232] {strides = array<i32>} : memref<16x768xf32, #tpu.memory_space<vmem>>, vector<1x16xf32>,
      %get3A_234 = vector.shape_cast %get3A_233 : vector<1x16xf32> to vector<16xf32>
      %get3A_235 = arith.index_cast %sub3A : i32 to index
      %get3A_236 = arith.constant 352 : index
      %get3A_237 = tpu.vector_load %arg9[%get3A_235, %get3A_236] {strides = array<i32>} : memref<16x768xf32, #tpu.memory_space<vmem>>, vector<1x16xf32>,
      %get3A_238 = vector.shape_cast %get3A_237 : vector<1x16xf32> to vector<16xf32>
      %get3A_239 = arith.index_cast %sub3A : i32 to index
      %get3A_240 = arith.constant 368 : index
      %get3A_241 = tpu.vector_load %arg9[%get3A_239, %get3A_240] {strides = array<i32>} : memref<16x768xf32, #tpu.memory_space<vmem>>, vector<1x16xf32>,
      %get3A_242 = vector.shape_cast %get3A_241 : vector<1x16xf32> to vector<16xf32>
      %get3A_243 = arith.index_cast %sub3A : i32 to index
      %get3A_244 = arith.constant 384 : index
      %get3A_245 = tpu.vector_load %arg9[%get3A_243, %get3A_244] {strides = array<i32>} : memref<16x768xf32, #tpu.memory_space<vmem>>, vector<1x16xf32>,
      %get3A_246 = vector.shape_cast %get3A_245 : vector<1x16xf32> to vector<16xf32>
      %get3A_247 = arith.index_cast %sub3A : i32 to index
      %get3A_248 = arith.constant 400 : index
      %get3A_249 = tpu.vector_load %arg9[%get3A_247, %get3A_248] {strides = array<i32>} : memref<16x768xf32, #tpu.memory_space<vmem>>, vector<1x16xf32>,
      %get3A_250 = vector.shape_cast %get3A_249 : vector<1x16xf32> to vector<16xf32>
      %get3A_251 = arith.index_cast %sub3A : i32 to index
      %get3A_252 = arith.constant 416 : index
      %get3A_253 = tpu.vector_load %arg9[%get3A_251, %get3A_252] {strides = array<i32>} : memref<16x768xf32, #tpu.memory_space<vmem>>, vector<1x16xf32>,
      %get3A_254 = vector.shape_cast %get3A_253 : vector<1x16xf32> to vector<16xf32>
      %get3A_255 = arith.index_cast %sub3A : i32 to index
      %get3A_256 = arith.constant 432 : index
      %get3A_257 = tpu.vector_load %arg9[%get3A_255, %get3A_256] {strides = array<i32>} : memref<16x768xf32, #tpu.memory_space<vmem>>, vector<1x16xf32>,
      %get3A_258 = vector.shape_cast %get3A_257 : vector<1x16xf32> to vector<16xf32>
      %get3A_259 = arith.index_cast %sub3A : i32 to index
      %get3A_260 = arith.constant 448 : index
      %get3A_261 = tpu.vector_load %arg9[%get3A_259, %get3A_260] {strides = array<i32>} : memref<16x768xf32, #tpu.memory_space<vmem>>, vector<1x16xf32>,
      %get3A_262 = vector.shape_cast %get3A_261 : vector<1x16xf32> to vector<16xf32>
      %get3A_263 = arith.index_cast %sub3A : i32 to index
      %get3A_264 = arith.constant 464 : index
      %get3A_265 = tpu.vector_load %arg9[%get3A_263, %get3A_264] {strides = array<i32>} : memref<16x768xf32, #tpu.memory_space<vmem>>, vector<1x16xf32>,
      %get3A_266 = vector.shape_cast %get3A_265 : vector<1x16xf32> to vector<16xf32>
      %get3A_267 = arith.index_cast %sub3A : i32 to index
      %get3A_268 = arith.constant 480 : index
      %get3A_269 = tpu.vector_load %arg9[%get3A_267, %get3A_268] {strides = array<i32>} : memref<16x768xf32, #tpu.memory_space<vmem>>, vector<1x16xf32>,
      %get3A_270 = vector.shape_cast %get3A_269 : vector<1x16xf32> to vector<16xf32>
      %get3A_271 = arith.index_cast %sub3A : i32 to index
      %get3A_272 = arith.constant 496 : index
      %get3A_273 = tpu.vector_load %arg9[%get3A_271, %get3A_272] {strides = array<i32>} : memref<16x768xf32, #tpu.memory_space<vmem>>, vector<1x16xf32>,
      %get3A_274 = vector.shape_cast %get3A_273 : vector<1x16xf32> to vector<16xf32>
      %scan3A_275 = arith.constant 0 : i32
      %scan3A_276 = arith.constant 0 : i32
      %scan3A_277 = arith.constant 32 : i32
      %scan3A_278 = arith.addi %scan3A_276, %scan3A_277 : i32
      %scan3A_279 = arith.constant 1 : i32
      %scan3A_280 = scf.for %scan3A_1162 = %scan3A_276 to %scan3A_278 step %scan3A_279 iter_args(%scan3A_1163 = %scan3A_275) -> (i32)  : i32 {
        %get3A_1164 = arith.constant 0 : i32
        %get3A_1165 = arith.index_cast %get3A_1164 : i32 to index
        %get3A_1166 = arith.index_cast %scan3A_1162 : i32 to index
        %get3A_1167 = arith.constant 256 : index
        %get3A_1168 = tpu.vector_load %arg7[%get3A_1165, %get3A_1166, %get3A_1167] {strides = array<i32>} : memref<4x32x768xf32, #tpu.memory_space<vmem>>, vector<1x1x16xf32>,
        %get3A_1169 = vector.shape_cast %get3A_1168 : vector<1x1x16xf32> to vector<16xf32>
        %get3A_1170 = arith.constant 0 : i32
        %get3A_1171 = arith.index_cast %get3A_1170 : i32 to index
        %get3A_1172 = arith.index_cast %scan3A_1162 : i32 to index
        %get3A_1173 = arith.constant 272 : index
        %get3A_1174 = tpu.vector_load %arg7[%get3A_1171, %get3A_1172, %get3A_1173] {strides = array<i32>} : memref<4x32x768xf32, #tpu.memory_space<vmem>>, vector<1x1x16xf32>,
        %get3A_1175 = vector.shape_cast %get3A_1174 : vector<1x1x16xf32> to vector<16xf32>
        %get3A_1176 = arith.constant 0 : i32
        %get3A_1177 = arith.index_cast %get3A_1176 : i32 to index
        %get3A_1178 = arith.index_cast %scan3A_1162 : i32 to index
        %get3A_1179 = arith.constant 288 : index
        %get3A_1180 = tpu.vector_load %arg7[%get3A_1177, %get3A_1178, %get3A_1179] {strides = array<i32>} : memref<4x32x768xf32, #tpu.memory_space<vmem>>, vector<1x1x16xf32>,
        %get3A_1181 = vector.shape_cast %get3A_1180 : vector<1x1x16xf32> to vector<16xf32>
        %get3A_1182 = arith.constant 0 : i32
        %get3A_1183 = arith.index_cast %get3A_1182 : i32 to index
        %get3A_1184 = arith.index_cast %scan3A_1162 : i32 to index
        %get3A_1185 = arith.constant 304 : index
        %get3A_1186 = tpu.vector_load %arg7[%get3A_1183, %get3A_1184, %get3A_1185] {strides = array<i32>} : memref<4x32x768xf32, #tpu.memory_space<vmem>>, vector<1x1x16xf32>,
        %get3A_1187 = vector.shape_cast %get3A_1186 : vector<1x1x16xf32> to vector<16xf32>
        %get3A_1188 = arith.constant 0 : i32
        %get3A_1189 = arith.index_cast %get3A_1188 : i32 to index
        %get3A_1190 = arith.index_cast %scan3A_1162 : i32 to index
        %get3A_1191 = arith.constant 320 : index
        %get3A_1192 = tpu.vector_load %arg7[%get3A_1189, %get3A_1190, %get3A_1191] {strides = array<i32>} : memref<4x32x768xf32, #tpu.memory_space<vmem>>, vector<1x1x16xf32>,
        %get3A_1193 = vector.shape_cast %get3A_1192 : vector<1x1x16xf32> to vector<16xf32>
        %get3A_1194 = arith.constant 0 : i32
        %get3A_1195 = arith.index_cast %get3A_1194 : i32 to index
        %get3A_1196 = arith.index_cast %scan3A_1162 : i32 to index
        %get3A_1197 = arith.constant 336 : index
        %get3A_1198 = tpu.vector_load %arg7[%get3A_1195, %get3A_1196, %get3A_1197] {strides = array<i32>} : memref<4x32x768xf32, #tpu.memory_space<vmem>>, vector<1x1x16xf32>,
        %get3A_1199 = vector.shape_cast %get3A_1198 : vector<1x1x16xf32> to vector<16xf32>
        %get3A_1200 = arith.constant 0 : i32
        %get3A_1201 = arith.index_cast %get3A_1200 : i32 to index
        %get3A_1202 = arith.index_cast %scan3A_1162 : i32 to index
        %get3A_1203 = arith.constant 352 : index
        %get3A_1204 = tpu.vector_load %arg7[%get3A_1201, %get3A_1202, %get3A_1203] {strides = array<i32>} : memref<4x32x768xf32, #tpu.memory_space<vmem>>, vector<1x1x16xf32>,
        %get3A_1205 = vector.shape_cast %get3A_1204 : vector<1x1x16xf32> to vector<16xf32>
        %get3A_1206 = arith.constant 0 : i32
        %get3A_1207 = arith.index_cast %get3A_1206 : i32 to index
        %get3A_1208 = arith.index_cast %scan3A_1162 : i32 to index
        %get3A_1209 = arith.constant 368 : index
        %get3A_1210 = tpu.vector_load %arg7[%get3A_1207, %get3A_1208, %get3A_1209] {strides = array<i32>} : memref<4x32x768xf32, #tpu.memory_space<vmem>>, vector<1x1x16xf32>,
        %get3A_1211 = vector.shape_cast %get3A_1210 : vector<1x1x16xf32> to vector<16xf32>
        %get3A_1212 = arith.constant 0 : i32
        %get3A_1213 = arith.index_cast %get3A_1212 : i32 to index
        %get3A_1214 = arith.index_cast %scan3A_1162 : i32 to index
        %get3A_1215 = arith.constant 384 : index
        %get3A_1216 = tpu.vector_load %arg7[%get3A_1213, %get3A_1214, %get3A_1215] {strides = array<i32>} : memref<4x32x768xf32, #tpu.memory_space<vmem>>, vector<1x1x16xf32>,
        %get3A_1217 = vector.shape_cast %get3A_1216 : vector<1x1x16xf32> to vector<16xf32>
        %get3A_1218 = arith.constant 0 : i32
        %get3A_1219 = arith.index_cast %get3A_1218 : i32 to index
        %get3A_1220 = arith.index_cast %scan3A_1162 : i32 to index
        %get3A_1221 = arith.constant 400 : index
        %get3A_1222 = tpu.vector_load %arg7[%get3A_1219, %get3A_1220, %get3A_1221] {strides = array<i32>} : memref<4x32x768xf32, #tpu.memory_space<vmem>>, vector<1x1x16xf32>,
        %get3A_1223 = vector.shape_cast %get3A_1222 : vector<1x1x16xf32> to vector<16xf32>
        %get3A_1224 = arith.constant 0 : i32
        %get3A_1225 = arith.index_cast %get3A_1224 : i32 to index
        %get3A_1226 = arith.index_cast %scan3A_1162 : i32 to index
        %get3A_1227 = arith.constant 416 : index
        %get3A_1228 = tpu.vector_load %arg7[%get3A_1225, %get3A_1226, %get3A_1227] {strides = array<i32>} : memref<4x32x768xf32, #tpu.memory_space<vmem>>, vector<1x1x16xf32>,
        %get3A_1229 = vector.shape_cast %get3A_1228 : vector<1x1x16xf32> to vector<16xf32>
        %get3A_1230 = arith.constant 0 : i32
        %get3A_1231 = arith.index_cast %get3A_1230 : i32 to index
        %get3A_1232 = arith.index_cast %scan3A_1162 : i32 to index
        %get3A_1233 = arith.constant 432 : index
        %get3A_1234 = tpu.vector_load %arg7[%get3A_1231, %get3A_1232, %get3A_1233] {strides = array<i32>} : memref<4x32x768xf32, #tpu.memory_space<vmem>>, vector<1x1x16xf32>,
        %get3A_1235 = vector.shape_cast %get3A_1234 : vector<1x1x16xf32> to vector<16xf32>
        %get3A_1236 = arith.constant 0 : i32
        %get3A_1237 = arith.index_cast %get3A_1236 : i32 to index
        %get3A_1238 = arith.index_cast %scan3A_1162 : i32 to index
        %get3A_1239 = arith.constant 448 : index
        %get3A_1240 = tpu.vector_load %arg7[%get3A_1237, %get3A_1238, %get3A_1239] {strides = array<i32>} : memref<4x32x768xf32, #tpu.memory_space<vmem>>, vector<1x1x16xf32>,
        %get3A_1241 = vector.shape_cast %get3A_1240 : vector<1x1x16xf32> to vector<16xf32>
        %get3A_1242 = arith.constant 0 : i32
        %get3A_1243 = arith.index_cast %get3A_1242 : i32 to index
        %get3A_1244 = arith.index_cast %scan3A_1162 : i32 to index
        %get3A_1245 = arith.constant 464 : index
        %get3A_1246 = tpu.vector_load %arg7[%get3A_1243, %get3A_1244, %get3A_1245] {strides = array<i32>} : memref<4x32x768xf32, #tpu.memory_space<vmem>>, vector<1x1x16xf32>,
        %get3A_1247 = vector.shape_cast %get3A_1246 : vector<1x1x16xf32> to vector<16xf32>
        %get3A_1248 = arith.constant 0 : i32
        %get3A_1249 = arith.index_cast %get3A_1248 : i32 to index
        %get3A_1250 = arith.index_cast %scan3A_1162 : i32 to index
        %get3A_1251 = arith.constant 480 : index
        %get3A_1252 = tpu.vector_load %arg7[%get3A_1249, %get3A_1250, %get3A_1251] {strides = array<i32>} : memref<4x32x768xf32, #tpu.memory_space<vmem>>, vector<1x1x16xf32>,
        %get3A_1253 = vector.shape_cast %get3A_1252 : vector<1x1x16xf32> to vector<16xf32>
        %get3A_1254 = arith.constant 0 : i32
        %get3A_1255 = arith.index_cast %get3A_1254 : i32 to index
        %get3A_1256 = arith.index_cast %scan3A_1162 : i32 to index
        %get3A_1257 = arith.constant 496 : index
        %get3A_1258 = tpu.vector_load %arg7[%get3A_1255, %get3A_1256, %get3A_1257] {strides = array<i32>} : memref<4x32x768xf32, #tpu.memory_space<vmem>>, vector<1x1x16xf32>,
        %get3A_1259 = vector.shape_cast %get3A_1258 : vector<1x1x16xf32> to vector<16xf32>
        %add3A_1260 = arith.addf %get3A_1169, %get3A_214 : vector<16xf32>
        %swap3A_1261 = arith.constant 0 : i32
        %swap3A_1262 = arith.index_cast %swap3A_1261 : i32 to index
        %swap3A_1263 = arith.index_cast %scan3A_1162 : i32 to index
        %swap3A_1264 = arith.constant 256 : index
        %swap3A_1265 = tpu.vector_load %arg7[%swap3A_1262, %swap3A_1263, %swap3A_1264] {strides = array<i32>} : memref<4x32x768xf32, #tpu.memory_space<vmem>>, vector<1x1x16xf32>,
        %swap3A_1266 = vector.shape_cast %swap3A_1265 : vector<1x1x16xf32> to vector<16xf32>
        %swap3A_1267 = vector.shape_cast %add3A_1260 : vector<16xf32> to vector<1x1x16xf32>
        tpu.vector_store %arg7[%swap3A_1262, %swap3A_1263, %swap3A_1264], %swap3A_1267 {strides = array<i32>} : memref<4x32x768xf32, #tpu.memory_space<vmem>>, vector<1x1x16xf32>,
        %add3A_1268 = arith.addf %get3A_1175, %get3A_218 : vector<16xf32>
        %swap3A_1269 = arith.constant 0 : i32
        %swap3A_1270 = arith.index_cast %swap3A_1269 : i32 to index
        %swap3A_1271 = arith.index_cast %scan3A_1162 : i32 to index
        %swap3A_1272 = arith.constant 272 : index
        %swap3A_1273 = tpu.vector_load %arg7[%swap3A_1270, %swap3A_1271, %swap3A_1272] {strides = array<i32>} : memref<4x32x768xf32, #tpu.memory_space<vmem>>, vector<1x1x16xf32>,
        %swap3A_1274 = vector.shape_cast %swap3A_1273 : vector<1x1x16xf32> to vector<16xf32>
        %swap3A_1275 = vector.shape_cast %add3A_1268 : vector<16xf32> to vector<1x1x16xf32>
        tpu.vector_store %arg7[%swap3A_1270, %swap3A_1271, %swap3A_1272], %swap3A_1275 {strides = array<i32>} : memref<4x32x768xf32, #tpu.memory_space<vmem>>, vector<1x1x16xf32>,
        %add3A_1276 = arith.addf %get3A_1181, %get3A_222 : vector<16xf32>
        %swap3A_1277 = arith.constant 0 : i32
        %swap3A_1278 = arith.index_cast %swap3A_1277 : i32 to index
        %swap3A_1279 = arith.index_cast %scan3A_1162 : i32 to index
        %swap3A_1280 = arith.constant 288 : index
        %swap3A_1281 = tpu.vector_load %arg7[%swap3A_1278, %swap3A_1279, %swap3A_1280] {strides = array<i32>} : memref<4x32x768xf32, #tpu.memory_space<vmem>>, vector<1x1x16xf32>,
        %swap3A_1282 = vector.shape_cast %swap3A_1281 : vector<1x1x16xf32> to vector<16xf32>
        %swap3A_1283 = vector.shape_cast %add3A_1276 : vector<16xf32> to vector<1x1x16xf32>
        tpu.vector_store %arg7[%swap3A_1278, %swap3A_1279, %swap3A_1280], %swap3A_1283 {strides = array<i32>} : memref<4x32x768xf32, #tpu.memory_space<vmem>>, vector<1x1x16xf32>,
        %add3A_1284 = arith.addf %get3A_1187, %get3A_226 : vector<16xf32>
        %swap3A_1285 = arith.constant 0 : i32
        %swap3A_1286 = arith.index_cast %swap3A_1285 : i32 to index
        %swap3A_1287 = arith.index_cast %scan3A_1162 : i32 to index
        %swap3A_1288 = arith.constant 304 : index
        %swap3A_1289 = tpu.vector_load %arg7[%swap3A_1286, %swap3A_1287, %swap3A_1288] {strides = array<i32>} : memref<4x32x768xf32, #tpu.memory_space<vmem>>, vector<1x1x16xf32>,
        %swap3A_1290 = vector.shape_cast %swap3A_1289 : vector<1x1x16xf32> to vector<16xf32>
        %swap3A_1291 = vector.shape_cast %add3A_1284 : vector<16xf32> to vector<1x1x16xf32>
        tpu.vector_store %arg7[%swap3A_1286, %swap3A_1287, %swap3A_1288], %swap3A_1291 {strides = array<i32>} : memref<4x32x768xf32, #tpu.memory_space<vmem>>, vector<1x1x16xf32>,
        %add3A_1292 = arith.addf %get3A_1193, %get3A_230 : vector<16xf32>
        %swap3A_1293 = arith.constant 0 : i32
        %swap3A_1294 = arith.index_cast %swap3A_1293 : i32 to index
        %swap3A_1295 = arith.index_cast %scan3A_1162 : i32 to index
        %swap3A_1296 = arith.constant 320 : index
        %swap3A_1297 = tpu.vector_load %arg7[%swap3A_1294, %swap3A_1295, %swap3A_1296] {strides = array<i32>} : memref<4x32x768xf32, #tpu.memory_space<vmem>>, vector<1x1x16xf32>,
        %swap3A_1298 = vector.shape_cast %swap3A_1297 : vector<1x1x16xf32> to vector<16xf32>
        %swap3A_1299 = vector.shape_cast %add3A_1292 : vector<16xf32> to vector<1x1x16xf32>
        tpu.vector_store %arg7[%swap3A_1294, %swap3A_1295, %swap3A_1296], %swap3A_1299 {strides = array<i32>} : memref<4x32x768xf32, #tpu.memory_space<vmem>>, vector<1x1x16xf32>,
        %add3A_1300 = arith.addf %get3A_1199, %get3A_234 : vector<16xf32>
        %swap3A_1301 = arith.constant 0 : i32
        %swap3A_1302 = arith.index_cast %swap3A_1301 : i32 to index
        %swap3A_1303 = arith.index_cast %scan3A_1162 : i32 to index
        %swap3A_1304 = arith.constant 336 : index
        %swap3A_1305 = tpu.vector_load %arg7[%swap3A_1302, %swap3A_1303, %swap3A_1304] {strides = array<i32>} : memref<4x32x768xf32, #tpu.memory_space<vmem>>, vector<1x1x16xf32>,
        %swap3A_1306 = vector.shape_cast %swap3A_1305 : vector<1x1x16xf32> to vector<16xf32>
        %swap3A_1307 = vector.shape_cast %add3A_1300 : vector<16xf32> to vector<1x1x16xf32>
        tpu.vector_store %arg7[%swap3A_1302, %swap3A_1303, %swap3A_1304], %swap3A_1307 {strides = array<i32>} : memref<4x32x768xf32, #tpu.memory_space<vmem>>, vector<1x1x16xf32>,
        %add3A_1308 = arith.addf %get3A_1205, %get3A_238 : vector<16xf32>
        %swap3A_1309 = arith.constant 0 : i32
        %swap3A_1310 = arith.index_cast %swap3A_1309 : i32 to index
        %swap3A_1311 = arith.index_cast %scan3A_1162 : i32 to index
        %swap3A_1312 = arith.constant 352 : index
        %swap3A_1313 = tpu.vector_load %arg7[%swap3A_1310, %swap3A_1311, %swap3A_1312] {strides = array<i32>} : memref<4x32x768xf32, #tpu.memory_space<vmem>>, vector<1x1x16xf32>,
        %swap3A_1314 = vector.shape_cast %swap3A_1313 : vector<1x1x16xf32> to vector<16xf32>
        %swap3A_1315 = vector.shape_cast %add3A_1308 : vector<16xf32> to vector<1x1x16xf32>
        tpu.vector_store %arg7[%swap3A_1310, %swap3A_1311, %swap3A_1312], %swap3A_1315 {strides = array<i32>} : memref<4x32x768xf32, #tpu.memory_space<vmem>>, vector<1x1x16xf32>,
        %add3A_1316 = arith.addf %get3A_1211, %get3A_242 : vector<16xf32>
        %swap3A_1317 = arith.constant 0 : i32
        %swap3A_1318 = arith.index_cast %swap3A_1317 : i32 to index
        %swap3A_1319 = arith.index_cast %scan3A_1162 : i32 to index
        %swap3A_1320 = arith.constant 368 : index
        %swap3A_1321 = tpu.vector_load %arg7[%swap3A_1318, %swap3A_1319, %swap3A_1320] {strides = array<i32>} : memref<4x32x768xf32, #tpu.memory_space<vmem>>, vector<1x1x16xf32>,
        %swap3A_1322 = vector.shape_cast %swap3A_1321 : vector<1x1x16xf32> to vector<16xf32>
        %swap3A_1323 = vector.shape_cast %add3A_1316 : vector<16xf32> to vector<1x1x16xf32>
        tpu.vector_store %arg7[%swap3A_1318, %swap3A_1319, %swap3A_1320], %swap3A_1323 {strides = array<i32>} : memref<4x32x768xf32, #tpu.memory_space<vmem>>, vector<1x1x16xf32>,
        %add3A_1324 = arith.addf %get3A_1217, %get3A_246 : vector<16xf32>
        %swap3A_1325 = arith.constant 0 : i32
        %swap3A_1326 = arith.index_cast %swap3A_1325 : i32 to index
        %swap3A_1327 = arith.index_cast %scan3A_1162 : i32 to index
        %swap3A_1328 = arith.constant 384 : index
        %swap3A_1329 = tpu.vector_load %arg7[%swap3A_1326, %swap3A_1327, %swap3A_1328] {strides = array<i32>} : memref<4x32x768xf32, #tpu.memory_space<vmem>>, vector<1x1x16xf32>,
        %swap3A_1330 = vector.shape_cast %swap3A_1329 : vector<1x1x16xf32> to vector<16xf32>
        %swap3A_1331 = vector.shape_cast %add3A_1324 : vector<16xf32> to vector<1x1x16xf32>
        tpu.vector_store %arg7[%swap3A_1326, %swap3A_1327, %swap3A_1328], %swap3A_1331 {strides = array<i32>} : memref<4x32x768xf32, #tpu.memory_space<vmem>>, vector<1x1x16xf32>,
        %add3A_1332 = arith.addf %get3A_1223, %get3A_250 : vector<16xf32>
        %swap3A_1333 = arith.constant 0 : i32
        %swap3A_1334 = arith.index_cast %swap3A_1333 : i32 to index
        %swap3A_1335 = arith.index_cast %scan3A_1162 : i32 to index
        %swap3A_1336 = arith.constant 400 : index
        %swap3A_1337 = tpu.vector_load %arg7[%swap3A_1334, %swap3A_1335, %swap3A_1336] {strides = array<i32>} : memref<4x32x768xf32, #tpu.memory_space<vmem>>, vector<1x1x16xf32>,
        %swap3A_1338 = vector.shape_cast %swap3A_1337 : vector<1x1x16xf32> to vector<16xf32>
        %swap3A_1339 = vector.shape_cast %add3A_1332 : vector<16xf32> to vector<1x1x16xf32>
        tpu.vector_store %arg7[%swap3A_1334, %swap3A_1335, %swap3A_1336], %swap3A_1339 {strides = array<i32>} : memref<4x32x768xf32, #tpu.memory_space<vmem>>, vector<1x1x16xf32>,
        %add3A_1340 = arith.addf %get3A_1229, %get3A_254 : vector<16xf32>
        %swap3A_1341 = arith.constant 0 : i32
        %swap3A_1342 = arith.index_cast %swap3A_1341 : i32 to index
        %swap3A_1343 = arith.index_cast %scan3A_1162 : i32 to index
        %swap3A_1344 = arith.constant 416 : index
        %swap3A_1345 = tpu.vector_load %arg7[%swap3A_1342, %swap3A_1343, %swap3A_1344] {strides = array<i32>} : memref<4x32x768xf32, #tpu.memory_space<vmem>>, vector<1x1x16xf32>,
        %swap3A_1346 = vector.shape_cast %swap3A_1345 : vector<1x1x16xf32> to vector<16xf32>
        %swap3A_1347 = vector.shape_cast %add3A_1340 : vector<16xf32> to vector<1x1x16xf32>
        tpu.vector_store %arg7[%swap3A_1342, %swap3A_1343, %swap3A_1344], %swap3A_1347 {strides = array<i32>} : memref<4x32x768xf32, #tpu.memory_space<vmem>>, vector<1x1x16xf32>,
        %add3A_1348 = arith.addf %get3A_1235, %get3A_258 : vector<16xf32>
        %swap3A_1349 = arith.constant 0 : i32
        %swap3A_1350 = arith.index_cast %swap3A_1349 : i32 to index
        %swap3A_1351 = arith.index_cast %scan3A_1162 : i32 to index
        %swap3A_1352 = arith.constant 432 : index
        %swap3A_1353 = tpu.vector_load %arg7[%swap3A_1350, %swap3A_1351, %swap3A_1352] {strides = array<i32>} : memref<4x32x768xf32, #tpu.memory_space<vmem>>, vector<1x1x16xf32>,
        %swap3A_1354 = vector.shape_cast %swap3A_1353 : vector<1x1x16xf32> to vector<16xf32>
        %swap3A_1355 = vector.shape_cast %add3A_1348 : vector<16xf32> to vector<1x1x16xf32>
        tpu.vector_store %arg7[%swap3A_1350, %swap3A_1351, %swap3A_1352], %swap3A_1355 {strides = array<i32>} : memref<4x32x768xf32, #tpu.memory_space<vmem>>, vector<1x1x16xf32>,
        %add3A_1356 = arith.addf %get3A_1241, %get3A_262 : vector<16xf32>
        %swap3A_1357 = arith.constant 0 : i32
        %swap3A_1358 = arith.index_cast %swap3A_1357 : i32 to index
        %swap3A_1359 = arith.index_cast %scan3A_1162 : i32 to index
        %swap3A_1360 = arith.constant 448 : index
        %swap3A_1361 = tpu.vector_load %arg7[%swap3A_1358, %swap3A_1359, %swap3A_1360] {strides = array<i32>} : memref<4x32x768xf32, #tpu.memory_space<vmem>>, vector<1x1x16xf32>,
        %swap3A_1362 = vector.shape_cast %swap3A_1361 : vector<1x1x16xf32> to vector<16xf32>
        %swap3A_1363 = vector.shape_cast %add3A_1356 : vector<16xf32> to vector<1x1x16xf32>
        tpu.vector_store %arg7[%swap3A_1358, %swap3A_1359, %swap3A_1360], %swap3A_1363 {strides = array<i32>} : memref<4x32x768xf32, #tpu.memory_space<vmem>>, vector<1x1x16xf32>,
        %add3A_1364 = arith.addf %get3A_1247, %get3A_266 : vector<16xf32>
        %swap3A_1365 = arith.constant 0 : i32
        %swap3A_1366 = arith.index_cast %swap3A_1365 : i32 to index
        %swap3A_1367 = arith.index_cast %scan3A_1162 : i32 to index
        %swap3A_1368 = arith.constant 464 : index
        %swap3A_1369 = tpu.vector_load %arg7[%swap3A_1366, %swap3A_1367, %swap3A_1368] {strides = array<i32>} : memref<4x32x768xf32, #tpu.memory_space<vmem>>, vector<1x1x16xf32>,
        %swap3A_1370 = vector.shape_cast %swap3A_1369 : vector<1x1x16xf32> to vector<16xf32>
        %swap3A_1371 = vector.shape_cast %add3A_1364 : vector<16xf32> to vector<1x1x16xf32>
        tpu.vector_store %arg7[%swap3A_1366, %swap3A_1367, %swap3A_1368], %swap3A_1371 {strides = array<i32>} : memref<4x32x768xf32, #tpu.memory_space<vmem>>, vector<1x1x16xf32>,
        %add3A_1372 = arith.addf %get3A_1253, %get3A_270 : vector<16xf32>
        %swap3A_1373 = arith.constant 0 : i32
        %swap3A_1374 = arith.index_cast %swap3A_1373 : i32 to index
        %swap3A_1375 = arith.index_cast %scan3A_1162 : i32 to index
        %swap3A_1376 = arith.constant 480 : index
        %swap3A_1377 = tpu.vector_load %arg7[%swap3A_1374, %swap3A_1375, %swap3A_1376] {strides = array<i32>} : memref<4x32x768xf32, #tpu.memory_space<vmem>>, vector<1x1x16xf32>,
        %swap3A_1378 = vector.shape_cast %swap3A_1377 : vector<1x1x16xf32> to vector<16xf32>
        %swap3A_1379 = vector.shape_cast %add3A_1372 : vector<16xf32> to vector<1x1x16xf32>
        tpu.vector_store %arg7[%swap3A_1374, %swap3A_1375, %swap3A_1376], %swap3A_1379 {strides = array<i32>} : memref<4x32x768xf32, #tpu.memory_space<vmem>>, vector<1x1x16xf32>,
        %add3A_1380 = arith.addf %get3A_1259, %get3A_274 : vector<16xf32>
        %swap3A_1381 = arith.constant 0 : i32
        %swap3A_1382 = arith.index_cast %swap3A_1381 : i32 to index
        %swap3A_1383 = arith.index_cast %scan3A_1162 : i32 to index
        %swap3A_1384 = arith.constant 496 : index
        %swap3A_1385 = tpu.vector_load %arg7[%swap3A_1382, %swap3A_1383, %swap3A_1384] {strides = array<i32>} : memref<4x32x768xf32, #tpu.memory_space<vmem>>, vector<1x1x16xf32>,
        %swap3A_1386 = vector.shape_cast %swap3A_1385 : vector<1x1x16xf32> to vector<16xf32>
        %swap3A_1387 = vector.shape_cast %add3A_1380 : vector<16xf32> to vector<1x1x16xf32>
        tpu.vector_store %arg7[%swap3A_1382, %swap3A_1383, %swap3A_1384], %swap3A_1387 {strides = array<i32>} : memref<4x32x768xf32, #tpu.memory_space<vmem>>, vector<1x1x16xf32>,
        %scan3A_1388 = arith.constant 0 : i32
        scf.yield %scan3A_1388 : i32
      }
      %scan3A_281 = arith.constant 32 : i32
      %get3A_282 = arith.index_cast %sub3A : i32 to index
      %get3A_283 = arith.constant 512 : index
      %get3A_284 = tpu.vector_load %arg9[%get3A_282, %get3A_283] {strides = array<i32>} : memref<16x768xf32, #tpu.memory_space<vmem>>, vector<1x16xf32>,
      %get3A_285 = vector.shape_cast %get3A_284 : vector<1x16xf32> to vector<16xf32>
      %get3A_286 = arith.index_cast %sub3A : i32 to index
      %get3A_287 = arith.constant 528 : index
      %get3A_288 = tpu.vector_load %arg9[%get3A_286, %get3A_287] {strides = array<i32>} : memref<16x768xf32, #tpu.memory_space<vmem>>, vector<1x16xf32>,
      %get3A_289 = vector.shape_cast %get3A_288 : vector<1x16xf32> to vector<16xf32>
      %get3A_290 = arith.index_cast %sub3A : i32 to index
      %get3A_291 = arith.constant 544 : index
      %get3A_292 = tpu.vector_load %arg9[%get3A_290, %get3A_291] {strides = array<i32>} : memref<16x768xf32, #tpu.memory_space<vmem>>, vector<1x16xf32>,
      %get3A_293 = vector.shape_cast %get3A_292 : vector<1x16xf32> to vector<16xf32>
      %get3A_294 = arith.index_cast %sub3A : i32 to index
      %get3A_295 = arith.constant 560 : index
      %get3A_296 = tpu.vector_load %arg9[%get3A_294, %get3A_295] {strides = array<i32>} : memref<16x768xf32, #tpu.memory_space<vmem>>, vector<1x16xf32>,
      %get3A_297 = vector.shape_cast %get3A_296 : vector<1x16xf32> to vector<16xf32>
      %get3A_298 = arith.index_cast %sub3A : i32 to index
      %get3A_299 = arith.constant 576 : index
      %get3A_300 = tpu.vector_load %arg9[%get3A_298, %get3A_299] {strides = array<i32>} : memref<16x768xf32, #tpu.memory_space<vmem>>, vector<1x16xf32>,
      %get3A_301 = vector.shape_cast %get3A_300 : vector<1x16xf32> to vector<16xf32>
      %get3A_302 = arith.index_cast %sub3A : i32 to index
      %get3A_303 = arith.constant 592 : index
      %get3A_304 = tpu.vector_load %arg9[%get3A_302, %get3A_303] {strides = array<i32>} : memref<16x768xf32, #tpu.memory_space<vmem>>, vector<1x16xf32>,
      %get3A_305 = vector.shape_cast %get3A_304 : vector<1x16xf32> to vector<16xf32>
      %get3A_306 = arith.index_cast %sub3A : i32 to index
      %get3A_307 = arith.constant 608 : index
      %get3A_308 = tpu.vector_load %arg9[%get3A_306, %get3A_307] {strides = array<i32>} : memref<16x768xf32, #tpu.memory_space<vmem>>, vector<1x16xf32>,
      %get3A_309 = vector.shape_cast %get3A_308 : vector<1x16xf32> to vector<16xf32>
      %get3A_310 = arith.index_cast %sub3A : i32 to index
      %get3A_311 = arith.constant 624 : index
      %get3A_312 = tpu.vector_load %arg9[%get3A_310, %get3A_311] {strides = array<i32>} : memref<16x768xf32, #tpu.memory_space<vmem>>, vector<1x16xf32>,
      %get3A_313 = vector.shape_cast %get3A_312 : vector<1x16xf32> to vector<16xf32>
      %get3A_314 = arith.index_cast %sub3A : i32 to index
      %get3A_315 = arith.constant 640 : index
      %get3A_316 = tpu.vector_load %arg9[%get3A_314, %get3A_315] {strides = array<i32>} : memref<16x768xf32, #tpu.memory_space<vmem>>, vector<1x16xf32>,
      %get3A_317 = vector.shape_cast %get3A_316 : vector<1x16xf32> to vector<16xf32>
      %get3A_318 = arith.index_cast %sub3A : i32 to index
      %get3A_319 = arith.constant 656 : index
      %get3A_320 = tpu.vector_load %arg9[%get3A_318, %get3A_319] {strides = array<i32>} : memref<16x768xf32, #tpu.memory_space<vmem>>, vector<1x16xf32>,
      %get3A_321 = vector.shape_cast %get3A_320 : vector<1x16xf32> to vector<16xf32>
      %get3A_322 = arith.index_cast %sub3A : i32 to index
      %get3A_323 = arith.constant 672 : index
      %get3A_324 = tpu.vector_load %arg9[%get3A_322, %get3A_323] {strides = array<i32>} : memref<16x768xf32, #tpu.memory_space<vmem>>, vector<1x16xf32>,
      %get3A_325 = vector.shape_cast %get3A_324 : vector<1x16xf32> to vector<16xf32>
      %get3A_326 = arith.index_cast %sub3A : i32 to index
      %get3A_327 = arith.constant 688 : index
      %get3A_328 = tpu.vector_load %arg9[%get3A_326, %get3A_327] {strides = array<i32>} : memref<16x768xf32, #tpu.memory_space<vmem>>, vector<1x16xf32>,
      %get3A_329 = vector.shape_cast %get3A_328 : vector<1x16xf32> to vector<16xf32>
      %get3A_330 = arith.index_cast %sub3A : i32 to index
      %get3A_331 = arith.constant 704 : index
      %get3A_332 = tpu.vector_load %arg9[%get3A_330, %get3A_331] {strides = array<i32>} : memref<16x768xf32, #tpu.memory_space<vmem>>, vector<1x16xf32>,
      %get3A_333 = vector.shape_cast %get3A_332 : vector<1x16xf32> to vector<16xf32>
      %get3A_334 = arith.index_cast %sub3A : i32 to index
      %get3A_335 = arith.constant 720 : index
      %get3A_336 = tpu.vector_load %arg9[%get3A_334, %get3A_335] {strides = array<i32>} : memref<16x768xf32, #tpu.memory_space<vmem>>, vector<1x16xf32>,
      %get3A_337 = vector.shape_cast %get3A_336 : vector<1x16xf32> to vector<16xf32>
      %get3A_338 = arith.index_cast %sub3A : i32 to index
      %get3A_339 = arith.constant 736 : index
      %get3A_340 = tpu.vector_load %arg9[%get3A_338, %get3A_339] {strides = array<i32>} : memref<16x768xf32, #tpu.memory_space<vmem>>, vector<1x16xf32>,
      %get3A_341 = vector.shape_cast %get3A_340 : vector<1x16xf32> to vector<16xf32>
      %get3A_342 = arith.index_cast %sub3A : i32 to index
      %get3A_343 = arith.constant 752 : index
      %get3A_344 = tpu.vector_load %arg9[%get3A_342, %get3A_343] {strides = array<i32>} : memref<16x768xf32, #tpu.memory_space<vmem>>, vector<1x16xf32>,
      %get3A_345 = vector.shape_cast %get3A_344 : vector<1x16xf32> to vector<16xf32>
      %scan3A_346 = arith.constant 0 : i32
      %scan3A_347 = arith.constant 0 : i32
      %scan3A_348 = arith.constant 32 : i32
      %scan3A_349 = arith.addi %scan3A_347, %scan3A_348 : i32
      %scan3A_350 = arith.constant 1 : i32
      %scan3A_351 = scf.for %scan3A_1162 = %scan3A_347 to %scan3A_349 step %scan3A_350 iter_args(%scan3A_1163 = %scan3A_346) -> (i32)  : i32 {
        %get3A_1164 = arith.constant 0 : i32
        %get3A_1165 = arith.index_cast %get3A_1164 : i32 to index
        %get3A_1166 = arith.index_cast %scan3A_1162 : i32 to index
        %get3A_1167 = arith.constant 512 : index
        %get3A_1168 = tpu.vector_load %arg7[%get3A_1165, %get3A_1166, %get3A_1167] {strides = array<i32>} : memref<4x32x768xf32, #tpu.memory_space<vmem>>, vector<1x1x16xf32>,
        %get3A_1169 = vector.shape_cast %get3A_1168 : vector<1x1x16xf32> to vector<16xf32>
        %get3A_1170 = arith.constant 0 : i32
        %get3A_1171 = arith.index_cast %get3A_1170 : i32 to index
        %get3A_1172 = arith.index_cast %scan3A_1162 : i32 to index
        %get3A_1173 = arith.constant 528 : index
        %get3A_1174 = tpu.vector_load %arg7[%get3A_1171, %get3A_1172, %get3A_1173] {strides = array<i32>} : memref<4x32x768xf32, #tpu.memory_space<vmem>>, vector<1x1x16xf32>,
        %get3A_1175 = vector.shape_cast %get3A_1174 : vector<1x1x16xf32> to vector<16xf32>
        %get3A_1176 = arith.constant 0 : i32
        %get3A_1177 = arith.index_cast %get3A_1176 : i32 to index
        %get3A_1178 = arith.index_cast %scan3A_1162 : i32 to index
        %get3A_1179 = arith.constant 544 : index
        %get3A_1180 = tpu.vector_load %arg7[%get3A_1177, %get3A_1178, %get3A_1179] {strides = array<i32>} : memref<4x32x768xf32, #tpu.memory_space<vmem>>, vector<1x1x16xf32>,
        %get3A_1181 = vector.shape_cast %get3A_1180 : vector<1x1x16xf32> to vector<16xf32>
        %get3A_1182 = arith.constant 0 : i32
        %get3A_1183 = arith.index_cast %get3A_1182 : i32 to index
        %get3A_1184 = arith.index_cast %scan3A_1162 : i32 to index
        %get3A_1185 = arith.constant 560 : index
        %get3A_1186 = tpu.vector_load %arg7[%get3A_1183, %get3A_1184, %get3A_1185] {strides = array<i32>} : memref<4x32x768xf32, #tpu.memory_space<vmem>>, vector<1x1x16xf32>,
        %get3A_1187 = vector.shape_cast %get3A_1186 : vector<1x1x16xf32> to vector<16xf32>
        %get3A_1188 = arith.constant 0 : i32
        %get3A_1189 = arith.index_cast %get3A_1188 : i32 to index
        %get3A_1190 = arith.index_cast %scan3A_1162 : i32 to index
        %get3A_1191 = arith.constant 576 : index
        %get3A_1192 = tpu.vector_load %arg7[%get3A_1189, %get3A_1190, %get3A_1191] {strides = array<i32>} : memref<4x32x768xf32, #tpu.memory_space<vmem>>, vector<1x1x16xf32>,
        %get3A_1193 = vector.shape_cast %get3A_1192 : vector<1x1x16xf32> to vector<16xf32>
        %get3A_1194 = arith.constant 0 : i32
        %get3A_1195 = arith.index_cast %get3A_1194 : i32 to index
        %get3A_1196 = arith.index_cast %scan3A_1162 : i32 to index
        %get3A_1197 = arith.constant 592 : index
        %get3A_1198 = tpu.vector_load %arg7[%get3A_1195, %get3A_1196, %get3A_1197] {strides = array<i32>} : memref<4x32x768xf32, #tpu.memory_space<vmem>>, vector<1x1x16xf32>,
        %get3A_1199 = vector.shape_cast %get3A_1198 : vector<1x1x16xf32> to vector<16xf32>
        %get3A_1200 = arith.constant 0 : i32
        %get3A_1201 = arith.index_cast %get3A_1200 : i32 to index
        %get3A_1202 = arith.index_cast %scan3A_1162 : i32 to index
        %get3A_1203 = arith.constant 608 : index
        %get3A_1204 = tpu.vector_load %arg7[%get3A_1201, %get3A_1202, %get3A_1203] {strides = array<i32>} : memref<4x32x768xf32, #tpu.memory_space<vmem>>, vector<1x1x16xf32>,
        %get3A_1205 = vector.shape_cast %get3A_1204 : vector<1x1x16xf32> to vector<16xf32>
        %get3A_1206 = arith.constant 0 : i32
        %get3A_1207 = arith.index_cast %get3A_1206 : i32 to index
        %get3A_1208 = arith.index_cast %scan3A_1162 : i32 to index
        %get3A_1209 = arith.constant 624 : index
        %get3A_1210 = tpu.vector_load %arg7[%get3A_1207, %get3A_1208, %get3A_1209] {strides = array<i32>} : memref<4x32x768xf32, #tpu.memory_space<vmem>>, vector<1x1x16xf32>,
        %get3A_1211 = vector.shape_cast %get3A_1210 : vector<1x1x16xf32> to vector<16xf32>
        %get3A_1212 = arith.constant 0 : i32
        %get3A_1213 = arith.index_cast %get3A_1212 : i32 to index
        %get3A_1214 = arith.index_cast %scan3A_1162 : i32 to index
        %get3A_1215 = arith.constant 640 : index
        %get3A_1216 = tpu.vector_load %arg7[%get3A_1213, %get3A_1214, %get3A_1215] {strides = array<i32>} : memref<4x32x768xf32, #tpu.memory_space<vmem>>, vector<1x1x16xf32>,
        %get3A_1217 = vector.shape_cast %get3A_1216 : vector<1x1x16xf32> to vector<16xf32>
        %get3A_1218 = arith.constant 0 : i32
        %get3A_1219 = arith.index_cast %get3A_1218 : i32 to index
        %get3A_1220 = arith.index_cast %scan3A_1162 : i32 to index
        %get3A_1221 = arith.constant 656 : index
        %get3A_1222 = tpu.vector_load %arg7[%get3A_1219, %get3A_1220, %get3A_1221] {strides = array<i32>} : memref<4x32x768xf32, #tpu.memory_space<vmem>>, vector<1x1x16xf32>,
        %get3A_1223 = vector.shape_cast %get3A_1222 : vector<1x1x16xf32> to vector<16xf32>
        %get3A_1224 = arith.constant 0 : i32
        %get3A_1225 = arith.index_cast %get3A_1224 : i32 to index
        %get3A_1226 = arith.index_cast %scan3A_1162 : i32 to index
        %get3A_1227 = arith.constant 672 : index
        %get3A_1228 = tpu.vector_load %arg7[%get3A_1225, %get3A_1226, %get3A_1227] {strides = array<i32>} : memref<4x32x768xf32, #tpu.memory_space<vmem>>, vector<1x1x16xf32>,
        %get3A_1229 = vector.shape_cast %get3A_1228 : vector<1x1x16xf32> to vector<16xf32>
        %get3A_1230 = arith.constant 0 : i32
        %get3A_1231 = arith.index_cast %get3A_1230 : i32 to index
        %get3A_1232 = arith.index_cast %scan3A_1162 : i32 to index
        %get3A_1233 = arith.constant 688 : index
        %get3A_1234 = tpu.vector_load %arg7[%get3A_1231, %get3A_1232, %get3A_1233] {strides = array<i32>} : memref<4x32x768xf32, #tpu.memory_space<vmem>>, vector<1x1x16xf32>,
        %get3A_1235 = vector.shape_cast %get3A_1234 : vector<1x1x16xf32> to vector<16xf32>
        %get3A_1236 = arith.constant 0 : i32
        %get3A_1237 = arith.index_cast %get3A_1236 : i32 to index
        %get3A_1238 = arith.index_cast %scan3A_1162 : i32 to index
        %get3A_1239 = arith.constant 704 : index
        %get3A_1240 = tpu.vector_load %arg7[%get3A_1237, %get3A_1238, %get3A_1239] {strides = array<i32>} : memref<4x32x768xf32, #tpu.memory_space<vmem>>, vector<1x1x16xf32>,
        %get3A_1241 = vector.shape_cast %get3A_1240 : vector<1x1x16xf32> to vector<16xf32>
        %get3A_1242 = arith.constant 0 : i32
        %get3A_1243 = arith.index_cast %get3A_1242 : i32 to index
        %get3A_1244 = arith.index_cast %scan3A_1162 : i32 to index
        %get3A_1245 = arith.constant 720 : index
        %get3A_1246 = tpu.vector_load %arg7[%get3A_1243, %get3A_1244, %get3A_1245] {strides = array<i32>} : memref<4x32x768xf32, #tpu.memory_space<vmem>>, vector<1x1x16xf32>,
        %get3A_1247 = vector.shape_cast %get3A_1246 : vector<1x1x16xf32> to vector<16xf32>
        %get3A_1248 = arith.constant 0 : i32
        %get3A_1249 = arith.index_cast %get3A_1248 : i32 to index
        %get3A_1250 = arith.index_cast %scan3A_1162 : i32 to index
        %get3A_1251 = arith.constant 736 : index
        %get3A_1252 = tpu.vector_load %arg7[%get3A_1249, %get3A_1250, %get3A_1251] {strides = array<i32>} : memref<4x32x768xf32, #tpu.memory_space<vmem>>, vector<1x1x16xf32>,
        %get3A_1253 = vector.shape_cast %get3A_1252 : vector<1x1x16xf32> to vector<16xf32>
        %get3A_1254 = arith.constant 0 : i32
        %get3A_1255 = arith.index_cast %get3A_1254 : i32 to index
        %get3A_1256 = arith.index_cast %scan3A_1162 : i32 to index
        %get3A_1257 = arith.constant 752 : index
        %get3A_1258 = tpu.vector_load %arg7[%get3A_1255, %get3A_1256, %get3A_1257] {strides = array<i32>} : memref<4x32x768xf32, #tpu.memory_space<vmem>>, vector<1x1x16xf32>,
        %get3A_1259 = vector.shape_cast %get3A_1258 : vector<1x1x16xf32> to vector<16xf32>
        %add3A_1260 = arith.addf %get3A_1169, %get3A_285 : vector<16xf32>
        %swap3A_1261 = arith.constant 0 : i32
        %swap3A_1262 = arith.index_cast %swap3A_1261 : i32 to index
        %swap3A_1263 = arith.index_cast %scan3A_1162 : i32 to index
        %swap3A_1264 = arith.constant 512 : index
        %swap3A_1265 = tpu.vector_load %arg7[%swap3A_1262, %swap3A_1263, %swap3A_1264] {strides = array<i32>} : memref<4x32x768xf32, #tpu.memory_space<vmem>>, vector<1x1x16xf32>,
        %swap3A_1266 = vector.shape_cast %swap3A_1265 : vector<1x1x16xf32> to vector<16xf32>
        %swap3A_1267 = vector.shape_cast %add3A_1260 : vector<16xf32> to vector<1x1x16xf32>
        tpu.vector_store %arg7[%swap3A_1262, %swap3A_1263, %swap3A_1264], %swap3A_1267 {strides = array<i32>} : memref<4x32x768xf32, #tpu.memory_space<vmem>>, vector<1x1x16xf32>,
        %add3A_1268 = arith.addf %get3A_1175, %get3A_289 : vector<16xf32>
        %swap3A_1269 = arith.constant 0 : i32
        %swap3A_1270 = arith.index_cast %swap3A_1269 : i32 to index
        %swap3A_1271 = arith.index_cast %scan3A_1162 : i32 to index
        %swap3A_1272 = arith.constant 528 : index
        %swap3A_1273 = tpu.vector_load %arg7[%swap3A_1270, %swap3A_1271, %swap3A_1272] {strides = array<i32>} : memref<4x32x768xf32, #tpu.memory_space<vmem>>, vector<1x1x16xf32>,
        %swap3A_1274 = vector.shape_cast %swap3A_1273 : vector<1x1x16xf32> to vector<16xf32>
        %swap3A_1275 = vector.shape_cast %add3A_1268 : vector<16xf32> to vector<1x1x16xf32>
        tpu.vector_store %arg7[%swap3A_1270, %swap3A_1271, %swap3A_1272], %swap3A_1275 {strides = array<i32>} : memref<4x32x768xf32, #tpu.memory_space<vmem>>, vector<1x1x16xf32>,
        %add3A_1276 = arith.addf %get3A_1181, %get3A_293 : vector<16xf32>
        %swap3A_1277 = arith.constant 0 : i32
        %swap3A_1278 = arith.index_cast %swap3A_1277 : i32 to index
        %swap3A_1279 = arith.index_cast %scan3A_1162 : i32 to index
        %swap3A_1280 = arith.constant 544 : index
        %swap3A_1281 = tpu.vector_load %arg7[%swap3A_1278, %swap3A_1279, %swap3A_1280] {strides = array<i32>} : memref<4x32x768xf32, #tpu.memory_space<vmem>>, vector<1x1x16xf32>,
        %swap3A_1282 = vector.shape_cast %swap3A_1281 : vector<1x1x16xf32> to vector<16xf32>
        %swap3A_1283 = vector.shape_cast %add3A_1276 : vector<16xf32> to vector<1x1x16xf32>
        tpu.vector_store %arg7[%swap3A_1278, %swap3A_1279, %swap3A_1280], %swap3A_1283 {strides = array<i32>} : memref<4x32x768xf32, #tpu.memory_space<vmem>>, vector<1x1x16xf32>,
        %add3A_1284 = arith.addf %get3A_1187, %get3A_297 : vector<16xf32>
        %swap3A_1285 = arith.constant 0 : i32
        %swap3A_1286 = arith.index_cast %swap3A_1285 : i32 to index
        %swap3A_1287 = arith.index_cast %scan3A_1162 : i32 to index
        %swap3A_1288 = arith.constant 560 : index
        %swap3A_1289 = tpu.vector_load %arg7[%swap3A_1286, %swap3A_1287, %swap3A_1288] {strides = array<i32>} : memref<4x32x768xf32, #tpu.memory_space<vmem>>, vector<1x1x16xf32>,
        %swap3A_1290 = vector.shape_cast %swap3A_1289 : vector<1x1x16xf32> to vector<16xf32>
        %swap3A_1291 = vector.shape_cast %add3A_1284 : vector<16xf32> to vector<1x1x16xf32>
        tpu.vector_store %arg7[%swap3A_1286, %swap3A_1287, %swap3A_1288], %swap3A_1291 {strides = array<i32>} : memref<4x32x768xf32, #tpu.memory_space<vmem>>, vector<1x1x16xf32>,
        %add3A_1292 = arith.addf %get3A_1193, %get3A_301 : vector<16xf32>
        %swap3A_1293 = arith.constant 0 : i32
        %swap3A_1294 = arith.index_cast %swap3A_1293 : i32 to index
        %swap3A_1295 = arith.index_cast %scan3A_1162 : i32 to index
        %swap3A_1296 = arith.constant 576 : index
        %swap3A_1297 = tpu.vector_load %arg7[%swap3A_1294, %swap3A_1295, %swap3A_1296] {strides = array<i32>} : memref<4x32x768xf32, #tpu.memory_space<vmem>>, vector<1x1x16xf32>,
        %swap3A_1298 = vector.shape_cast %swap3A_1297 : vector<1x1x16xf32> to vector<16xf32>
        %swap3A_1299 = vector.shape_cast %add3A_1292 : vector<16xf32> to vector<1x1x16xf32>
        tpu.vector_store %arg7[%swap3A_1294, %swap3A_1295, %swap3A_1296], %swap3A_1299 {strides = array<i32>} : memref<4x32x768xf32, #tpu.memory_space<vmem>>, vector<1x1x16xf32>,
        %add3A_1300 = arith.addf %get3A_1199, %get3A_305 : vector<16xf32>
        %swap3A_1301 = arith.constant 0 : i32
        %swap3A_1302 = arith.index_cast %swap3A_1301 : i32 to index
        %swap3A_1303 = arith.index_cast %scan3A_1162 : i32 to index
        %swap3A_1304 = arith.constant 592 : index
        %swap3A_1305 = tpu.vector_load %arg7[%swap3A_1302, %swap3A_1303, %swap3A_1304] {strides = array<i32>} : memref<4x32x768xf32, #tpu.memory_space<vmem>>, vector<1x1x16xf32>,
        %swap3A_1306 = vector.shape_cast %swap3A_1305 : vector<1x1x16xf32> to vector<16xf32>
        %swap3A_1307 = vector.shape_cast %add3A_1300 : vector<16xf32> to vector<1x1x16xf32>
        tpu.vector_store %arg7[%swap3A_1302, %swap3A_1303, %swap3A_1304], %swap3A_1307 {strides = array<i32>} : memref<4x32x768xf32, #tpu.memory_space<vmem>>, vector<1x1x16xf32>,
        %add3A_1308 = arith.addf %get3A_1205, %get3A_309 : vector<16xf32>
        %swap3A_1309 = arith.constant 0 : i32
        %swap3A_1310 = arith.index_cast %swap3A_1309 : i32 to index
        %swap3A_1311 = arith.index_cast %scan3A_1162 : i32 to index
        %swap3A_1312 = arith.constant 608 : index
        %swap3A_1313 = tpu.vector_load %arg7[%swap3A_1310, %swap3A_1311, %swap3A_1312] {strides = array<i32>} : memref<4x32x768xf32, #tpu.memory_space<vmem>>, vector<1x1x16xf32>,
        %swap3A_1314 = vector.shape_cast %swap3A_1313 : vector<1x1x16xf32> to vector<16xf32>
        %swap3A_1315 = vector.shape_cast %add3A_1308 : vector<16xf32> to vector<1x1x16xf32>
        tpu.vector_store %arg7[%swap3A_1310, %swap3A_1311, %swap3A_1312], %swap3A_1315 {strides = array<i32>} : memref<4x32x768xf32, #tpu.memory_space<vmem>>, vector<1x1x16xf32>,
        %add3A_1316 = arith.addf %get3A_1211, %get3A_313 : vector<16xf32>
        %swap3A_1317 = arith.constant 0 : i32
        %swap3A_1318 = arith.index_cast %swap3A_1317 : i32 to index
        %swap3A_1319 = arith.index_cast %scan3A_1162 : i32 to index
        %swap3A_1320 = arith.constant 624 : index
        %swap3A_1321 = tpu.vector_load %arg7[%swap3A_1318, %swap3A_1319, %swap3A_1320] {strides = array<i32>} : memref<4x32x768xf32, #tpu.memory_space<vmem>>, vector<1x1x16xf32>,
        %swap3A_1322 = vector.shape_cast %swap3A_1321 : vector<1x1x16xf32> to vector<16xf32>
        %swap3A_1323 = vector.shape_cast %add3A_1316 : vector<16xf32> to vector<1x1x16xf32>
        tpu.vector_store %arg7[%swap3A_1318, %swap3A_1319, %swap3A_1320], %swap3A_1323 {strides = array<i32>} : memref<4x32x768xf32, #tpu.memory_space<vmem>>, vector<1x1x16xf32>,
        %add3A_1324 = arith.addf %get3A_1217, %get3A_317 : vector<16xf32>
        %swap3A_1325 = arith.constant 0 : i32
        %swap3A_1326 = arith.index_cast %swap3A_1325 : i32 to index
        %swap3A_1327 = arith.index_cast %scan3A_1162 : i32 to index
        %swap3A_1328 = arith.constant 640 : index
        %swap3A_1329 = tpu.vector_load %arg7[%swap3A_1326, %swap3A_1327, %swap3A_1328] {strides = array<i32>} : memref<4x32x768xf32, #tpu.memory_space<vmem>>, vector<1x1x16xf32>,
        %swap3A_1330 = vector.shape_cast %swap3A_1329 : vector<1x1x16xf32> to vector<16xf32>
        %swap3A_1331 = vector.shape_cast %add3A_1324 : vector<16xf32> to vector<1x1x16xf32>
        tpu.vector_store %arg7[%swap3A_1326, %swap3A_1327, %swap3A_1328], %swap3A_1331 {strides = array<i32>} : memref<4x32x768xf32, #tpu.memory_space<vmem>>, vector<1x1x16xf32>,
        %add3A_1332 = arith.addf %get3A_1223, %get3A_321 : vector<16xf32>
        %swap3A_1333 = arith.constant 0 : i32
        %swap3A_1334 = arith.index_cast %swap3A_1333 : i32 to index
        %swap3A_1335 = arith.index_cast %scan3A_1162 : i32 to index
        %swap3A_1336 = arith.constant 656 : index
        %swap3A_1337 = tpu.vector_load %arg7[%swap3A_1334, %swap3A_1335, %swap3A_1336] {strides = array<i32>} : memref<4x32x768xf32, #tpu.memory_space<vmem>>, vector<1x1x16xf32>,
        %swap3A_1338 = vector.shape_cast %swap3A_1337 : vector<1x1x16xf32> to vector<16xf32>
        %swap3A_1339 = vector.shape_cast %add3A_1332 : vector<16xf32> to vector<1x1x16xf32>
        tpu.vector_store %arg7[%swap3A_1334, %swap3A_1335, %swap3A_1336], %swap3A_1339 {strides = array<i32>} : memref<4x32x768xf32, #tpu.memory_space<vmem>>, vector<1x1x16xf32>,
        %add3A_1340 = arith.addf %get3A_1229, %get3A_325 : vector<16xf32>
        %swap3A_1341 = arith.constant 0 : i32
        %swap3A_1342 = arith.index_cast %swap3A_1341 : i32 to index
        %swap3A_1343 = arith.index_cast %scan3A_1162 : i32 to index
        %swap3A_1344 = arith.constant 672 : index
        %swap3A_1345 = tpu.vector_load %arg7[%swap3A_1342, %swap3A_1343, %swap3A_1344] {strides = array<i32>} : memref<4x32x768xf32, #tpu.memory_space<vmem>>, vector<1x1x16xf32>,
        %swap3A_1346 = vector.shape_cast %swap3A_1345 : vector<1x1x16xf32> to vector<16xf32>
        %swap3A_1347 = vector.shape_cast %add3A_1340 : vector<16xf32> to vector<1x1x16xf32>
        tpu.vector_store %arg7[%swap3A_1342, %swap3A_1343, %swap3A_1344], %swap3A_1347 {strides = array<i32>} : memref<4x32x768xf32, #tpu.memory_space<vmem>>, vector<1x1x16xf32>,
        %add3A_1348 = arith.addf %get3A_1235, %get3A_329 : vector<16xf32>
        %swap3A_1349 = arith.constant 0 : i32
        %swap3A_1350 = arith.index_cast %swap3A_1349 : i32 to index
        %swap3A_1351 = arith.index_cast %scan3A_1162 : i32 to index
        %swap3A_1352 = arith.constant 688 : index
        %swap3A_1353 = tpu.vector_load %arg7[%swap3A_1350, %swap3A_1351, %swap3A_1352] {strides = array<i32>} : memref<4x32x768xf32, #tpu.memory_space<vmem>>, vector<1x1x16xf32>,
        %swap3A_1354 = vector.shape_cast %swap3A_1353 : vector<1x1x16xf32> to vector<16xf32>
        %swap3A_1355 = vector.shape_cast %add3A_1348 : vector<16xf32> to vector<1x1x16xf32>
        tpu.vector_store %arg7[%swap3A_1350, %swap3A_1351, %swap3A_1352], %swap3A_1355 {strides = array<i32>} : memref<4x32x768xf32, #tpu.memory_space<vmem>>, vector<1x1x16xf32>,
        %add3A_1356 = arith.addf %get3A_1241, %get3A_333 : vector<16xf32>
        %swap3A_1357 = arith.constant 0 : i32
        %swap3A_1358 = arith.index_cast %swap3A_1357 : i32 to index
        %swap3A_1359 = arith.index_cast %scan3A_1162 : i32 to index
        %swap3A_1360 = arith.constant 704 : index
        %swap3A_1361 = tpu.vector_load %arg7[%swap3A_1358, %swap3A_1359, %swap3A_1360] {strides = array<i32>} : memref<4x32x768xf32, #tpu.memory_space<vmem>>, vector<1x1x16xf32>,
        %swap3A_1362 = vector.shape_cast %swap3A_1361 : vector<1x1x16xf32> to vector<16xf32>
        %swap3A_1363 = vector.shape_cast %add3A_1356 : vector<16xf32> to vector<1x1x16xf32>
        tpu.vector_store %arg7[%swap3A_1358, %swap3A_1359, %swap3A_1360], %swap3A_1363 {strides = array<i32>} : memref<4x32x768xf32, #tpu.memory_space<vmem>>, vector<1x1x16xf32>,
        %add3A_1364 = arith.addf %get3A_1247, %get3A_337 : vector<16xf32>
        %swap3A_1365 = arith.constant 0 : i32
        %swap3A_1366 = arith.index_cast %swap3A_1365 : i32 to index
        %swap3A_1367 = arith.index_cast %scan3A_1162 : i32 to index
        %swap3A_1368 = arith.constant 720 : index
        %swap3A_1369 = tpu.vector_load %arg7[%swap3A_1366, %swap3A_1367, %swap3A_1368] {strides = array<i32>} : memref<4x32x768xf32, #tpu.memory_space<vmem>>, vector<1x1x16xf32>,
        %swap3A_1370 = vector.shape_cast %swap3A_1369 : vector<1x1x16xf32> to vector<16xf32>
        %swap3A_1371 = vector.shape_cast %add3A_1364 : vector<16xf32> to vector<1x1x16xf32>
        tpu.vector_store %arg7[%swap3A_1366, %swap3A_1367, %swap3A_1368], %swap3A_1371 {strides = array<i32>} : memref<4x32x768xf32, #tpu.memory_space<vmem>>, vector<1x1x16xf32>,
        %add3A_1372 = arith.addf %get3A_1253, %get3A_341 : vector<16xf32>
        %swap3A_1373 = arith.constant 0 : i32
        %swap3A_1374 = arith.index_cast %swap3A_1373 : i32 to index
        %swap3A_1375 = arith.index_cast %scan3A_1162 : i32 to index
        %swap3A_1376 = arith.constant 736 : index
        %swap3A_1377 = tpu.vector_load %arg7[%swap3A_1374, %swap3A_1375, %swap3A_1376] {strides = array<i32>} : memref<4x32x768xf32, #tpu.memory_space<vmem>>, vector<1x1x16xf32>,
        %swap3A_1378 = vector.shape_cast %swap3A_1377 : vector<1x1x16xf32> to vector<16xf32>
        %swap3A_1379 = vector.shape_cast %add3A_1372 : vector<16xf32> to vector<1x1x16xf32>
        tpu.vector_store %arg7[%swap3A_1374, %swap3A_1375, %swap3A_1376], %swap3A_1379 {strides = array<i32>} : memref<4x32x768xf32, #tpu.memory_space<vmem>>, vector<1x1x16xf32>,
        %add3A_1380 = arith.addf %get3A_1259, %get3A_345 : vector<16xf32>
        %swap3A_1381 = arith.constant 0 : i32
        %swap3A_1382 = arith.index_cast %swap3A_1381 : i32 to index
        %swap3A_1383 = arith.index_cast %scan3A_1162 : i32 to index
        %swap3A_1384 = arith.constant 752 : index
        %swap3A_1385 = tpu.vector_load %arg7[%swap3A_1382, %swap3A_1383, %swap3A_1384] {strides = array<i32>} : memref<4x32x768xf32, #tpu.memory_space<vmem>>, vector<1x1x16xf32>,
        %swap3A_1386 = vector.shape_cast %swap3A_1385 : vector<1x1x16xf32> to vector<16xf32>
        %swap3A_1387 = vector.shape_cast %add3A_1380 : vector<16xf32> to vector<1x1x16xf32>
        tpu.vector_store %arg7[%swap3A_1382, %swap3A_1383, %swap3A_1384], %swap3A_1387 {strides = array<i32>} : memref<4x32x768xf32, #tpu.memory_space<vmem>>, vector<1x1x16xf32>,
        %scan3A_1388 = arith.constant 0 : i32
        scf.yield %scan3A_1388 : i32
      }
      %scan3A_352 = arith.constant 32 : i32
      %mul3A_353 = arith.constant 32 : i32
      %mul3A_354 = arith.muli %add3A_117, %mul3A_353 : i32
      %add3A_355 = arith.addi %mul3A_2, %mul3A_354 : i32
      %dma_start3A_356 = arith.constant 0 : i32
      %dma_start3A_357 = arith.constant 0 : i32
      %dma_start3A_358 = arith.constant 0 : i32
      %dma_start3A_359 = arith.constant 0 : i32
      %dma_start3A_360 = tpu.memref_slice %arg7[%dma_start3A_356, %dma_start3A_358, %dma_start3A_359] : memref<4x32x768xf32, #tpu.memory_space<vmem>> -> memref<1x32x768xf32, #tpu.memory_space<vmem>>
      %dma_start3A_361 = tpu.memref_squeeze %dma_start3A_360 : memref<1x32x768xf32, #tpu.memory_space<vmem>> -> memref<32x768xf32, #tpu.memory_space<vmem>>
      %dma_start3A_362 = arith.constant 0 : i32
      %dma_start3A_363 = tpu.memref_slice %arg5[%add3A_355, %dma_start3A_362] : memref<315392x768xf32, #tpu.memory_space<hbm>> -> memref<32x768xf32, #tpu.memory_space<hbm>>
      %dma_start3A_364 = tpu.memref_slice %arg11[%dma_start3A_357] : memref<4x!tpu.dma_semaphore, #tpu.memory_space<semaphore_mem>> -> memref<1x!tpu.dma_semaphore, #tpu.memory_space<semaphore_mem>>
      %dma_start3A_365 = tpu.memref_squeeze %dma_start3A_364 : memref<1x!tpu.dma_semaphore, #tpu.memory_space<semaphore_mem>> -> memref<!tpu.dma_semaphore, #tpu.memory_space<semaphore_mem>>
      %dma_start3A_366 = arith.constant 0 : i32
      %dma_start3A_367 = tpu.memref_slice %arg5[%add3A_355, %dma_start3A_366] : memref<315392x768xf32, #tpu.memory_space<hbm>> -> memref<32x768xf32, #tpu.memory_space<hbm>>
      %dma_start3A_368 = arith.constant 0 : i32
      %dma_start3A_369 = arith.constant 0 : i32
      %dma_start3A_370 = tpu.memref_slice %arg7[%dma_start3A_356, %dma_start3A_368, %dma_start3A_369] : memref<4x32x768xf32, #tpu.memory_space<vmem>> -> memref<1x32x768xf32, #tpu.memory_space<vmem>>
      %dma_start3A_371 = tpu.memref_squeeze %dma_start3A_370 : memref<1x32x768xf32, #tpu.memory_space<vmem>> -> memref<32x768xf32, #tpu.memory_space<vmem>>
      tpu.enqueue_dma source(%dma_start3A_371 : memref<32x768xf32, #tpu.memory_space<vmem>>) target(%dma_start3A_367 : memref<32x768xf32, #tpu.memory_space<hbm>>) target_semaphore(%dma_start3A_365 : memref<!tpu.dma_semaphore, #tpu.memory_space<semaphore_mem>>)
      %mul3A_372 = arith.constant 4 : i32
      %mul3A_373 = arith.muli %scan3A_112, %mul3A_372 : i32
      %add3A_374 = arith.constant 1 : i32
      %add3A_375 = arith.addi %mul3A_373, %add3A_374 : i32
      %add3A_376 = arith.constant 1 : i32
      %add3A_377 = arith.addi %add3A_375, %add3A_376 : i32
      %lt3A_378 = arith.constant 308 : i32
      %lt3A_379 = arith.cmpi slt, %add3A_377, %lt3A_378 : i32
      %convert_element_type3A_380 = arith.extui %lt3A_379 : i1 to i32
      %cond3A_381 = arith.constant 0 : i32
      %cond3A_382 = arith.cmpi ne, %convert_element_type3A_380, %cond3A_381 : i32
      scf.if %cond3A_382 {
        %add3A_1162 = arith.constant 1 : i32
        %add3A_1163 = arith.addi %add3A_375, %add3A_1162 : i32
        %ge3A = arith.constant 4 : i32
        %ge3A_1164 = arith.cmpi sge, %add3A_1163, %ge3A : i32
        %convert_element_type3A_1165 = arith.extui %ge3A_1164 : i1 to i32
        %cond3A_1166 = arith.constant 0 : i32
        %cond3A_1167 = arith.cmpi ne, %convert_element_type3A_1165, %cond3A_1166 : i32
        scf.if %cond3A_1167 {
          %add3A_1184 = arith.constant 1 : i32
          %add3A_1185 = arith.addi %add3A_375, %add3A_1184 : i32
          %sub3A_1186 = arith.constant 4 : i32
          %sub3A_1187 = arith.subi %add3A_1185, %sub3A_1186 : i32
          %mul3A_1188 = arith.constant 32 : i32
          %mul3A_1189 = arith.muli %sub3A_1187, %mul3A_1188 : i32
          %add3A_1190 = arith.addi %mul3A_2, %mul3A_1189 : i32
          %dma_wait3A_1191 = arith.constant 2 : i32
          %dma_wait3A_1192 = arith.constant 2 : i32
          %dma_wait3A_1193 = arith.constant 0 : i32
          %dma_wait3A_1194 = arith.constant 0 : i32
          %dma_wait3A_1195 = tpu.memref_slice %arg7[%dma_wait3A_1191, %dma_wait3A_1193, %dma_wait3A_1194] : memref<4x32x768xf32, #tpu.memory_space<vmem>> -> memref<1x32x768xf32, #tpu.memory_space<vmem>>
          %dma_wait3A_1196 = tpu.memref_squeeze %dma_wait3A_1195 : memref<1x32x768xf32, #tpu.memory_space<vmem>> -> memref<32x768xf32, #tpu.memory_space<vmem>>
          %dma_wait3A_1197 = arith.constant 0 : i32
          %dma_wait3A_1198 = tpu.memref_slice %arg5[%add3A_1190, %dma_wait3A_1197] : memref<315392x768xf32, #tpu.memory_space<hbm>> -> memref<32x768xf32, #tpu.memory_space<hbm>>
          %dma_wait3A_1199 = tpu.memref_slice %arg11[%dma_wait3A_1192] : memref<4x!tpu.dma_semaphore, #tpu.memory_space<semaphore_mem>> -> memref<1x!tpu.dma_semaphore, #tpu.memory_space<semaphore_mem>>
          %dma_wait3A_1200 = tpu.memref_squeeze %dma_wait3A_1199 : memref<1x!tpu.dma_semaphore, #tpu.memory_space<semaphore_mem>> -> memref<!tpu.dma_semaphore, #tpu.memory_space<semaphore_mem>>
          %dma_wait3A_1201 = arith.constant 0 : i32
          %dma_wait3A_1202 = tpu.memref_slice %arg5[%add3A_1190, %dma_wait3A_1201] : memref<315392x768xf32, #tpu.memory_space<hbm>> -> memref<32x768xf32, #tpu.memory_space<hbm>>
          %dma_wait3A_1203 = arith.constant 0 : i32
          %dma_wait3A_1204 = arith.constant 0 : i32
          %dma_wait3A_1205 = tpu.memref_slice %arg7[%dma_wait3A_1191, %dma_wait3A_1203, %dma_wait3A_1204] : memref<4x32x768xf32, #tpu.memory_space<vmem>> -> memref<1x32x768xf32, #tpu.memory_space<vmem>>
          %dma_wait3A_1206 = tpu.memref_squeeze %dma_wait3A_1205 : memref<1x32x768xf32, #tpu.memory_space<vmem>> -> memref<32x768xf32, #tpu.memory_space<vmem>>
          tpu.wait_dma2 semaphore(%dma_wait3A_1200 : memref<!tpu.dma_semaphore, #tpu.memory_space<semaphore_mem>>) src(%dma_wait3A_1206 : memref<32x768xf32, #tpu.memory_space<vmem>>) dst(%dma_wait3A_1202 : memref<32x768xf32, #tpu.memory_space<hbm>>)
        } else {
        }
        %add3A_1168 = arith.constant 1 : i32
        %add3A_1169 = arith.addi %add3A_375, %add3A_1168 : i32
        %mul3A_1170 = arith.constant 32 : i32
        %mul3A_1171 = arith.muli %add3A_1169, %mul3A_1170 : i32
        %dma_start3A_1172 = arith.constant 2 : i32
        %dma_start3A_1173 = arith.constant 2 : i32
        %dma_start3A_1174 = arith.constant 0 : i32
        %dma_start3A_1175 = arith.constant 0 : i32
        %dma_start3A_1176 = tpu.memref_slice %arg7[%dma_start3A_1172, %dma_start3A_1174, %dma_start3A_1175] : memref<4x32x768xf32, #tpu.memory_space<vmem>> -> memref<1x32x768xf32, #tpu.memory_space<vmem>>
        %dma_start3A_1177 = tpu.memref_squeeze %dma_start3A_1176 : memref<1x32x768xf32, #tpu.memory_space<vmem>> -> memref<32x768xf32, #tpu.memory_space<vmem>>
        %dma_start3A_1178 = tpu.memref_slice %arg6[%mul3A_1171] : memref<9856xi32, #tpu.memory_space<vmem>> -> memref<32xi32, #tpu.memory_space<vmem>>
        %dma_start3A_1179 = arith.constant 0 : i32
        %dma_start3A_1180 = arith.constant 0 : i32
        %dma_start3A_1181 = tpu.memref_slice %arg3[%dma_start3A_1179, %dma_start3A_1180] : memref<49408x768xf32, #tpu.memory_space<hbm>> -> memref<49408x768xf32, #tpu.memory_space<hbm>>
        %dma_start3A_1182 = tpu.memref_slice %arg10[%dma_start3A_1173] : memref<4x!tpu.dma_semaphore, #tpu.memory_space<semaphore_mem>> -> memref<1x!tpu.dma_semaphore, #tpu.memory_space<semaphore_mem>>
        %dma_start3A_1183 = tpu.memref_squeeze %dma_start3A_1182 : memref<1x!tpu.dma_semaphore, #tpu.memory_space<semaphore_mem>> -> memref<!tpu.dma_semaphore, #tpu.memory_space<semaphore_mem>>
        tpu.enqueue_indirect_dma source(%dma_start3A_1181 : memref<49408x768xf32, #tpu.memory_space<hbm>>) target(%dma_start3A_1177 : memref<32x768xf32, #tpu.memory_space<vmem>>) offsets(%dma_start3A_1178 : memref<32xi32, #tpu.memory_space<vmem>>) semaphore(%dma_start3A_1183 : memref<!tpu.dma_semaphore, #tpu.memory_space<semaphore_mem>>)
      } else {
      }
      %mul3A_383 = arith.constant 32 : i32
      %mul3A_384 = arith.muli %add3A_375, %mul3A_383 : i32
      %dma_wait3A_385 = arith.constant 1 : i32
      %dma_wait3A_386 = arith.constant 1 : i32
      %dma_wait3A_387 = arith.constant 0 : i32
      %dma_wait3A_388 = arith.constant 0 : i32
      %dma_wait3A_389 = tpu.memref_slice %arg7[%dma_wait3A_385, %dma_wait3A_387, %dma_wait3A_388] : memref<4x32x768xf32, #tpu.memory_space<vmem>> -> memref<1x32x768xf32, #tpu.memory_space<vmem>>
      %dma_wait3A_390 = tpu.memref_squeeze %dma_wait3A_389 : memref<1x32x768xf32, #tpu.memory_space<vmem>> -> memref<32x768xf32, #tpu.memory_space<vmem>>
      %dma_wait3A_391 = tpu.memref_slice %arg6[%mul3A_384] : memref<9856xi32, #tpu.memory_space<vmem>> -> memref<32xi32, #tpu.memory_space<vmem>>
      %dma_wait3A_392 = arith.constant 0 : i32
      %dma_wait3A_393 = arith.constant 0 : i32
      %dma_wait3A_394 = tpu.memref_slice %arg3[%dma_wait3A_392, %dma_wait3A_393] : memref<49408x768xf32, #tpu.memory_space<hbm>> -> memref<49408x768xf32, #tpu.memory_space<hbm>>
      %dma_wait3A_395 = tpu.memref_slice %arg10[%dma_wait3A_386] : memref<4x!tpu.dma_semaphore, #tpu.memory_space<semaphore_mem>> -> memref<1x!tpu.dma_semaphore, #tpu.memory_space<semaphore_mem>>
      %dma_wait3A_396 = tpu.memref_squeeze %dma_wait3A_395 : memref<1x!tpu.dma_semaphore, #tpu.memory_space<semaphore_mem>> -> memref<!tpu.dma_semaphore, #tpu.memory_space<semaphore_mem>>
      tpu.wait_indirect_dma semaphore(%dma_wait3A_396 : memref<!tpu.dma_semaphore, #tpu.memory_space<semaphore_mem>>) src(%dma_wait3A_394 : memref<49408x768xf32, #tpu.memory_space<hbm>>) dst(%dma_wait3A_390 : memref<32x768xf32, #tpu.memory_space<vmem>>)
      %mul3A_397 = arith.constant 32 : i32
      %mul3A_398 = arith.muli %add3A_375, %mul3A_397 : i32
      %add3A_399 = arith.addi %mul3A_2, %mul3A_398 : i32
      %shift_right_logical3A_400 = arith.constant 12 : i32
      %shift_right_logical3A_401 = arith.shrui %add3A_399, %shift_right_logical3A_400 : i32
      %sub3A_402 = arith.subi %shift_right_logical3A_401, %shift_right_logical3A_3 : i32
      %get3A_403 = arith.index_cast %sub3A_402 : i32 to index
      %get3A_404 = arith.constant 0 : index
      %get3A_405 = tpu.vector_load %arg9[%get3A_403, %get3A_404] {strides = array<i32>} : memref<16x768xf32, #tpu.memory_space<vmem>>, vector<1x16xf32>,
      %get3A_406 = vector.shape_cast %get3A_405 : vector<1x16xf32> to vector<16xf32>
      %get3A_407 = arith.index_cast %sub3A_402 : i32 to index
      %get3A_408 = arith.constant 16 : index
      %get3A_409 = tpu.vector_load %arg9[%get3A_407, %get3A_408] {strides = array<i32>} : memref<16x768xf32, #tpu.memory_space<vmem>>, vector<1x16xf32>,
      %get3A_410 = vector.shape_cast %get3A_409 : vector<1x16xf32> to vector<16xf32>
      %get3A_411 = arith.index_cast %sub3A_402 : i32 to index
      %get3A_412 = arith.constant 32 : index
      %get3A_413 = tpu.vector_load %arg9[%get3A_411, %get3A_412] {strides = array<i32>} : memref<16x768xf32, #tpu.memory_space<vmem>>, vector<1x16xf32>,
      %get3A_414 = vector.shape_cast %get3A_413 : vector<1x16xf32> to vector<16xf32>
      %get3A_415 = arith.index_cast %sub3A_402 : i32 to index
      %get3A_416 = arith.constant 48 : index
      %get3A_417 = tpu.vector_load %arg9[%get3A_415, %get3A_416] {strides = array<i32>} : memref<16x768xf32, #tpu.memory_space<vmem>>, vector<1x16xf32>,
      %get3A_418 = vector.shape_cast %get3A_417 : vector<1x16xf32> to vector<16xf32>
      %get3A_419 = arith.index_cast %sub3A_402 : i32 to index
      %get3A_420 = arith.constant 64 : index
      %get3A_421 = tpu.vector_load %arg9[%get3A_419, %get3A_420] {strides = array<i32>} : memref<16x768xf32, #tpu.memory_space<vmem>>, vector<1x16xf32>,
      %get3A_422 = vector.shape_cast %get3A_421 : vector<1x16xf32> to vector<16xf32>
      %get3A_423 = arith.index_cast %sub3A_402 : i32 to index
      %get3A_424 = arith.constant 80 : index
      %get3A_425 = tpu.vector_load %arg9[%get3A_423, %get3A_424] {strides = array<i32>} : memref<16x768xf32, #tpu.memory_space<vmem>>, vector<1x16xf32>,
      %get3A_426 = vector.shape_cast %get3A_425 : vector<1x16xf32> to vector<16xf32>
      %get3A_427 = arith.index_cast %sub3A_402 : i32 to index
      %get3A_428 = arith.constant 96 : index
      %get3A_429 = tpu.vector_load %arg9[%get3A_427, %get3A_428] {strides = array<i32>} : memref<16x768xf32, #tpu.memory_space<vmem>>, vector<1x16xf32>,
      %get3A_430 = vector.shape_cast %get3A_429 : vector<1x16xf32> to vector<16xf32>
      %get3A_431 = arith.index_cast %sub3A_402 : i32 to index
      %get3A_432 = arith.constant 112 : index
      %get3A_433 = tpu.vector_load %arg9[%get3A_431, %get3A_432] {strides = array<i32>} : memref<16x768xf32, #tpu.memory_space<vmem>>, vector<1x16xf32>,
      %get3A_434 = vector.shape_cast %get3A_433 : vector<1x16xf32> to vector<16xf32>
      %get3A_435 = arith.index_cast %sub3A_402 : i32 to index
      %get3A_436 = arith.constant 128 : index
      %get3A_437 = tpu.vector_load %arg9[%get3A_435, %get3A_436] {strides = array<i32>} : memref<16x768xf32, #tpu.memory_space<vmem>>, vector<1x16xf32>,
      %get3A_438 = vector.shape_cast %get3A_437 : vector<1x16xf32> to vector<16xf32>
      %get3A_439 = arith.index_cast %sub3A_402 : i32 to index
      %get3A_440 = arith.constant 144 : index
      %get3A_441 = tpu.vector_load %arg9[%get3A_439, %get3A_440] {strides = array<i32>} : memref<16x768xf32, #tpu.memory_space<vmem>>, vector<1x16xf32>,
      %get3A_442 = vector.shape_cast %get3A_441 : vector<1x16xf32> to vector<16xf32>
      %get3A_443 = arith.index_cast %sub3A_402 : i32 to index
      %get3A_444 = arith.constant 160 : index
      %get3A_445 = tpu.vector_load %arg9[%get3A_443, %get3A_444] {strides = array<i32>} : memref<16x768xf32, #tpu.memory_space<vmem>>, vector<1x16xf32>,
      %get3A_446 = vector.shape_cast %get3A_445 : vector<1x16xf32> to vector<16xf32>
      %get3A_447 = arith.index_cast %sub3A_402 : i32 to index
      %get3A_448 = arith.constant 176 : index
      %get3A_449 = tpu.vector_load %arg9[%get3A_447, %get3A_448] {strides = array<i32>} : memref<16x768xf32, #tpu.memory_space<vmem>>, vector<1x16xf32>,
      %get3A_450 = vector.shape_cast %get3A_449 : vector<1x16xf32> to vector<16xf32>
      %get3A_451 = arith.index_cast %sub3A_402 : i32 to index
      %get3A_452 = arith.constant 192 : index
      %get3A_453 = tpu.vector_load %arg9[%get3A_451, %get3A_452] {strides = array<i32>} : memref<16x768xf32, #tpu.memory_space<vmem>>, vector<1x16xf32>,
      %get3A_454 = vector.shape_cast %get3A_453 : vector<1x16xf32> to vector<16xf32>
      %get3A_455 = arith.index_cast %sub3A_402 : i32 to index
      %get3A_456 = arith.constant 208 : index
      %get3A_457 = tpu.vector_load %arg9[%get3A_455, %get3A_456] {strides = array<i32>} : memref<16x768xf32, #tpu.memory_space<vmem>>, vector<1x16xf32>,
      %get3A_458 = vector.shape_cast %get3A_457 : vector<1x16xf32> to vector<16xf32>
      %get3A_459 = arith.index_cast %sub3A_402 : i32 to index
      %get3A_460 = arith.constant 224 : index
      %get3A_461 = tpu.vector_load %arg9[%get3A_459, %get3A_460] {strides = array<i32>} : memref<16x768xf32, #tpu.memory_space<vmem>>, vector<1x16xf32>,
      %get3A_462 = vector.shape_cast %get3A_461 : vector<1x16xf32> to vector<16xf32>
      %get3A_463 = arith.index_cast %sub3A_402 : i32 to index
      %get3A_464 = arith.constant 240 : index
      %get3A_465 = tpu.vector_load %arg9[%get3A_463, %get3A_464] {strides = array<i32>} : memref<16x768xf32, #tpu.memory_space<vmem>>, vector<1x16xf32>,
      %get3A_466 = vector.shape_cast %get3A_465 : vector<1x16xf32> to vector<16xf32>
      %scan3A_467 = arith.constant 0 : i32
      %scan3A_468 = arith.constant 0 : i32
      %scan3A_469 = arith.constant 32 : i32
      %scan3A_470 = arith.addi %scan3A_468, %scan3A_469 : i32
      %scan3A_471 = arith.constant 1 : i32
      %scan3A_472 = scf.for %scan3A_1162 = %scan3A_468 to %scan3A_470 step %scan3A_471 iter_args(%scan3A_1163 = %scan3A_467) -> (i32)  : i32 {
        %get3A_1164 = arith.constant 1 : i32
        %get3A_1165 = arith.index_cast %get3A_1164 : i32 to index
        %get3A_1166 = arith.index_cast %scan3A_1162 : i32 to index
        %get3A_1167 = arith.constant 0 : index
        %get3A_1168 = tpu.vector_load %arg7[%get3A_1165, %get3A_1166, %get3A_1167] {strides = array<i32>} : memref<4x32x768xf32, #tpu.memory_space<vmem>>, vector<1x1x16xf32>,
        %get3A_1169 = vector.shape_cast %get3A_1168 : vector<1x1x16xf32> to vector<16xf32>
        %get3A_1170 = arith.constant 1 : i32
        %get3A_1171 = arith.index_cast %get3A_1170 : i32 to index
        %get3A_1172 = arith.index_cast %scan3A_1162 : i32 to index
        %get3A_1173 = arith.constant 16 : index
        %get3A_1174 = tpu.vector_load %arg7[%get3A_1171, %get3A_1172, %get3A_1173] {strides = array<i32>} : memref<4x32x768xf32, #tpu.memory_space<vmem>>, vector<1x1x16xf32>,
        %get3A_1175 = vector.shape_cast %get3A_1174 : vector<1x1x16xf32> to vector<16xf32>
        %get3A_1176 = arith.constant 1 : i32
        %get3A_1177 = arith.index_cast %get3A_1176 : i32 to index
        %get3A_1178 = arith.index_cast %scan3A_1162 : i32 to index
        %get3A_1179 = arith.constant 32 : index
        %get3A_1180 = tpu.vector_load %arg7[%get3A_1177, %get3A_1178, %get3A_1179] {strides = array<i32>} : memref<4x32x768xf32, #tpu.memory_space<vmem>>, vector<1x1x16xf32>,
        %get3A_1181 = vector.shape_cast %get3A_1180 : vector<1x1x16xf32> to vector<16xf32>
        %get3A_1182 = arith.constant 1 : i32
        %get3A_1183 = arith.index_cast %get3A_1182 : i32 to index
        %get3A_1184 = arith.index_cast %scan3A_1162 : i32 to index
        %get3A_1185 = arith.constant 48 : index
        %get3A_1186 = tpu.vector_load %arg7[%get3A_1183, %get3A_1184, %get3A_1185] {strides = array<i32>} : memref<4x32x768xf32, #tpu.memory_space<vmem>>, vector<1x1x16xf32>,
        %get3A_1187 = vector.shape_cast %get3A_1186 : vector<1x1x16xf32> to vector<16xf32>
        %get3A_1188 = arith.constant 1 : i32
        %get3A_1189 = arith.index_cast %get3A_1188 : i32 to index
        %get3A_1190 = arith.index_cast %scan3A_1162 : i32 to index
        %get3A_1191 = arith.constant 64 : index
        %get3A_1192 = tpu.vector_load %arg7[%get3A_1189, %get3A_1190, %get3A_1191] {strides = array<i32>} : memref<4x32x768xf32, #tpu.memory_space<vmem>>, vector<1x1x16xf32>,
        %get3A_1193 = vector.shape_cast %get3A_1192 : vector<1x1x16xf32> to vector<16xf32>
        %get3A_1194 = arith.constant 1 : i32
        %get3A_1195 = arith.index_cast %get3A_1194 : i32 to index
        %get3A_1196 = arith.index_cast %scan3A_1162 : i32 to index
        %get3A_1197 = arith.constant 80 : index
        %get3A_1198 = tpu.vector_load %arg7[%get3A_1195, %get3A_1196, %get3A_1197] {strides = array<i32>} : memref<4x32x768xf32, #tpu.memory_space<vmem>>, vector<1x1x16xf32>,
        %get3A_1199 = vector.shape_cast %get3A_1198 : vector<1x1x16xf32> to vector<16xf32>
        %get3A_1200 = arith.constant 1 : i32
        %get3A_1201 = arith.index_cast %get3A_1200 : i32 to index
        %get3A_1202 = arith.index_cast %scan3A_1162 : i32 to index
        %get3A_1203 = arith.constant 96 : index
        %get3A_1204 = tpu.vector_load %arg7[%get3A_1201, %get3A_1202, %get3A_1203] {strides = array<i32>} : memref<4x32x768xf32, #tpu.memory_space<vmem>>, vector<1x1x16xf32>,
        %get3A_1205 = vector.shape_cast %get3A_1204 : vector<1x1x16xf32> to vector<16xf32>
        %get3A_1206 = arith.constant 1 : i32
        %get3A_1207 = arith.index_cast %get3A_1206 : i32 to index
        %get3A_1208 = arith.index_cast %scan3A_1162 : i32 to index
        %get3A_1209 = arith.constant 112 : index
        %get3A_1210 = tpu.vector_load %arg7[%get3A_1207, %get3A_1208, %get3A_1209] {strides = array<i32>} : memref<4x32x768xf32, #tpu.memory_space<vmem>>, vector<1x1x16xf32>,
        %get3A_1211 = vector.shape_cast %get3A_1210 : vector<1x1x16xf32> to vector<16xf32>
        %get3A_1212 = arith.constant 1 : i32
        %get3A_1213 = arith.index_cast %get3A_1212 : i32 to index
        %get3A_1214 = arith.index_cast %scan3A_1162 : i32 to index
        %get3A_1215 = arith.constant 128 : index
        %get3A_1216 = tpu.vector_load %arg7[%get3A_1213, %get3A_1214, %get3A_1215] {strides = array<i32>} : memref<4x32x768xf32, #tpu.memory_space<vmem>>, vector<1x1x16xf32>,
        %get3A_1217 = vector.shape_cast %get3A_1216 : vector<1x1x16xf32> to vector<16xf32>
        %get3A_1218 = arith.constant 1 : i32
        %get3A_1219 = arith.index_cast %get3A_1218 : i32 to index
        %get3A_1220 = arith.index_cast %scan3A_1162 : i32 to index
        %get3A_1221 = arith.constant 144 : index
        %get3A_1222 = tpu.vector_load %arg7[%get3A_1219, %get3A_1220, %get3A_1221] {strides = array<i32>} : memref<4x32x768xf32, #tpu.memory_space<vmem>>, vector<1x1x16xf32>,
        %get3A_1223 = vector.shape_cast %get3A_1222 : vector<1x1x16xf32> to vector<16xf32>
        %get3A_1224 = arith.constant 1 : i32
        %get3A_1225 = arith.index_cast %get3A_1224 : i32 to index
        %get3A_1226 = arith.index_cast %scan3A_1162 : i32 to index
        %get3A_1227 = arith.constant 160 : index
        %get3A_1228 = tpu.vector_load %arg7[%get3A_1225, %get3A_1226, %get3A_1227] {strides = array<i32>} : memref<4x32x768xf32, #tpu.memory_space<vmem>>, vector<1x1x16xf32>,
        %get3A_1229 = vector.shape_cast %get3A_1228 : vector<1x1x16xf32> to vector<16xf32>
        %get3A_1230 = arith.constant 1 : i32
        %get3A_1231 = arith.index_cast %get3A_1230 : i32 to index
        %get3A_1232 = arith.index_cast %scan3A_1162 : i32 to index
        %get3A_1233 = arith.constant 176 : index
        %get3A_1234 = tpu.vector_load %arg7[%get3A_1231, %get3A_1232, %get3A_1233] {strides = array<i32>} : memref<4x32x768xf32, #tpu.memory_space<vmem>>, vector<1x1x16xf32>,
        %get3A_1235 = vector.shape_cast %get3A_1234 : vector<1x1x16xf32> to vector<16xf32>
        %get3A_1236 = arith.constant 1 : i32
        %get3A_1237 = arith.index_cast %get3A_1236 : i32 to index
        %get3A_1238 = arith.index_cast %scan3A_1162 : i32 to index
        %get3A_1239 = arith.constant 192 : index
        %get3A_1240 = tpu.vector_load %arg7[%get3A_1237, %get3A_1238, %get3A_1239] {strides = array<i32>} : memref<4x32x768xf32, #tpu.memory_space<vmem>>, vector<1x1x16xf32>,
        %get3A_1241 = vector.shape_cast %get3A_1240 : vector<1x1x16xf32> to vector<16xf32>
        %get3A_1242 = arith.constant 1 : i32
        %get3A_1243 = arith.index_cast %get3A_1242 : i32 to index
        %get3A_1244 = arith.index_cast %scan3A_1162 : i32 to index
        %get3A_1245 = arith.constant 208 : index
        %get3A_1246 = tpu.vector_load %arg7[%get3A_1243, %get3A_1244, %get3A_1245] {strides = array<i32>} : memref<4x32x768xf32, #tpu.memory_space<vmem>>, vector<1x1x16xf32>,
        %get3A_1247 = vector.shape_cast %get3A_1246 : vector<1x1x16xf32> to vector<16xf32>
        %get3A_1248 = arith.constant 1 : i32
        %get3A_1249 = arith.index_cast %get3A_1248 : i32 to index
        %get3A_1250 = arith.index_cast %scan3A_1162 : i32 to index
        %get3A_1251 = arith.constant 224 : index
        %get3A_1252 = tpu.vector_load %arg7[%get3A_1249, %get3A_1250, %get3A_1251] {strides = array<i32>} : memref<4x32x768xf32, #tpu.memory_space<vmem>>, vector<1x1x16xf32>,
        %get3A_1253 = vector.shape_cast %get3A_1252 : vector<1x1x16xf32> to vector<16xf32>
        %get3A_1254 = arith.constant 1 : i32
        %get3A_1255 = arith.index_cast %get3A_1254 : i32 to index
        %get3A_1256 = arith.index_cast %scan3A_1162 : i32 to index
        %get3A_1257 = arith.constant 240 : index
        %get3A_1258 = tpu.vector_load %arg7[%get3A_1255, %get3A_1256, %get3A_1257] {strides = array<i32>} : memref<4x32x768xf32, #tpu.memory_space<vmem>>, vector<1x1x16xf32>,
        %get3A_1259 = vector.shape_cast %get3A_1258 : vector<1x1x16xf32> to vector<16xf32>
        %add3A_1260 = arith.addf %get3A_1169, %get3A_406 : vector<16xf32>
        %swap3A_1261 = arith.constant 1 : i32
        %swap3A_1262 = arith.index_cast %swap3A_1261 : i32 to index
        %swap3A_1263 = arith.index_cast %scan3A_1162 : i32 to index
        %swap3A_1264 = arith.constant 0 : index
        %swap3A_1265 = tpu.vector_load %arg7[%swap3A_1262, %swap3A_1263, %swap3A_1264] {strides = array<i32>} : memref<4x32x768xf32, #tpu.memory_space<vmem>>, vector<1x1x16xf32>,
        %swap3A_1266 = vector.shape_cast %swap3A_1265 : vector<1x1x16xf32> to vector<16xf32>
        %swap3A_1267 = vector.shape_cast %add3A_1260 : vector<16xf32> to vector<1x1x16xf32>
        tpu.vector_store %arg7[%swap3A_1262, %swap3A_1263, %swap3A_1264], %swap3A_1267 {strides = array<i32>} : memref<4x32x768xf32, #tpu.memory_space<vmem>>, vector<1x1x16xf32>,
        %add3A_1268 = arith.addf %get3A_1175, %get3A_410 : vector<16xf32>
        %swap3A_1269 = arith.constant 1 : i32
        %swap3A_1270 = arith.index_cast %swap3A_1269 : i32 to index
        %swap3A_1271 = arith.index_cast %scan3A_1162 : i32 to index
        %swap3A_1272 = arith.constant 16 : index
        %swap3A_1273 = tpu.vector_load %arg7[%swap3A_1270, %swap3A_1271, %swap3A_1272] {strides = array<i32>} : memref<4x32x768xf32, #tpu.memory_space<vmem>>, vector<1x1x16xf32>,
        %swap3A_1274 = vector.shape_cast %swap3A_1273 : vector<1x1x16xf32> to vector<16xf32>
        %swap3A_1275 = vector.shape_cast %add3A_1268 : vector<16xf32> to vector<1x1x16xf32>
        tpu.vector_store %arg7[%swap3A_1270, %swap3A_1271, %swap3A_1272], %swap3A_1275 {strides = array<i32>} : memref<4x32x768xf32, #tpu.memory_space<vmem>>, vector<1x1x16xf32>,
        %add3A_1276 = arith.addf %get3A_1181, %get3A_414 : vector<16xf32>
        %swap3A_1277 = arith.constant 1 : i32
        %swap3A_1278 = arith.index_cast %swap3A_1277 : i32 to index
        %swap3A_1279 = arith.index_cast %scan3A_1162 : i32 to index
        %swap3A_1280 = arith.constant 32 : index
        %swap3A_1281 = tpu.vector_load %arg7[%swap3A_1278, %swap3A_1279, %swap3A_1280] {strides = array<i32>} : memref<4x32x768xf32, #tpu.memory_space<vmem>>, vector<1x1x16xf32>,
        %swap3A_1282 = vector.shape_cast %swap3A_1281 : vector<1x1x16xf32> to vector<16xf32>
        %swap3A_1283 = vector.shape_cast %add3A_1276 : vector<16xf32> to vector<1x1x16xf32>
        tpu.vector_store %arg7[%swap3A_1278, %swap3A_1279, %swap3A_1280], %swap3A_1283 {strides = array<i32>} : memref<4x32x768xf32, #tpu.memory_space<vmem>>, vector<1x1x16xf32>,
        %add3A_1284 = arith.addf %get3A_1187, %get3A_418 : vector<16xf32>
        %swap3A_1285 = arith.constant 1 : i32
        %swap3A_1286 = arith.index_cast %swap3A_1285 : i32 to index
        %swap3A_1287 = arith.index_cast %scan3A_1162 : i32 to index
        %swap3A_1288 = arith.constant 48 : index
        %swap3A_1289 = tpu.vector_load %arg7[%swap3A_1286, %swap3A_1287, %swap3A_1288] {strides = array<i32>} : memref<4x32x768xf32, #tpu.memory_space<vmem>>, vector<1x1x16xf32>,
        %swap3A_1290 = vector.shape_cast %swap3A_1289 : vector<1x1x16xf32> to vector<16xf32>
        %swap3A_1291 = vector.shape_cast %add3A_1284 : vector<16xf32> to vector<1x1x16xf32>
        tpu.vector_store %arg7[%swap3A_1286, %swap3A_1287, %swap3A_1288], %swap3A_1291 {strides = array<i32>} : memref<4x32x768xf32, #tpu.memory_space<vmem>>, vector<1x1x16xf32>,
        %add3A_1292 = arith.addf %get3A_1193, %get3A_422 : vector<16xf32>
        %swap3A_1293 = arith.constant 1 : i32
        %swap3A_1294 = arith.index_cast %swap3A_1293 : i32 to index
        %swap3A_1295 = arith.index_cast %scan3A_1162 : i32 to index
        %swap3A_1296 = arith.constant 64 : index
        %swap3A_1297 = tpu.vector_load %arg7[%swap3A_1294, %swap3A_1295, %swap3A_1296] {strides = array<i32>} : memref<4x32x768xf32, #tpu.memory_space<vmem>>, vector<1x1x16xf32>,
        %swap3A_1298 = vector.shape_cast %swap3A_1297 : vector<1x1x16xf32> to vector<16xf32>
        %swap3A_1299 = vector.shape_cast %add3A_1292 : vector<16xf32> to vector<1x1x16xf32>
        tpu.vector_store %arg7[%swap3A_1294, %swap3A_1295, %swap3A_1296], %swap3A_1299 {strides = array<i32>} : memref<4x32x768xf32, #tpu.memory_space<vmem>>, vector<1x1x16xf32>,
        %add3A_1300 = arith.addf %get3A_1199, %get3A_426 : vector<16xf32>
        %swap3A_1301 = arith.constant 1 : i32
        %swap3A_1302 = arith.index_cast %swap3A_1301 : i32 to index
        %swap3A_1303 = arith.index_cast %scan3A_1162 : i32 to index
        %swap3A_1304 = arith.constant 80 : index
        %swap3A_1305 = tpu.vector_load %arg7[%swap3A_1302, %swap3A_1303, %swap3A_1304] {strides = array<i32>} : memref<4x32x768xf32, #tpu.memory_space<vmem>>, vector<1x1x16xf32>,
        %swap3A_1306 = vector.shape_cast %swap3A_1305 : vector<1x1x16xf32> to vector<16xf32>
        %swap3A_1307 = vector.shape_cast %add3A_1300 : vector<16xf32> to vector<1x1x16xf32>
        tpu.vector_store %arg7[%swap3A_1302, %swap3A_1303, %swap3A_1304], %swap3A_1307 {strides = array<i32>} : memref<4x32x768xf32, #tpu.memory_space<vmem>>, vector<1x1x16xf32>,
        %add3A_1308 = arith.addf %get3A_1205, %get3A_430 : vector<16xf32>
        %swap3A_1309 = arith.constant 1 : i32
        %swap3A_1310 = arith.index_cast %swap3A_1309 : i32 to index
        %swap3A_1311 = arith.index_cast %scan3A_1162 : i32 to index
        %swap3A_1312 = arith.constant 96 : index
        %swap3A_1313 = tpu.vector_load %arg7[%swap3A_1310, %swap3A_1311, %swap3A_1312] {strides = array<i32>} : memref<4x32x768xf32, #tpu.memory_space<vmem>>, vector<1x1x16xf32>,
        %swap3A_1314 = vector.shape_cast %swap3A_1313 : vector<1x1x16xf32> to vector<16xf32>
        %swap3A_1315 = vector.shape_cast %add3A_1308 : vector<16xf32> to vector<1x1x16xf32>
        tpu.vector_store %arg7[%swap3A_1310, %swap3A_1311, %swap3A_1312], %swap3A_1315 {strides = array<i32>} : memref<4x32x768xf32, #tpu.memory_space<vmem>>, vector<1x1x16xf32>,
        %add3A_1316 = arith.addf %get3A_1211, %get3A_434 : vector<16xf32>
        %swap3A_1317 = arith.constant 1 : i32
        %swap3A_1318 = arith.index_cast %swap3A_1317 : i32 to index
        %swap3A_1319 = arith.index_cast %scan3A_1162 : i32 to index
        %swap3A_1320 = arith.constant 112 : index
        %swap3A_1321 = tpu.vector_load %arg7[%swap3A_1318, %swap3A_1319, %swap3A_1320] {strides = array<i32>} : memref<4x32x768xf32, #tpu.memory_space<vmem>>, vector<1x1x16xf32>,
        %swap3A_1322 = vector.shape_cast %swap3A_1321 : vector<1x1x16xf32> to vector<16xf32>
        %swap3A_1323 = vector.shape_cast %add3A_1316 : vector<16xf32> to vector<1x1x16xf32>
        tpu.vector_store %arg7[%swap3A_1318, %swap3A_1319, %swap3A_1320], %swap3A_1323 {strides = array<i32>} : memref<4x32x768xf32, #tpu.memory_space<vmem>>, vector<1x1x16xf32>,
        %add3A_1324 = arith.addf %get3A_1217, %get3A_438 : vector<16xf32>
        %swap3A_1325 = arith.constant 1 : i32
        %swap3A_1326 = arith.index_cast %swap3A_1325 : i32 to index
        %swap3A_1327 = arith.index_cast %scan3A_1162 : i32 to index
        %swap3A_1328 = arith.constant 128 : index
        %swap3A_1329 = tpu.vector_load %arg7[%swap3A_1326, %swap3A_1327, %swap3A_1328] {strides = array<i32>} : memref<4x32x768xf32, #tpu.memory_space<vmem>>, vector<1x1x16xf32>,
        %swap3A_1330 = vector.shape_cast %swap3A_1329 : vector<1x1x16xf32> to vector<16xf32>
        %swap3A_1331 = vector.shape_cast %add3A_1324 : vector<16xf32> to vector<1x1x16xf32>
        tpu.vector_store %arg7[%swap3A_1326, %swap3A_1327, %swap3A_1328], %swap3A_1331 {strides = array<i32>} : memref<4x32x768xf32, #tpu.memory_space<vmem>>, vector<1x1x16xf32>,
        %add3A_1332 = arith.addf %get3A_1223, %get3A_442 : vector<16xf32>
        %swap3A_1333 = arith.constant 1 : i32
        %swap3A_1334 = arith.index_cast %swap3A_1333 : i32 to index
        %swap3A_1335 = arith.index_cast %scan3A_1162 : i32 to index
        %swap3A_1336 = arith.constant 144 : index
        %swap3A_1337 = tpu.vector_load %arg7[%swap3A_1334, %swap3A_1335, %swap3A_1336] {strides = array<i32>} : memref<4x32x768xf32, #tpu.memory_space<vmem>>, vector<1x1x16xf32>,
        %swap3A_1338 = vector.shape_cast %swap3A_1337 : vector<1x1x16xf32> to vector<16xf32>
        %swap3A_1339 = vector.shape_cast %add3A_1332 : vector<16xf32> to vector<1x1x16xf32>
        tpu.vector_store %arg7[%swap3A_1334, %swap3A_1335, %swap3A_1336], %swap3A_1339 {strides = array<i32>} : memref<4x32x768xf32, #tpu.memory_space<vmem>>, vector<1x1x16xf32>,
        %add3A_1340 = arith.addf %get3A_1229, %get3A_446 : vector<16xf32>
        %swap3A_1341 = arith.constant 1 : i32
        %swap3A_1342 = arith.index_cast %swap3A_1341 : i32 to index
        %swap3A_1343 = arith.index_cast %scan3A_1162 : i32 to index
        %swap3A_1344 = arith.constant 160 : index
        %swap3A_1345 = tpu.vector_load %arg7[%swap3A_1342, %swap3A_1343, %swap3A_1344] {strides = array<i32>} : memref<4x32x768xf32, #tpu.memory_space<vmem>>, vector<1x1x16xf32>,
        %swap3A_1346 = vector.shape_cast %swap3A_1345 : vector<1x1x16xf32> to vector<16xf32>
        %swap3A_1347 = vector.shape_cast %add3A_1340 : vector<16xf32> to vector<1x1x16xf32>
        tpu.vector_store %arg7[%swap3A_1342, %swap3A_1343, %swap3A_1344], %swap3A_1347 {strides = array<i32>} : memref<4x32x768xf32, #tpu.memory_space<vmem>>, vector<1x1x16xf32>,
        %add3A_1348 = arith.addf %get3A_1235, %get3A_450 : vector<16xf32>
        %swap3A_1349 = arith.constant 1 : i32
        %swap3A_1350 = arith.index_cast %swap3A_1349 : i32 to index
        %swap3A_1351 = arith.index_cast %scan3A_1162 : i32 to index
        %swap3A_1352 = arith.constant 176 : index
        %swap3A_1353 = tpu.vector_load %arg7[%swap3A_1350, %swap3A_1351, %swap3A_1352] {strides = array<i32>} : memref<4x32x768xf32, #tpu.memory_space<vmem>>, vector<1x1x16xf32>,
        %swap3A_1354 = vector.shape_cast %swap3A_1353 : vector<1x1x16xf32> to vector<16xf32>
        %swap3A_1355 = vector.shape_cast %add3A_1348 : vector<16xf32> to vector<1x1x16xf32>
        tpu.vector_store %arg7[%swap3A_1350, %swap3A_1351, %swap3A_1352], %swap3A_1355 {strides = array<i32>} : memref<4x32x768xf32, #tpu.memory_space<vmem>>, vector<1x1x16xf32>,
        %add3A_1356 = arith.addf %get3A_1241, %get3A_454 : vector<16xf32>
        %swap3A_1357 = arith.constant 1 : i32
        %swap3A_1358 = arith.index_cast %swap3A_1357 : i32 to index
        %swap3A_1359 = arith.index_cast %scan3A_1162 : i32 to index
        %swap3A_1360 = arith.constant 192 : index
        %swap3A_1361 = tpu.vector_load %arg7[%swap3A_1358, %swap3A_1359, %swap3A_1360] {strides = array<i32>} : memref<4x32x768xf32, #tpu.memory_space<vmem>>, vector<1x1x16xf32>,
        %swap3A_1362 = vector.shape_cast %swap3A_1361 : vector<1x1x16xf32> to vector<16xf32>
        %swap3A_1363 = vector.shape_cast %add3A_1356 : vector<16xf32> to vector<1x1x16xf32>
        tpu.vector_store %arg7[%swap3A_1358, %swap3A_1359, %swap3A_1360], %swap3A_1363 {strides = array<i32>} : memref<4x32x768xf32, #tpu.memory_space<vmem>>, vector<1x1x16xf32>,
        %add3A_1364 = arith.addf %get3A_1247, %get3A_458 : vector<16xf32>
        %swap3A_1365 = arith.constant 1 : i32
        %swap3A_1366 = arith.index_cast %swap3A_1365 : i32 to index
        %swap3A_1367 = arith.index_cast %scan3A_1162 : i32 to index
        %swap3A_1368 = arith.constant 208 : index
        %swap3A_1369 = tpu.vector_load %arg7[%swap3A_1366, %swap3A_1367, %swap3A_1368] {strides = array<i32>} : memref<4x32x768xf32, #tpu.memory_space<vmem>>, vector<1x1x16xf32>,
        %swap3A_1370 = vector.shape_cast %swap3A_1369 : vector<1x1x16xf32> to vector<16xf32>
        %swap3A_1371 = vector.shape_cast %add3A_1364 : vector<16xf32> to vector<1x1x16xf32>
        tpu.vector_store %arg7[%swap3A_1366, %swap3A_1367, %swap3A_1368], %swap3A_1371 {strides = array<i32>} : memref<4x32x768xf32, #tpu.memory_space<vmem>>, vector<1x1x16xf32>,
        %add3A_1372 = arith.addf %get3A_1253, %get3A_462 : vector<16xf32>
        %swap3A_1373 = arith.constant 1 : i32
        %swap3A_1374 = arith.index_cast %swap3A_1373 : i32 to index
        %swap3A_1375 = arith.index_cast %scan3A_1162 : i32 to index
        %swap3A_1376 = arith.constant 224 : index
        %swap3A_1377 = tpu.vector_load %arg7[%swap3A_1374, %swap3A_1375, %swap3A_1376] {strides = array<i32>} : memref<4x32x768xf32, #tpu.memory_space<vmem>>, vector<1x1x16xf32>,
        %swap3A_1378 = vector.shape_cast %swap3A_1377 : vector<1x1x16xf32> to vector<16xf32>
        %swap3A_1379 = vector.shape_cast %add3A_1372 : vector<16xf32> to vector<1x1x16xf32>
        tpu.vector_store %arg7[%swap3A_1374, %swap3A_1375, %swap3A_1376], %swap3A_1379 {strides = array<i32>} : memref<4x32x768xf32, #tpu.memory_space<vmem>>, vector<1x1x16xf32>,
        %add3A_1380 = arith.addf %get3A_1259, %get3A_466 : vector<16xf32>
        %swap3A_1381 = arith.constant 1 : i32
        %swap3A_1382 = arith.index_cast %swap3A_1381 : i32 to index
        %swap3A_1383 = arith.index_cast %scan3A_1162 : i32 to index
        %swap3A_1384 = arith.constant 240 : index
        %swap3A_1385 = tpu.vector_load %arg7[%swap3A_1382, %swap3A_1383, %swap3A_1384] {strides = array<i32>} : memref<4x32x768xf32, #tpu.memory_space<vmem>>, vector<1x1x16xf32>,
        %swap3A_1386 = vector.shape_cast %swap3A_1385 : vector<1x1x16xf32> to vector<16xf32>
        %swap3A_1387 = vector.shape_cast %add3A_1380 : vector<16xf32> to vector<1x1x16xf32>
        tpu.vector_store %arg7[%swap3A_1382, %swap3A_1383, %swap3A_1384], %swap3A_1387 {strides = array<i32>} : memref<4x32x768xf32, #tpu.memory_space<vmem>>, vector<1x1x16xf32>,
        %scan3A_1388 = arith.constant 0 : i32
        scf.yield %scan3A_1388 : i32
      }
      %scan3A_473 = arith.constant 32 : i32
      %get3A_474 = arith.index_cast %sub3A_402 : i32 to index
      %get3A_475 = arith.constant 256 : index
      %get3A_476 = tpu.vector_load %arg9[%get3A_474, %get3A_475] {strides = array<i32>} : memref<16x768xf32, #tpu.memory_space<vmem>>, vector<1x16xf32>,
      %get3A_477 = vector.shape_cast %get3A_476 : vector<1x16xf32> to vector<16xf32>
      %get3A_478 = arith.index_cast %sub3A_402 : i32 to index
      %get3A_479 = arith.constant 272 : index
      %get3A_480 = tpu.vector_load %arg9[%get3A_478, %get3A_479] {strides = array<i32>} : memref<16x768xf32, #tpu.memory_space<vmem>>, vector<1x16xf32>,
      %get3A_481 = vector.shape_cast %get3A_480 : vector<1x16xf32> to vector<16xf32>
      %get3A_482 = arith.index_cast %sub3A_402 : i32 to index
      %get3A_483 = arith.constant 288 : index
      %get3A_484 = tpu.vector_load %arg9[%get3A_482, %get3A_483] {strides = array<i32>} : memref<16x768xf32, #tpu.memory_space<vmem>>, vector<1x16xf32>,
      %get3A_485 = vector.shape_cast %get3A_484 : vector<1x16xf32> to vector<16xf32>
      %get3A_486 = arith.index_cast %sub3A_402 : i32 to index
      %get3A_487 = arith.constant 304 : index
      %get3A_488 = tpu.vector_load %arg9[%get3A_486, %get3A_487] {strides = array<i32>} : memref<16x768xf32, #tpu.memory_space<vmem>>, vector<1x16xf32>,
      %get3A_489 = vector.shape_cast %get3A_488 : vector<1x16xf32> to vector<16xf32>
      %get3A_490 = arith.index_cast %sub3A_402 : i32 to index
      %get3A_491 = arith.constant 320 : index
      %get3A_492 = tpu.vector_load %arg9[%get3A_490, %get3A_491] {strides = array<i32>} : memref<16x768xf32, #tpu.memory_space<vmem>>, vector<1x16xf32>,
      %get3A_493 = vector.shape_cast %get3A_492 : vector<1x16xf32> to vector<16xf32>
      %get3A_494 = arith.index_cast %sub3A_402 : i32 to index
      %get3A_495 = arith.constant 336 : index
      %get3A_496 = tpu.vector_load %arg9[%get3A_494, %get3A_495] {strides = array<i32>} : memref<16x768xf32, #tpu.memory_space<vmem>>, vector<1x16xf32>,
      %get3A_497 = vector.shape_cast %get3A_496 : vector<1x16xf32> to vector<16xf32>
      %get3A_498 = arith.index_cast %sub3A_402 : i32 to index
      %get3A_499 = arith.constant 352 : index
      %get3A_500 = tpu.vector_load %arg9[%get3A_498, %get3A_499] {strides = array<i32>} : memref<16x768xf32, #tpu.memory_space<vmem>>, vector<1x16xf32>,
      %get3A_501 = vector.shape_cast %get3A_500 : vector<1x16xf32> to vector<16xf32>
      %get3A_502 = arith.index_cast %sub3A_402 : i32 to index
      %get3A_503 = arith.constant 368 : index
      %get3A_504 = tpu.vector_load %arg9[%get3A_502, %get3A_503] {strides = array<i32>} : memref<16x768xf32, #tpu.memory_space<vmem>>, vector<1x16xf32>,
      %get3A_505 = vector.shape_cast %get3A_504 : vector<1x16xf32> to vector<16xf32>
      %get3A_506 = arith.index_cast %sub3A_402 : i32 to index
      %get3A_507 = arith.constant 384 : index
      %get3A_508 = tpu.vector_load %arg9[%get3A_506, %get3A_507] {strides = array<i32>} : memref<16x768xf32, #tpu.memory_space<vmem>>, vector<1x16xf32>,
      %get3A_509 = vector.shape_cast %get3A_508 : vector<1x16xf32> to vector<16xf32>
      %get3A_510 = arith.index_cast %sub3A_402 : i32 to index
      %get3A_511 = arith.constant 400 : index
      %get3A_512 = tpu.vector_load %arg9[%get3A_510, %get3A_511] {strides = array<i32>} : memref<16x768xf32, #tpu.memory_space<vmem>>, vector<1x16xf32>,
      %get3A_513 = vector.shape_cast %get3A_512 : vector<1x16xf32> to vector<16xf32>
      %get3A_514 = arith.index_cast %sub3A_402 : i32 to index
      %get3A_515 = arith.constant 416 : index
      %get3A_516 = tpu.vector_load %arg9[%get3A_514, %get3A_515] {strides = array<i32>} : memref<16x768xf32, #tpu.memory_space<vmem>>, vector<1x16xf32>,
      %get3A_517 = vector.shape_cast %get3A_516 : vector<1x16xf32> to vector<16xf32>
      %get3A_518 = arith.index_cast %sub3A_402 : i32 to index
      %get3A_519 = arith.constant 432 : index
      %get3A_520 = tpu.vector_load %arg9[%get3A_518, %get3A_519] {strides = array<i32>} : memref<16x768xf32, #tpu.memory_space<vmem>>, vector<1x16xf32>,
      %get3A_521 = vector.shape_cast %get3A_520 : vector<1x16xf32> to vector<16xf32>
      %get3A_522 = arith.index_cast %sub3A_402 : i32 to index
      %get3A_523 = arith.constant 448 : index
      %get3A_524 = tpu.vector_load %arg9[%get3A_522, %get3A_523] {strides = array<i32>} : memref<16x768xf32, #tpu.memory_space<vmem>>, vector<1x16xf32>,
      %get3A_525 = vector.shape_cast %get3A_524 : vector<1x16xf32> to vector<16xf32>
      %get3A_526 = arith.index_cast %sub3A_402 : i32 to index
      %get3A_527 = arith.constant 464 : index
      %get3A_528 = tpu.vector_load %arg9[%get3A_526, %get3A_527] {strides = array<i32>} : memref<16x768xf32, #tpu.memory_space<vmem>>, vector<1x16xf32>,
      %get3A_529 = vector.shape_cast %get3A_528 : vector<1x16xf32> to vector<16xf32>
      %get3A_530 = arith.index_cast %sub3A_402 : i32 to index
      %get3A_531 = arith.constant 480 : index
      %get3A_532 = tpu.vector_load %arg9[%get3A_530, %get3A_531] {strides = array<i32>} : memref<16x768xf32, #tpu.memory_space<vmem>>, vector<1x16xf32>,
      %get3A_533 = vector.shape_cast %get3A_532 : vector<1x16xf32> to vector<16xf32>
      %get3A_534 = arith.index_cast %sub3A_402 : i32 to index
      %get3A_535 = arith.constant 496 : index
      %get3A_536 = tpu.vector_load %arg9[%get3A_534, %get3A_535] {strides = array<i32>} : memref<16x768xf32, #tpu.memory_space<vmem>>, vector<1x16xf32>,
      %get3A_537 = vector.shape_cast %get3A_536 : vector<1x16xf32> to vector<16xf32>
      %scan3A_538 = arith.constant 0 : i32
      %scan3A_539 = arith.constant 0 : i32
      %scan3A_540 = arith.constant 32 : i32
      %scan3A_541 = arith.addi %scan3A_539, %scan3A_540 : i32
      %scan3A_542 = arith.constant 1 : i32
      %scan3A_543 = scf.for %scan3A_1162 = %scan3A_539 to %scan3A_541 step %scan3A_542 iter_args(%scan3A_1163 = %scan3A_538) -> (i32)  : i32 {
        %get3A_1164 = arith.constant 1 : i32
        %get3A_1165 = arith.index_cast %get3A_1164 : i32 to index
        %get3A_1166 = arith.index_cast %scan3A_1162 : i32 to index
        %get3A_1167 = arith.constant 256 : index
        %get3A_1168 = tpu.vector_load %arg7[%get3A_1165, %get3A_1166, %get3A_1167] {strides = array<i32>} : memref<4x32x768xf32, #tpu.memory_space<vmem>>, vector<1x1x16xf32>,
        %get3A_1169 = vector.shape_cast %get3A_1168 : vector<1x1x16xf32> to vector<16xf32>
        %get3A_1170 = arith.constant 1 : i32
        %get3A_1171 = arith.index_cast %get3A_1170 : i32 to index
        %get3A_1172 = arith.index_cast %scan3A_1162 : i32 to index
        %get3A_1173 = arith.constant 272 : index
        %get3A_1174 = tpu.vector_load %arg7[%get3A_1171, %get3A_1172, %get3A_1173] {strides = array<i32>} : memref<4x32x768xf32, #tpu.memory_space<vmem>>, vector<1x1x16xf32>,
        %get3A_1175 = vector.shape_cast %get3A_1174 : vector<1x1x16xf32> to vector<16xf32>
        %get3A_1176 = arith.constant 1 : i32
        %get3A_1177 = arith.index_cast %get3A_1176 : i32 to index
        %get3A_1178 = arith.index_cast %scan3A_1162 : i32 to index
        %get3A_1179 = arith.constant 288 : index
        %get3A_1180 = tpu.vector_load %arg7[%get3A_1177, %get3A_1178, %get3A_1179] {strides = array<i32>} : memref<4x32x768xf32, #tpu.memory_space<vmem>>, vector<1x1x16xf32>,
        %get3A_1181 = vector.shape_cast %get3A_1180 : vector<1x1x16xf32> to vector<16xf32>
        %get3A_1182 = arith.constant 1 : i32
        %get3A_1183 = arith.index_cast %get3A_1182 : i32 to index
        %get3A_1184 = arith.index_cast %scan3A_1162 : i32 to index
        %get3A_1185 = arith.constant 304 : index
        %get3A_1186 = tpu.vector_load %arg7[%get3A_1183, %get3A_1184, %get3A_1185] {strides = array<i32>} : memref<4x32x768xf32, #tpu.memory_space<vmem>>, vector<1x1x16xf32>,
        %get3A_1187 = vector.shape_cast %get3A_1186 : vector<1x1x16xf32> to vector<16xf32>
        %get3A_1188 = arith.constant 1 : i32
        %get3A_1189 = arith.index_cast %get3A_1188 : i32 to index
        %get3A_1190 = arith.index_cast %scan3A_1162 : i32 to index
        %get3A_1191 = arith.constant 320 : index
        %get3A_1192 = tpu.vector_load %arg7[%get3A_1189, %get3A_1190, %get3A_1191] {strides = array<i32>} : memref<4x32x768xf32, #tpu.memory_space<vmem>>, vector<1x1x16xf32>,
        %get3A_1193 = vector.shape_cast %get3A_1192 : vector<1x1x16xf32> to vector<16xf32>
        %get3A_1194 = arith.constant 1 : i32
        %get3A_1195 = arith.index_cast %get3A_1194 : i32 to index
        %get3A_1196 = arith.index_cast %scan3A_1162 : i32 to index
        %get3A_1197 = arith.constant 336 : index
        %get3A_1198 = tpu.vector_load %arg7[%get3A_1195, %get3A_1196, %get3A_1197] {strides = array<i32>} : memref<4x32x768xf32, #tpu.memory_space<vmem>>, vector<1x1x16xf32>,
        %get3A_1199 = vector.shape_cast %get3A_1198 : vector<1x1x16xf32> to vector<16xf32>
        %get3A_1200 = arith.constant 1 : i32
        %get3A_1201 = arith.index_cast %get3A_1200 : i32 to index
        %get3A_1202 = arith.index_cast %scan3A_1162 : i32 to index
        %get3A_1203 = arith.constant 352 : index
        %get3A_1204 = tpu.vector_load %arg7[%get3A_1201, %get3A_1202, %get3A_1203] {strides = array<i32>} : memref<4x32x768xf32, #tpu.memory_space<vmem>>, vector<1x1x16xf32>,
        %get3A_1205 = vector.shape_cast %get3A_1204 : vector<1x1x16xf32> to vector<16xf32>
        %get3A_1206 = arith.constant 1 : i32
        %get3A_1207 = arith.index_cast %get3A_1206 : i32 to index
        %get3A_1208 = arith.index_cast %scan3A_1162 : i32 to index
        %get3A_1209 = arith.constant 368 : index
        %get3A_1210 = tpu.vector_load %arg7[%get3A_1207, %get3A_1208, %get3A_1209] {strides = array<i32>} : memref<4x32x768xf32, #tpu.memory_space<vmem>>, vector<1x1x16xf32>,
        %get3A_1211 = vector.shape_cast %get3A_1210 : vector<1x1x16xf32> to vector<16xf32>
        %get3A_1212 = arith.constant 1 : i32
        %get3A_1213 = arith.index_cast %get3A_1212 : i32 to index
        %get3A_1214 = arith.index_cast %scan3A_1162 : i32 to index
        %get3A_1215 = arith.constant 384 : index
        %get3A_1216 = tpu.vector_load %arg7[%get3A_1213, %get3A_1214, %get3A_1215] {strides = array<i32>} : memref<4x32x768xf32, #tpu.memory_space<vmem>>, vector<1x1x16xf32>,
        %get3A_1217 = vector.shape_cast %get3A_1216 : vector<1x1x16xf32> to vector<16xf32>
        %get3A_1218 = arith.constant 1 : i32
        %get3A_1219 = arith.index_cast %get3A_1218 : i32 to index
        %get3A_1220 = arith.index_cast %scan3A_1162 : i32 to index
        %get3A_1221 = arith.constant 400 : index
        %get3A_1222 = tpu.vector_load %arg7[%get3A_1219, %get3A_1220, %get3A_1221] {strides = array<i32>} : memref<4x32x768xf32, #tpu.memory_space<vmem>>, vector<1x1x16xf32>,
        %get3A_1223 = vector.shape_cast %get3A_1222 : vector<1x1x16xf32> to vector<16xf32>
        %get3A_1224 = arith.constant 1 : i32
        %get3A_1225 = arith.index_cast %get3A_1224 : i32 to index
        %get3A_1226 = arith.index_cast %scan3A_1162 : i32 to index
        %get3A_1227 = arith.constant 416 : index
        %get3A_1228 = tpu.vector_load %arg7[%get3A_1225, %get3A_1226, %get3A_1227] {strides = array<i32>} : memref<4x32x768xf32, #tpu.memory_space<vmem>>, vector<1x1x16xf32>,
        %get3A_1229 = vector.shape_cast %get3A_1228 : vector<1x1x16xf32> to vector<16xf32>
        %get3A_1230 = arith.constant 1 : i32
        %get3A_1231 = arith.index_cast %get3A_1230 : i32 to index
        %get3A_1232 = arith.index_cast %scan3A_1162 : i32 to index
        %get3A_1233 = arith.constant 432 : index
        %get3A_1234 = tpu.vector_load %arg7[%get3A_1231, %get3A_1232, %get3A_1233] {strides = array<i32>} : memref<4x32x768xf32, #tpu.memory_space<vmem>>, vector<1x1x16xf32>,
        %get3A_1235 = vector.shape_cast %get3A_1234 : vector<1x1x16xf32> to vector<16xf32>
        %get3A_1236 = arith.constant 1 : i32
        %get3A_1237 = arith.index_cast %get3A_1236 : i32 to index
        %get3A_1238 = arith.index_cast %scan3A_1162 : i32 to index
        %get3A_1239 = arith.constant 448 : index
        %get3A_1240 = tpu.vector_load %arg7[%get3A_1237, %get3A_1238, %get3A_1239] {strides = array<i32>} : memref<4x32x768xf32, #tpu.memory_space<vmem>>, vector<1x1x16xf32>,
        %get3A_1241 = vector.shape_cast %get3A_1240 : vector<1x1x16xf32> to vector<16xf32>
        %get3A_1242 = arith.constant 1 : i32
        %get3A_1243 = arith.index_cast %get3A_1242 : i32 to index
        %get3A_1244 = arith.index_cast %scan3A_1162 : i32 to index
        %get3A_1245 = arith.constant 464 : index
        %get3A_1246 = tpu.vector_load %arg7[%get3A_1243, %get3A_1244, %get3A_1245] {strides = array<i32>} : memref<4x32x768xf32, #tpu.memory_space<vmem>>, vector<1x1x16xf32>,
        %get3A_1247 = vector.shape_cast %get3A_1246 : vector<1x1x16xf32> to vector<16xf32>
        %get3A_1248 = arith.constant 1 : i32
        %get3A_1249 = arith.index_cast %get3A_1248 : i32 to index
        %get3A_1250 = arith.index_cast %scan3A_1162 : i32 to index
        %get3A_1251 = arith.constant 480 : index
        %get3A_1252 = tpu.vector_load %arg7[%get3A_1249, %get3A_1250, %get3A_1251] {strides = array<i32>} : memref<4x32x768xf32, #tpu.memory_space<vmem>>, vector<1x1x16xf32>,
        %get3A_1253 = vector.shape_cast %get3A_1252 : vector<1x1x16xf32> to vector<16xf32>
        %get3A_1254 = arith.constant 1 : i32
        %get3A_1255 = arith.index_cast %get3A_1254 : i32 to index
        %get3A_1256 = arith.index_cast %scan3A_1162 : i32 to index
        %get3A_1257 = arith.constant 496 : index
        %get3A_1258 = tpu.vector_load %arg7[%get3A_1255, %get3A_1256, %get3A_1257] {strides = array<i32>} : memref<4x32x768xf32, #tpu.memory_space<vmem>>, vector<1x1x16xf32>,
        %get3A_1259 = vector.shape_cast %get3A_1258 : vector<1x1x16xf32> to vector<16xf32>
        %add3A_1260 = arith.addf %get3A_1169, %get3A_477 : vector<16xf32>
        %swap3A_1261 = arith.constant 1 : i32
        %swap3A_1262 = arith.index_cast %swap3A_1261 : i32 to index
        %swap3A_1263 = arith.index_cast %scan3A_1162 : i32 to index
        %swap3A_1264 = arith.constant 256 : index
        %swap3A_1265 = tpu.vector_load %arg7[%swap3A_1262, %swap3A_1263, %swap3A_1264] {strides = array<i32>} : memref<4x32x768xf32, #tpu.memory_space<vmem>>, vector<1x1x16xf32>,
        %swap3A_1266 = vector.shape_cast %swap3A_1265 : vector<1x1x16xf32> to vector<16xf32>
        %swap3A_1267 = vector.shape_cast %add3A_1260 : vector<16xf32> to vector<1x1x16xf32>
        tpu.vector_store %arg7[%swap3A_1262, %swap3A_1263, %swap3A_1264], %swap3A_1267 {strides = array<i32>} : memref<4x32x768xf32, #tpu.memory_space<vmem>>, vector<1x1x16xf32>,
        %add3A_1268 = arith.addf %get3A_1175, %get3A_481 : vector<16xf32>
        %swap3A_1269 = arith.constant 1 : i32
        %swap3A_1270 = arith.index_cast %swap3A_1269 : i32 to index
        %swap3A_1271 = arith.index_cast %scan3A_1162 : i32 to index
        %swap3A_1272 = arith.constant 272 : index
        %swap3A_1273 = tpu.vector_load %arg7[%swap3A_1270, %swap3A_1271, %swap3A_1272] {strides = array<i32>} : memref<4x32x768xf32, #tpu.memory_space<vmem>>, vector<1x1x16xf32>,
        %swap3A_1274 = vector.shape_cast %swap3A_1273 : vector<1x1x16xf32> to vector<16xf32>
        %swap3A_1275 = vector.shape_cast %add3A_1268 : vector<16xf32> to vector<1x1x16xf32>
        tpu.vector_store %arg7[%swap3A_1270, %swap3A_1271, %swap3A_1272], %swap3A_1275 {strides = array<i32>} : memref<4x32x768xf32, #tpu.memory_space<vmem>>, vector<1x1x16xf32>,
        %add3A_1276 = arith.addf %get3A_1181, %get3A_485 : vector<16xf32>
        %swap3A_1277 = arith.constant 1 : i32
        %swap3A_1278 = arith.index_cast %swap3A_1277 : i32 to index
        %swap3A_1279 = arith.index_cast %scan3A_1162 : i32 to index
        %swap3A_1280 = arith.constant 288 : index
        %swap3A_1281 = tpu.vector_load %arg7[%swap3A_1278, %swap3A_1279, %swap3A_1280] {strides = array<i32>} : memref<4x32x768xf32, #tpu.memory_space<vmem>>, vector<1x1x16xf32>,
        %swap3A_1282 = vector.shape_cast %swap3A_1281 : vector<1x1x16xf32> to vector<16xf32>
        %swap3A_1283 = vector.shape_cast %add3A_1276 : vector<16xf32> to vector<1x1x16xf32>
        tpu.vector_store %arg7[%swap3A_1278, %swap3A_1279, %swap3A_1280], %swap3A_1283 {strides = array<i32>} : memref<4x32x768xf32, #tpu.memory_space<vmem>>, vector<1x1x16xf32>,
        %add3A_1284 = arith.addf %get3A_1187, %get3A_489 : vector<16xf32>
        %swap3A_1285 = arith.constant 1 : i32
        %swap3A_1286 = arith.index_cast %swap3A_1285 : i32 to index
        %swap3A_1287 = arith.index_cast %scan3A_1162 : i32 to index
        %swap3A_1288 = arith.constant 304 : index
        %swap3A_1289 = tpu.vector_load %arg7[%swap3A_1286, %swap3A_1287, %swap3A_1288] {strides = array<i32>} : memref<4x32x768xf32, #tpu.memory_space<vmem>>, vector<1x1x16xf32>,
        %swap3A_1290 = vector.shape_cast %swap3A_1289 : vector<1x1x16xf32> to vector<16xf32>
        %swap3A_1291 = vector.shape_cast %add3A_1284 : vector<16xf32> to vector<1x1x16xf32>
        tpu.vector_store %arg7[%swap3A_1286, %swap3A_1287, %swap3A_1288], %swap3A_1291 {strides = array<i32>} : memref<4x32x768xf32, #tpu.memory_space<vmem>>, vector<1x1x16xf32>,
        %add3A_1292 = arith.addf %get3A_1193, %get3A_493 : vector<16xf32>
        %swap3A_1293 = arith.constant 1 : i32
        %swap3A_1294 = arith.index_cast %swap3A_1293 : i32 to index
        %swap3A_1295 = arith.index_cast %scan3A_1162 : i32 to index
        %swap3A_1296 = arith.constant 320 : index
        %swap3A_1297 = tpu.vector_load %arg7[%swap3A_1294, %swap3A_1295, %swap3A_1296] {strides = array<i32>} : memref<4x32x768xf32, #tpu.memory_space<vmem>>, vector<1x1x16xf32>,
        %swap3A_1298 = vector.shape_cast %swap3A_1297 : vector<1x1x16xf32> to vector<16xf32>
        %swap3A_1299 = vector.shape_cast %add3A_1292 : vector<16xf32> to vector<1x1x16xf32>
        tpu.vector_store %arg7[%swap3A_1294, %swap3A_1295, %swap3A_1296], %swap3A_1299 {strides = array<i32>} : memref<4x32x768xf32, #tpu.memory_space<vmem>>, vector<1x1x16xf32>,
        %add3A_1300 = arith.addf %get3A_1199, %get3A_497 : vector<16xf32>
        %swap3A_1301 = arith.constant 1 : i32
        %swap3A_1302 = arith.index_cast %swap3A_1301 : i32 to index
        %swap3A_1303 = arith.index_cast %scan3A_1162 : i32 to index
        %swap3A_1304 = arith.constant 336 : index
        %swap3A_1305 = tpu.vector_load %arg7[%swap3A_1302, %swap3A_1303, %swap3A_1304] {strides = array<i32>} : memref<4x32x768xf32, #tpu.memory_space<vmem>>, vector<1x1x16xf32>,
        %swap3A_1306 = vector.shape_cast %swap3A_1305 : vector<1x1x16xf32> to vector<16xf32>
        %swap3A_1307 = vector.shape_cast %add3A_1300 : vector<16xf32> to vector<1x1x16xf32>
        tpu.vector_store %arg7[%swap3A_1302, %swap3A_1303, %swap3A_1304], %swap3A_1307 {strides = array<i32>} : memref<4x32x768xf32, #tpu.memory_space<vmem>>, vector<1x1x16xf32>,
        %add3A_1308 = arith.addf %get3A_1205, %get3A_501 : vector<16xf32>
        %swap3A_1309 = arith.constant 1 : i32
        %swap3A_1310 = arith.index_cast %swap3A_1309 : i32 to index
        %swap3A_1311 = arith.index_cast %scan3A_1162 : i32 to index
        %swap3A_1312 = arith.constant 352 : index
        %swap3A_1313 = tpu.vector_load %arg7[%swap3A_1310, %swap3A_1311, %swap3A_1312] {strides = array<i32>} : memref<4x32x768xf32, #tpu.memory_space<vmem>>, vector<1x1x16xf32>,
        %swap3A_1314 = vector.shape_cast %swap3A_1313 : vector<1x1x16xf32> to vector<16xf32>
        %swap3A_1315 = vector.shape_cast %add3A_1308 : vector<16xf32> to vector<1x1x16xf32>
        tpu.vector_store %arg7[%swap3A_1310, %swap3A_1311, %swap3A_1312], %swap3A_1315 {strides = array<i32>} : memref<4x32x768xf32, #tpu.memory_space<vmem>>, vector<1x1x16xf32>,
        %add3A_1316 = arith.addf %get3A_1211, %get3A_505 : vector<16xf32>
        %swap3A_1317 = arith.constant 1 : i32
        %swap3A_1318 = arith.index_cast %swap3A_1317 : i32 to index
        %swap3A_1319 = arith.index_cast %scan3A_1162 : i32 to index
        %swap3A_1320 = arith.constant 368 : index
        %swap3A_1321 = tpu.vector_load %arg7[%swap3A_1318, %swap3A_1319, %swap3A_1320] {strides = array<i32>} : memref<4x32x768xf32, #tpu.memory_space<vmem>>, vector<1x1x16xf32>,
        %swap3A_1322 = vector.shape_cast %swap3A_1321 : vector<1x1x16xf32> to vector<16xf32>
        %swap3A_1323 = vector.shape_cast %add3A_1316 : vector<16xf32> to vector<1x1x16xf32>
        tpu.vector_store %arg7[%swap3A_1318, %swap3A_1319, %swap3A_1320], %swap3A_1323 {strides = array<i32>} : memref<4x32x768xf32, #tpu.memory_space<vmem>>, vector<1x1x16xf32>,
        %add3A_1324 = arith.addf %get3A_1217, %get3A_509 : vector<16xf32>
        %swap3A_1325 = arith.constant 1 : i32
        %swap3A_1326 = arith.index_cast %swap3A_1325 : i32 to index
        %swap3A_1327 = arith.index_cast %scan3A_1162 : i32 to index
        %swap3A_1328 = arith.constant 384 : index
        %swap3A_1329 = tpu.vector_load %arg7[%swap3A_1326, %swap3A_1327, %swap3A_1328] {strides = array<i32>} : memref<4x32x768xf32, #tpu.memory_space<vmem>>, vector<1x1x16xf32>,
        %swap3A_1330 = vector.shape_cast %swap3A_1329 : vector<1x1x16xf32> to vector<16xf32>
        %swap3A_1331 = vector.shape_cast %add3A_1324 : vector<16xf32> to vector<1x1x16xf32>
        tpu.vector_store %arg7[%swap3A_1326, %swap3A_1327, %swap3A_1328], %swap3A_1331 {strides = array<i32>} : memref<4x32x768xf32, #tpu.memory_space<vmem>>, vector<1x1x16xf32>,
        %add3A_1332 = arith.addf %get3A_1223, %get3A_513 : vector<16xf32>
        %swap3A_1333 = arith.constant 1 : i32
        %swap3A_1334 = arith.index_cast %swap3A_1333 : i32 to index
        %swap3A_1335 = arith.index_cast %scan3A_1162 : i32 to index
        %swap3A_1336 = arith.constant 400 : index
        %swap3A_1337 = tpu.vector_load %arg7[%swap3A_1334, %swap3A_1335, %swap3A_1336] {strides = array<i32>} : memref<4x32x768xf32, #tpu.memory_space<vmem>>, vector<1x1x16xf32>,
        %swap3A_1338 = vector.shape_cast %swap3A_1337 : vector<1x1x16xf32> to vector<16xf32>
        %swap3A_1339 = vector.shape_cast %add3A_1332 : vector<16xf32> to vector<1x1x16xf32>
        tpu.vector_store %arg7[%swap3A_1334, %swap3A_1335, %swap3A_1336], %swap3A_1339 {strides = array<i32>} : memref<4x32x768xf32, #tpu.memory_space<vmem>>, vector<1x1x16xf32>,
        %add3A_1340 = arith.addf %get3A_1229, %get3A_517 : vector<16xf32>
        %swap3A_1341 = arith.constant 1 : i32
        %swap3A_1342 = arith.index_cast %swap3A_1341 : i32 to index
        %swap3A_1343 = arith.index_cast %scan3A_1162 : i32 to index
        %swap3A_1344 = arith.constant 416 : index
        %swap3A_1345 = tpu.vector_load %arg7[%swap3A_1342, %swap3A_1343, %swap3A_1344] {strides = array<i32>} : memref<4x32x768xf32, #tpu.memory_space<vmem>>, vector<1x1x16xf32>,
        %swap3A_1346 = vector.shape_cast %swap3A_1345 : vector<1x1x16xf32> to vector<16xf32>
        %swap3A_1347 = vector.shape_cast %add3A_1340 : vector<16xf32> to vector<1x1x16xf32>
        tpu.vector_store %arg7[%swap3A_1342, %swap3A_1343, %swap3A_1344], %swap3A_1347 {strides = array<i32>} : memref<4x32x768xf32, #tpu.memory_space<vmem>>, vector<1x1x16xf32>,
        %add3A_1348 = arith.addf %get3A_1235, %get3A_521 : vector<16xf32>
        %swap3A_1349 = arith.constant 1 : i32
        %swap3A_1350 = arith.index_cast %swap3A_1349 : i32 to index
        %swap3A_1351 = arith.index_cast %scan3A_1162 : i32 to index
        %swap3A_1352 = arith.constant 432 : index
        %swap3A_1353 = tpu.vector_load %arg7[%swap3A_1350, %swap3A_1351, %swap3A_1352] {strides = array<i32>} : memref<4x32x768xf32, #tpu.memory_space<vmem>>, vector<1x1x16xf32>,
        %swap3A_1354 = vector.shape_cast %swap3A_1353 : vector<1x1x16xf32> to vector<16xf32>
        %swap3A_1355 = vector.shape_cast %add3A_1348 : vector<16xf32> to vector<1x1x16xf32>
        tpu.vector_store %arg7[%swap3A_1350, %swap3A_1351, %swap3A_1352], %swap3A_1355 {strides = array<i32>} : memref<4x32x768xf32, #tpu.memory_space<vmem>>, vector<1x1x16xf32>,
        %add3A_1356 = arith.addf %get3A_1241, %get3A_525 : vector<16xf32>
        %swap3A_1357 = arith.constant 1 : i32
        %swap3A_1358 = arith.index_cast %swap3A_1357 : i32 to index
        %swap3A_1359 = arith.index_cast %scan3A_1162 : i32 to index
        %swap3A_1360 = arith.constant 448 : index
        %swap3A_1361 = tpu.vector_load %arg7[%swap3A_1358, %swap3A_1359, %swap3A_1360] {strides = array<i32>} : memref<4x32x768xf32, #tpu.memory_space<vmem>>, vector<1x1x16xf32>,
        %swap3A_1362 = vector.shape_cast %swap3A_1361 : vector<1x1x16xf32> to vector<16xf32>
        %swap3A_1363 = vector.shape_cast %add3A_1356 : vector<16xf32> to vector<1x1x16xf32>
        tpu.vector_store %arg7[%swap3A_1358, %swap3A_1359, %swap3A_1360], %swap3A_1363 {strides = array<i32>} : memref<4x32x768xf32, #tpu.memory_space<vmem>>, vector<1x1x16xf32>,
        %add3A_1364 = arith.addf %get3A_1247, %get3A_529 : vector<16xf32>
        %swap3A_1365 = arith.constant 1 : i32
        %swap3A_1366 = arith.index_cast %swap3A_1365 : i32 to index
        %swap3A_1367 = arith.index_cast %scan3A_1162 : i32 to index
        %swap3A_1368 = arith.constant 464 : index
        %swap3A_1369 = tpu.vector_load %arg7[%swap3A_1366, %swap3A_1367, %swap3A_1368] {strides = array<i32>} : memref<4x32x768xf32, #tpu.memory_space<vmem>>, vector<1x1x16xf32>,
        %swap3A_1370 = vector.shape_cast %swap3A_1369 : vector<1x1x16xf32> to vector<16xf32>
        %swap3A_1371 = vector.shape_cast %add3A_1364 : vector<16xf32> to vector<1x1x16xf32>
        tpu.vector_store %arg7[%swap3A_1366, %swap3A_1367, %swap3A_1368], %swap3A_1371 {strides = array<i32>} : memref<4x32x768xf32, #tpu.memory_space<vmem>>, vector<1x1x16xf32>,
        %add3A_1372 = arith.addf %get3A_1253, %get3A_533 : vector<16xf32>
        %swap3A_1373 = arith.constant 1 : i32
        %swap3A_1374 = arith.index_cast %swap3A_1373 : i32 to index
        %swap3A_1375 = arith.index_cast %scan3A_1162 : i32 to index
        %swap3A_1376 = arith.constant 480 : index
        %swap3A_1377 = tpu.vector_load %arg7[%swap3A_1374, %swap3A_1375, %swap3A_1376] {strides = array<i32>} : memref<4x32x768xf32, #tpu.memory_space<vmem>>, vector<1x1x16xf32>,
        %swap3A_1378 = vector.shape_cast %swap3A_1377 : vector<1x1x16xf32> to vector<16xf32>
        %swap3A_1379 = vector.shape_cast %add3A_1372 : vector<16xf32> to vector<1x1x16xf32>
        tpu.vector_store %arg7[%swap3A_1374, %swap3A_1375, %swap3A_1376], %swap3A_1379 {strides = array<i32>} : memref<4x32x768xf32, #tpu.memory_space<vmem>>, vector<1x1x16xf32>,
        %add3A_1380 = arith.addf %get3A_1259, %get3A_537 : vector<16xf32>
        %swap3A_1381 = arith.constant 1 : i32
        %swap3A_1382 = arith.index_cast %swap3A_1381 : i32 to index
        %swap3A_1383 = arith.index_cast %scan3A_1162 : i32 to index
        %swap3A_1384 = arith.constant 496 : index
        %swap3A_1385 = tpu.vector_load %arg7[%swap3A_1382, %swap3A_1383, %swap3A_1384] {strides = array<i32>} : memref<4x32x768xf32, #tpu.memory_space<vmem>>, vector<1x1x16xf32>,
        %swap3A_1386 = vector.shape_cast %swap3A_1385 : vector<1x1x16xf32> to vector<16xf32>
        %swap3A_1387 = vector.shape_cast %add3A_1380 : vector<16xf32> to vector<1x1x16xf32>
        tpu.vector_store %arg7[%swap3A_1382, %swap3A_1383, %swap3A_1384], %swap3A_1387 {strides = array<i32>} : memref<4x32x768xf32, #tpu.memory_space<vmem>>, vector<1x1x16xf32>,
        %scan3A_1388 = arith.constant 0 : i32
        scf.yield %scan3A_1388 : i32
      }
      %scan3A_544 = arith.constant 32 : i32
      %get3A_545 = arith.index_cast %sub3A_402 : i32 to index
      %get3A_546 = arith.constant 512 : index
      %get3A_547 = tpu.vector_load %arg9[%get3A_545, %get3A_546] {strides = array<i32>} : memref<16x768xf32, #tpu.memory_space<vmem>>, vector<1x16xf32>,
      %get3A_548 = vector.shape_cast %get3A_547 : vector<1x16xf32> to vector<16xf32>
      %get3A_549 = arith.index_cast %sub3A_402 : i32 to index
      %get3A_550 = arith.constant 528 : index
      %get3A_551 = tpu.vector_load %arg9[%get3A_549, %get3A_550] {strides = array<i32>} : memref<16x768xf32, #tpu.memory_space<vmem>>, vector<1x16xf32>,
      %get3A_552 = vector.shape_cast %get3A_551 : vector<1x16xf32> to vector<16xf32>
      %get3A_553 = arith.index_cast %sub3A_402 : i32 to index
      %get3A_554 = arith.constant 544 : index
      %get3A_555 = tpu.vector_load %arg9[%get3A_553, %get3A_554] {strides = array<i32>} : memref<16x768xf32, #tpu.memory_space<vmem>>, vector<1x16xf32>,
      %get3A_556 = vector.shape_cast %get3A_555 : vector<1x16xf32> to vector<16xf32>
      %get3A_557 = arith.index_cast %sub3A_402 : i32 to index
      %get3A_558 = arith.constant 560 : index
      %get3A_559 = tpu.vector_load %arg9[%get3A_557, %get3A_558] {strides = array<i32>} : memref<16x768xf32, #tpu.memory_space<vmem>>, vector<1x16xf32>,
      %get3A_560 = vector.shape_cast %get3A_559 : vector<1x16xf32> to vector<16xf32>
      %get3A_561 = arith.index_cast %sub3A_402 : i32 to index
      %get3A_562 = arith.constant 576 : index
      %get3A_563 = tpu.vector_load %arg9[%get3A_561, %get3A_562] {strides = array<i32>} : memref<16x768xf32, #tpu.memory_space<vmem>>, vector<1x16xf32>,
      %get3A_564 = vector.shape_cast %get3A_563 : vector<1x16xf32> to vector<16xf32>
      %get3A_565 = arith.index_cast %sub3A_402 : i32 to index
      %get3A_566 = arith.constant 592 : index
      %get3A_567 = tpu.vector_load %arg9[%get3A_565, %get3A_566] {strides = array<i32>} : memref<16x768xf32, #tpu.memory_space<vmem>>, vector<1x16xf32>,
      %get3A_568 = vector.shape_cast %get3A_567 : vector<1x16xf32> to vector<16xf32>
      %get3A_569 = arith.index_cast %sub3A_402 : i32 to index
      %get3A_570 = arith.constant 608 : index
      %get3A_571 = tpu.vector_load %arg9[%get3A_569, %get3A_570] {strides = array<i32>} : memref<16x768xf32, #tpu.memory_space<vmem>>, vector<1x16xf32>,
      %get3A_572 = vector.shape_cast %get3A_571 : vector<1x16xf32> to vector<16xf32>
      %get3A_573 = arith.index_cast %sub3A_402 : i32 to index
      %get3A_574 = arith.constant 624 : index
      %get3A_575 = tpu.vector_load %arg9[%get3A_573, %get3A_574] {strides = array<i32>} : memref<16x768xf32, #tpu.memory_space<vmem>>, vector<1x16xf32>,
      %get3A_576 = vector.shape_cast %get3A_575 : vector<1x16xf32> to vector<16xf32>
      %get3A_577 = arith.index_cast %sub3A_402 : i32 to index
      %get3A_578 = arith.constant 640 : index
      %get3A_579 = tpu.vector_load %arg9[%get3A_577, %get3A_578] {strides = array<i32>} : memref<16x768xf32, #tpu.memory_space<vmem>>, vector<1x16xf32>,
      %get3A_580 = vector.shape_cast %get3A_579 : vector<1x16xf32> to vector<16xf32>
      %get3A_581 = arith.index_cast %sub3A_402 : i32 to index
      %get3A_582 = arith.constant 656 : index
      %get3A_583 = tpu.vector_load %arg9[%get3A_581, %get3A_582] {strides = array<i32>} : memref<16x768xf32, #tpu.memory_space<vmem>>, vector<1x16xf32>,
      %get3A_584 = vector.shape_cast %get3A_583 : vector<1x16xf32> to vector<16xf32>
      %get3A_585 = arith.index_cast %sub3A_402 : i32 to index
      %get3A_586 = arith.constant 672 : index
      %get3A_587 = tpu.vector_load %arg9[%get3A_585, %get3A_586] {strides = array<i32>} : memref<16x768xf32, #tpu.memory_space<vmem>>, vector<1x16xf32>,
      %get3A_588 = vector.shape_cast %get3A_587 : vector<1x16xf32> to vector<16xf32>
      %get3A_589 = arith.index_cast %sub3A_402 : i32 to index
      %get3A_590 = arith.constant 688 : index
      %get3A_591 = tpu.vector_load %arg9[%get3A_589, %get3A_590] {strides = array<i32>} : memref<16x768xf32, #tpu.memory_space<vmem>>, vector<1x16xf32>,
      %get3A_592 = vector.shape_cast %get3A_591 : vector<1x16xf32> to vector<16xf32>
      %get3A_593 = arith.index_cast %sub3A_402 : i32 to index
      %get3A_594 = arith.constant 704 : index
      %get3A_595 = tpu.vector_load %arg9[%get3A_593, %get3A_594] {strides = array<i32>} : memref<16x768xf32, #tpu.memory_space<vmem>>, vector<1x16xf32>,
      %get3A_596 = vector.shape_cast %get3A_595 : vector<1x16xf32> to vector<16xf32>
      %get3A_597 = arith.index_cast %sub3A_402 : i32 to index
      %get3A_598 = arith.constant 720 : index
      %get3A_599 = tpu.vector_load %arg9[%get3A_597, %get3A_598] {strides = array<i32>} : memref<16x768xf32, #tpu.memory_space<vmem>>, vector<1x16xf32>,
      %get3A_600 = vector.shape_cast %get3A_599 : vector<1x16xf32> to vector<16xf32>
      %get3A_601 = arith.index_cast %sub3A_402 : i32 to index
      %get3A_602 = arith.constant 736 : index
      %get3A_603 = tpu.vector_load %arg9[%get3A_601, %get3A_602] {strides = array<i32>} : memref<16x768xf32, #tpu.memory_space<vmem>>, vector<1x16xf32>,
      %get3A_604 = vector.shape_cast %get3A_603 : vector<1x16xf32> to vector<16xf32>
      %get3A_605 = arith.index_cast %sub3A_402 : i32 to index
      %get3A_606 = arith.constant 752 : index
      %get3A_607 = tpu.vector_load %arg9[%get3A_605, %get3A_606] {strides = array<i32>} : memref<16x768xf32, #tpu.memory_space<vmem>>, vector<1x16xf32>,
      %get3A_608 = vector.shape_cast %get3A_607 : vector<1x16xf32> to vector<16xf32>
      %scan3A_609 = arith.constant 0 : i32
      %scan3A_610 = arith.constant 0 : i32
      %scan3A_611 = arith.constant 32 : i32
      %scan3A_612 = arith.addi %scan3A_610, %scan3A_611 : i32
      %scan3A_613 = arith.constant 1 : i32
      %scan3A_614 = scf.for %scan3A_1162 = %scan3A_610 to %scan3A_612 step %scan3A_613 iter_args(%scan3A_1163 = %scan3A_609) -> (i32)  : i32 {
        %get3A_1164 = arith.constant 1 : i32
        %get3A_1165 = arith.index_cast %get3A_1164 : i32 to index
        %get3A_1166 = arith.index_cast %scan3A_1162 : i32 to index
        %get3A_1167 = arith.constant 512 : index
        %get3A_1168 = tpu.vector_load %arg7[%get3A_1165, %get3A_1166, %get3A_1167] {strides = array<i32>} : memref<4x32x768xf32, #tpu.memory_space<vmem>>, vector<1x1x16xf32>,
        %get3A_1169 = vector.shape_cast %get3A_1168 : vector<1x1x16xf32> to vector<16xf32>
        %get3A_1170 = arith.constant 1 : i32
        %get3A_1171 = arith.index_cast %get3A_1170 : i32 to index
        %get3A_1172 = arith.index_cast %scan3A_1162 : i32 to index
        %get3A_1173 = arith.constant 528 : index
        %get3A_1174 = tpu.vector_load %arg7[%get3A_1171, %get3A_1172, %get3A_1173] {strides = array<i32>} : memref<4x32x768xf32, #tpu.memory_space<vmem>>, vector<1x1x16xf32>,
        %get3A_1175 = vector.shape_cast %get3A_1174 : vector<1x1x16xf32> to vector<16xf32>
        %get3A_1176 = arith.constant 1 : i32
        %get3A_1177 = arith.index_cast %get3A_1176 : i32 to index
        %get3A_1178 = arith.index_cast %scan3A_1162 : i32 to index
        %get3A_1179 = arith.constant 544 : index
        %get3A_1180 = tpu.vector_load %arg7[%get3A_1177, %get3A_1178, %get3A_1179] {strides = array<i32>} : memref<4x32x768xf32, #tpu.memory_space<vmem>>, vector<1x1x16xf32>,
        %get3A_1181 = vector.shape_cast %get3A_1180 : vector<1x1x16xf32> to vector<16xf32>
        %get3A_1182 = arith.constant 1 : i32
        %get3A_1183 = arith.index_cast %get3A_1182 : i32 to index
        %get3A_1184 = arith.index_cast %scan3A_1162 : i32 to index
        %get3A_1185 = arith.constant 560 : index
        %get3A_1186 = tpu.vector_load %arg7[%get3A_1183, %get3A_1184, %get3A_1185] {strides = array<i32>} : memref<4x32x768xf32, #tpu.memory_space<vmem>>, vector<1x1x16xf32>,
        %get3A_1187 = vector.shape_cast %get3A_1186 : vector<1x1x16xf32> to vector<16xf32>
        %get3A_1188 = arith.constant 1 : i32
        %get3A_1189 = arith.index_cast %get3A_1188 : i32 to index
        %get3A_1190 = arith.index_cast %scan3A_1162 : i32 to index
        %get3A_1191 = arith.constant 576 : index
        %get3A_1192 = tpu.vector_load %arg7[%get3A_1189, %get3A_1190, %get3A_1191] {strides = array<i32>} : memref<4x32x768xf32, #tpu.memory_space<vmem>>, vector<1x1x16xf32>,
        %get3A_1193 = vector.shape_cast %get3A_1192 : vector<1x1x16xf32> to vector<16xf32>
        %get3A_1194 = arith.constant 1 : i32
        %get3A_1195 = arith.index_cast %get3A_1194 : i32 to index
        %get3A_1196 = arith.index_cast %scan3A_1162 : i32 to index
        %get3A_1197 = arith.constant 592 : index
        %get3A_1198 = tpu.vector_load %arg7[%get3A_1195, %get3A_1196, %get3A_1197] {strides = array<i32>} : memref<4x32x768xf32, #tpu.memory_space<vmem>>, vector<1x1x16xf32>,
        %get3A_1199 = vector.shape_cast %get3A_1198 : vector<1x1x16xf32> to vector<16xf32>
        %get3A_1200 = arith.constant 1 : i32
        %get3A_1201 = arith.index_cast %get3A_1200 : i32 to index
        %get3A_1202 = arith.index_cast %scan3A_1162 : i32 to index
        %get3A_1203 = arith.constant 608 : index
        %get3A_1204 = tpu.vector_load %arg7[%get3A_1201, %get3A_1202, %get3A_1203] {strides = array<i32>} : memref<4x32x768xf32, #tpu.memory_space<vmem>>, vector<1x1x16xf32>,
        %get3A_1205 = vector.shape_cast %get3A_1204 : vector<1x1x16xf32> to vector<16xf32>
        %get3A_1206 = arith.constant 1 : i32
        %get3A_1207 = arith.index_cast %get3A_1206 : i32 to index
        %get3A_1208 = arith.index_cast %scan3A_1162 : i32 to index
        %get3A_1209 = arith.constant 624 : index
        %get3A_1210 = tpu.vector_load %arg7[%get3A_1207, %get3A_1208, %get3A_1209] {strides = array<i32>} : memref<4x32x768xf32, #tpu.memory_space<vmem>>, vector<1x1x16xf32>,
        %get3A_1211 = vector.shape_cast %get3A_1210 : vector<1x1x16xf32> to vector<16xf32>
        %get3A_1212 = arith.constant 1 : i32
        %get3A_1213 = arith.index_cast %get3A_1212 : i32 to index
        %get3A_1214 = arith.index_cast %scan3A_1162 : i32 to index
        %get3A_1215 = arith.constant 640 : index
        %get3A_1216 = tpu.vector_load %arg7[%get3A_1213, %get3A_1214, %get3A_1215] {strides = array<i32>} : memref<4x32x768xf32, #tpu.memory_space<vmem>>, vector<1x1x16xf32>,
        %get3A_1217 = vector.shape_cast %get3A_1216 : vector<1x1x16xf32> to vector<16xf32>
        %get3A_1218 = arith.constant 1 : i32
        %get3A_1219 = arith.index_cast %get3A_1218 : i32 to index
        %get3A_1220 = arith.index_cast %scan3A_1162 : i32 to index
        %get3A_1221 = arith.constant 656 : index
        %get3A_1222 = tpu.vector_load %arg7[%get3A_1219, %get3A_1220, %get3A_1221] {strides = array<i32>} : memref<4x32x768xf32, #tpu.memory_space<vmem>>, vector<1x1x16xf32>,
        %get3A_1223 = vector.shape_cast %get3A_1222 : vector<1x1x16xf32> to vector<16xf32>
        %get3A_1224 = arith.constant 1 : i32
        %get3A_1225 = arith.index_cast %get3A_1224 : i32 to index
        %get3A_1226 = arith.index_cast %scan3A_1162 : i32 to index
        %get3A_1227 = arith.constant 672 : index
        %get3A_1228 = tpu.vector_load %arg7[%get3A_1225, %get3A_1226, %get3A_1227] {strides = array<i32>} : memref<4x32x768xf32, #tpu.memory_space<vmem>>, vector<1x1x16xf32>,
        %get3A_1229 = vector.shape_cast %get3A_1228 : vector<1x1x16xf32> to vector<16xf32>
        %get3A_1230 = arith.constant 1 : i32
        %get3A_1231 = arith.index_cast %get3A_1230 : i32 to index
        %get3A_1232 = arith.index_cast %scan3A_1162 : i32 to index
        %get3A_1233 = arith.constant 688 : index
        %get3A_1234 = tpu.vector_load %arg7[%get3A_1231, %get3A_1232, %get3A_1233] {strides = array<i32>} : memref<4x32x768xf32, #tpu.memory_space<vmem>>, vector<1x1x16xf32>,
        %get3A_1235 = vector.shape_cast %get3A_1234 : vector<1x1x16xf32> to vector<16xf32>
        %get3A_1236 = arith.constant 1 : i32
        %get3A_1237 = arith.index_cast %get3A_1236 : i32 to index
        %get3A_1238 = arith.index_cast %scan3A_1162 : i32 to index
        %get3A_1239 = arith.constant 704 : index
        %get3A_1240 = tpu.vector_load %arg7[%get3A_1237, %get3A_1238, %get3A_1239] {strides = array<i32>} : memref<4x32x768xf32, #tpu.memory_space<vmem>>, vector<1x1x16xf32>,
        %get3A_1241 = vector.shape_cast %get3A_1240 : vector<1x1x16xf32> to vector<16xf32>
        %get3A_1242 = arith.constant 1 : i32
        %get3A_1243 = arith.index_cast %get3A_1242 : i32 to index
        %get3A_1244 = arith.index_cast %scan3A_1162 : i32 to index
        %get3A_1245 = arith.constant 720 : index
        %get3A_1246 = tpu.vector_load %arg7[%get3A_1243, %get3A_1244, %get3A_1245] {strides = array<i32>} : memref<4x32x768xf32, #tpu.memory_space<vmem>>, vector<1x1x16xf32>,
        %get3A_1247 = vector.shape_cast %get3A_1246 : vector<1x1x16xf32> to vector<16xf32>
        %get3A_1248 = arith.constant 1 : i32
        %get3A_1249 = arith.index_cast %get3A_1248 : i32 to index
        %get3A_1250 = arith.index_cast %scan3A_1162 : i32 to index
        %get3A_1251 = arith.constant 736 : index
        %get3A_1252 = tpu.vector_load %arg7[%get3A_1249, %get3A_1250, %get3A_1251] {strides = array<i32>} : memref<4x32x768xf32, #tpu.memory_space<vmem>>, vector<1x1x16xf32>,
        %get3A_1253 = vector.shape_cast %get3A_1252 : vector<1x1x16xf32> to vector<16xf32>
        %get3A_1254 = arith.constant 1 : i32
        %get3A_1255 = arith.index_cast %get3A_1254 : i32 to index
        %get3A_1256 = arith.index_cast %scan3A_1162 : i32 to index
        %get3A_1257 = arith.constant 752 : index
        %get3A_1258 = tpu.vector_load %arg7[%get3A_1255, %get3A_1256, %get3A_1257] {strides = array<i32>} : memref<4x32x768xf32, #tpu.memory_space<vmem>>, vector<1x1x16xf32>,
        %get3A_1259 = vector.shape_cast %get3A_1258 : vector<1x1x16xf32> to vector<16xf32>
        %add3A_1260 = arith.addf %get3A_1169, %get3A_548 : vector<16xf32>
        %swap3A_1261 = arith.constant 1 : i32
        %swap3A_1262 = arith.index_cast %swap3A_1261 : i32 to index
        %swap3A_1263 = arith.index_cast %scan3A_1162 : i32 to index
        %swap3A_1264 = arith.constant 512 : index
        %swap3A_1265 = tpu.vector_load %arg7[%swap3A_1262, %swap3A_1263, %swap3A_1264] {strides = array<i32>} : memref<4x32x768xf32, #tpu.memory_space<vmem>>, vector<1x1x16xf32>,
        %swap3A_1266 = vector.shape_cast %swap3A_1265 : vector<1x1x16xf32> to vector<16xf32>
        %swap3A_1267 = vector.shape_cast %add3A_1260 : vector<16xf32> to vector<1x1x16xf32>
        tpu.vector_store %arg7[%swap3A_1262, %swap3A_1263, %swap3A_1264], %swap3A_1267 {strides = array<i32>} : memref<4x32x768xf32, #tpu.memory_space<vmem>>, vector<1x1x16xf32>,
        %add3A_1268 = arith.addf %get3A_1175, %get3A_552 : vector<16xf32>
        %swap3A_1269 = arith.constant 1 : i32
        %swap3A_1270 = arith.index_cast %swap3A_1269 : i32 to index
        %swap3A_1271 = arith.index_cast %scan3A_1162 : i32 to index
        %swap3A_1272 = arith.constant 528 : index
        %swap3A_1273 = tpu.vector_load %arg7[%swap3A_1270, %swap3A_1271, %swap3A_1272] {strides = array<i32>} : memref<4x32x768xf32, #tpu.memory_space<vmem>>, vector<1x1x16xf32>,
        %swap3A_1274 = vector.shape_cast %swap3A_1273 : vector<1x1x16xf32> to vector<16xf32>
        %swap3A_1275 = vector.shape_cast %add3A_1268 : vector<16xf32> to vector<1x1x16xf32>
        tpu.vector_store %arg7[%swap3A_1270, %swap3A_1271, %swap3A_1272], %swap3A_1275 {strides = array<i32>} : memref<4x32x768xf32, #tpu.memory_space<vmem>>, vector<1x1x16xf32>,
        %add3A_1276 = arith.addf %get3A_1181, %get3A_556 : vector<16xf32>
        %swap3A_1277 = arith.constant 1 : i32
        %swap3A_1278 = arith.index_cast %swap3A_1277 : i32 to index
        %swap3A_1279 = arith.index_cast %scan3A_1162 : i32 to index
        %swap3A_1280 = arith.constant 544 : index
        %swap3A_1281 = tpu.vector_load %arg7[%swap3A_1278, %swap3A_1279, %swap3A_1280] {strides = array<i32>} : memref<4x32x768xf32, #tpu.memory_space<vmem>>, vector<1x1x16xf32>,
        %swap3A_1282 = vector.shape_cast %swap3A_1281 : vector<1x1x16xf32> to vector<16xf32>
        %swap3A_1283 = vector.shape_cast %add3A_1276 : vector<16xf32> to vector<1x1x16xf32>
        tpu.vector_store %arg7[%swap3A_1278, %swap3A_1279, %swap3A_1280], %swap3A_1283 {strides = array<i32>} : memref<4x32x768xf32, #tpu.memory_space<vmem>>, vector<1x1x16xf32>,
        %add3A_1284 = arith.addf %get3A_1187, %get3A_560 : vector<16xf32>
        %swap3A_1285 = arith.constant 1 : i32
        %swap3A_1286 = arith.index_cast %swap3A_1285 : i32 to index
        %swap3A_1287 = arith.index_cast %scan3A_1162 : i32 to index
        %swap3A_1288 = arith.constant 560 : index
        %swap3A_1289 = tpu.vector_load %arg7[%swap3A_1286, %swap3A_1287, %swap3A_1288] {strides = array<i32>} : memref<4x32x768xf32, #tpu.memory_space<vmem>>, vector<1x1x16xf32>,
        %swap3A_1290 = vector.shape_cast %swap3A_1289 : vector<1x1x16xf32> to vector<16xf32>
        %swap3A_1291 = vector.shape_cast %add3A_1284 : vector<16xf32> to vector<1x1x16xf32>
        tpu.vector_store %arg7[%swap3A_1286, %swap3A_1287, %swap3A_1288], %swap3A_1291 {strides = array<i32>} : memref<4x32x768xf32, #tpu.memory_space<vmem>>, vector<1x1x16xf32>,
        %add3A_1292 = arith.addf %get3A_1193, %get3A_564 : vector<16xf32>
        %swap3A_1293 = arith.constant 1 : i32
        %swap3A_1294 = arith.index_cast %swap3A_1293 : i32 to index
        %swap3A_1295 = arith.index_cast %scan3A_1162 : i32 to index
        %swap3A_1296 = arith.constant 576 : index
        %swap3A_1297 = tpu.vector_load %arg7[%swap3A_1294, %swap3A_1295, %swap3A_1296] {strides = array<i32>} : memref<4x32x768xf32, #tpu.memory_space<vmem>>, vector<1x1x16xf32>,
        %swap3A_1298 = vector.shape_cast %swap3A_1297 : vector<1x1x16xf32> to vector<16xf32>
        %swap3A_1299 = vector.shape_cast %add3A_1292 : vector<16xf32> to vector<1x1x16xf32>
        tpu.vector_store %arg7[%swap3A_1294, %swap3A_1295, %swap3A_1296], %swap3A_1299 {strides = array<i32>} : memref<4x32x768xf32, #tpu.memory_space<vmem>>, vector<1x1x16xf32>,
        %add3A_1300 = arith.addf %get3A_1199, %get3A_568 : vector<16xf32>
        %swap3A_1301 = arith.constant 1 : i32
        %swap3A_1302 = arith.index_cast %swap3A_1301 : i32 to index
        %swap3A_1303 = arith.index_cast %scan3A_1162 : i32 to index
        %swap3A_1304 = arith.constant 592 : index
        %swap3A_1305 = tpu.vector_load %arg7[%swap3A_1302, %swap3A_1303, %swap3A_1304] {strides = array<i32>} : memref<4x32x768xf32, #tpu.memory_space<vmem>>, vector<1x1x16xf32>,
        %swap3A_1306 = vector.shape_cast %swap3A_1305 : vector<1x1x16xf32> to vector<16xf32>
        %swap3A_1307 = vector.shape_cast %add3A_1300 : vector<16xf32> to vector<1x1x16xf32>
        tpu.vector_store %arg7[%swap3A_1302, %swap3A_1303, %swap3A_1304], %swap3A_1307 {strides = array<i32>} : memref<4x32x768xf32, #tpu.memory_space<vmem>>, vector<1x1x16xf32>,
        %add3A_1308 = arith.addf %get3A_1205, %get3A_572 : vector<16xf32>
        %swap3A_1309 = arith.constant 1 : i32
        %swap3A_1310 = arith.index_cast %swap3A_1309 : i32 to index
        %swap3A_1311 = arith.index_cast %scan3A_1162 : i32 to index
        %swap3A_1312 = arith.constant 608 : index
        %swap3A_1313 = tpu.vector_load %arg7[%swap3A_1310, %swap3A_1311, %swap3A_1312] {strides = array<i32>} : memref<4x32x768xf32, #tpu.memory_space<vmem>>, vector<1x1x16xf32>,
        %swap3A_1314 = vector.shape_cast %swap3A_1313 : vector<1x1x16xf32> to vector<16xf32>
        %swap3A_1315 = vector.shape_cast %add3A_1308 : vector<16xf32> to vector<1x1x16xf32>
        tpu.vector_store %arg7[%swap3A_1310, %swap3A_1311, %swap3A_1312], %swap3A_1315 {strides = array<i32>} : memref<4x32x768xf32, #tpu.memory_space<vmem>>, vector<1x1x16xf32>,
        %add3A_1316 = arith.addf %get3A_1211, %get3A_576 : vector<16xf32>
        %swap3A_1317 = arith.constant 1 : i32
        %swap3A_1318 = arith.index_cast %swap3A_1317 : i32 to index
        %swap3A_1319 = arith.index_cast %scan3A_1162 : i32 to index
        %swap3A_1320 = arith.constant 624 : index
        %swap3A_1321 = tpu.vector_load %arg7[%swap3A_1318, %swap3A_1319, %swap3A_1320] {strides = array<i32>} : memref<4x32x768xf32, #tpu.memory_space<vmem>>, vector<1x1x16xf32>,
        %swap3A_1322 = vector.shape_cast %swap3A_1321 : vector<1x1x16xf32> to vector<16xf32>
        %swap3A_1323 = vector.shape_cast %add3A_1316 : vector<16xf32> to vector<1x1x16xf32>
        tpu.vector_store %arg7[%swap3A_1318, %swap3A_1319, %swap3A_1320], %swap3A_1323 {strides = array<i32>} : memref<4x32x768xf32, #tpu.memory_space<vmem>>, vector<1x1x16xf32>,
        %add3A_1324 = arith.addf %get3A_1217, %get3A_580 : vector<16xf32>
        %swap3A_1325 = arith.constant 1 : i32
        %swap3A_1326 = arith.index_cast %swap3A_1325 : i32 to index
        %swap3A_1327 = arith.index_cast %scan3A_1162 : i32 to index
        %swap3A_1328 = arith.constant 640 : index
        %swap3A_1329 = tpu.vector_load %arg7[%swap3A_1326, %swap3A_1327, %swap3A_1328] {strides = array<i32>} : memref<4x32x768xf32, #tpu.memory_space<vmem>>, vector<1x1x16xf32>,
        %swap3A_1330 = vector.shape_cast %swap3A_1329 : vector<1x1x16xf32> to vector<16xf32>
        %swap3A_1331 = vector.shape_cast %add3A_1324 : vector<16xf32> to vector<1x1x16xf32>
        tpu.vector_store %arg7[%swap3A_1326, %swap3A_1327, %swap3A_1328], %swap3A_1331 {strides = array<i32>} : memref<4x32x768xf32, #tpu.memory_space<vmem>>, vector<1x1x16xf32>,
        %add3A_1332 = arith.addf %get3A_1223, %get3A_584 : vector<16xf32>
        %swap3A_1333 = arith.constant 1 : i32
        %swap3A_1334 = arith.index_cast %swap3A_1333 : i32 to index
        %swap3A_1335 = arith.index_cast %scan3A_1162 : i32 to index
        %swap3A_1336 = arith.constant 656 : index
        %swap3A_1337 = tpu.vector_load %arg7[%swap3A_1334, %swap3A_1335, %swap3A_1336] {strides = array<i32>} : memref<4x32x768xf32, #tpu.memory_space<vmem>>, vector<1x1x16xf32>,
        %swap3A_1338 = vector.shape_cast %swap3A_1337 : vector<1x1x16xf32> to vector<16xf32>
        %swap3A_1339 = vector.shape_cast %add3A_1332 : vector<16xf32> to vector<1x1x16xf32>
        tpu.vector_store %arg7[%swap3A_1334, %swap3A_1335, %swap3A_1336], %swap3A_1339 {strides = array<i32>} : memref<4x32x768xf32, #tpu.memory_space<vmem>>, vector<1x1x16xf32>,
        %add3A_1340 = arith.addf %get3A_1229, %get3A_588 : vector<16xf32>
        %swap3A_1341 = arith.constant 1 : i32
        %swap3A_1342 = arith.index_cast %swap3A_1341 : i32 to index
        %swap3A_1343 = arith.index_cast %scan3A_1162 : i32 to index
        %swap3A_1344 = arith.constant 672 : index
        %swap3A_1345 = tpu.vector_load %arg7[%swap3A_1342, %swap3A_1343, %swap3A_1344] {strides = array<i32>} : memref<4x32x768xf32, #tpu.memory_space<vmem>>, vector<1x1x16xf32>,
        %swap3A_1346 = vector.shape_cast %swap3A_1345 : vector<1x1x16xf32> to vector<16xf32>
        %swap3A_1347 = vector.shape_cast %add3A_1340 : vector<16xf32> to vector<1x1x16xf32>
        tpu.vector_store %arg7[%swap3A_1342, %swap3A_1343, %swap3A_1344], %swap3A_1347 {strides = array<i32>} : memref<4x32x768xf32, #tpu.memory_space<vmem>>, vector<1x1x16xf32>,
        %add3A_1348 = arith.addf %get3A_1235, %get3A_592 : vector<16xf32>
        %swap3A_1349 = arith.constant 1 : i32
        %swap3A_1350 = arith.index_cast %swap3A_1349 : i32 to index
        %swap3A_1351 = arith.index_cast %scan3A_1162 : i32 to index
        %swap3A_1352 = arith.constant 688 : index
        %swap3A_1353 = tpu.vector_load %arg7[%swap3A_1350, %swap3A_1351, %swap3A_1352] {strides = array<i32>} : memref<4x32x768xf32, #tpu.memory_space<vmem>>, vector<1x1x16xf32>,
        %swap3A_1354 = vector.shape_cast %swap3A_1353 : vector<1x1x16xf32> to vector<16xf32>
        %swap3A_1355 = vector.shape_cast %add3A_1348 : vector<16xf32> to vector<1x1x16xf32>
        tpu.vector_store %arg7[%swap3A_1350, %swap3A_1351, %swap3A_1352], %swap3A_1355 {strides = array<i32>} : memref<4x32x768xf32, #tpu.memory_space<vmem>>, vector<1x1x16xf32>,
        %add3A_1356 = arith.addf %get3A_1241, %get3A_596 : vector<16xf32>
        %swap3A_1357 = arith.constant 1 : i32
        %swap3A_1358 = arith.index_cast %swap3A_1357 : i32 to index
        %swap3A_1359 = arith.index_cast %scan3A_1162 : i32 to index
        %swap3A_1360 = arith.constant 704 : index
        %swap3A_1361 = tpu.vector_load %arg7[%swap3A_1358, %swap3A_1359, %swap3A_1360] {strides = array<i32>} : memref<4x32x768xf32, #tpu.memory_space<vmem>>, vector<1x1x16xf32>,
        %swap3A_1362 = vector.shape_cast %swap3A_1361 : vector<1x1x16xf32> to vector<16xf32>
        %swap3A_1363 = vector.shape_cast %add3A_1356 : vector<16xf32> to vector<1x1x16xf32>
        tpu.vector_store %arg7[%swap3A_1358, %swap3A_1359, %swap3A_1360], %swap3A_1363 {strides = array<i32>} : memref<4x32x768xf32, #tpu.memory_space<vmem>>, vector<1x1x16xf32>,
        %add3A_1364 = arith.addf %get3A_1247, %get3A_600 : vector<16xf32>
        %swap3A_1365 = arith.constant 1 : i32
        %swap3A_1366 = arith.index_cast %swap3A_1365 : i32 to index
        %swap3A_1367 = arith.index_cast %scan3A_1162 : i32 to index
        %swap3A_1368 = arith.constant 720 : index
        %swap3A_1369 = tpu.vector_load %arg7[%swap3A_1366, %swap3A_1367, %swap3A_1368] {strides = array<i32>} : memref<4x32x768xf32, #tpu.memory_space<vmem>>, vector<1x1x16xf32>,
        %swap3A_1370 = vector.shape_cast %swap3A_1369 : vector<1x1x16xf32> to vector<16xf32>
        %swap3A_1371 = vector.shape_cast %add3A_1364 : vector<16xf32> to vector<1x1x16xf32>
        tpu.vector_store %arg7[%swap3A_1366, %swap3A_1367, %swap3A_1368], %swap3A_1371 {strides = array<i32>} : memref<4x32x768xf32, #tpu.memory_space<vmem>>, vector<1x1x16xf32>,
        %add3A_1372 = arith.addf %get3A_1253, %get3A_604 : vector<16xf32>
        %swap3A_1373 = arith.constant 1 : i32
        %swap3A_1374 = arith.index_cast %swap3A_1373 : i32 to index
        %swap3A_1375 = arith.index_cast %scan3A_1162 : i32 to index
        %swap3A_1376 = arith.constant 736 : index
        %swap3A_1377 = tpu.vector_load %arg7[%swap3A_1374, %swap3A_1375, %swap3A_1376] {strides = array<i32>} : memref<4x32x768xf32, #tpu.memory_space<vmem>>, vector<1x1x16xf32>,
        %swap3A_1378 = vector.shape_cast %swap3A_1377 : vector<1x1x16xf32> to vector<16xf32>
        %swap3A_1379 = vector.shape_cast %add3A_1372 : vector<16xf32> to vector<1x1x16xf32>
        tpu.vector_store %arg7[%swap3A_1374, %swap3A_1375, %swap3A_1376], %swap3A_1379 {strides = array<i32>} : memref<4x32x768xf32, #tpu.memory_space<vmem>>, vector<1x1x16xf32>,
        %add3A_1380 = arith.addf %get3A_1259, %get3A_608 : vector<16xf32>
        %swap3A_1381 = arith.constant 1 : i32
        %swap3A_1382 = arith.index_cast %swap3A_1381 : i32 to index
        %swap3A_1383 = arith.index_cast %scan3A_1162 : i32 to index
        %swap3A_1384 = arith.constant 752 : index
        %swap3A_1385 = tpu.vector_load %arg7[%swap3A_1382, %swap3A_1383, %swap3A_1384] {strides = array<i32>} : memref<4x32x768xf32, #tpu.memory_space<vmem>>, vector<1x1x16xf32>,
        %swap3A_1386 = vector.shape_cast %swap3A_1385 : vector<1x1x16xf32> to vector<16xf32>
        %swap3A_1387 = vector.shape_cast %add3A_1380 : vector<16xf32> to vector<1x1x16xf32>
        tpu.vector_store %arg7[%swap3A_1382, %swap3A_1383, %swap3A_1384], %swap3A_1387 {strides = array<i32>} : memref<4x32x768xf32, #tpu.memory_space<vmem>>, vector<1x1x16xf32>,
        %scan3A_1388 = arith.constant 0 : i32
        scf.yield %scan3A_1388 : i32
      }
      %scan3A_615 = arith.constant 32 : i32
      %mul3A_616 = arith.constant 32 : i32
      %mul3A_617 = arith.muli %add3A_375, %mul3A_616 : i32
      %add3A_618 = arith.addi %mul3A_2, %mul3A_617 : i32
      %dma_start3A_619 = arith.constant 1 : i32
      %dma_start3A_620 = arith.constant 1 : i32
      %dma_start3A_621 = arith.constant 0 : i32
      %dma_start3A_622 = arith.constant 0 : i32
      %dma_start3A_623 = tpu.memref_slice %arg7[%dma_start3A_619, %dma_start3A_621, %dma_start3A_622] : memref<4x32x768xf32, #tpu.memory_space<vmem>> -> memref<1x32x768xf32, #tpu.memory_space<vmem>>
      %dma_start3A_624 = tpu.memref_squeeze %dma_start3A_623 : memref<1x32x768xf32, #tpu.memory_space<vmem>> -> memref<32x768xf32, #tpu.memory_space<vmem>>
      %dma_start3A_625 = arith.constant 0 : i32
      %dma_start3A_626 = tpu.memref_slice %arg5[%add3A_618, %dma_start3A_625] : memref<315392x768xf32, #tpu.memory_space<hbm>> -> memref<32x768xf32, #tpu.memory_space<hbm>>
      %dma_start3A_627 = tpu.memref_slice %arg11[%dma_start3A_620] : memref<4x!tpu.dma_semaphore, #tpu.memory_space<semaphore_mem>> -> memref<1x!tpu.dma_semaphore, #tpu.memory_space<semaphore_mem>>
      %dma_start3A_628 = tpu.memref_squeeze %dma_start3A_627 : memref<1x!tpu.dma_semaphore, #tpu.memory_space<semaphore_mem>> -> memref<!tpu.dma_semaphore, #tpu.memory_space<semaphore_mem>>
      %dma_start3A_629 = arith.constant 0 : i32
      %dma_start3A_630 = tpu.memref_slice %arg5[%add3A_618, %dma_start3A_629] : memref<315392x768xf32, #tpu.memory_space<hbm>> -> memref<32x768xf32, #tpu.memory_space<hbm>>
      %dma_start3A_631 = arith.constant 0 : i32
      %dma_start3A_632 = arith.constant 0 : i32
      %dma_start3A_633 = tpu.memref_slice %arg7[%dma_start3A_619, %dma_start3A_631, %dma_start3A_632] : memref<4x32x768xf32, #tpu.memory_space<vmem>> -> memref<1x32x768xf32, #tpu.memory_space<vmem>>
      %dma_start3A_634 = tpu.memref_squeeze %dma_start3A_633 : memref<1x32x768xf32, #tpu.memory_space<vmem>> -> memref<32x768xf32, #tpu.memory_space<vmem>>
      tpu.enqueue_dma source(%dma_start3A_634 : memref<32x768xf32, #tpu.memory_space<vmem>>) target(%dma_start3A_630 : memref<32x768xf32, #tpu.memory_space<hbm>>) target_semaphore(%dma_start3A_628 : memref<!tpu.dma_semaphore, #tpu.memory_space<semaphore_mem>>)
      %mul3A_635 = arith.constant 4 : i32
      %mul3A_636 = arith.muli %scan3A_112, %mul3A_635 : i32
      %add3A_637 = arith.constant 2 : i32
      %add3A_638 = arith.addi %mul3A_636, %add3A_637 : i32
      %add3A_639 = arith.constant 1 : i32
      %add3A_640 = arith.addi %add3A_638, %add3A_639 : i32
      %lt3A_641 = arith.constant 308 : i32
      %lt3A_642 = arith.cmpi slt, %add3A_640, %lt3A_641 : i32
      %convert_element_type3A_643 = arith.extui %lt3A_642 : i1 to i32
      %cond3A_644 = arith.constant 0 : i32
      %cond3A_645 = arith.cmpi ne, %convert_element_type3A_643, %cond3A_644 : i32
      scf.if %cond3A_645 {
        %add3A_1162 = arith.constant 1 : i32
        %add3A_1163 = arith.addi %add3A_638, %add3A_1162 : i32
        %ge3A = arith.constant 4 : i32
        %ge3A_1164 = arith.cmpi sge, %add3A_1163, %ge3A : i32
        %convert_element_type3A_1165 = arith.extui %ge3A_1164 : i1 to i32
        %cond3A_1166 = arith.constant 0 : i32
        %cond3A_1167 = arith.cmpi ne, %convert_element_type3A_1165, %cond3A_1166 : i32
        scf.if %cond3A_1167 {
          %add3A_1184 = arith.constant 1 : i32
          %add3A_1185 = arith.addi %add3A_638, %add3A_1184 : i32
          %sub3A_1186 = arith.constant 4 : i32
          %sub3A_1187 = arith.subi %add3A_1185, %sub3A_1186 : i32
          %mul3A_1188 = arith.constant 32 : i32
          %mul3A_1189 = arith.muli %sub3A_1187, %mul3A_1188 : i32
          %add3A_1190 = arith.addi %mul3A_2, %mul3A_1189 : i32
          %dma_wait3A_1191 = arith.constant 3 : i32
          %dma_wait3A_1192 = arith.constant 3 : i32
          %dma_wait3A_1193 = arith.constant 0 : i32
          %dma_wait3A_1194 = arith.constant 0 : i32
          %dma_wait3A_1195 = tpu.memref_slice %arg7[%dma_wait3A_1191, %dma_wait3A_1193, %dma_wait3A_1194] : memref<4x32x768xf32, #tpu.memory_space<vmem>> -> memref<1x32x768xf32, #tpu.memory_space<vmem>>
          %dma_wait3A_1196 = tpu.memref_squeeze %dma_wait3A_1195 : memref<1x32x768xf32, #tpu.memory_space<vmem>> -> memref<32x768xf32, #tpu.memory_space<vmem>>
          %dma_wait3A_1197 = arith.constant 0 : i32
          %dma_wait3A_1198 = tpu.memref_slice %arg5[%add3A_1190, %dma_wait3A_1197] : memref<315392x768xf32, #tpu.memory_space<hbm>> -> memref<32x768xf32, #tpu.memory_space<hbm>>
          %dma_wait3A_1199 = tpu.memref_slice %arg11[%dma_wait3A_1192] : memref<4x!tpu.dma_semaphore, #tpu.memory_space<semaphore_mem>> -> memref<1x!tpu.dma_semaphore, #tpu.memory_space<semaphore_mem>>
          %dma_wait3A_1200 = tpu.memref_squeeze %dma_wait3A_1199 : memref<1x!tpu.dma_semaphore, #tpu.memory_space<semaphore_mem>> -> memref<!tpu.dma_semaphore, #tpu.memory_space<semaphore_mem>>
          %dma_wait3A_1201 = arith.constant 0 : i32
          %dma_wait3A_1202 = tpu.memref_slice %arg5[%add3A_1190, %dma_wait3A_1201] : memref<315392x768xf32, #tpu.memory_space<hbm>> -> memref<32x768xf32, #tpu.memory_space<hbm>>
          %dma_wait3A_1203 = arith.constant 0 : i32
          %dma_wait3A_1204 = arith.constant 0 : i32
          %dma_wait3A_1205 = tpu.memref_slice %arg7[%dma_wait3A_1191, %dma_wait3A_1203, %dma_wait3A_1204] : memref<4x32x768xf32, #tpu.memory_space<vmem>> -> memref<1x32x768xf32, #tpu.memory_space<vmem>>
          %dma_wait3A_1206 = tpu.memref_squeeze %dma_wait3A_1205 : memref<1x32x768xf32, #tpu.memory_space<vmem>> -> memref<32x768xf32, #tpu.memory_space<vmem>>
          tpu.wait_dma2 semaphore(%dma_wait3A_1200 : memref<!tpu.dma_semaphore, #tpu.memory_space<semaphore_mem>>) src(%dma_wait3A_1206 : memref<32x768xf32, #tpu.memory_space<vmem>>) dst(%dma_wait3A_1202 : memref<32x768xf32, #tpu.memory_space<hbm>>)
        } else {
        }
        %add3A_1168 = arith.constant 1 : i32
        %add3A_1169 = arith.addi %add3A_638, %add3A_1168 : i32
        %mul3A_1170 = arith.constant 32 : i32
        %mul3A_1171 = arith.muli %add3A_1169, %mul3A_1170 : i32
        %dma_start3A_1172 = arith.constant 3 : i32
        %dma_start3A_1173 = arith.constant 3 : i32
        %dma_start3A_1174 = arith.constant 0 : i32
        %dma_start3A_1175 = arith.constant 0 : i32
        %dma_start3A_1176 = tpu.memref_slice %arg7[%dma_start3A_1172, %dma_start3A_1174, %dma_start3A_1175] : memref<4x32x768xf32, #tpu.memory_space<vmem>> -> memref<1x32x768xf32, #tpu.memory_space<vmem>>
        %dma_start3A_1177 = tpu.memref_squeeze %dma_start3A_1176 : memref<1x32x768xf32, #tpu.memory_space<vmem>> -> memref<32x768xf32, #tpu.memory_space<vmem>>
        %dma_start3A_1178 = tpu.memref_slice %arg6[%mul3A_1171] : memref<9856xi32, #tpu.memory_space<vmem>> -> memref<32xi32, #tpu.memory_space<vmem>>
        %dma_start3A_1179 = arith.constant 0 : i32
        %dma_start3A_1180 = arith.constant 0 : i32
        %dma_start3A_1181 = tpu.memref_slice %arg3[%dma_start3A_1179, %dma_start3A_1180] : memref<49408x768xf32, #tpu.memory_space<hbm>> -> memref<49408x768xf32, #tpu.memory_space<hbm>>
        %dma_start3A_1182 = tpu.memref_slice %arg10[%dma_start3A_1173] : memref<4x!tpu.dma_semaphore, #tpu.memory_space<semaphore_mem>> -> memref<1x!tpu.dma_semaphore, #tpu.memory_space<semaphore_mem>>
        %dma_start3A_1183 = tpu.memref_squeeze %dma_start3A_1182 : memref<1x!tpu.dma_semaphore, #tpu.memory_space<semaphore_mem>> -> memref<!tpu.dma_semaphore, #tpu.memory_space<semaphore_mem>>
        tpu.enqueue_indirect_dma source(%dma_start3A_1181 : memref<49408x768xf32, #tpu.memory_space<hbm>>) target(%dma_start3A_1177 : memref<32x768xf32, #tpu.memory_space<vmem>>) offsets(%dma_start3A_1178 : memref<32xi32, #tpu.memory_space<vmem>>) semaphore(%dma_start3A_1183 : memref<!tpu.dma_semaphore, #tpu.memory_space<semaphore_mem>>)
      } else {
      }
      %mul3A_646 = arith.constant 32 : i32
      %mul3A_647 = arith.muli %add3A_638, %mul3A_646 : i32
      %dma_wait3A_648 = arith.constant 2 : i32
      %dma_wait3A_649 = arith.constant 2 : i32
      %dma_wait3A_650 = arith.constant 0 : i32
      %dma_wait3A_651 = arith.constant 0 : i32
      %dma_wait3A_652 = tpu.memref_slice %arg7[%dma_wait3A_648, %dma_wait3A_650, %dma_wait3A_651] : memref<4x32x768xf32, #tpu.memory_space<vmem>> -> memref<1x32x768xf32, #tpu.memory_space<vmem>>
      %dma_wait3A_653 = tpu.memref_squeeze %dma_wait3A_652 : memref<1x32x768xf32, #tpu.memory_space<vmem>> -> memref<32x768xf32, #tpu.memory_space<vmem>>
      %dma_wait3A_654 = tpu.memref_slice %arg6[%mul3A_647] : memref<9856xi32, #tpu.memory_space<vmem>> -> memref<32xi32, #tpu.memory_space<vmem>>
      %dma_wait3A_655 = arith.constant 0 : i32
      %dma_wait3A_656 = arith.constant 0 : i32
      %dma_wait3A_657 = tpu.memref_slice %arg3[%dma_wait3A_655, %dma_wait3A_656] : memref<49408x768xf32, #tpu.memory_space<hbm>> -> memref<49408x768xf32, #tpu.memory_space<hbm>>
      %dma_wait3A_658 = tpu.memref_slice %arg10[%dma_wait3A_649] : memref<4x!tpu.dma_semaphore, #tpu.memory_space<semaphore_mem>> -> memref<1x!tpu.dma_semaphore, #tpu.memory_space<semaphore_mem>>
      %dma_wait3A_659 = tpu.memref_squeeze %dma_wait3A_658 : memref<1x!tpu.dma_semaphore, #tpu.memory_space<semaphore_mem>> -> memref<!tpu.dma_semaphore, #tpu.memory_space<semaphore_mem>>
      tpu.wait_indirect_dma semaphore(%dma_wait3A_659 : memref<!tpu.dma_semaphore, #tpu.memory_space<semaphore_mem>>) src(%dma_wait3A_657 : memref<49408x768xf32, #tpu.memory_space<hbm>>) dst(%dma_wait3A_653 : memref<32x768xf32, #tpu.memory_space<vmem>>)
      %mul3A_660 = arith.constant 32 : i32
      %mul3A_661 = arith.muli %add3A_638, %mul3A_660 : i32
      %add3A_662 = arith.addi %mul3A_2, %mul3A_661 : i32
      %shift_right_logical3A_663 = arith.constant 12 : i32
      %shift_right_logical3A_664 = arith.shrui %add3A_662, %shift_right_logical3A_663 : i32
      %sub3A_665 = arith.subi %shift_right_logical3A_664, %shift_right_logical3A_3 : i32
      %get3A_666 = arith.index_cast %sub3A_665 : i32 to index
      %get3A_667 = arith.constant 0 : index
      %get3A_668 = tpu.vector_load %arg9[%get3A_666, %get3A_667] {strides = array<i32>} : memref<16x768xf32, #tpu.memory_space<vmem>>, vector<1x16xf32>,
      %get3A_669 = vector.shape_cast %get3A_668 : vector<1x16xf32> to vector<16xf32>
      %get3A_670 = arith.index_cast %sub3A_665 : i32 to index
      %get3A_671 = arith.constant 16 : index
      %get3A_672 = tpu.vector_load %arg9[%get3A_670, %get3A_671] {strides = array<i32>} : memref<16x768xf32, #tpu.memory_space<vmem>>, vector<1x16xf32>,
      %get3A_673 = vector.shape_cast %get3A_672 : vector<1x16xf32> to vector<16xf32>
      %get3A_674 = arith.index_cast %sub3A_665 : i32 to index
      %get3A_675 = arith.constant 32 : index
      %get3A_676 = tpu.vector_load %arg9[%get3A_674, %get3A_675] {strides = array<i32>} : memref<16x768xf32, #tpu.memory_space<vmem>>, vector<1x16xf32>,
      %get3A_677 = vector.shape_cast %get3A_676 : vector<1x16xf32> to vector<16xf32>
      %get3A_678 = arith.index_cast %sub3A_665 : i32 to index
      %get3A_679 = arith.constant 48 : index
      %get3A_680 = tpu.vector_load %arg9[%get3A_678, %get3A_679] {strides = array<i32>} : memref<16x768xf32, #tpu.memory_space<vmem>>, vector<1x16xf32>,
      %get3A_681 = vector.shape_cast %get3A_680 : vector<1x16xf32> to vector<16xf32>
      %get3A_682 = arith.index_cast %sub3A_665 : i32 to index
      %get3A_683 = arith.constant 64 : index
      %get3A_684 = tpu.vector_load %arg9[%get3A_682, %get3A_683] {strides = array<i32>} : memref<16x768xf32, #tpu.memory_space<vmem>>, vector<1x16xf32>,
      %get3A_685 = vector.shape_cast %get3A_684 : vector<1x16xf32> to vector<16xf32>
      %get3A_686 = arith.index_cast %sub3A_665 : i32 to index
      %get3A_687 = arith.constant 80 : index
      %get3A_688 = tpu.vector_load %arg9[%get3A_686, %get3A_687] {strides = array<i32>} : memref<16x768xf32, #tpu.memory_space<vmem>>, vector<1x16xf32>,
      %get3A_689 = vector.shape_cast %get3A_688 : vector<1x16xf32> to vector<16xf32>
      %get3A_690 = arith.index_cast %sub3A_665 : i32 to index
      %get3A_691 = arith.constant 96 : index
      %get3A_692 = tpu.vector_load %arg9[%get3A_690, %get3A_691] {strides = array<i32>} : memref<16x768xf32, #tpu.memory_space<vmem>>, vector<1x16xf32>,
      %get3A_693 = vector.shape_cast %get3A_692 : vector<1x16xf32> to vector<16xf32>
      %get3A_694 = arith.index_cast %sub3A_665 : i32 to index
      %get3A_695 = arith.constant 112 : index
      %get3A_696 = tpu.vector_load %arg9[%get3A_694, %get3A_695] {strides = array<i32>} : memref<16x768xf32, #tpu.memory_space<vmem>>, vector<1x16xf32>,
      %get3A_697 = vector.shape_cast %get3A_696 : vector<1x16xf32> to vector<16xf32>
      %get3A_698 = arith.index_cast %sub3A_665 : i32 to index
      %get3A_699 = arith.constant 128 : index
      %get3A_700 = tpu.vector_load %arg9[%get3A_698, %get3A_699] {strides = array<i32>} : memref<16x768xf32, #tpu.memory_space<vmem>>, vector<1x16xf32>,
      %get3A_701 = vector.shape_cast %get3A_700 : vector<1x16xf32> to vector<16xf32>
      %get3A_702 = arith.index_cast %sub3A_665 : i32 to index
      %get3A_703 = arith.constant 144 : index
      %get3A_704 = tpu.vector_load %arg9[%get3A_702, %get3A_703] {strides = array<i32>} : memref<16x768xf32, #tpu.memory_space<vmem>>, vector<1x16xf32>,
      %get3A_705 = vector.shape_cast %get3A_704 : vector<1x16xf32> to vector<16xf32>
      %get3A_706 = arith.index_cast %sub3A_665 : i32 to index
      %get3A_707 = arith.constant 160 : index
      %get3A_708 = tpu.vector_load %arg9[%get3A_706, %get3A_707] {strides = array<i32>} : memref<16x768xf32, #tpu.memory_space<vmem>>, vector<1x16xf32>,
      %get3A_709 = vector.shape_cast %get3A_708 : vector<1x16xf32> to vector<16xf32>
      %get3A_710 = arith.index_cast %sub3A_665 : i32 to index
      %get3A_711 = arith.constant 176 : index
      %get3A_712 = tpu.vector_load %arg9[%get3A_710, %get3A_711] {strides = array<i32>} : memref<16x768xf32, #tpu.memory_space<vmem>>, vector<1x16xf32>,
      %get3A_713 = vector.shape_cast %get3A_712 : vector<1x16xf32> to vector<16xf32>
      %get3A_714 = arith.index_cast %sub3A_665 : i32 to index
      %get3A_715 = arith.constant 192 : index
      %get3A_716 = tpu.vector_load %arg9[%get3A_714, %get3A_715] {strides = array<i32>} : memref<16x768xf32, #tpu.memory_space<vmem>>, vector<1x16xf32>,
      %get3A_717 = vector.shape_cast %get3A_716 : vector<1x16xf32> to vector<16xf32>
      %get3A_718 = arith.index_cast %sub3A_665 : i32 to index
      %get3A_719 = arith.constant 208 : index
      %get3A_720 = tpu.vector_load %arg9[%get3A_718, %get3A_719] {strides = array<i32>} : memref<16x768xf32, #tpu.memory_space<vmem>>, vector<1x16xf32>,
      %get3A_721 = vector.shape_cast %get3A_720 : vector<1x16xf32> to vector<16xf32>
      %get3A_722 = arith.index_cast %sub3A_665 : i32 to index
      %get3A_723 = arith.constant 224 : index
      %get3A_724 = tpu.vector_load %arg9[%get3A_722, %get3A_723] {strides = array<i32>} : memref<16x768xf32, #tpu.memory_space<vmem>>, vector<1x16xf32>,
      %get3A_725 = vector.shape_cast %get3A_724 : vector<1x16xf32> to vector<16xf32>
      %get3A_726 = arith.index_cast %sub3A_665 : i32 to index
      %get3A_727 = arith.constant 240 : index
      %get3A_728 = tpu.vector_load %arg9[%get3A_726, %get3A_727] {strides = array<i32>} : memref<16x768xf32, #tpu.memory_space<vmem>>, vector<1x16xf32>,
      %get3A_729 = vector.shape_cast %get3A_728 : vector<1x16xf32> to vector<16xf32>
      %scan3A_730 = arith.constant 0 : i32
      %scan3A_731 = arith.constant 0 : i32
      %scan3A_732 = arith.constant 32 : i32
      %scan3A_733 = arith.addi %scan3A_731, %scan3A_732 : i32
      %scan3A_734 = arith.constant 1 : i32
      %scan3A_735 = scf.for %scan3A_1162 = %scan3A_731 to %scan3A_733 step %scan3A_734 iter_args(%scan3A_1163 = %scan3A_730) -> (i32)  : i32 {
        %get3A_1164 = arith.constant 2 : i32
        %get3A_1165 = arith.index_cast %get3A_1164 : i32 to index
        %get3A_1166 = arith.index_cast %scan3A_1162 : i32 to index
        %get3A_1167 = arith.constant 0 : index
        %get3A_1168 = tpu.vector_load %arg7[%get3A_1165, %get3A_1166, %get3A_1167] {strides = array<i32>} : memref<4x32x768xf32, #tpu.memory_space<vmem>>, vector<1x1x16xf32>,
        %get3A_1169 = vector.shape_cast %get3A_1168 : vector<1x1x16xf32> to vector<16xf32>
        %get3A_1170 = arith.constant 2 : i32
        %get3A_1171 = arith.index_cast %get3A_1170 : i32 to index
        %get3A_1172 = arith.index_cast %scan3A_1162 : i32 to index
        %get3A_1173 = arith.constant 16 : index
        %get3A_1174 = tpu.vector_load %arg7[%get3A_1171, %get3A_1172, %get3A_1173] {strides = array<i32>} : memref<4x32x768xf32, #tpu.memory_space<vmem>>, vector<1x1x16xf32>,
        %get3A_1175 = vector.shape_cast %get3A_1174 : vector<1x1x16xf32> to vector<16xf32>
        %get3A_1176 = arith.constant 2 : i32
        %get3A_1177 = arith.index_cast %get3A_1176 : i32 to index
        %get3A_1178 = arith.index_cast %scan3A_1162 : i32 to index
        %get3A_1179 = arith.constant 32 : index
        %get3A_1180 = tpu.vector_load %arg7[%get3A_1177, %get3A_1178, %get3A_1179] {strides = array<i32>} : memref<4x32x768xf32, #tpu.memory_space<vmem>>, vector<1x1x16xf32>,
        %get3A_1181 = vector.shape_cast %get3A_1180 : vector<1x1x16xf32> to vector<16xf32>
        %get3A_1182 = arith.constant 2 : i32
        %get3A_1183 = arith.index_cast %get3A_1182 : i32 to index
        %get3A_1184 = arith.index_cast %scan3A_1162 : i32 to index
        %get3A_1185 = arith.constant 48 : index
        %get3A_1186 = tpu.vector_load %arg7[%get3A_1183, %get3A_1184, %get3A_1185] {strides = array<i32>} : memref<4x32x768xf32, #tpu.memory_space<vmem>>, vector<1x1x16xf32>,
        %get3A_1187 = vector.shape_cast %get3A_1186 : vector<1x1x16xf32> to vector<16xf32>
        %get3A_1188 = arith.constant 2 : i32
        %get3A_1189 = arith.index_cast %get3A_1188 : i32 to index
        %get3A_1190 = arith.index_cast %scan3A_1162 : i32 to index
        %get3A_1191 = arith.constant 64 : index
        %get3A_1192 = tpu.vector_load %arg7[%get3A_1189, %get3A_1190, %get3A_1191] {strides = array<i32>} : memref<4x32x768xf32, #tpu.memory_space<vmem>>, vector<1x1x16xf32>,
        %get3A_1193 = vector.shape_cast %get3A_1192 : vector<1x1x16xf32> to vector<16xf32>
        %get3A_1194 = arith.constant 2 : i32
        %get3A_1195 = arith.index_cast %get3A_1194 : i32 to index
        %get3A_1196 = arith.index_cast %scan3A_1162 : i32 to index
        %get3A_1197 = arith.constant 80 : index
        %get3A_1198 = tpu.vector_load %arg7[%get3A_1195, %get3A_1196, %get3A_1197] {strides = array<i32>} : memref<4x32x768xf32, #tpu.memory_space<vmem>>, vector<1x1x16xf32>,
        %get3A_1199 = vector.shape_cast %get3A_1198 : vector<1x1x16xf32> to vector<16xf32>
        %get3A_1200 = arith.constant 2 : i32
        %get3A_1201 = arith.index_cast %get3A_1200 : i32 to index
        %get3A_1202 = arith.index_cast %scan3A_1162 : i32 to index
        %get3A_1203 = arith.constant 96 : index
        %get3A_1204 = tpu.vector_load %arg7[%get3A_1201, %get3A_1202, %get3A_1203] {strides = array<i32>} : memref<4x32x768xf32, #tpu.memory_space<vmem>>, vector<1x1x16xf32>,
        %get3A_1205 = vector.shape_cast %get3A_1204 : vector<1x1x16xf32> to vector<16xf32>
        %get3A_1206 = arith.constant 2 : i32
        %get3A_1207 = arith.index_cast %get3A_1206 : i32 to index
        %get3A_1208 = arith.index_cast %scan3A_1162 : i32 to index
        %get3A_1209 = arith.constant 112 : index
        %get3A_1210 = tpu.vector_load %arg7[%get3A_1207, %get3A_1208, %get3A_1209] {strides = array<i32>} : memref<4x32x768xf32, #tpu.memory_space<vmem>>, vector<1x1x16xf32>,
        %get3A_1211 = vector.shape_cast %get3A_1210 : vector<1x1x16xf32> to vector<16xf32>
        %get3A_1212 = arith.constant 2 : i32
        %get3A_1213 = arith.index_cast %get3A_1212 : i32 to index
        %get3A_1214 = arith.index_cast %scan3A_1162 : i32 to index
        %get3A_1215 = arith.constant 128 : index
        %get3A_1216 = tpu.vector_load %arg7[%get3A_1213, %get3A_1214, %get3A_1215] {strides = array<i32>} : memref<4x32x768xf32, #tpu.memory_space<vmem>>, vector<1x1x16xf32>,
        %get3A_1217 = vector.shape_cast %get3A_1216 : vector<1x1x16xf32> to vector<16xf32>
        %get3A_1218 = arith.constant 2 : i32
        %get3A_1219 = arith.index_cast %get3A_1218 : i32 to index
        %get3A_1220 = arith.index_cast %scan3A_1162 : i32 to index
        %get3A_1221 = arith.constant 144 : index
        %get3A_1222 = tpu.vector_load %arg7[%get3A_1219, %get3A_1220, %get3A_1221] {strides = array<i32>} : memref<4x32x768xf32, #tpu.memory_space<vmem>>, vector<1x1x16xf32>,
        %get3A_1223 = vector.shape_cast %get3A_1222 : vector<1x1x16xf32> to vector<16xf32>
        %get3A_1224 = arith.constant 2 : i32
        %get3A_1225 = arith.index_cast %get3A_1224 : i32 to index
        %get3A_1226 = arith.index_cast %scan3A_1162 : i32 to index
        %get3A_1227 = arith.constant 160 : index
        %get3A_1228 = tpu.vector_load %arg7[%get3A_1225, %get3A_1226, %get3A_1227] {strides = array<i32>} : memref<4x32x768xf32, #tpu.memory_space<vmem>>, vector<1x1x16xf32>,
        %get3A_1229 = vector.shape_cast %get3A_1228 : vector<1x1x16xf32> to vector<16xf32>
        %get3A_1230 = arith.constant 2 : i32
        %get3A_1231 = arith.index_cast %get3A_1230 : i32 to index
        %get3A_1232 = arith.index_cast %scan3A_1162 : i32 to index
        %get3A_1233 = arith.constant 176 : index
        %get3A_1234 = tpu.vector_load %arg7[%get3A_1231, %get3A_1232, %get3A_1233] {strides = array<i32>} : memref<4x32x768xf32, #tpu.memory_space<vmem>>, vector<1x1x16xf32>,
        %get3A_1235 = vector.shape_cast %get3A_1234 : vector<1x1x16xf32> to vector<16xf32>
        %get3A_1236 = arith.constant 2 : i32
        %get3A_1237 = arith.index_cast %get3A_1236 : i32 to index
        %get3A_1238 = arith.index_cast %scan3A_1162 : i32 to index
        %get3A_1239 = arith.constant 192 : index
        %get3A_1240 = tpu.vector_load %arg7[%get3A_1237, %get3A_1238, %get3A_1239] {strides = array<i32>} : memref<4x32x768xf32, #tpu.memory_space<vmem>>, vector<1x1x16xf32>,
        %get3A_1241 = vector.shape_cast %get3A_1240 : vector<1x1x16xf32> to vector<16xf32>
        %get3A_1242 = arith.constant 2 : i32
        %get3A_1243 = arith.index_cast %get3A_1242 : i32 to index
        %get3A_1244 = arith.index_cast %scan3A_1162 : i32 to index
        %get3A_1245 = arith.constant 208 : index
        %get3A_1246 = tpu.vector_load %arg7[%get3A_1243, %get3A_1244, %get3A_1245] {strides = array<i32>} : memref<4x32x768xf32, #tpu.memory_space<vmem>>, vector<1x1x16xf32>,
        %get3A_1247 = vector.shape_cast %get3A_1246 : vector<1x1x16xf32> to vector<16xf32>
        %get3A_1248 = arith.constant 2 : i32
        %get3A_1249 = arith.index_cast %get3A_1248 : i32 to index
        %get3A_1250 = arith.index_cast %scan3A_1162 : i32 to index
        %get3A_1251 = arith.constant 224 : index
        %get3A_1252 = tpu.vector_load %arg7[%get3A_1249, %get3A_1250, %get3A_1251] {strides = array<i32>} : memref<4x32x768xf32, #tpu.memory_space<vmem>>, vector<1x1x16xf32>,
        %get3A_1253 = vector.shape_cast %get3A_1252 : vector<1x1x16xf32> to vector<16xf32>
        %get3A_1254 = arith.constant 2 : i32
        %get3A_1255 = arith.index_cast %get3A_1254 : i32 to index
        %get3A_1256 = arith.index_cast %scan3A_1162 : i32 to index
        %get3A_1257 = arith.constant 240 : index
        %get3A_1258 = tpu.vector_load %arg7[%get3A_1255, %get3A_1256, %get3A_1257] {strides = array<i32>} : memref<4x32x768xf32, #tpu.memory_space<vmem>>, vector<1x1x16xf32>,
        %get3A_1259 = vector.shape_cast %get3A_1258 : vector<1x1x16xf32> to vector<16xf32>
        %add3A_1260 = arith.addf %get3A_1169, %get3A_669 : vector<16xf32>
        %swap3A_1261 = arith.constant 2 : i32
        %swap3A_1262 = arith.index_cast %swap3A_1261 : i32 to index
        %swap3A_1263 = arith.index_cast %scan3A_1162 : i32 to index
        %swap3A_1264 = arith.constant 0 : index
        %swap3A_1265 = tpu.vector_load %arg7[%swap3A_1262, %swap3A_1263, %swap3A_1264] {strides = array<i32>} : memref<4x32x768xf32, #tpu.memory_space<vmem>>, vector<1x1x16xf32>,
        %swap3A_1266 = vector.shape_cast %swap3A_1265 : vector<1x1x16xf32> to vector<16xf32>
        %swap3A_1267 = vector.shape_cast %add3A_1260 : vector<16xf32> to vector<1x1x16xf32>
        tpu.vector_store %arg7[%swap3A_1262, %swap3A_1263, %swap3A_1264], %swap3A_1267 {strides = array<i32>} : memref<4x32x768xf32, #tpu.memory_space<vmem>>, vector<1x1x16xf32>,
        %add3A_1268 = arith.addf %get3A_1175, %get3A_673 : vector<16xf32>
        %swap3A_1269 = arith.constant 2 : i32
        %swap3A_1270 = arith.index_cast %swap3A_1269 : i32 to index
        %swap3A_1271 = arith.index_cast %scan3A_1162 : i32 to index
        %swap3A_1272 = arith.constant 16 : index
        %swap3A_1273 = tpu.vector_load %arg7[%swap3A_1270, %swap3A_1271, %swap3A_1272] {strides = array<i32>} : memref<4x32x768xf32, #tpu.memory_space<vmem>>, vector<1x1x16xf32>,
        %swap3A_1274 = vector.shape_cast %swap3A_1273 : vector<1x1x16xf32> to vector<16xf32>
        %swap3A_1275 = vector.shape_cast %add3A_1268 : vector<16xf32> to vector<1x1x16xf32>
        tpu.vector_store %arg7[%swap3A_1270, %swap3A_1271, %swap3A_1272], %swap3A_1275 {strides = array<i32>} : memref<4x32x768xf32, #tpu.memory_space<vmem>>, vector<1x1x16xf32>,
        %add3A_1276 = arith.addf %get3A_1181, %get3A_677 : vector<16xf32>
        %swap3A_1277 = arith.constant 2 : i32
        %swap3A_1278 = arith.index_cast %swap3A_1277 : i32 to index
        %swap3A_1279 = arith.index_cast %scan3A_1162 : i32 to index
        %swap3A_1280 = arith.constant 32 : index
        %swap3A_1281 = tpu.vector_load %arg7[%swap3A_1278, %swap3A_1279, %swap3A_1280] {strides = array<i32>} : memref<4x32x768xf32, #tpu.memory_space<vmem>>, vector<1x1x16xf32>,
        %swap3A_1282 = vector.shape_cast %swap3A_1281 : vector<1x1x16xf32> to vector<16xf32>
        %swap3A_1283 = vector.shape_cast %add3A_1276 : vector<16xf32> to vector<1x1x16xf32>
        tpu.vector_store %arg7[%swap3A_1278, %swap3A_1279, %swap3A_1280], %swap3A_1283 {strides = array<i32>} : memref<4x32x768xf32, #tpu.memory_space<vmem>>, vector<1x1x16xf32>,
        %add3A_1284 = arith.addf %get3A_1187, %get3A_681 : vector<16xf32>
        %swap3A_1285 = arith.constant 2 : i32
        %swap3A_1286 = arith.index_cast %swap3A_1285 : i32 to index
        %swap3A_1287 = arith.index_cast %scan3A_1162 : i32 to index
        %swap3A_1288 = arith.constant 48 : index
        %swap3A_1289 = tpu.vector_load %arg7[%swap3A_1286, %swap3A_1287, %swap3A_1288] {strides = array<i32>} : memref<4x32x768xf32, #tpu.memory_space<vmem>>, vector<1x1x16xf32>,
        %swap3A_1290 = vector.shape_cast %swap3A_1289 : vector<1x1x16xf32> to vector<16xf32>
        %swap3A_1291 = vector.shape_cast %add3A_1284 : vector<16xf32> to vector<1x1x16xf32>
        tpu.vector_store %arg7[%swap3A_1286, %swap3A_1287, %swap3A_1288], %swap3A_1291 {strides = array<i32>} : memref<4x32x768xf32, #tpu.memory_space<vmem>>, vector<1x1x16xf32>,
        %add3A_1292 = arith.addf %get3A_1193, %get3A_685 : vector<16xf32>
        %swap3A_1293 = arith.constant 2 : i32
        %swap3A_1294 = arith.index_cast %swap3A_1293 : i32 to index
        %swap3A_1295 = arith.index_cast %scan3A_1162 : i32 to index
        %swap3A_1296 = arith.constant 64 : index
        %swap3A_1297 = tpu.vector_load %arg7[%swap3A_1294, %swap3A_1295, %swap3A_1296] {strides = array<i32>} : memref<4x32x768xf32, #tpu.memory_space<vmem>>, vector<1x1x16xf32>,
        %swap3A_1298 = vector.shape_cast %swap3A_1297 : vector<1x1x16xf32> to vector<16xf32>
        %swap3A_1299 = vector.shape_cast %add3A_1292 : vector<16xf32> to vector<1x1x16xf32>
        tpu.vector_store %arg7[%swap3A_1294, %swap3A_1295, %swap3A_1296], %swap3A_1299 {strides = array<i32>} : memref<4x32x768xf32, #tpu.memory_space<vmem>>, vector<1x1x16xf32>,
        %add3A_1300 = arith.addf %get3A_1199, %get3A_689 : vector<16xf32>
        %swap3A_1301 = arith.constant 2 : i32
        %swap3A_1302 = arith.index_cast %swap3A_1301 : i32 to index
        %swap3A_1303 = arith.index_cast %scan3A_1162 : i32 to index
        %swap3A_1304 = arith.constant 80 : index
        %swap3A_1305 = tpu.vector_load %arg7[%swap3A_1302, %swap3A_1303, %swap3A_1304] {strides = array<i32>} : memref<4x32x768xf32, #tpu.memory_space<vmem>>, vector<1x1x16xf32>,
        %swap3A_1306 = vector.shape_cast %swap3A_1305 : vector<1x1x16xf32> to vector<16xf32>
        %swap3A_1307 = vector.shape_cast %add3A_1300 : vector<16xf32> to vector<1x1x16xf32>
        tpu.vector_store %arg7[%swap3A_1302, %swap3A_1303, %swap3A_1304], %swap3A_1307 {strides = array<i32>} : memref<4x32x768xf32, #tpu.memory_space<vmem>>, vector<1x1x16xf32>,
        %add3A_1308 = arith.addf %get3A_1205, %get3A_693 : vector<16xf32>
        %swap3A_1309 = arith.constant 2 : i32
        %swap3A_1310 = arith.index_cast %swap3A_1309 : i32 to index
        %swap3A_1311 = arith.index_cast %scan3A_1162 : i32 to index
        %swap3A_1312 = arith.constant 96 : index
        %swap3A_1313 = tpu.vector_load %arg7[%swap3A_1310, %swap3A_1311, %swap3A_1312] {strides = array<i32>} : memref<4x32x768xf32, #tpu.memory_space<vmem>>, vector<1x1x16xf32>,
        %swap3A_1314 = vector.shape_cast %swap3A_1313 : vector<1x1x16xf32> to vector<16xf32>
        %swap3A_1315 = vector.shape_cast %add3A_1308 : vector<16xf32> to vector<1x1x16xf32>
        tpu.vector_store %arg7[%swap3A_1310, %swap3A_1311, %swap3A_1312], %swap3A_1315 {strides = array<i32>} : memref<4x32x768xf32, #tpu.memory_space<vmem>>, vector<1x1x16xf32>,
        %add3A_1316 = arith.addf %get3A_1211, %get3A_697 : vector<16xf32>
        %swap3A_1317 = arith.constant 2 : i32
        %swap3A_1318 = arith.index_cast %swap3A_1317 : i32 to index
        %swap3A_1319 = arith.index_cast %scan3A_1162 : i32 to index
        %swap3A_1320 = arith.constant 112 : index
        %swap3A_1321 = tpu.vector_load %arg7[%swap3A_1318, %swap3A_1319, %swap3A_1320] {strides = array<i32>} : memref<4x32x768xf32, #tpu.memory_space<vmem>>, vector<1x1x16xf32>,
        %swap3A_1322 = vector.shape_cast %swap3A_1321 : vector<1x1x16xf32> to vector<16xf32>
        %swap3A_1323 = vector.shape_cast %add3A_1316 : vector<16xf32> to vector<1x1x16xf32>
        tpu.vector_store %arg7[%swap3A_1318, %swap3A_1319, %swap3A_1320], %swap3A_1323 {strides = array<i32>} : memref<4x32x768xf32, #tpu.memory_space<vmem>>, vector<1x1x16xf32>,
        %add3A_1324 = arith.addf %get3A_1217, %get3A_701 : vector<16xf32>
        %swap3A_1325 = arith.constant 2 : i32
        %swap3A_1326 = arith.index_cast %swap3A_1325 : i32 to index
        %swap3A_1327 = arith.index_cast %scan3A_1162 : i32 to index
        %swap3A_1328 = arith.constant 128 : index
        %swap3A_1329 = tpu.vector_load %arg7[%swap3A_1326, %swap3A_1327, %swap3A_1328] {strides = array<i32>} : memref<4x32x768xf32, #tpu.memory_space<vmem>>, vector<1x1x16xf32>,
        %swap3A_1330 = vector.shape_cast %swap3A_1329 : vector<1x1x16xf32> to vector<16xf32>
        %swap3A_1331 = vector.shape_cast %add3A_1324 : vector<16xf32> to vector<1x1x16xf32>
        tpu.vector_store %arg7[%swap3A_1326, %swap3A_1327, %swap3A_1328], %swap3A_1331 {strides = array<i32>} : memref<4x32x768xf32, #tpu.memory_space<vmem>>, vector<1x1x16xf32>,
        %add3A_1332 = arith.addf %get3A_1223, %get3A_705 : vector<16xf32>
        %swap3A_1333 = arith.constant 2 : i32
        %swap3A_1334 = arith.index_cast %swap3A_1333 : i32 to index
        %swap3A_1335 = arith.index_cast %scan3A_1162 : i32 to index
        %swap3A_1336 = arith.constant 144 : index
        %swap3A_1337 = tpu.vector_load %arg7[%swap3A_1334, %swap3A_1335, %swap3A_1336] {strides = array<i32>} : memref<4x32x768xf32, #tpu.memory_space<vmem>>, vector<1x1x16xf32>,
        %swap3A_1338 = vector.shape_cast %swap3A_1337 : vector<1x1x16xf32> to vector<16xf32>
        %swap3A_1339 = vector.shape_cast %add3A_1332 : vector<16xf32> to vector<1x1x16xf32>
        tpu.vector_store %arg7[%swap3A_1334, %swap3A_1335, %swap3A_1336], %swap3A_1339 {strides = array<i32>} : memref<4x32x768xf32, #tpu.memory_space<vmem>>, vector<1x1x16xf32>,
        %add3A_1340 = arith.addf %get3A_1229, %get3A_709 : vector<16xf32>
        %swap3A_1341 = arith.constant 2 : i32
        %swap3A_1342 = arith.index_cast %swap3A_1341 : i32 to index
        %swap3A_1343 = arith.index_cast %scan3A_1162 : i32 to index
        %swap3A_1344 = arith.constant 160 : index
        %swap3A_1345 = tpu.vector_load %arg7[%swap3A_1342, %swap3A_1343, %swap3A_1344] {strides = array<i32>} : memref<4x32x768xf32, #tpu.memory_space<vmem>>, vector<1x1x16xf32>,
        %swap3A_1346 = vector.shape_cast %swap3A_1345 : vector<1x1x16xf32> to vector<16xf32>
        %swap3A_1347 = vector.shape_cast %add3A_1340 : vector<16xf32> to vector<1x1x16xf32>
        tpu.vector_store %arg7[%swap3A_1342, %swap3A_1343, %swap3A_1344], %swap3A_1347 {strides = array<i32>} : memref<4x32x768xf32, #tpu.memory_space<vmem>>, vector<1x1x16xf32>,
        %add3A_1348 = arith.addf %get3A_1235, %get3A_713 : vector<16xf32>
        %swap3A_1349 = arith.constant 2 : i32
        %swap3A_1350 = arith.index_cast %swap3A_1349 : i32 to index
        %swap3A_1351 = arith.index_cast %scan3A_1162 : i32 to index
        %swap3A_1352 = arith.constant 176 : index
        %swap3A_1353 = tpu.vector_load %arg7[%swap3A_1350, %swap3A_1351, %swap3A_1352] {strides = array<i32>} : memref<4x32x768xf32, #tpu.memory_space<vmem>>, vector<1x1x16xf32>,
        %swap3A_1354 = vector.shape_cast %swap3A_1353 : vector<1x1x16xf32> to vector<16xf32>
        %swap3A_1355 = vector.shape_cast %add3A_1348 : vector<16xf32> to vector<1x1x16xf32>
        tpu.vector_store %arg7[%swap3A_1350, %swap3A_1351, %swap3A_1352], %swap3A_1355 {strides = array<i32>} : memref<4x32x768xf32, #tpu.memory_space<vmem>>, vector<1x1x16xf32>,
        %add3A_1356 = arith.addf %get3A_1241, %get3A_717 : vector<16xf32>
        %swap3A_1357 = arith.constant 2 : i32
        %swap3A_1358 = arith.index_cast %swap3A_1357 : i32 to index
        %swap3A_1359 = arith.index_cast %scan3A_1162 : i32 to index
        %swap3A_1360 = arith.constant 192 : index
        %swap3A_1361 = tpu.vector_load %arg7[%swap3A_1358, %swap3A_1359, %swap3A_1360] {strides = array<i32>} : memref<4x32x768xf32, #tpu.memory_space<vmem>>, vector<1x1x16xf32>,
        %swap3A_1362 = vector.shape_cast %swap3A_1361 : vector<1x1x16xf32> to vector<16xf32>
        %swap3A_1363 = vector.shape_cast %add3A_1356 : vector<16xf32> to vector<1x1x16xf32>
        tpu.vector_store %arg7[%swap3A_1358, %swap3A_1359, %swap3A_1360], %swap3A_1363 {strides = array<i32>} : memref<4x32x768xf32, #tpu.memory_space<vmem>>, vector<1x1x16xf32>,
        %add3A_1364 = arith.addf %get3A_1247, %get3A_721 : vector<16xf32>
        %swap3A_1365 = arith.constant 2 : i32
        %swap3A_1366 = arith.index_cast %swap3A_1365 : i32 to index
        %swap3A_1367 = arith.index_cast %scan3A_1162 : i32 to index
        %swap3A_1368 = arith.constant 208 : index
        %swap3A_1369 = tpu.vector_load %arg7[%swap3A_1366, %swap3A_1367, %swap3A_1368] {strides = array<i32>} : memref<4x32x768xf32, #tpu.memory_space<vmem>>, vector<1x1x16xf32>,
        %swap3A_1370 = vector.shape_cast %swap3A_1369 : vector<1x1x16xf32> to vector<16xf32>
        %swap3A_1371 = vector.shape_cast %add3A_1364 : vector<16xf32> to vector<1x1x16xf32>
        tpu.vector_store %arg7[%swap3A_1366, %swap3A_1367, %swap3A_1368], %swap3A_1371 {strides = array<i32>} : memref<4x32x768xf32, #tpu.memory_space<vmem>>, vector<1x1x16xf32>,
        %add3A_1372 = arith.addf %get3A_1253, %get3A_725 : vector<16xf32>
        %swap3A_1373 = arith.constant 2 : i32
        %swap3A_1374 = arith.index_cast %swap3A_1373 : i32 to index
        %swap3A_1375 = arith.index_cast %scan3A_1162 : i32 to index
        %swap3A_1376 = arith.constant 224 : index
        %swap3A_1377 = tpu.vector_load %arg7[%swap3A_1374, %swap3A_1375, %swap3A_1376] {strides = array<i32>} : memref<4x32x768xf32, #tpu.memory_space<vmem>>, vector<1x1x16xf32>,
        %swap3A_1378 = vector.shape_cast %swap3A_1377 : vector<1x1x16xf32> to vector<16xf32>
        %swap3A_1379 = vector.shape_cast %add3A_1372 : vector<16xf32> to vector<1x1x16xf32>
        tpu.vector_store %arg7[%swap3A_1374, %swap3A_1375, %swap3A_1376], %swap3A_1379 {strides = array<i32>} : memref<4x32x768xf32, #tpu.memory_space<vmem>>, vector<1x1x16xf32>,
        %add3A_1380 = arith.addf %get3A_1259, %get3A_729 : vector<16xf32>
        %swap3A_1381 = arith.constant 2 : i32
        %swap3A_1382 = arith.index_cast %swap3A_1381 : i32 to index
        %swap3A_1383 = arith.index_cast %scan3A_1162 : i32 to index
        %swap3A_1384 = arith.constant 240 : index
        %swap3A_1385 = tpu.vector_load %arg7[%swap3A_1382, %swap3A_1383, %swap3A_1384] {strides = array<i32>} : memref<4x32x768xf32, #tpu.memory_space<vmem>>, vector<1x1x16xf32>,
        %swap3A_1386 = vector.shape_cast %swap3A_1385 : vector<1x1x16xf32> to vector<16xf32>
        %swap3A_1387 = vector.shape_cast %add3A_1380 : vector<16xf32> to vector<1x1x16xf32>
        tpu.vector_store %arg7[%swap3A_1382, %swap3A_1383, %swap3A_1384], %swap3A_1387 {strides = array<i32>} : memref<4x32x768xf32, #tpu.memory_space<vmem>>, vector<1x1x16xf32>,
        %scan3A_1388 = arith.constant 0 : i32
        scf.yield %scan3A_1388 : i32
      }
      %scan3A_736 = arith.constant 32 : i32
      %get3A_737 = arith.index_cast %sub3A_665 : i32 to index
      %get3A_738 = arith.constant 256 : index
      %get3A_739 = tpu.vector_load %arg9[%get3A_737, %get3A_738] {strides = array<i32>} : memref<16x768xf32, #tpu.memory_space<vmem>>, vector<1x16xf32>,
      %get3A_740 = vector.shape_cast %get3A_739 : vector<1x16xf32> to vector<16xf32>
      %get3A_741 = arith.index_cast %sub3A_665 : i32 to index
      %get3A_742 = arith.constant 272 : index
      %get3A_743 = tpu.vector_load %arg9[%get3A_741, %get3A_742] {strides = array<i32>} : memref<16x768xf32, #tpu.memory_space<vmem>>, vector<1x16xf32>,
      %get3A_744 = vector.shape_cast %get3A_743 : vector<1x16xf32> to vector<16xf32>
      %get3A_745 = arith.index_cast %sub3A_665 : i32 to index
      %get3A_746 = arith.constant 288 : index
      %get3A_747 = tpu.vector_load %arg9[%get3A_745, %get3A_746] {strides = array<i32>} : memref<16x768xf32, #tpu.memory_space<vmem>>, vector<1x16xf32>,
      %get3A_748 = vector.shape_cast %get3A_747 : vector<1x16xf32> to vector<16xf32>
      %get3A_749 = arith.index_cast %sub3A_665 : i32 to index
      %get3A_750 = arith.constant 304 : index
      %get3A_751 = tpu.vector_load %arg9[%get3A_749, %get3A_750] {strides = array<i32>} : memref<16x768xf32, #tpu.memory_space<vmem>>, vector<1x16xf32>,
      %get3A_752 = vector.shape_cast %get3A_751 : vector<1x16xf32> to vector<16xf32>
      %get3A_753 = arith.index_cast %sub3A_665 : i32 to index
      %get3A_754 = arith.constant 320 : index
      %get3A_755 = tpu.vector_load %arg9[%get3A_753, %get3A_754] {strides = array<i32>} : memref<16x768xf32, #tpu.memory_space<vmem>>, vector<1x16xf32>,
      %get3A_756 = vector.shape_cast %get3A_755 : vector<1x16xf32> to vector<16xf32>
      %get3A_757 = arith.index_cast %sub3A_665 : i32 to index
      %get3A_758 = arith.constant 336 : index
      %get3A_759 = tpu.vector_load %arg9[%get3A_757, %get3A_758] {strides = array<i32>} : memref<16x768xf32, #tpu.memory_space<vmem>>, vector<1x16xf32>,
      %get3A_760 = vector.shape_cast %get3A_759 : vector<1x16xf32> to vector<16xf32>
      %get3A_761 = arith.index_cast %sub3A_665 : i32 to index
      %get3A_762 = arith.constant 352 : index
      %get3A_763 = tpu.vector_load %arg9[%get3A_761, %get3A_762] {strides = array<i32>} : memref<16x768xf32, #tpu.memory_space<vmem>>, vector<1x16xf32>,
      %get3A_764 = vector.shape_cast %get3A_763 : vector<1x16xf32> to vector<16xf32>
      %get3A_765 = arith.index_cast %sub3A_665 : i32 to index
      %get3A_766 = arith.constant 368 : index
      %get3A_767 = tpu.vector_load %arg9[%get3A_765, %get3A_766] {strides = array<i32>} : memref<16x768xf32, #tpu.memory_space<vmem>>, vector<1x16xf32>,
      %get3A_768 = vector.shape_cast %get3A_767 : vector<1x16xf32> to vector<16xf32>
      %get3A_769 = arith.index_cast %sub3A_665 : i32 to index
      %get3A_770 = arith.constant 384 : index
      %get3A_771 = tpu.vector_load %arg9[%get3A_769, %get3A_770] {strides = array<i32>} : memref<16x768xf32, #tpu.memory_space<vmem>>, vector<1x16xf32>,
      %get3A_772 = vector.shape_cast %get3A_771 : vector<1x16xf32> to vector<16xf32>
      %get3A_773 = arith.index_cast %sub3A_665 : i32 to index
      %get3A_774 = arith.constant 400 : index
      %get3A_775 = tpu.vector_load %arg9[%get3A_773, %get3A_774] {strides = array<i32>} : memref<16x768xf32, #tpu.memory_space<vmem>>, vector<1x16xf32>,
      %get3A_776 = vector.shape_cast %get3A_775 : vector<1x16xf32> to vector<16xf32>
      %get3A_777 = arith.index_cast %sub3A_665 : i32 to index
      %get3A_778 = arith.constant 416 : index
      %get3A_779 = tpu.vector_load %arg9[%get3A_777, %get3A_778] {strides = array<i32>} : memref<16x768xf32, #tpu.memory_space<vmem>>, vector<1x16xf32>,
      %get3A_780 = vector.shape_cast %get3A_779 : vector<1x16xf32> to vector<16xf32>
      %get3A_781 = arith.index_cast %sub3A_665 : i32 to index
      %get3A_782 = arith.constant 432 : index
      %get3A_783 = tpu.vector_load %arg9[%get3A_781, %get3A_782] {strides = array<i32>} : memref<16x768xf32, #tpu.memory_space<vmem>>, vector<1x16xf32>,
      %get3A_784 = vector.shape_cast %get3A_783 : vector<1x16xf32> to vector<16xf32>
      %get3A_785 = arith.index_cast %sub3A_665 : i32 to index
      %get3A_786 = arith.constant 448 : index
      %get3A_787 = tpu.vector_load %arg9[%get3A_785, %get3A_786] {strides = array<i32>} : memref<16x768xf32, #tpu.memory_space<vmem>>, vector<1x16xf32>,
      %get3A_788 = vector.shape_cast %get3A_787 : vector<1x16xf32> to vector<16xf32>
      %get3A_789 = arith.index_cast %sub3A_665 : i32 to index
      %get3A_790 = arith.constant 464 : index
      %get3A_791 = tpu.vector_load %arg9[%get3A_789, %get3A_790] {strides = array<i32>} : memref<16x768xf32, #tpu.memory_space<vmem>>, vector<1x16xf32>,
      %get3A_792 = vector.shape_cast %get3A_791 : vector<1x16xf32> to vector<16xf32>
      %get3A_793 = arith.index_cast %sub3A_665 : i32 to index
      %get3A_794 = arith.constant 480 : index
      %get3A_795 = tpu.vector_load %arg9[%get3A_793, %get3A_794] {strides = array<i32>} : memref<16x768xf32, #tpu.memory_space<vmem>>, vector<1x16xf32>,
      %get3A_796 = vector.shape_cast %get3A_795 : vector<1x16xf32> to vector<16xf32>
      %get3A_797 = arith.index_cast %sub3A_665 : i32 to index
      %get3A_798 = arith.constant 496 : index
      %get3A_799 = tpu.vector_load %arg9[%get3A_797, %get3A_798] {strides = array<i32>} : memref<16x768xf32, #tpu.memory_space<vmem>>, vector<1x16xf32>,
      %get3A_800 = vector.shape_cast %get3A_799 : vector<1x16xf32> to vector<16xf32>
      %scan3A_801 = arith.constant 0 : i32
      %scan3A_802 = arith.constant 0 : i32
      %scan3A_803 = arith.constant 32 : i32
      %scan3A_804 = arith.addi %scan3A_802, %scan3A_803 : i32
      %scan3A_805 = arith.constant 1 : i32
      %scan3A_806 = scf.for %scan3A_1162 = %scan3A_802 to %scan3A_804 step %scan3A_805 iter_args(%scan3A_1163 = %scan3A_801) -> (i32)  : i32 {
        %get3A_1164 = arith.constant 2 : i32
        %get3A_1165 = arith.index_cast %get3A_1164 : i32 to index
        %get3A_1166 = arith.index_cast %scan3A_1162 : i32 to index
        %get3A_1167 = arith.constant 256 : index
        %get3A_1168 = tpu.vector_load %arg7[%get3A_1165, %get3A_1166, %get3A_1167] {strides = array<i32>} : memref<4x32x768xf32, #tpu.memory_space<vmem>>, vector<1x1x16xf32>,
        %get3A_1169 = vector.shape_cast %get3A_1168 : vector<1x1x16xf32> to vector<16xf32>
        %get3A_1170 = arith.constant 2 : i32
        %get3A_1171 = arith.index_cast %get3A_1170 : i32 to index
        %get3A_1172 = arith.index_cast %scan3A_1162 : i32 to index
        %get3A_1173 = arith.constant 272 : index
        %get3A_1174 = tpu.vector_load %arg7[%get3A_1171, %get3A_1172, %get3A_1173] {strides = array<i32>} : memref<4x32x768xf32, #tpu.memory_space<vmem>>, vector<1x1x16xf32>,
        %get3A_1175 = vector.shape_cast %get3A_1174 : vector<1x1x16xf32> to vector<16xf32>
        %get3A_1176 = arith.constant 2 : i32
        %get3A_1177 = arith.index_cast %get3A_1176 : i32 to index
        %get3A_1178 = arith.index_cast %scan3A_1162 : i32 to index
        %get3A_1179 = arith.constant 288 : index
        %get3A_1180 = tpu.vector_load %arg7[%get3A_1177, %get3A_1178, %get3A_1179] {strides = array<i32>} : memref<4x32x768xf32, #tpu.memory_space<vmem>>, vector<1x1x16xf32>,
        %get3A_1181 = vector.shape_cast %get3A_1180 : vector<1x1x16xf32> to vector<16xf32>
        %get3A_1182 = arith.constant 2 : i32
        %get3A_1183 = arith.index_cast %get3A_1182 : i32 to index
        %get3A_1184 = arith.index_cast %scan3A_1162 : i32 to index
        %get3A_1185 = arith.constant 304 : index
        %get3A_1186 = tpu.vector_load %arg7[%get3A_1183, %get3A_1184, %get3A_1185] {strides = array<i32>} : memref<4x32x768xf32, #tpu.memory_space<vmem>>, vector<1x1x16xf32>,
        %get3A_1187 = vector.shape_cast %get3A_1186 : vector<1x1x16xf32> to vector<16xf32>
        %get3A_1188 = arith.constant 2 : i32
        %get3A_1189 = arith.index_cast %get3A_1188 : i32 to index
        %get3A_1190 = arith.index_cast %scan3A_1162 : i32 to index
        %get3A_1191 = arith.constant 320 : index
        %get3A_1192 = tpu.vector_load %arg7[%get3A_1189, %get3A_1190, %get3A_1191] {strides = array<i32>} : memref<4x32x768xf32, #tpu.memory_space<vmem>>, vector<1x1x16xf32>,
        %get3A_1193 = vector.shape_cast %get3A_1192 : vector<1x1x16xf32> to vector<16xf32>
        %get3A_1194 = arith.constant 2 : i32
        %get3A_1195 = arith.index_cast %get3A_1194 : i32 to index
        %get3A_1196 = arith.index_cast %scan3A_1162 : i32 to index
        %get3A_1197 = arith.constant 336 : index
        %get3A_1198 = tpu.vector_load %arg7[%get3A_1195, %get3A_1196, %get3A_1197] {strides = array<i32>} : memref<4x32x768xf32, #tpu.memory_space<vmem>>, vector<1x1x16xf32>,
        %get3A_1199 = vector.shape_cast %get3A_1198 : vector<1x1x16xf32> to vector<16xf32>
        %get3A_1200 = arith.constant 2 : i32
        %get3A_1201 = arith.index_cast %get3A_1200 : i32 to index
        %get3A_1202 = arith.index_cast %scan3A_1162 : i32 to index
        %get3A_1203 = arith.constant 352 : index
        %get3A_1204 = tpu.vector_load %arg7[%get3A_1201, %get3A_1202, %get3A_1203] {strides = array<i32>} : memref<4x32x768xf32, #tpu.memory_space<vmem>>, vector<1x1x16xf32>,
        %get3A_1205 = vector.shape_cast %get3A_1204 : vector<1x1x16xf32> to vector<16xf32>
        %get3A_1206 = arith.constant 2 : i32
        %get3A_1207 = arith.index_cast %get3A_1206 : i32 to index
        %get3A_1208 = arith.index_cast %scan3A_1162 : i32 to index
        %get3A_1209 = arith.constant 368 : index
        %get3A_1210 = tpu.vector_load %arg7[%get3A_1207, %get3A_1208, %get3A_1209] {strides = array<i32>} : memref<4x32x768xf32, #tpu.memory_space<vmem>>, vector<1x1x16xf32>,
        %get3A_1211 = vector.shape_cast %get3A_1210 : vector<1x1x16xf32> to vector<16xf32>
        %get3A_1212 = arith.constant 2 : i32
        %get3A_1213 = arith.index_cast %get3A_1212 : i32 to index
        %get3A_1214 = arith.index_cast %scan3A_1162 : i32 to index
        %get3A_1215 = arith.constant 384 : index
        %get3A_1216 = tpu.vector_load %arg7[%get3A_1213, %get3A_1214, %get3A_1215] {strides = array<i32>} : memref<4x32x768xf32, #tpu.memory_space<vmem>>, vector<1x1x16xf32>,
        %get3A_1217 = vector.shape_cast %get3A_1216 : vector<1x1x16xf32> to vector<16xf32>
        %get3A_1218 = arith.constant 2 : i32
        %get3A_1219 = arith.index_cast %get3A_1218 : i32 to index
        %get3A_1220 = arith.index_cast %scan3A_1162 : i32 to index
        %get3A_1221 = arith.constant 400 : index
        %get3A_1222 = tpu.vector_load %arg7[%get3A_1219, %get3A_1220, %get3A_1221] {strides = array<i32>} : memref<4x32x768xf32, #tpu.memory_space<vmem>>, vector<1x1x16xf32>,
        %get3A_1223 = vector.shape_cast %get3A_1222 : vector<1x1x16xf32> to vector<16xf32>
        %get3A_1224 = arith.constant 2 : i32
        %get3A_1225 = arith.index_cast %get3A_1224 : i32 to index
        %get3A_1226 = arith.index_cast %scan3A_1162 : i32 to index
        %get3A_1227 = arith.constant 416 : index
        %get3A_1228 = tpu.vector_load %arg7[%get3A_1225, %get3A_1226, %get3A_1227] {strides = array<i32>} : memref<4x32x768xf32, #tpu.memory_space<vmem>>, vector<1x1x16xf32>,
        %get3A_1229 = vector.shape_cast %get3A_1228 : vector<1x1x16xf32> to vector<16xf32>
        %get3A_1230 = arith.constant 2 : i32
        %get3A_1231 = arith.index_cast %get3A_1230 : i32 to index
        %get3A_1232 = arith.index_cast %scan3A_1162 : i32 to index
        %get3A_1233 = arith.constant 432 : index
        %get3A_1234 = tpu.vector_load %arg7[%get3A_1231, %get3A_1232, %get3A_1233] {strides = array<i32>} : memref<4x32x768xf32, #tpu.memory_space<vmem>>, vector<1x1x16xf32>,
        %get3A_1235 = vector.shape_cast %get3A_1234 : vector<1x1x16xf32> to vector<16xf32>
        %get3A_1236 = arith.constant 2 : i32
        %get3A_1237 = arith.index_cast %get3A_1236 : i32 to index
        %get3A_1238 = arith.index_cast %scan3A_1162 : i32 to index
        %get3A_1239 = arith.constant 448 : index
        %get3A_1240 = tpu.vector_load %arg7[%get3A_1237, %get3A_1238, %get3A_1239] {strides = array<i32>} : memref<4x32x768xf32, #tpu.memory_space<vmem>>, vector<1x1x16xf32>,
        %get3A_1241 = vector.shape_cast %get3A_1240 : vector<1x1x16xf32> to vector<16xf32>
        %get3A_1242 = arith.constant 2 : i32
        %get3A_1243 = arith.index_cast %get3A_1242 : i32 to index
        %get3A_1244 = arith.index_cast %scan3A_1162 : i32 to index
        %get3A_1245 = arith.constant 464 : index
        %get3A_1246 = tpu.vector_load %arg7[%get3A_1243, %get3A_1244, %get3A_1245] {strides = array<i32>} : memref<4x32x768xf32, #tpu.memory_space<vmem>>, vector<1x1x16xf32>,
        %get3A_1247 = vector.shape_cast %get3A_1246 : vector<1x1x16xf32> to vector<16xf32>
        %get3A_1248 = arith.constant 2 : i32
        %get3A_1249 = arith.index_cast %get3A_1248 : i32 to index
        %get3A_1250 = arith.index_cast %scan3A_1162 : i32 to index
        %get3A_1251 = arith.constant 480 : index
        %get3A_1252 = tpu.vector_load %arg7[%get3A_1249, %get3A_1250, %get3A_1251] {strides = array<i32>} : memref<4x32x768xf32, #tpu.memory_space<vmem>>, vector<1x1x16xf32>,
        %get3A_1253 = vector.shape_cast %get3A_1252 : vector<1x1x16xf32> to vector<16xf32>
        %get3A_1254 = arith.constant 2 : i32
        %get3A_1255 = arith.index_cast %get3A_1254 : i32 to index
        %get3A_1256 = arith.index_cast %scan3A_1162 : i32 to index
        %get3A_1257 = arith.constant 496 : index
        %get3A_1258 = tpu.vector_load %arg7[%get3A_1255, %get3A_1256, %get3A_1257] {strides = array<i32>} : memref<4x32x768xf32, #tpu.memory_space<vmem>>, vector<1x1x16xf32>,
        %get3A_1259 = vector.shape_cast %get3A_1258 : vector<1x1x16xf32> to vector<16xf32>
        %add3A_1260 = arith.addf %get3A_1169, %get3A_740 : vector<16xf32>
        %swap3A_1261 = arith.constant 2 : i32
        %swap3A_1262 = arith.index_cast %swap3A_1261 : i32 to index
        %swap3A_1263 = arith.index_cast %scan3A_1162 : i32 to index
        %swap3A_1264 = arith.constant 256 : index
        %swap3A_1265 = tpu.vector_load %arg7[%swap3A_1262, %swap3A_1263, %swap3A_1264] {strides = array<i32>} : memref<4x32x768xf32, #tpu.memory_space<vmem>>, vector<1x1x16xf32>,
        %swap3A_1266 = vector.shape_cast %swap3A_1265 : vector<1x1x16xf32> to vector<16xf32>
        %swap3A_1267 = vector.shape_cast %add3A_1260 : vector<16xf32> to vector<1x1x16xf32>
        tpu.vector_store %arg7[%swap3A_1262, %swap3A_1263, %swap3A_1264], %swap3A_1267 {strides = array<i32>} : memref<4x32x768xf32, #tpu.memory_space<vmem>>, vector<1x1x16xf32>,
        %add3A_1268 = arith.addf %get3A_1175, %get3A_744 : vector<16xf32>
        %swap3A_1269 = arith.constant 2 : i32
        %swap3A_1270 = arith.index_cast %swap3A_1269 : i32 to index
        %swap3A_1271 = arith.index_cast %scan3A_1162 : i32 to index
        %swap3A_1272 = arith.constant 272 : index
        %swap3A_1273 = tpu.vector_load %arg7[%swap3A_1270, %swap3A_1271, %swap3A_1272] {strides = array<i32>} : memref<4x32x768xf32, #tpu.memory_space<vmem>>, vector<1x1x16xf32>,
        %swap3A_1274 = vector.shape_cast %swap3A_1273 : vector<1x1x16xf32> to vector<16xf32>
        %swap3A_1275 = vector.shape_cast %add3A_1268 : vector<16xf32> to vector<1x1x16xf32>
        tpu.vector_store %arg7[%swap3A_1270, %swap3A_1271, %swap3A_1272], %swap3A_1275 {strides = array<i32>} : memref<4x32x768xf32, #tpu.memory_space<vmem>>, vector<1x1x16xf32>,
        %add3A_1276 = arith.addf %get3A_1181, %get3A_748 : vector<16xf32>
        %swap3A_1277 = arith.constant 2 : i32
        %swap3A_1278 = arith.index_cast %swap3A_1277 : i32 to index
        %swap3A_1279 = arith.index_cast %scan3A_1162 : i32 to index
        %swap3A_1280 = arith.constant 288 : index
        %swap3A_1281 = tpu.vector_load %arg7[%swap3A_1278, %swap3A_1279, %swap3A_1280] {strides = array<i32>} : memref<4x32x768xf32, #tpu.memory_space<vmem>>, vector<1x1x16xf32>,
        %swap3A_1282 = vector.shape_cast %swap3A_1281 : vector<1x1x16xf32> to vector<16xf32>
        %swap3A_1283 = vector.shape_cast %add3A_1276 : vector<16xf32> to vector<1x1x16xf32>
        tpu.vector_store %arg7[%swap3A_1278, %swap3A_1279, %swap3A_1280], %swap3A_1283 {strides = array<i32>} : memref<4x32x768xf32, #tpu.memory_space<vmem>>, vector<1x1x16xf32>,
        %add3A_1284 = arith.addf %get3A_1187, %get3A_752 : vector<16xf32>
        %swap3A_1285 = arith.constant 2 : i32
        %swap3A_1286 = arith.index_cast %swap3A_1285 : i32 to index
        %swap3A_1287 = arith.index_cast %scan3A_1162 : i32 to index
        %swap3A_1288 = arith.constant 304 : index
        %swap3A_1289 = tpu.vector_load %arg7[%swap3A_1286, %swap3A_1287, %swap3A_1288] {strides = array<i32>} : memref<4x32x768xf32, #tpu.memory_space<vmem>>, vector<1x1x16xf32>,
        %swap3A_1290 = vector.shape_cast %swap3A_1289 : vector<1x1x16xf32> to vector<16xf32>
        %swap3A_1291 = vector.shape_cast %add3A_1284 : vector<16xf32> to vector<1x1x16xf32>
        tpu.vector_store %arg7[%swap3A_1286, %swap3A_1287, %swap3A_1288], %swap3A_1291 {strides = array<i32>} : memref<4x32x768xf32, #tpu.memory_space<vmem>>, vector<1x1x16xf32>,
        %add3A_1292 = arith.addf %get3A_1193, %get3A_756 : vector<16xf32>
        %swap3A_1293 = arith.constant 2 : i32
        %swap3A_1294 = arith.index_cast %swap3A_1293 : i32 to index
        %swap3A_1295 = arith.index_cast %scan3A_1162 : i32 to index
        %swap3A_1296 = arith.constant 320 : index
        %swap3A_1297 = tpu.vector_load %arg7[%swap3A_1294, %swap3A_1295, %swap3A_1296] {strides = array<i32>} : memref<4x32x768xf32, #tpu.memory_space<vmem>>, vector<1x1x16xf32>,
        %swap3A_1298 = vector.shape_cast %swap3A_1297 : vector<1x1x16xf32> to vector<16xf32>
        %swap3A_1299 = vector.shape_cast %add3A_1292 : vector<16xf32> to vector<1x1x16xf32>
        tpu.vector_store %arg7[%swap3A_1294, %swap3A_1295, %swap3A_1296], %swap3A_1299 {strides = array<i32>} : memref<4x32x768xf32, #tpu.memory_space<vmem>>, vector<1x1x16xf32>,
        %add3A_1300 = arith.addf %get3A_1199, %get3A_760 : vector<16xf32>
        %swap3A_1301 = arith.constant 2 : i32
        %swap3A_1302 = arith.index_cast %swap3A_1301 : i32 to index
        %swap3A_1303 = arith.index_cast %scan3A_1162 : i32 to index
        %swap3A_1304 = arith.constant 336 : index
        %swap3A_1305 = tpu.vector_load %arg7[%swap3A_1302, %swap3A_1303, %swap3A_1304] {strides = array<i32>} : memref<4x32x768xf32, #tpu.memory_space<vmem>>, vector<1x1x16xf32>,
        %swap3A_1306 = vector.shape_cast %swap3A_1305 : vector<1x1x16xf32> to vector<16xf32>
        %swap3A_1307 = vector.shape_cast %add3A_1300 : vector<16xf32> to vector<1x1x16xf32>
        tpu.vector_store %arg7[%swap3A_1302, %swap3A_1303, %swap3A_1304], %swap3A_1307 {strides = array<i32>} : memref<4x32x768xf32, #tpu.memory_space<vmem>>, vector<1x1x16xf32>,
        %add3A_1308 = arith.addf %get3A_1205, %get3A_764 : vector<16xf32>
        %swap3A_1309 = arith.constant 2 : i32
        %swap3A_1310 = arith.index_cast %swap3A_1309 : i32 to index
        %swap3A_1311 = arith.index_cast %scan3A_1162 : i32 to index
        %swap3A_1312 = arith.constant 352 : index
        %swap3A_1313 = tpu.vector_load %arg7[%swap3A_1310, %swap3A_1311, %swap3A_1312] {strides = array<i32>} : memref<4x32x768xf32, #tpu.memory_space<vmem>>, vector<1x1x16xf32>,
        %swap3A_1314 = vector.shape_cast %swap3A_1313 : vector<1x1x16xf32> to vector<16xf32>
        %swap3A_1315 = vector.shape_cast %add3A_1308 : vector<16xf32> to vector<1x1x16xf32>
        tpu.vector_store %arg7[%swap3A_1310, %swap3A_1311, %swap3A_1312], %swap3A_1315 {strides = array<i32>} : memref<4x32x768xf32, #tpu.memory_space<vmem>>, vector<1x1x16xf32>,
        %add3A_1316 = arith.addf %get3A_1211, %get3A_768 : vector<16xf32>
        %swap3A_1317 = arith.constant 2 : i32
        %swap3A_1318 = arith.index_cast %swap3A_1317 : i32 to index
        %swap3A_1319 = arith.index_cast %scan3A_1162 : i32 to index
        %swap3A_1320 = arith.constant 368 : index
        %swap3A_1321 = tpu.vector_load %arg7[%swap3A_1318, %swap3A_1319, %swap3A_1320] {strides = array<i32>} : memref<4x32x768xf32, #tpu.memory_space<vmem>>, vector<1x1x16xf32>,
        %swap3A_1322 = vector.shape_cast %swap3A_1321 : vector<1x1x16xf32> to vector<16xf32>
        %swap3A_1323 = vector.shape_cast %add3A_1316 : vector<16xf32> to vector<1x1x16xf32>
        tpu.vector_store %arg7[%swap3A_1318, %swap3A_1319, %swap3A_1320], %swap3A_1323 {strides = array<i32>} : memref<4x32x768xf32, #tpu.memory_space<vmem>>, vector<1x1x16xf32>,
        %add3A_1324 = arith.addf %get3A_1217, %get3A_772 : vector<16xf32>
        %swap3A_1325 = arith.constant 2 : i32
        %swap3A_1326 = arith.index_cast %swap3A_1325 : i32 to index
        %swap3A_1327 = arith.index_cast %scan3A_1162 : i32 to index
        %swap3A_1328 = arith.constant 384 : index
        %swap3A_1329 = tpu.vector_load %arg7[%swap3A_1326, %swap3A_1327, %swap3A_1328] {strides = array<i32>} : memref<4x32x768xf32, #tpu.memory_space<vmem>>, vector<1x1x16xf32>,
        %swap3A_1330 = vector.shape_cast %swap3A_1329 : vector<1x1x16xf32> to vector<16xf32>
        %swap3A_1331 = vector.shape_cast %add3A_1324 : vector<16xf32> to vector<1x1x16xf32>
        tpu.vector_store %arg7[%swap3A_1326, %swap3A_1327, %swap3A_1328], %swap3A_1331 {strides = array<i32>} : memref<4x32x768xf32, #tpu.memory_space<vmem>>, vector<1x1x16xf32>,
        %add3A_1332 = arith.addf %get3A_1223, %get3A_776 : vector<16xf32>
        %swap3A_1333 = arith.constant 2 : i32
        %swap3A_1334 = arith.index_cast %swap3A_1333 : i32 to index
        %swap3A_1335 = arith.index_cast %scan3A_1162 : i32 to index
        %swap3A_1336 = arith.constant 400 : index
        %swap3A_1337 = tpu.vector_load %arg7[%swap3A_1334, %swap3A_1335, %swap3A_1336] {strides = array<i32>} : memref<4x32x768xf32, #tpu.memory_space<vmem>>, vector<1x1x16xf32>,
        %swap3A_1338 = vector.shape_cast %swap3A_1337 : vector<1x1x16xf32> to vector<16xf32>
        %swap3A_1339 = vector.shape_cast %add3A_1332 : vector<16xf32> to vector<1x1x16xf32>
        tpu.vector_store %arg7[%swap3A_1334, %swap3A_1335, %swap3A_1336], %swap3A_1339 {strides = array<i32>} : memref<4x32x768xf32, #tpu.memory_space<vmem>>, vector<1x1x16xf32>,
        %add3A_1340 = arith.addf %get3A_1229, %get3A_780 : vector<16xf32>
        %swap3A_1341 = arith.constant 2 : i32
        %swap3A_1342 = arith.index_cast %swap3A_1341 : i32 to index
        %swap3A_1343 = arith.index_cast %scan3A_1162 : i32 to index
        %swap3A_1344 = arith.constant 416 : index
        %swap3A_1345 = tpu.vector_load %arg7[%swap3A_1342, %swap3A_1343, %swap3A_1344] {strides = array<i32>} : memref<4x32x768xf32, #tpu.memory_space<vmem>>, vector<1x1x16xf32>,
        %swap3A_1346 = vector.shape_cast %swap3A_1345 : vector<1x1x16xf32> to vector<16xf32>
        %swap3A_1347 = vector.shape_cast %add3A_1340 : vector<16xf32> to vector<1x1x16xf32>
        tpu.vector_store %arg7[%swap3A_1342, %swap3A_1343, %swap3A_1344], %swap3A_1347 {strides = array<i32>} : memref<4x32x768xf32, #tpu.memory_space<vmem>>, vector<1x1x16xf32>,
        %add3A_1348 = arith.addf %get3A_1235, %get3A_784 : vector<16xf32>
        %swap3A_1349 = arith.constant 2 : i32
        %swap3A_1350 = arith.index_cast %swap3A_1349 : i32 to index
        %swap3A_1351 = arith.index_cast %scan3A_1162 : i32 to index
        %swap3A_1352 = arith.constant 432 : index
        %swap3A_1353 = tpu.vector_load %arg7[%swap3A_1350, %swap3A_1351, %swap3A_1352] {strides = array<i32>} : memref<4x32x768xf32, #tpu.memory_space<vmem>>, vector<1x1x16xf32>,
        %swap3A_1354 = vector.shape_cast %swap3A_1353 : vector<1x1x16xf32> to vector<16xf32>
        %swap3A_1355 = vector.shape_cast %add3A_1348 : vector<16xf32> to vector<1x1x16xf32>
        tpu.vector_store %arg7[%swap3A_1350, %swap3A_1351, %swap3A_1352], %swap3A_1355 {strides = array<i32>} : memref<4x32x768xf32, #tpu.memory_space<vmem>>, vector<1x1x16xf32>,
        %add3A_1356 = arith.addf %get3A_1241, %get3A_788 : vector<16xf32>
        %swap3A_1357 = arith.constant 2 : i32
        %swap3A_1358 = arith.index_cast %swap3A_1357 : i32 to index
        %swap3A_1359 = arith.index_cast %scan3A_1162 : i32 to index
        %swap3A_1360 = arith.constant 448 : index
        %swap3A_1361 = tpu.vector_load %arg7[%swap3A_1358, %swap3A_1359, %swap3A_1360] {strides = array<i32>} : memref<4x32x768xf32, #tpu.memory_space<vmem>>, vector<1x1x16xf32>,
        %swap3A_1362 = vector.shape_cast %swap3A_1361 : vector<1x1x16xf32> to vector<16xf32>
        %swap3A_1363 = vector.shape_cast %add3A_1356 : vector<16xf32> to vector<1x1x16xf32>
        tpu.vector_store %arg7[%swap3A_1358, %swap3A_1359, %swap3A_1360], %swap3A_1363 {strides = array<i32>} : memref<4x32x768xf32, #tpu.memory_space<vmem>>, vector<1x1x16xf32>,
        %add3A_1364 = arith.addf %get3A_1247, %get3A_792 : vector<16xf32>
        %swap3A_1365 = arith.constant 2 : i32
        %swap3A_1366 = arith.index_cast %swap3A_1365 : i32 to index
        %swap3A_1367 = arith.index_cast %scan3A_1162 : i32 to index
        %swap3A_1368 = arith.constant 464 : index
        %swap3A_1369 = tpu.vector_load %arg7[%swap3A_1366, %swap3A_1367, %swap3A_1368] {strides = array<i32>} : memref<4x32x768xf32, #tpu.memory_space<vmem>>, vector<1x1x16xf32>,
        %swap3A_1370 = vector.shape_cast %swap3A_1369 : vector<1x1x16xf32> to vector<16xf32>
        %swap3A_1371 = vector.shape_cast %add3A_1364 : vector<16xf32> to vector<1x1x16xf32>
        tpu.vector_store %arg7[%swap3A_1366, %swap3A_1367, %swap3A_1368], %swap3A_1371 {strides = array<i32>} : memref<4x32x768xf32, #tpu.memory_space<vmem>>, vector<1x1x16xf32>,
        %add3A_1372 = arith.addf %get3A_1253, %get3A_796 : vector<16xf32>
        %swap3A_1373 = arith.constant 2 : i32
        %swap3A_1374 = arith.index_cast %swap3A_1373 : i32 to index
        %swap3A_1375 = arith.index_cast %scan3A_1162 : i32 to index
        %swap3A_1376 = arith.constant 480 : index
        %swap3A_1377 = tpu.vector_load %arg7[%swap3A_1374, %swap3A_1375, %swap3A_1376] {strides = array<i32>} : memref<4x32x768xf32, #tpu.memory_space<vmem>>, vector<1x1x16xf32>,
        %swap3A_1378 = vector.shape_cast %swap3A_1377 : vector<1x1x16xf32> to vector<16xf32>
        %swap3A_1379 = vector.shape_cast %add3A_1372 : vector<16xf32> to vector<1x1x16xf32>
        tpu.vector_store %arg7[%swap3A_1374, %swap3A_1375, %swap3A_1376], %swap3A_1379 {strides = array<i32>} : memref<4x32x768xf32, #tpu.memory_space<vmem>>, vector<1x1x16xf32>,
        %add3A_1380 = arith.addf %get3A_1259, %get3A_800 : vector<16xf32>
        %swap3A_1381 = arith.constant 2 : i32
        %swap3A_1382 = arith.index_cast %swap3A_1381 : i32 to index
        %swap3A_1383 = arith.index_cast %scan3A_1162 : i32 to index
        %swap3A_1384 = arith.constant 496 : index
        %swap3A_1385 = tpu.vector_load %arg7[%swap3A_1382, %swap3A_1383, %swap3A_1384] {strides = array<i32>} : memref<4x32x768xf32, #tpu.memory_space<vmem>>, vector<1x1x16xf32>,
        %swap3A_1386 = vector.shape_cast %swap3A_1385 : vector<1x1x16xf32> to vector<16xf32>
        %swap3A_1387 = vector.shape_cast %add3A_1380 : vector<16xf32> to vector<1x1x16xf32>
        tpu.vector_store %arg7[%swap3A_1382, %swap3A_1383, %swap3A_1384], %swap3A_1387 {strides = array<i32>} : memref<4x32x768xf32, #tpu.memory_space<vmem>>, vector<1x1x16xf32>,
        %scan3A_1388 = arith.constant 0 : i32
        scf.yield %scan3A_1388 : i32
      }
      %scan3A_807 = arith.constant 32 : i32
      %get3A_808 = arith.index_cast %sub3A_665 : i32 to index
      %get3A_809 = arith.constant 512 : index
      %get3A_810 = tpu.vector_load %arg9[%get3A_808, %get3A_809] {strides = array<i32>} : memref<16x768xf32, #tpu.memory_space<vmem>>, vector<1x16xf32>,
      %get3A_811 = vector.shape_cast %get3A_810 : vector<1x16xf32> to vector<16xf32>
      %get3A_812 = arith.index_cast %sub3A_665 : i32 to index
      %get3A_813 = arith.constant 528 : index
      %get3A_814 = tpu.vector_load %arg9[%get3A_812, %get3A_813] {strides = array<i32>} : memref<16x768xf32, #tpu.memory_space<vmem>>, vector<1x16xf32>,
      %get3A_815 = vector.shape_cast %get3A_814 : vector<1x16xf32> to vector<16xf32>
      %get3A_816 = arith.index_cast %sub3A_665 : i32 to index
      %get3A_817 = arith.constant 544 : index
      %get3A_818 = tpu.vector_load %arg9[%get3A_816, %get3A_817] {strides = array<i32>} : memref<16x768xf32, #tpu.memory_space<vmem>>, vector<1x16xf32>,
      %get3A_819 = vector.shape_cast %get3A_818 : vector<1x16xf32> to vector<16xf32>
      %get3A_820 = arith.index_cast %sub3A_665 : i32 to index
      %get3A_821 = arith.constant 560 : index
      %get3A_822 = tpu.vector_load %arg9[%get3A_820, %get3A_821] {strides = array<i32>} : memref<16x768xf32, #tpu.memory_space<vmem>>, vector<1x16xf32>,
      %get3A_823 = vector.shape_cast %get3A_822 : vector<1x16xf32> to vector<16xf32>
      %get3A_824 = arith.index_cast %sub3A_665 : i32 to index
      %get3A_825 = arith.constant 576 : index
      %get3A_826 = tpu.vector_load %arg9[%get3A_824, %get3A_825] {strides = array<i32>} : memref<16x768xf32, #tpu.memory_space<vmem>>, vector<1x16xf32>,
      %get3A_827 = vector.shape_cast %get3A_826 : vector<1x16xf32> to vector<16xf32>
      %get3A_828 = arith.index_cast %sub3A_665 : i32 to index
      %get3A_829 = arith.constant 592 : index
      %get3A_830 = tpu.vector_load %arg9[%get3A_828, %get3A_829] {strides = array<i32>} : memref<16x768xf32, #tpu.memory_space<vmem>>, vector<1x16xf32>,
      %get3A_831 = vector.shape_cast %get3A_830 : vector<1x16xf32> to vector<16xf32>
      %get3A_832 = arith.index_cast %sub3A_665 : i32 to index
      %get3A_833 = arith.constant 608 : index
      %get3A_834 = tpu.vector_load %arg9[%get3A_832, %get3A_833] {strides = array<i32>} : memref<16x768xf32, #tpu.memory_space<vmem>>, vector<1x16xf32>,
      %get3A_835 = vector.shape_cast %get3A_834 : vector<1x16xf32> to vector<16xf32>
      %get3A_836 = arith.index_cast %sub3A_665 : i32 to index
      %get3A_837 = arith.constant 624 : index
      %get3A_838 = tpu.vector_load %arg9[%get3A_836, %get3A_837] {strides = array<i32>} : memref<16x768xf32, #tpu.memory_space<vmem>>, vector<1x16xf32>,
      %get3A_839 = vector.shape_cast %get3A_838 : vector<1x16xf32> to vector<16xf32>
      %get3A_840 = arith.index_cast %sub3A_665 : i32 to index
      %get3A_841 = arith.constant 640 : index
      %get3A_842 = tpu.vector_load %arg9[%get3A_840, %get3A_841] {strides = array<i32>} : memref<16x768xf32, #tpu.memory_space<vmem>>, vector<1x16xf32>,
      %get3A_843 = vector.shape_cast %get3A_842 : vector<1x16xf32> to vector<16xf32>
      %get3A_844 = arith.index_cast %sub3A_665 : i32 to index
      %get3A_845 = arith.constant 656 : index
      %get3A_846 = tpu.vector_load %arg9[%get3A_844, %get3A_845] {strides = array<i32>} : memref<16x768xf32, #tpu.memory_space<vmem>>, vector<1x16xf32>,
      %get3A_847 = vector.shape_cast %get3A_846 : vector<1x16xf32> to vector<16xf32>
      %get3A_848 = arith.index_cast %sub3A_665 : i32 to index
      %get3A_849 = arith.constant 672 : index
      %get3A_850 = tpu.vector_load %arg9[%get3A_848, %get3A_849] {strides = array<i32>} : memref<16x768xf32, #tpu.memory_space<vmem>>, vector<1x16xf32>,
      %get3A_851 = vector.shape_cast %get3A_850 : vector<1x16xf32> to vector<16xf32>
      %get3A_852 = arith.index_cast %sub3A_665 : i32 to index
      %get3A_853 = arith.constant 688 : index
      %get3A_854 = tpu.vector_load %arg9[%get3A_852, %get3A_853] {strides = array<i32>} : memref<16x768xf32, #tpu.memory_space<vmem>>, vector<1x16xf32>,
      %get3A_855 = vector.shape_cast %get3A_854 : vector<1x16xf32> to vector<16xf32>
      %get3A_856 = arith.index_cast %sub3A_665 : i32 to index
      %get3A_857 = arith.constant 704 : index
      %get3A_858 = tpu.vector_load %arg9[%get3A_856, %get3A_857] {strides = array<i32>} : memref<16x768xf32, #tpu.memory_space<vmem>>, vector<1x16xf32>,
      %get3A_859 = vector.shape_cast %get3A_858 : vector<1x16xf32> to vector<16xf32>
      %get3A_860 = arith.index_cast %sub3A_665 : i32 to index
      %get3A_861 = arith.constant 720 : index
      %get3A_862 = tpu.vector_load %arg9[%get3A_860, %get3A_861] {strides = array<i32>} : memref<16x768xf32, #tpu.memory_space<vmem>>, vector<1x16xf32>,
      %get3A_863 = vector.shape_cast %get3A_862 : vector<1x16xf32> to vector<16xf32>
      %get3A_864 = arith.index_cast %sub3A_665 : i32 to index
      %get3A_865 = arith.constant 736 : index
      %get3A_866 = tpu.vector_load %arg9[%get3A_864, %get3A_865] {strides = array<i32>} : memref<16x768xf32, #tpu.memory_space<vmem>>, vector<1x16xf32>,
      %get3A_867 = vector.shape_cast %get3A_866 : vector<1x16xf32> to vector<16xf32>
      %get3A_868 = arith.index_cast %sub3A_665 : i32 to index
      %get3A_869 = arith.constant 752 : index
      %get3A_870 = tpu.vector_load %arg9[%get3A_868, %get3A_869] {strides = array<i32>} : memref<16x768xf32, #tpu.memory_space<vmem>>, vector<1x16xf32>,
      %get3A_871 = vector.shape_cast %get3A_870 : vector<1x16xf32> to vector<16xf32>
      %scan3A_872 = arith.constant 0 : i32
      %scan3A_873 = arith.constant 0 : i32
      %scan3A_874 = arith.constant 32 : i32
      %scan3A_875 = arith.addi %scan3A_873, %scan3A_874 : i32
      %scan3A_876 = arith.constant 1 : i32
      %scan3A_877 = scf.for %scan3A_1162 = %scan3A_873 to %scan3A_875 step %scan3A_876 iter_args(%scan3A_1163 = %scan3A_872) -> (i32)  : i32 {
        %get3A_1164 = arith.constant 2 : i32
        %get3A_1165 = arith.index_cast %get3A_1164 : i32 to index
        %get3A_1166 = arith.index_cast %scan3A_1162 : i32 to index
        %get3A_1167 = arith.constant 512 : index
        %get3A_1168 = tpu.vector_load %arg7[%get3A_1165, %get3A_1166, %get3A_1167] {strides = array<i32>} : memref<4x32x768xf32, #tpu.memory_space<vmem>>, vector<1x1x16xf32>,
        %get3A_1169 = vector.shape_cast %get3A_1168 : vector<1x1x16xf32> to vector<16xf32>
        %get3A_1170 = arith.constant 2 : i32
        %get3A_1171 = arith.index_cast %get3A_1170 : i32 to index
        %get3A_1172 = arith.index_cast %scan3A_1162 : i32 to index
        %get3A_1173 = arith.constant 528 : index
        %get3A_1174 = tpu.vector_load %arg7[%get3A_1171, %get3A_1172, %get3A_1173] {strides = array<i32>} : memref<4x32x768xf32, #tpu.memory_space<vmem>>, vector<1x1x16xf32>,
        %get3A_1175 = vector.shape_cast %get3A_1174 : vector<1x1x16xf32> to vector<16xf32>
        %get3A_1176 = arith.constant 2 : i32
        %get3A_1177 = arith.index_cast %get3A_1176 : i32 to index
        %get3A_1178 = arith.index_cast %scan3A_1162 : i32 to index
        %get3A_1179 = arith.constant 544 : index
        %get3A_1180 = tpu.vector_load %arg7[%get3A_1177, %get3A_1178, %get3A_1179] {strides = array<i32>} : memref<4x32x768xf32, #tpu.memory_space<vmem>>, vector<1x1x16xf32>,
        %get3A_1181 = vector.shape_cast %get3A_1180 : vector<1x1x16xf32> to vector<16xf32>
        %get3A_1182 = arith.constant 2 : i32
        %get3A_1183 = arith.index_cast %get3A_1182 : i32 to index
        %get3A_1184 = arith.index_cast %scan3A_1162 : i32 to index
        %get3A_1185 = arith.constant 560 : index
        %get3A_1186 = tpu.vector_load %arg7[%get3A_1183, %get3A_1184, %get3A_1185] {strides = array<i32>} : memref<4x32x768xf32, #tpu.memory_space<vmem>>, vector<1x1x16xf32>,
        %get3A_1187 = vector.shape_cast %get3A_1186 : vector<1x1x16xf32> to vector<16xf32>
        %get3A_1188 = arith.constant 2 : i32
        %get3A_1189 = arith.index_cast %get3A_1188 : i32 to index
        %get3A_1190 = arith.index_cast %scan3A_1162 : i32 to index
        %get3A_1191 = arith.constant 576 : index
        %get3A_1192 = tpu.vector_load %arg7[%get3A_1189, %get3A_1190, %get3A_1191] {strides = array<i32>} : memref<4x32x768xf32, #tpu.memory_space<vmem>>, vector<1x1x16xf32>,
        %get3A_1193 = vector.shape_cast %get3A_1192 : vector<1x1x16xf32> to vector<16xf32>
        %get3A_1194 = arith.constant 2 : i32
        %get3A_1195 = arith.index_cast %get3A_1194 : i32 to index
        %get3A_1196 = arith.index_cast %scan3A_1162 : i32 to index
        %get3A_1197 = arith.constant 592 : index
        %get3A_1198 = tpu.vector_load %arg7[%get3A_1195, %get3A_1196, %get3A_1197] {strides = array<i32>} : memref<4x32x768xf32, #tpu.memory_space<vmem>>, vector<1x1x16xf32>,
        %get3A_1199 = vector.shape_cast %get3A_1198 : vector<1x1x16xf32> to vector<16xf32>
        %get3A_1200 = arith.constant 2 : i32
        %get3A_1201 = arith.index_cast %get3A_1200 : i32 to index
        %get3A_1202 = arith.index_cast %scan3A_1162 : i32 to index
        %get3A_1203 = arith.constant 608 : index
        %get3A_1204 = tpu.vector_load %arg7[%get3A_1201, %get3A_1202, %get3A_1203] {strides = array<i32>} : memref<4x32x768xf32, #tpu.memory_space<vmem>>, vector<1x1x16xf32>,
        %get3A_1205 = vector.shape_cast %get3A_1204 : vector<1x1x16xf32> to vector<16xf32>
        %get3A_1206 = arith.constant 2 : i32
        %get3A_1207 = arith.index_cast %get3A_1206 : i32 to index
        %get3A_1208 = arith.index_cast %scan3A_1162 : i32 to index
        %get3A_1209 = arith.constant 624 : index
        %get3A_1210 = tpu.vector_load %arg7[%get3A_1207, %get3A_1208, %get3A_1209] {strides = array<i32>} : memref<4x32x768xf32, #tpu.memory_space<vmem>>, vector<1x1x16xf32>,
        %get3A_1211 = vector.shape_cast %get3A_1210 : vector<1x1x16xf32> to vector<16xf32>
        %get3A_1212 = arith.constant 2 : i32
        %get3A_1213 = arith.index_cast %get3A_1212 : i32 to index
        %get3A_1214 = arith.index_cast %scan3A_1162 : i32 to index
        %get3A_1215 = arith.constant 640 : index
        %get3A_1216 = tpu.vector_load %arg7[%get3A_1213, %get3A_1214, %get3A_1215] {strides = array<i32>} : memref<4x32x768xf32, #tpu.memory_space<vmem>>, vector<1x1x16xf32>,
        %get3A_1217 = vector.shape_cast %get3A_1216 : vector<1x1x16xf32> to vector<16xf32>
        %get3A_1218 = arith.constant 2 : i32
        %get3A_1219 = arith.index_cast %get3A_1218 : i32 to index
        %get3A_1220 = arith.index_cast %scan3A_1162 : i32 to index
        %get3A_1221 = arith.constant 656 : index
        %get3A_1222 = tpu.vector_load %arg7[%get3A_1219, %get3A_1220, %get3A_1221] {strides = array<i32>} : memref<4x32x768xf32, #tpu.memory_space<vmem>>, vector<1x1x16xf32>,
        %get3A_1223 = vector.shape_cast %get3A_1222 : vector<1x1x16xf32> to vector<16xf32>
        %get3A_1224 = arith.constant 2 : i32
        %get3A_1225 = arith.index_cast %get3A_1224 : i32 to index
        %get3A_1226 = arith.index_cast %scan3A_1162 : i32 to index
        %get3A_1227 = arith.constant 672 : index
        %get3A_1228 = tpu.vector_load %arg7[%get3A_1225, %get3A_1226, %get3A_1227] {strides = array<i32>} : memref<4x32x768xf32, #tpu.memory_space<vmem>>, vector<1x1x16xf32>,
        %get3A_1229 = vector.shape_cast %get3A_1228 : vector<1x1x16xf32> to vector<16xf32>
        %get3A_1230 = arith.constant 2 : i32
        %get3A_1231 = arith.index_cast %get3A_1230 : i32 to index
        %get3A_1232 = arith.index_cast %scan3A_1162 : i32 to index
        %get3A_1233 = arith.constant 688 : index
        %get3A_1234 = tpu.vector_load %arg7[%get3A_1231, %get3A_1232, %get3A_1233] {strides = array<i32>} : memref<4x32x768xf32, #tpu.memory_space<vmem>>, vector<1x1x16xf32>,
        %get3A_1235 = vector.shape_cast %get3A_1234 : vector<1x1x16xf32> to vector<16xf32>
        %get3A_1236 = arith.constant 2 : i32
        %get3A_1237 = arith.index_cast %get3A_1236 : i32 to index
        %get3A_1238 = arith.index_cast %scan3A_1162 : i32 to index
        %get3A_1239 = arith.constant 704 : index
        %get3A_1240 = tpu.vector_load %arg7[%get3A_1237, %get3A_1238, %get3A_1239] {strides = array<i32>} : memref<4x32x768xf32, #tpu.memory_space<vmem>>, vector<1x1x16xf32>,
        %get3A_1241 = vector.shape_cast %get3A_1240 : vector<1x1x16xf32> to vector<16xf32>
        %get3A_1242 = arith.constant 2 : i32
        %get3A_1243 = arith.index_cast %get3A_1242 : i32 to index
        %get3A_1244 = arith.index_cast %scan3A_1162 : i32 to index
        %get3A_1245 = arith.constant 720 : index
        %get3A_1246 = tpu.vector_load %arg7[%get3A_1243, %get3A_1244, %get3A_1245] {strides = array<i32>} : memref<4x32x768xf32, #tpu.memory_space<vmem>>, vector<1x1x16xf32>,
        %get3A_1247 = vector.shape_cast %get3A_1246 : vector<1x1x16xf32> to vector<16xf32>
        %get3A_1248 = arith.constant 2 : i32
        %get3A_1249 = arith.index_cast %get3A_1248 : i32 to index
        %get3A_1250 = arith.index_cast %scan3A_1162 : i32 to index
        %get3A_1251 = arith.constant 736 : index
        %get3A_1252 = tpu.vector_load %arg7[%get3A_1249, %get3A_1250, %get3A_1251] {strides = array<i32>} : memref<4x32x768xf32, #tpu.memory_space<vmem>>, vector<1x1x16xf32>,
        %get3A_1253 = vector.shape_cast %get3A_1252 : vector<1x1x16xf32> to vector<16xf32>
        %get3A_1254 = arith.constant 2 : i32
        %get3A_1255 = arith.index_cast %get3A_1254 : i32 to index
        %get3A_1256 = arith.index_cast %scan3A_1162 : i32 to index
        %get3A_1257 = arith.constant 752 : index
        %get3A_1258 = tpu.vector_load %arg7[%get3A_1255, %get3A_1256, %get3A_1257] {strides = array<i32>} : memref<4x32x768xf32, #tpu.memory_space<vmem>>, vector<1x1x16xf32>,
        %get3A_1259 = vector.shape_cast %get3A_1258 : vector<1x1x16xf32> to vector<16xf32>
        %add3A_1260 = arith.addf %get3A_1169, %get3A_811 : vector<16xf32>
        %swap3A_1261 = arith.constant 2 : i32
        %swap3A_1262 = arith.index_cast %swap3A_1261 : i32 to index
        %swap3A_1263 = arith.index_cast %scan3A_1162 : i32 to index
        %swap3A_1264 = arith.constant 512 : index
        %swap3A_1265 = tpu.vector_load %arg7[%swap3A_1262, %swap3A_1263, %swap3A_1264] {strides = array<i32>} : memref<4x32x768xf32, #tpu.memory_space<vmem>>, vector<1x1x16xf32>,
        %swap3A_1266 = vector.shape_cast %swap3A_1265 : vector<1x1x16xf32> to vector<16xf32>
        %swap3A_1267 = vector.shape_cast %add3A_1260 : vector<16xf32> to vector<1x1x16xf32>
        tpu.vector_store %arg7[%swap3A_1262, %swap3A_1263, %swap3A_1264], %swap3A_1267 {strides = array<i32>} : memref<4x32x768xf32, #tpu.memory_space<vmem>>, vector<1x1x16xf32>,
        %add3A_1268 = arith.addf %get3A_1175, %get3A_815 : vector<16xf32>
        %swap3A_1269 = arith.constant 2 : i32
        %swap3A_1270 = arith.index_cast %swap3A_1269 : i32 to index
        %swap3A_1271 = arith.index_cast %scan3A_1162 : i32 to index
        %swap3A_1272 = arith.constant 528 : index
        %swap3A_1273 = tpu.vector_load %arg7[%swap3A_1270, %swap3A_1271, %swap3A_1272] {strides = array<i32>} : memref<4x32x768xf32, #tpu.memory_space<vmem>>, vector<1x1x16xf32>,
        %swap3A_1274 = vector.shape_cast %swap3A_1273 : vector<1x1x16xf32> to vector<16xf32>
        %swap3A_1275 = vector.shape_cast %add3A_1268 : vector<16xf32> to vector<1x1x16xf32>
        tpu.vector_store %arg7[%swap3A_1270, %swap3A_1271, %swap3A_1272], %swap3A_1275 {strides = array<i32>} : memref<4x32x768xf32, #tpu.memory_space<vmem>>, vector<1x1x16xf32>,
        %add3A_1276 = arith.addf %get3A_1181, %get3A_819 : vector<16xf32>
        %swap3A_1277 = arith.constant 2 : i32
        %swap3A_1278 = arith.index_cast %swap3A_1277 : i32 to index
        %swap3A_1279 = arith.index_cast %scan3A_1162 : i32 to index
        %swap3A_1280 = arith.constant 544 : index
        %swap3A_1281 = tpu.vector_load %arg7[%swap3A_1278, %swap3A_1279, %swap3A_1280] {strides = array<i32>} : memref<4x32x768xf32, #tpu.memory_space<vmem>>, vector<1x1x16xf32>,
        %swap3A_1282 = vector.shape_cast %swap3A_1281 : vector<1x1x16xf32> to vector<16xf32>
        %swap3A_1283 = vector.shape_cast %add3A_1276 : vector<16xf32> to vector<1x1x16xf32>
        tpu.vector_store %arg7[%swap3A_1278, %swap3A_1279, %swap3A_1280], %swap3A_1283 {strides = array<i32>} : memref<4x32x768xf32, #tpu.memory_space<vmem>>, vector<1x1x16xf32>,
        %add3A_1284 = arith.addf %get3A_1187, %get3A_823 : vector<16xf32>
        %swap3A_1285 = arith.constant 2 : i32
        %swap3A_1286 = arith.index_cast %swap3A_1285 : i32 to index
        %swap3A_1287 = arith.index_cast %scan3A_1162 : i32 to index
        %swap3A_1288 = arith.constant 560 : index
        %swap3A_1289 = tpu.vector_load %arg7[%swap3A_1286, %swap3A_1287, %swap3A_1288] {strides = array<i32>} : memref<4x32x768xf32, #tpu.memory_space<vmem>>, vector<1x1x16xf32>,
        %swap3A_1290 = vector.shape_cast %swap3A_1289 : vector<1x1x16xf32> to vector<16xf32>
        %swap3A_1291 = vector.shape_cast %add3A_1284 : vector<16xf32> to vector<1x1x16xf32>
        tpu.vector_store %arg7[%swap3A_1286, %swap3A_1287, %swap3A_1288], %swap3A_1291 {strides = array<i32>} : memref<4x32x768xf32, #tpu.memory_space<vmem>>, vector<1x1x16xf32>,
        %add3A_1292 = arith.addf %get3A_1193, %get3A_827 : vector<16xf32>
        %swap3A_1293 = arith.constant 2 : i32
        %swap3A_1294 = arith.index_cast %swap3A_1293 : i32 to index
        %swap3A_1295 = arith.index_cast %scan3A_1162 : i32 to index
        %swap3A_1296 = arith.constant 576 : index
        %swap3A_1297 = tpu.vector_load %arg7[%swap3A_1294, %swap3A_1295, %swap3A_1296] {strides = array<i32>} : memref<4x32x768xf32, #tpu.memory_space<vmem>>, vector<1x1x16xf32>,
        %swap3A_1298 = vector.shape_cast %swap3A_1297 : vector<1x1x16xf32> to vector<16xf32>
        %swap3A_1299 = vector.shape_cast %add3A_1292 : vector<16xf32> to vector<1x1x16xf32>
        tpu.vector_store %arg7[%swap3A_1294, %swap3A_1295, %swap3A_1296], %swap3A_1299 {strides = array<i32>} : memref<4x32x768xf32, #tpu.memory_space<vmem>>, vector<1x1x16xf32>,
        %add3A_1300 = arith.addf %get3A_1199, %get3A_831 : vector<16xf32>
        %swap3A_1301 = arith.constant 2 : i32
        %swap3A_1302 = arith.index_cast %swap3A_1301 : i32 to index
        %swap3A_1303 = arith.index_cast %scan3A_1162 : i32 to index
        %swap3A_1304 = arith.constant 592 : index
        %swap3A_1305 = tpu.vector_load %arg7[%swap3A_1302, %swap3A_1303, %swap3A_1304] {strides = array<i32>} : memref<4x32x768xf32, #tpu.memory_space<vmem>>, vector<1x1x16xf32>,
        %swap3A_1306 = vector.shape_cast %swap3A_1305 : vector<1x1x16xf32> to vector<16xf32>
        %swap3A_1307 = vector.shape_cast %add3A_1300 : vector<16xf32> to vector<1x1x16xf32>
        tpu.vector_store %arg7[%swap3A_1302, %swap3A_1303, %swap3A_1304], %swap3A_1307 {strides = array<i32>} : memref<4x32x768xf32, #tpu.memory_space<vmem>>, vector<1x1x16xf32>,
        %add3A_1308 = arith.addf %get3A_1205, %get3A_835 : vector<16xf32>
        %swap3A_1309 = arith.constant 2 : i32
        %swap3A_1310 = arith.index_cast %swap3A_1309 : i32 to index
        %swap3A_1311 = arith.index_cast %scan3A_1162 : i32 to index
        %swap3A_1312 = arith.constant 608 : index
        %swap3A_1313 = tpu.vector_load %arg7[%swap3A_1310, %swap3A_1311, %swap3A_1312] {strides = array<i32>} : memref<4x32x768xf32, #tpu.memory_space<vmem>>, vector<1x1x16xf32>,
        %swap3A_1314 = vector.shape_cast %swap3A_1313 : vector<1x1x16xf32> to vector<16xf32>
        %swap3A_1315 = vector.shape_cast %add3A_1308 : vector<16xf32> to vector<1x1x16xf32>
        tpu.vector_store %arg7[%swap3A_1310, %swap3A_1311, %swap3A_1312], %swap3A_1315 {strides = array<i32>} : memref<4x32x768xf32, #tpu.memory_space<vmem>>, vector<1x1x16xf32>,
        %add3A_1316 = arith.addf %get3A_1211, %get3A_839 : vector<16xf32>
        %swap3A_1317 = arith.constant 2 : i32
        %swap3A_1318 = arith.index_cast %swap3A_1317 : i32 to index
        %swap3A_1319 = arith.index_cast %scan3A_1162 : i32 to index
        %swap3A_1320 = arith.constant 624 : index
        %swap3A_1321 = tpu.vector_load %arg7[%swap3A_1318, %swap3A_1319, %swap3A_1320] {strides = array<i32>} : memref<4x32x768xf32, #tpu.memory_space<vmem>>, vector<1x1x16xf32>,
        %swap3A_1322 = vector.shape_cast %swap3A_1321 : vector<1x1x16xf32> to vector<16xf32>
        %swap3A_1323 = vector.shape_cast %add3A_1316 : vector<16xf32> to vector<1x1x16xf32>
        tpu.vector_store %arg7[%swap3A_1318, %swap3A_1319, %swap3A_1320], %swap3A_1323 {strides = array<i32>} : memref<4x32x768xf32, #tpu.memory_space<vmem>>, vector<1x1x16xf32>,
        %add3A_1324 = arith.addf %get3A_1217, %get3A_843 : vector<16xf32>
        %swap3A_1325 = arith.constant 2 : i32
        %swap3A_1326 = arith.index_cast %swap3A_1325 : i32 to index
        %swap3A_1327 = arith.index_cast %scan3A_1162 : i32 to index
        %swap3A_1328 = arith.constant 640 : index
        %swap3A_1329 = tpu.vector_load %arg7[%swap3A_1326, %swap3A_1327, %swap3A_1328] {strides = array<i32>} : memref<4x32x768xf32, #tpu.memory_space<vmem>>, vector<1x1x16xf32>,
        %swap3A_1330 = vector.shape_cast %swap3A_1329 : vector<1x1x16xf32> to vector<16xf32>
        %swap3A_1331 = vector.shape_cast %add3A_1324 : vector<16xf32> to vector<1x1x16xf32>
        tpu.vector_store %arg7[%swap3A_1326, %swap3A_1327, %swap3A_1328], %swap3A_1331 {strides = array<i32>} : memref<4x32x768xf32, #tpu.memory_space<vmem>>, vector<1x1x16xf32>,
        %add3A_1332 = arith.addf %get3A_1223, %get3A_847 : vector<16xf32>
        %swap3A_1333 = arith.constant 2 : i32
        %swap3A_1334 = arith.index_cast %swap3A_1333 : i32 to index
        %swap3A_1335 = arith.index_cast %scan3A_1162 : i32 to index
        %swap3A_1336 = arith.constant 656 : index
        %swap3A_1337 = tpu.vector_load %arg7[%swap3A_1334, %swap3A_1335, %swap3A_1336] {strides = array<i32>} : memref<4x32x768xf32, #tpu.memory_space<vmem>>, vector<1x1x16xf32>,
        %swap3A_1338 = vector.shape_cast %swap3A_1337 : vector<1x1x16xf32> to vector<16xf32>
        %swap3A_1339 = vector.shape_cast %add3A_1332 : vector<16xf32> to vector<1x1x16xf32>
        tpu.vector_store %arg7[%swap3A_1334, %swap3A_1335, %swap3A_1336], %swap3A_1339 {strides = array<i32>} : memref<4x32x768xf32, #tpu.memory_space<vmem>>, vector<1x1x16xf32>,
        %add3A_1340 = arith.addf %get3A_1229, %get3A_851 : vector<16xf32>
        %swap3A_1341 = arith.constant 2 : i32
        %swap3A_1342 = arith.index_cast %swap3A_1341 : i32 to index
        %swap3A_1343 = arith.index_cast %scan3A_1162 : i32 to index
        %swap3A_1344 = arith.constant 672 : index
        %swap3A_1345 = tpu.vector_load %arg7[%swap3A_1342, %swap3A_1343, %swap3A_1344] {strides = array<i32>} : memref<4x32x768xf32, #tpu.memory_space<vmem>>, vector<1x1x16xf32>,
        %swap3A_1346 = vector.shape_cast %swap3A_1345 : vector<1x1x16xf32> to vector<16xf32>
        %swap3A_1347 = vector.shape_cast %add3A_1340 : vector<16xf32> to vector<1x1x16xf32>
        tpu.vector_store %arg7[%swap3A_1342, %swap3A_1343, %swap3A_1344], %swap3A_1347 {strides = array<i32>} : memref<4x32x768xf32, #tpu.memory_space<vmem>>, vector<1x1x16xf32>,
        %add3A_1348 = arith.addf %get3A_1235, %get3A_855 : vector<16xf32>
        %swap3A_1349 = arith.constant 2 : i32
        %swap3A_1350 = arith.index_cast %swap3A_1349 : i32 to index
        %swap3A_1351 = arith.index_cast %scan3A_1162 : i32 to index
        %swap3A_1352 = arith.constant 688 : index
        %swap3A_1353 = tpu.vector_load %arg7[%swap3A_1350, %swap3A_1351, %swap3A_1352] {strides = array<i32>} : memref<4x32x768xf32, #tpu.memory_space<vmem>>, vector<1x1x16xf32>,
        %swap3A_1354 = vector.shape_cast %swap3A_1353 : vector<1x1x16xf32> to vector<16xf32>
        %swap3A_1355 = vector.shape_cast %add3A_1348 : vector<16xf32> to vector<1x1x16xf32>
        tpu.vector_store %arg7[%swap3A_1350, %swap3A_1351, %swap3A_1352], %swap3A_1355 {strides = array<i32>} : memref<4x32x768xf32, #tpu.memory_space<vmem>>, vector<1x1x16xf32>,
        %add3A_1356 = arith.addf %get3A_1241, %get3A_859 : vector<16xf32>
        %swap3A_1357 = arith.constant 2 : i32
        %swap3A_1358 = arith.index_cast %swap3A_1357 : i32 to index
        %swap3A_1359 = arith.index_cast %scan3A_1162 : i32 to index
        %swap3A_1360 = arith.constant 704 : index
        %swap3A_1361 = tpu.vector_load %arg7[%swap3A_1358, %swap3A_1359, %swap3A_1360] {strides = array<i32>} : memref<4x32x768xf32, #tpu.memory_space<vmem>>, vector<1x1x16xf32>,
        %swap3A_1362 = vector.shape_cast %swap3A_1361 : vector<1x1x16xf32> to vector<16xf32>
        %swap3A_1363 = vector.shape_cast %add3A_1356 : vector<16xf32> to vector<1x1x16xf32>
        tpu.vector_store %arg7[%swap3A_1358, %swap3A_1359, %swap3A_1360], %swap3A_1363 {strides = array<i32>} : memref<4x32x768xf32, #tpu.memory_space<vmem>>, vector<1x1x16xf32>,
        %add3A_1364 = arith.addf %get3A_1247, %get3A_863 : vector<16xf32>
        %swap3A_1365 = arith.constant 2 : i32
        %swap3A_1366 = arith.index_cast %swap3A_1365 : i32 to index
        %swap3A_1367 = arith.index_cast %scan3A_1162 : i32 to index
        %swap3A_1368 = arith.constant 720 : index
        %swap3A_1369 = tpu.vector_load %arg7[%swap3A_1366, %swap3A_1367, %swap3A_1368] {strides = array<i32>} : memref<4x32x768xf32, #tpu.memory_space<vmem>>, vector<1x1x16xf32>,
        %swap3A_1370 = vector.shape_cast %swap3A_1369 : vector<1x1x16xf32> to vector<16xf32>
        %swap3A_1371 = vector.shape_cast %add3A_1364 : vector<16xf32> to vector<1x1x16xf32>
        tpu.vector_store %arg7[%swap3A_1366, %swap3A_1367, %swap3A_1368], %swap3A_1371 {strides = array<i32>} : memref<4x32x768xf32, #tpu.memory_space<vmem>>, vector<1x1x16xf32>,
        %add3A_1372 = arith.addf %get3A_1253, %get3A_867 : vector<16xf32>
        %swap3A_1373 = arith.constant 2 : i32
        %swap3A_1374 = arith.index_cast %swap3A_1373 : i32 to index
        %swap3A_1375 = arith.index_cast %scan3A_1162 : i32 to index
        %swap3A_1376 = arith.constant 736 : index
        %swap3A_1377 = tpu.vector_load %arg7[%swap3A_1374, %swap3A_1375, %swap3A_1376] {strides = array<i32>} : memref<4x32x768xf32, #tpu.memory_space<vmem>>, vector<1x1x16xf32>,
        %swap3A_1378 = vector.shape_cast %swap3A_1377 : vector<1x1x16xf32> to vector<16xf32>
        %swap3A_1379 = vector.shape_cast %add3A_1372 : vector<16xf32> to vector<1x1x16xf32>
        tpu.vector_store %arg7[%swap3A_1374, %swap3A_1375, %swap3A_1376], %swap3A_1379 {strides = array<i32>} : memref<4x32x768xf32, #tpu.memory_space<vmem>>, vector<1x1x16xf32>,
        %add3A_1380 = arith.addf %get3A_1259, %get3A_871 : vector<16xf32>
        %swap3A_1381 = arith.constant 2 : i32
        %swap3A_1382 = arith.index_cast %swap3A_1381 : i32 to index
        %swap3A_1383 = arith.index_cast %scan3A_1162 : i32 to index
        %swap3A_1384 = arith.constant 752 : index
        %swap3A_1385 = tpu.vector_load %arg7[%swap3A_1382, %swap3A_1383, %swap3A_1384] {strides = array<i32>} : memref<4x32x768xf32, #tpu.memory_space<vmem>>, vector<1x1x16xf32>,
        %swap3A_1386 = vector.shape_cast %swap3A_1385 : vector<1x1x16xf32> to vector<16xf32>
        %swap3A_1387 = vector.shape_cast %add3A_1380 : vector<16xf32> to vector<1x1x16xf32>
        tpu.vector_store %arg7[%swap3A_1382, %swap3A_1383, %swap3A_1384], %swap3A_1387 {strides = array<i32>} : memref<4x32x768xf32, #tpu.memory_space<vmem>>, vector<1x1x16xf32>,
        %scan3A_1388 = arith.constant 0 : i32
        scf.yield %scan3A_1388 : i32
      }
      %scan3A_878 = arith.constant 32 : i32
      %mul3A_879 = arith.constant 32 : i32
      %mul3A_880 = arith.muli %add3A_638, %mul3A_879 : i32
      %add3A_881 = arith.addi %mul3A_2, %mul3A_880 : i32
      %dma_start3A_882 = arith.constant 2 : i32
      %dma_start3A_883 = arith.constant 2 : i32
      %dma_start3A_884 = arith.constant 0 : i32
      %dma_start3A_885 = arith.constant 0 : i32
      %dma_start3A_886 = tpu.memref_slice %arg7[%dma_start3A_882, %dma_start3A_884, %dma_start3A_885] : memref<4x32x768xf32, #tpu.memory_space<vmem>> -> memref<1x32x768xf32, #tpu.memory_space<vmem>>
      %dma_start3A_887 = tpu.memref_squeeze %dma_start3A_886 : memref<1x32x768xf32, #tpu.memory_space<vmem>> -> memref<32x768xf32, #tpu.memory_space<vmem>>
      %dma_start3A_888 = arith.constant 0 : i32
      %dma_start3A_889 = tpu.memref_slice %arg5[%add3A_881, %dma_start3A_888] : memref<315392x768xf32, #tpu.memory_space<hbm>> -> memref<32x768xf32, #tpu.memory_space<hbm>>
      %dma_start3A_890 = tpu.memref_slice %arg11[%dma_start3A_883] : memref<4x!tpu.dma_semaphore, #tpu.memory_space<semaphore_mem>> -> memref<1x!tpu.dma_semaphore, #tpu.memory_space<semaphore_mem>>
      %dma_start3A_891 = tpu.memref_squeeze %dma_start3A_890 : memref<1x!tpu.dma_semaphore, #tpu.memory_space<semaphore_mem>> -> memref<!tpu.dma_semaphore, #tpu.memory_space<semaphore_mem>>
      %dma_start3A_892 = arith.constant 0 : i32
      %dma_start3A_893 = tpu.memref_slice %arg5[%add3A_881, %dma_start3A_892] : memref<315392x768xf32, #tpu.memory_space<hbm>> -> memref<32x768xf32, #tpu.memory_space<hbm>>
      %dma_start3A_894 = arith.constant 0 : i32
      %dma_start3A_895 = arith.constant 0 : i32
      %dma_start3A_896 = tpu.memref_slice %arg7[%dma_start3A_882, %dma_start3A_894, %dma_start3A_895] : memref<4x32x768xf32, #tpu.memory_space<vmem>> -> memref<1x32x768xf32, #tpu.memory_space<vmem>>
      %dma_start3A_897 = tpu.memref_squeeze %dma_start3A_896 : memref<1x32x768xf32, #tpu.memory_space<vmem>> -> memref<32x768xf32, #tpu.memory_space<vmem>>
      tpu.enqueue_dma source(%dma_start3A_897 : memref<32x768xf32, #tpu.memory_space<vmem>>) target(%dma_start3A_893 : memref<32x768xf32, #tpu.memory_space<hbm>>) target_semaphore(%dma_start3A_891 : memref<!tpu.dma_semaphore, #tpu.memory_space<semaphore_mem>>)
      %mul3A_898 = arith.constant 4 : i32
      %mul3A_899 = arith.muli %scan3A_112, %mul3A_898 : i32
      %add3A_900 = arith.constant 3 : i32
      %add3A_901 = arith.addi %mul3A_899, %add3A_900 : i32
      %add3A_902 = arith.constant 1 : i32
      %add3A_903 = arith.addi %add3A_901, %add3A_902 : i32
      %lt3A_904 = arith.constant 308 : i32
      %lt3A_905 = arith.cmpi slt, %add3A_903, %lt3A_904 : i32
      %convert_element_type3A_906 = arith.extui %lt3A_905 : i1 to i32
      %cond3A_907 = arith.constant 0 : i32
      %cond3A_908 = arith.cmpi ne, %convert_element_type3A_906, %cond3A_907 : i32
      scf.if %cond3A_908 {
        %add3A_1162 = arith.constant 1 : i32
        %add3A_1163 = arith.addi %add3A_901, %add3A_1162 : i32
        %ge3A = arith.constant 4 : i32
        %ge3A_1164 = arith.cmpi sge, %add3A_1163, %ge3A : i32
        %convert_element_type3A_1165 = arith.extui %ge3A_1164 : i1 to i32
        %cond3A_1166 = arith.constant 0 : i32
        %cond3A_1167 = arith.cmpi ne, %convert_element_type3A_1165, %cond3A_1166 : i32
        scf.if %cond3A_1167 {
          %add3A_1184 = arith.constant 1 : i32
          %add3A_1185 = arith.addi %add3A_901, %add3A_1184 : i32
          %sub3A_1186 = arith.constant 4 : i32
          %sub3A_1187 = arith.subi %add3A_1185, %sub3A_1186 : i32
          %mul3A_1188 = arith.constant 32 : i32
          %mul3A_1189 = arith.muli %sub3A_1187, %mul3A_1188 : i32
          %add3A_1190 = arith.addi %mul3A_2, %mul3A_1189 : i32
          %dma_wait3A_1191 = arith.constant 0 : i32
          %dma_wait3A_1192 = arith.constant 0 : i32
          %dma_wait3A_1193 = arith.constant 0 : i32
          %dma_wait3A_1194 = arith.constant 0 : i32
          %dma_wait3A_1195 = tpu.memref_slice %arg7[%dma_wait3A_1191, %dma_wait3A_1193, %dma_wait3A_1194] : memref<4x32x768xf32, #tpu.memory_space<vmem>> -> memref<1x32x768xf32, #tpu.memory_space<vmem>>
          %dma_wait3A_1196 = tpu.memref_squeeze %dma_wait3A_1195 : memref<1x32x768xf32, #tpu.memory_space<vmem>> -> memref<32x768xf32, #tpu.memory_space<vmem>>
          %dma_wait3A_1197 = arith.constant 0 : i32
          %dma_wait3A_1198 = tpu.memref_slice %arg5[%add3A_1190, %dma_wait3A_1197] : memref<315392x768xf32, #tpu.memory_space<hbm>> -> memref<32x768xf32, #tpu.memory_space<hbm>>
          %dma_wait3A_1199 = tpu.memref_slice %arg11[%dma_wait3A_1192] : memref<4x!tpu.dma_semaphore, #tpu.memory_space<semaphore_mem>> -> memref<1x!tpu.dma_semaphore, #tpu.memory_space<semaphore_mem>>
          %dma_wait3A_1200 = tpu.memref_squeeze %dma_wait3A_1199 : memref<1x!tpu.dma_semaphore, #tpu.memory_space<semaphore_mem>> -> memref<!tpu.dma_semaphore, #tpu.memory_space<semaphore_mem>>
          %dma_wait3A_1201 = arith.constant 0 : i32
          %dma_wait3A_1202 = tpu.memref_slice %arg5[%add3A_1190, %dma_wait3A_1201] : memref<315392x768xf32, #tpu.memory_space<hbm>> -> memref<32x768xf32, #tpu.memory_space<hbm>>
          %dma_wait3A_1203 = arith.constant 0 : i32
          %dma_wait3A_1204 = arith.constant 0 : i32
          %dma_wait3A_1205 = tpu.memref_slice %arg7[%dma_wait3A_1191, %dma_wait3A_1203, %dma_wait3A_1204] : memref<4x32x768xf32, #tpu.memory_space<vmem>> -> memref<1x32x768xf32, #tpu.memory_space<vmem>>
          %dma_wait3A_1206 = tpu.memref_squeeze %dma_wait3A_1205 : memref<1x32x768xf32, #tpu.memory_space<vmem>> -> memref<32x768xf32, #tpu.memory_space<vmem>>
          tpu.wait_dma2 semaphore(%dma_wait3A_1200 : memref<!tpu.dma_semaphore, #tpu.memory_space<semaphore_mem>>) src(%dma_wait3A_1206 : memref<32x768xf32, #tpu.memory_space<vmem>>) dst(%dma_wait3A_1202 : memref<32x768xf32, #tpu.memory_space<hbm>>)
        } else {
        }
        %add3A_1168 = arith.constant 1 : i32
        %add3A_1169 = arith.addi %add3A_901, %add3A_1168 : i32
        %mul3A_1170 = arith.constant 32 : i32
        %mul3A_1171 = arith.muli %add3A_1169, %mul3A_1170 : i32
        %dma_start3A_1172 = arith.constant 0 : i32
        %dma_start3A_1173 = arith.constant 0 : i32
        %dma_start3A_1174 = arith.constant 0 : i32
        %dma_start3A_1175 = arith.constant 0 : i32
        %dma_start3A_1176 = tpu.memref_slice %arg7[%dma_start3A_1172, %dma_start3A_1174, %dma_start3A_1175] : memref<4x32x768xf32, #tpu.memory_space<vmem>> -> memref<1x32x768xf32, #tpu.memory_space<vmem>>
        %dma_start3A_1177 = tpu.memref_squeeze %dma_start3A_1176 : memref<1x32x768xf32, #tpu.memory_space<vmem>> -> memref<32x768xf32, #tpu.memory_space<vmem>>
        %dma_start3A_1178 = tpu.memref_slice %arg6[%mul3A_1171] : memref<9856xi32, #tpu.memory_space<vmem>> -> memref<32xi32, #tpu.memory_space<vmem>>
        %dma_start3A_1179 = arith.constant 0 : i32
        %dma_start3A_1180 = arith.constant 0 : i32
        %dma_start3A_1181 = tpu.memref_slice %arg3[%dma_start3A_1179, %dma_start3A_1180] : memref<49408x768xf32, #tpu.memory_space<hbm>> -> memref<49408x768xf32, #tpu.memory_space<hbm>>
        %dma_start3A_1182 = tpu.memref_slice %arg10[%dma_start3A_1173] : memref<4x!tpu.dma_semaphore, #tpu.memory_space<semaphore_mem>> -> memref<1x!tpu.dma_semaphore, #tpu.memory_space<semaphore_mem>>
        %dma_start3A_1183 = tpu.memref_squeeze %dma_start3A_1182 : memref<1x!tpu.dma_semaphore, #tpu.memory_space<semaphore_mem>> -> memref<!tpu.dma_semaphore, #tpu.memory_space<semaphore_mem>>
        tpu.enqueue_indirect_dma source(%dma_start3A_1181 : memref<49408x768xf32, #tpu.memory_space<hbm>>) target(%dma_start3A_1177 : memref<32x768xf32, #tpu.memory_space<vmem>>) offsets(%dma_start3A_1178 : memref<32xi32, #tpu.memory_space<vmem>>) semaphore(%dma_start3A_1183 : memref<!tpu.dma_semaphore, #tpu.memory_space<semaphore_mem>>)
      } else {
      }
      %mul3A_909 = arith.constant 32 : i32
      %mul3A_910 = arith.muli %add3A_901, %mul3A_909 : i32
      %dma_wait3A_911 = arith.constant 3 : i32
      %dma_wait3A_912 = arith.constant 3 : i32
      %dma_wait3A_913 = arith.constant 0 : i32
      %dma_wait3A_914 = arith.constant 0 : i32
      %dma_wait3A_915 = tpu.memref_slice %arg7[%dma_wait3A_911, %dma_wait3A_913, %dma_wait3A_914] : memref<4x32x768xf32, #tpu.memory_space<vmem>> -> memref<1x32x768xf32, #tpu.memory_space<vmem>>
      %dma_wait3A_916 = tpu.memref_squeeze %dma_wait3A_915 : memref<1x32x768xf32, #tpu.memory_space<vmem>> -> memref<32x768xf32, #tpu.memory_space<vmem>>
      %dma_wait3A_917 = tpu.memref_slice %arg6[%mul3A_910] : memref<9856xi32, #tpu.memory_space<vmem>> -> memref<32xi32, #tpu.memory_space<vmem>>
      %dma_wait3A_918 = arith.constant 0 : i32
      %dma_wait3A_919 = arith.constant 0 : i32
      %dma_wait3A_920 = tpu.memref_slice %arg3[%dma_wait3A_918, %dma_wait3A_919] : memref<49408x768xf32, #tpu.memory_space<hbm>> -> memref<49408x768xf32, #tpu.memory_space<hbm>>
      %dma_wait3A_921 = tpu.memref_slice %arg10[%dma_wait3A_912] : memref<4x!tpu.dma_semaphore, #tpu.memory_space<semaphore_mem>> -> memref<1x!tpu.dma_semaphore, #tpu.memory_space<semaphore_mem>>
      %dma_wait3A_922 = tpu.memref_squeeze %dma_wait3A_921 : memref<1x!tpu.dma_semaphore, #tpu.memory_space<semaphore_mem>> -> memref<!tpu.dma_semaphore, #tpu.memory_space<semaphore_mem>>
      tpu.wait_indirect_dma semaphore(%dma_wait3A_922 : memref<!tpu.dma_semaphore, #tpu.memory_space<semaphore_mem>>) src(%dma_wait3A_920 : memref<49408x768xf32, #tpu.memory_space<hbm>>) dst(%dma_wait3A_916 : memref<32x768xf32, #tpu.memory_space<vmem>>)
      %mul3A_923 = arith.constant 32 : i32
      %mul3A_924 = arith.muli %add3A_901, %mul3A_923 : i32
      %add3A_925 = arith.addi %mul3A_2, %mul3A_924 : i32
      %shift_right_logical3A_926 = arith.constant 12 : i32
      %shift_right_logical3A_927 = arith.shrui %add3A_925, %shift_right_logical3A_926 : i32
      %sub3A_928 = arith.subi %shift_right_logical3A_927, %shift_right_logical3A_3 : i32
      %get3A_929 = arith.index_cast %sub3A_928 : i32 to index
      %get3A_930 = arith.constant 0 : index
      %get3A_931 = tpu.vector_load %arg9[%get3A_929, %get3A_930] {strides = array<i32>} : memref<16x768xf32, #tpu.memory_space<vmem>>, vector<1x16xf32>,
      %get3A_932 = vector.shape_cast %get3A_931 : vector<1x16xf32> to vector<16xf32>
      %get3A_933 = arith.index_cast %sub3A_928 : i32 to index
      %get3A_934 = arith.constant 16 : index
      %get3A_935 = tpu.vector_load %arg9[%get3A_933, %get3A_934] {strides = array<i32>} : memref<16x768xf32, #tpu.memory_space<vmem>>, vector<1x16xf32>,
      %get3A_936 = vector.shape_cast %get3A_935 : vector<1x16xf32> to vector<16xf32>
      %get3A_937 = arith.index_cast %sub3A_928 : i32 to index
      %get3A_938 = arith.constant 32 : index
      %get3A_939 = tpu.vector_load %arg9[%get3A_937, %get3A_938] {strides = array<i32>} : memref<16x768xf32, #tpu.memory_space<vmem>>, vector<1x16xf32>,
      %get3A_940 = vector.shape_cast %get3A_939 : vector<1x16xf32> to vector<16xf32>
      %get3A_941 = arith.index_cast %sub3A_928 : i32 to index
      %get3A_942 = arith.constant 48 : index
      %get3A_943 = tpu.vector_load %arg9[%get3A_941, %get3A_942] {strides = array<i32>} : memref<16x768xf32, #tpu.memory_space<vmem>>, vector<1x16xf32>,
      %get3A_944 = vector.shape_cast %get3A_943 : vector<1x16xf32> to vector<16xf32>
      %get3A_945 = arith.index_cast %sub3A_928 : i32 to index
      %get3A_946 = arith.constant 64 : index
      %get3A_947 = tpu.vector_load %arg9[%get3A_945, %get3A_946] {strides = array<i32>} : memref<16x768xf32, #tpu.memory_space<vmem>>, vector<1x16xf32>,
      %get3A_948 = vector.shape_cast %get3A_947 : vector<1x16xf32> to vector<16xf32>
      %get3A_949 = arith.index_cast %sub3A_928 : i32 to index
      %get3A_950 = arith.constant 80 : index
      %get3A_951 = tpu.vector_load %arg9[%get3A_949, %get3A_950] {strides = array<i32>} : memref<16x768xf32, #tpu.memory_space<vmem>>, vector<1x16xf32>,
      %get3A_952 = vector.shape_cast %get3A_951 : vector<1x16xf32> to vector<16xf32>
      %get3A_953 = arith.index_cast %sub3A_928 : i32 to index
      %get3A_954 = arith.constant 96 : index
      %get3A_955 = tpu.vector_load %arg9[%get3A_953, %get3A_954] {strides = array<i32>} : memref<16x768xf32, #tpu.memory_space<vmem>>, vector<1x16xf32>,
      %get3A_956 = vector.shape_cast %get3A_955 : vector<1x16xf32> to vector<16xf32>
      %get3A_957 = arith.index_cast %sub3A_928 : i32 to index
      %get3A_958 = arith.constant 112 : index
      %get3A_959 = tpu.vector_load %arg9[%get3A_957, %get3A_958] {strides = array<i32>} : memref<16x768xf32, #tpu.memory_space<vmem>>, vector<1x16xf32>,
      %get3A_960 = vector.shape_cast %get3A_959 : vector<1x16xf32> to vector<16xf32>
      %get3A_961 = arith.index_cast %sub3A_928 : i32 to index
      %get3A_962 = arith.constant 128 : index
      %get3A_963 = tpu.vector_load %arg9[%get3A_961, %get3A_962] {strides = array<i32>} : memref<16x768xf32, #tpu.memory_space<vmem>>, vector<1x16xf32>,
      %get3A_964 = vector.shape_cast %get3A_963 : vector<1x16xf32> to vector<16xf32>
      %get3A_965 = arith.index_cast %sub3A_928 : i32 to index
      %get3A_966 = arith.constant 144 : index
      %get3A_967 = tpu.vector_load %arg9[%get3A_965, %get3A_966] {strides = array<i32>} : memref<16x768xf32, #tpu.memory_space<vmem>>, vector<1x16xf32>,
      %get3A_968 = vector.shape_cast %get3A_967 : vector<1x16xf32> to vector<16xf32>
      %get3A_969 = arith.index_cast %sub3A_928 : i32 to index
      %get3A_970 = arith.constant 160 : index
      %get3A_971 = tpu.vector_load %arg9[%get3A_969, %get3A_970] {strides = array<i32>} : memref<16x768xf32, #tpu.memory_space<vmem>>, vector<1x16xf32>,
      %get3A_972 = vector.shape_cast %get3A_971 : vector<1x16xf32> to vector<16xf32>
      %get3A_973 = arith.index_cast %sub3A_928 : i32 to index
      %get3A_974 = arith.constant 176 : index
      %get3A_975 = tpu.vector_load %arg9[%get3A_973, %get3A_974] {strides = array<i32>} : memref<16x768xf32, #tpu.memory_space<vmem>>, vector<1x16xf32>,
      %get3A_976 = vector.shape_cast %get3A_975 : vector<1x16xf32> to vector<16xf32>
      %get3A_977 = arith.index_cast %sub3A_928 : i32 to index
      %get3A_978 = arith.constant 192 : index
      %get3A_979 = tpu.vector_load %arg9[%get3A_977, %get3A_978] {strides = array<i32>} : memref<16x768xf32, #tpu.memory_space<vmem>>, vector<1x16xf32>,
      %get3A_980 = vector.shape_cast %get3A_979 : vector<1x16xf32> to vector<16xf32>
      %get3A_981 = arith.index_cast %sub3A_928 : i32 to index
      %get3A_982 = arith.constant 208 : index
      %get3A_983 = tpu.vector_load %arg9[%get3A_981, %get3A_982] {strides = array<i32>} : memref<16x768xf32, #tpu.memory_space<vmem>>, vector<1x16xf32>,
      %get3A_984 = vector.shape_cast %get3A_983 : vector<1x16xf32> to vector<16xf32>
      %get3A_985 = arith.index_cast %sub3A_928 : i32 to index
      %get3A_986 = arith.constant 224 : index
      %get3A_987 = tpu.vector_load %arg9[%get3A_985, %get3A_986] {strides = array<i32>} : memref<16x768xf32, #tpu.memory_space<vmem>>, vector<1x16xf32>,
      %get3A_988 = vector.shape_cast %get3A_987 : vector<1x16xf32> to vector<16xf32>
      %get3A_989 = arith.index_cast %sub3A_928 : i32 to index
      %get3A_990 = arith.constant 240 : index
      %get3A_991 = tpu.vector_load %arg9[%get3A_989, %get3A_990] {strides = array<i32>} : memref<16x768xf32, #tpu.memory_space<vmem>>, vector<1x16xf32>,
      %get3A_992 = vector.shape_cast %get3A_991 : vector<1x16xf32> to vector<16xf32>
      %scan3A_993 = arith.constant 0 : i32
      %scan3A_994 = arith.constant 0 : i32
      %scan3A_995 = arith.constant 32 : i32
      %scan3A_996 = arith.addi %scan3A_994, %scan3A_995 : i32
      %scan3A_997 = arith.constant 1 : i32
      %scan3A_998 = scf.for %scan3A_1162 = %scan3A_994 to %scan3A_996 step %scan3A_997 iter_args(%scan3A_1163 = %scan3A_993) -> (i32)  : i32 {
        %get3A_1164 = arith.constant 3 : i32
        %get3A_1165 = arith.index_cast %get3A_1164 : i32 to index
        %get3A_1166 = arith.index_cast %scan3A_1162 : i32 to index
        %get3A_1167 = arith.constant 0 : index
        %get3A_1168 = tpu.vector_load %arg7[%get3A_1165, %get3A_1166, %get3A_1167] {strides = array<i32>} : memref<4x32x768xf32, #tpu.memory_space<vmem>>, vector<1x1x16xf32>,
        %get3A_1169 = vector.shape_cast %get3A_1168 : vector<1x1x16xf32> to vector<16xf32>
        %get3A_1170 = arith.constant 3 : i32
        %get3A_1171 = arith.index_cast %get3A_1170 : i32 to index
        %get3A_1172 = arith.index_cast %scan3A_1162 : i32 to index
        %get3A_1173 = arith.constant 16 : index
        %get3A_1174 = tpu.vector_load %arg7[%get3A_1171, %get3A_1172, %get3A_1173] {strides = array<i32>} : memref<4x32x768xf32, #tpu.memory_space<vmem>>, vector<1x1x16xf32>,
        %get3A_1175 = vector.shape_cast %get3A_1174 : vector<1x1x16xf32> to vector<16xf32>
        %get3A_1176 = arith.constant 3 : i32
        %get3A_1177 = arith.index_cast %get3A_1176 : i32 to index
        %get3A_1178 = arith.index_cast %scan3A_1162 : i32 to index
        %get3A_1179 = arith.constant 32 : index
        %get3A_1180 = tpu.vector_load %arg7[%get3A_1177, %get3A_1178, %get3A_1179] {strides = array<i32>} : memref<4x32x768xf32, #tpu.memory_space<vmem>>, vector<1x1x16xf32>,
        %get3A_1181 = vector.shape_cast %get3A_1180 : vector<1x1x16xf32> to vector<16xf32>
        %get3A_1182 = arith.constant 3 : i32
        %get3A_1183 = arith.index_cast %get3A_1182 : i32 to index
        %get3A_1184 = arith.index_cast %scan3A_1162 : i32 to index
        %get3A_1185 = arith.constant 48 : index
        %get3A_1186 = tpu.vector_load %arg7[%get3A_1183, %get3A_1184, %get3A_1185] {strides = array<i32>} : memref<4x32x768xf32, #tpu.memory_space<vmem>>, vector<1x1x16xf32>,
        %get3A_1187 = vector.shape_cast %get3A_1186 : vector<1x1x16xf32> to vector<16xf32>
        %get3A_1188 = arith.constant 3 : i32
        %get3A_1189 = arith.index_cast %get3A_1188 : i32 to index
        %get3A_1190 = arith.index_cast %scan3A_1162 : i32 to index
        %get3A_1191 = arith.constant 64 : index
        %get3A_1192 = tpu.vector_load %arg7[%get3A_1189, %get3A_1190, %get3A_1191] {strides = array<i32>} : memref<4x32x768xf32, #tpu.memory_space<vmem>>, vector<1x1x16xf32>,
        %get3A_1193 = vector.shape_cast %get3A_1192 : vector<1x1x16xf32> to vector<16xf32>
        %get3A_1194 = arith.constant 3 : i32
        %get3A_1195 = arith.index_cast %get3A_1194 : i32 to index
        %get3A_1196 = arith.index_cast %scan3A_1162 : i32 to index
        %get3A_1197 = arith.constant 80 : index
        %get3A_1198 = tpu.vector_load %arg7[%get3A_1195, %get3A_1196, %get3A_1197] {strides = array<i32>} : memref<4x32x768xf32, #tpu.memory_space<vmem>>, vector<1x1x16xf32>,
        %get3A_1199 = vector.shape_cast %get3A_1198 : vector<1x1x16xf32> to vector<16xf32>
        %get3A_1200 = arith.constant 3 : i32
        %get3A_1201 = arith.index_cast %get3A_1200 : i32 to index
        %get3A_1202 = arith.index_cast %scan3A_1162 : i32 to index
        %get3A_1203 = arith.constant 96 : index
        %get3A_1204 = tpu.vector_load %arg7[%get3A_1201, %get3A_1202, %get3A_1203] {strides = array<i32>} : memref<4x32x768xf32, #tpu.memory_space<vmem>>, vector<1x1x16xf32>,
        %get3A_1205 = vector.shape_cast %get3A_1204 : vector<1x1x16xf32> to vector<16xf32>
        %get3A_1206 = arith.constant 3 : i32
        %get3A_1207 = arith.index_cast %get3A_1206 : i32 to index
        %get3A_1208 = arith.index_cast %scan3A_1162 : i32 to index
        %get3A_1209 = arith.constant 112 : index
        %get3A_1210 = tpu.vector_load %arg7[%get3A_1207, %get3A_1208, %get3A_1209] {strides = array<i32>} : memref<4x32x768xf32, #tpu.memory_space<vmem>>, vector<1x1x16xf32>,
        %get3A_1211 = vector.shape_cast %get3A_1210 : vector<1x1x16xf32> to vector<16xf32>
        %get3A_1212 = arith.constant 3 : i32
        %get3A_1213 = arith.index_cast %get3A_1212 : i32 to index
        %get3A_1214 = arith.index_cast %scan3A_1162 : i32 to index
        %get3A_1215 = arith.constant 128 : index
        %get3A_1216 = tpu.vector_load %arg7[%get3A_1213, %get3A_1214, %get3A_1215] {strides = array<i32>} : memref<4x32x768xf32, #tpu.memory_space<vmem>>, vector<1x1x16xf32>,
        %get3A_1217 = vector.shape_cast %get3A_1216 : vector<1x1x16xf32> to vector<16xf32>
        %get3A_1218 = arith.constant 3 : i32
        %get3A_1219 = arith.index_cast %get3A_1218 : i32 to index
        %get3A_1220 = arith.index_cast %scan3A_1162 : i32 to index
        %get3A_1221 = arith.constant 144 : index
        %get3A_1222 = tpu.vector_load %arg7[%get3A_1219, %get3A_1220, %get3A_1221] {strides = array<i32>} : memref<4x32x768xf32, #tpu.memory_space<vmem>>, vector<1x1x16xf32>,
        %get3A_1223 = vector.shape_cast %get3A_1222 : vector<1x1x16xf32> to vector<16xf32>
        %get3A_1224 = arith.constant 3 : i32
        %get3A_1225 = arith.index_cast %get3A_1224 : i32 to index
        %get3A_1226 = arith.index_cast %scan3A_1162 : i32 to index
        %get3A_1227 = arith.constant 160 : index
        %get3A_1228 = tpu.vector_load %arg7[%get3A_1225, %get3A_1226, %get3A_1227] {strides = array<i32>} : memref<4x32x768xf32, #tpu.memory_space<vmem>>, vector<1x1x16xf32>,
        %get3A_1229 = vector.shape_cast %get3A_1228 : vector<1x1x16xf32> to vector<16xf32>
        %get3A_1230 = arith.constant 3 : i32
        %get3A_1231 = arith.index_cast %get3A_1230 : i32 to index
        %get3A_1232 = arith.index_cast %scan3A_1162 : i32 to index
        %get3A_1233 = arith.constant 176 : index
        %get3A_1234 = tpu.vector_load %arg7[%get3A_1231, %get3A_1232, %get3A_1233] {strides = array<i32>} : memref<4x32x768xf32, #tpu.memory_space<vmem>>, vector<1x1x16xf32>,
        %get3A_1235 = vector.shape_cast %get3A_1234 : vector<1x1x16xf32> to vector<16xf32>
        %get3A_1236 = arith.constant 3 : i32
        %get3A_1237 = arith.index_cast %get3A_1236 : i32 to index
        %get3A_1238 = arith.index_cast %scan3A_1162 : i32 to index
        %get3A_1239 = arith.constant 192 : index
        %get3A_1240 = tpu.vector_load %arg7[%get3A_1237, %get3A_1238, %get3A_1239] {strides = array<i32>} : memref<4x32x768xf32, #tpu.memory_space<vmem>>, vector<1x1x16xf32>,
        %get3A_1241 = vector.shape_cast %get3A_1240 : vector<1x1x16xf32> to vector<16xf32>
        %get3A_1242 = arith.constant 3 : i32
        %get3A_1243 = arith.index_cast %get3A_1242 : i32 to index
        %get3A_1244 = arith.index_cast %scan3A_1162 : i32 to index
        %get3A_1245 = arith.constant 208 : index
        %get3A_1246 = tpu.vector_load %arg7[%get3A_1243, %get3A_1244, %get3A_1245] {strides = array<i32>} : memref<4x32x768xf32, #tpu.memory_space<vmem>>, vector<1x1x16xf32>,
        %get3A_1247 = vector.shape_cast %get3A_1246 : vector<1x1x16xf32> to vector<16xf32>
        %get3A_1248 = arith.constant 3 : i32
        %get3A_1249 = arith.index_cast %get3A_1248 : i32 to index
        %get3A_1250 = arith.index_cast %scan3A_1162 : i32 to index
        %get3A_1251 = arith.constant 224 : index
        %get3A_1252 = tpu.vector_load %arg7[%get3A_1249, %get3A_1250, %get3A_1251] {strides = array<i32>} : memref<4x32x768xf32, #tpu.memory_space<vmem>>, vector<1x1x16xf32>,
        %get3A_1253 = vector.shape_cast %get3A_1252 : vector<1x1x16xf32> to vector<16xf32>
        %get3A_1254 = arith.constant 3 : i32
        %get3A_1255 = arith.index_cast %get3A_1254 : i32 to index
        %get3A_1256 = arith.index_cast %scan3A_1162 : i32 to index
        %get3A_1257 = arith.constant 240 : index
        %get3A_1258 = tpu.vector_load %arg7[%get3A_1255, %get3A_1256, %get3A_1257] {strides = array<i32>} : memref<4x32x768xf32, #tpu.memory_space<vmem>>, vector<1x1x16xf32>,
        %get3A_1259 = vector.shape_cast %get3A_1258 : vector<1x1x16xf32> to vector<16xf32>
        %add3A_1260 = arith.addf %get3A_1169, %get3A_932 : vector<16xf32>
        %swap3A_1261 = arith.constant 3 : i32
        %swap3A_1262 = arith.index_cast %swap3A_1261 : i32 to index
        %swap3A_1263 = arith.index_cast %scan3A_1162 : i32 to index
        %swap3A_1264 = arith.constant 0 : index
        %swap3A_1265 = tpu.vector_load %arg7[%swap3A_1262, %swap3A_1263, %swap3A_1264] {strides = array<i32>} : memref<4x32x768xf32, #tpu.memory_space<vmem>>, vector<1x1x16xf32>,
        %swap3A_1266 = vector.shape_cast %swap3A_1265 : vector<1x1x16xf32> to vector<16xf32>
        %swap3A_1267 = vector.shape_cast %add3A_1260 : vector<16xf32> to vector<1x1x16xf32>
        tpu.vector_store %arg7[%swap3A_1262, %swap3A_1263, %swap3A_1264], %swap3A_1267 {strides = array<i32>} : memref<4x32x768xf32, #tpu.memory_space<vmem>>, vector<1x1x16xf32>,
        %add3A_1268 = arith.addf %get3A_1175, %get3A_936 : vector<16xf32>
        %swap3A_1269 = arith.constant 3 : i32
        %swap3A_1270 = arith.index_cast %swap3A_1269 : i32 to index
        %swap3A_1271 = arith.index_cast %scan3A_1162 : i32 to index
        %swap3A_1272 = arith.constant 16 : index
        %swap3A_1273 = tpu.vector_load %arg7[%swap3A_1270, %swap3A_1271, %swap3A_1272] {strides = array<i32>} : memref<4x32x768xf32, #tpu.memory_space<vmem>>, vector<1x1x16xf32>,
        %swap3A_1274 = vector.shape_cast %swap3A_1273 : vector<1x1x16xf32> to vector<16xf32>
        %swap3A_1275 = vector.shape_cast %add3A_1268 : vector<16xf32> to vector<1x1x16xf32>
        tpu.vector_store %arg7[%swap3A_1270, %swap3A_1271, %swap3A_1272], %swap3A_1275 {strides = array<i32>} : memref<4x32x768xf32, #tpu.memory_space<vmem>>, vector<1x1x16xf32>,
        %add3A_1276 = arith.addf %get3A_1181, %get3A_940 : vector<16xf32>
        %swap3A_1277 = arith.constant 3 : i32
        %swap3A_1278 = arith.index_cast %swap3A_1277 : i32 to index
        %swap3A_1279 = arith.index_cast %scan3A_1162 : i32 to index
        %swap3A_1280 = arith.constant 32 : index
        %swap3A_1281 = tpu.vector_load %arg7[%swap3A_1278, %swap3A_1279, %swap3A_1280] {strides = array<i32>} : memref<4x32x768xf32, #tpu.memory_space<vmem>>, vector<1x1x16xf32>,
        %swap3A_1282 = vector.shape_cast %swap3A_1281 : vector<1x1x16xf32> to vector<16xf32>
        %swap3A_1283 = vector.shape_cast %add3A_1276 : vector<16xf32> to vector<1x1x16xf32>
        tpu.vector_store %arg7[%swap3A_1278, %swap3A_1279, %swap3A_1280], %swap3A_1283 {strides = array<i32>} : memref<4x32x768xf32, #tpu.memory_space<vmem>>, vector<1x1x16xf32>,
        %add3A_1284 = arith.addf %get3A_1187, %get3A_944 : vector<16xf32>
        %swap3A_1285 = arith.constant 3 : i32
        %swap3A_1286 = arith.index_cast %swap3A_1285 : i32 to index
        %swap3A_1287 = arith.index_cast %scan3A_1162 : i32 to index
        %swap3A_1288 = arith.constant 48 : index
        %swap3A_1289 = tpu.vector_load %arg7[%swap3A_1286, %swap3A_1287, %swap3A_1288] {strides = array<i32>} : memref<4x32x768xf32, #tpu.memory_space<vmem>>, vector<1x1x16xf32>,
        %swap3A_1290 = vector.shape_cast %swap3A_1289 : vector<1x1x16xf32> to vector<16xf32>
        %swap3A_1291 = vector.shape_cast %add3A_1284 : vector<16xf32> to vector<1x1x16xf32>
        tpu.vector_store %arg7[%swap3A_1286, %swap3A_1287, %swap3A_1288], %swap3A_1291 {strides = array<i32>} : memref<4x32x768xf32, #tpu.memory_space<vmem>>, vector<1x1x16xf32>,
        %add3A_1292 = arith.addf %get3A_1193, %get3A_948 : vector<16xf32>
        %swap3A_1293 = arith.constant 3 : i32
        %swap3A_1294 = arith.index_cast %swap3A_1293 : i32 to index
        %swap3A_1295 = arith.index_cast %scan3A_1162 : i32 to index
        %swap3A_1296 = arith.constant 64 : index
        %swap3A_1297 = tpu.vector_load %arg7[%swap3A_1294, %swap3A_1295, %swap3A_1296] {strides = array<i32>} : memref<4x32x768xf32, #tpu.memory_space<vmem>>, vector<1x1x16xf32>,
        %swap3A_1298 = vector.shape_cast %swap3A_1297 : vector<1x1x16xf32> to vector<16xf32>
        %swap3A_1299 = vector.shape_cast %add3A_1292 : vector<16xf32> to vector<1x1x16xf32>
        tpu.vector_store %arg7[%swap3A_1294, %swap3A_1295, %swap3A_1296], %swap3A_1299 {strides = array<i32>} : memref<4x32x768xf32, #tpu.memory_space<vmem>>, vector<1x1x16xf32>,
        %add3A_1300 = arith.addf %get3A_1199, %get3A_952 : vector<16xf32>
        %swap3A_1301 = arith.constant 3 : i32
        %swap3A_1302 = arith.index_cast %swap3A_1301 : i32 to index
        %swap3A_1303 = arith.index_cast %scan3A_1162 : i32 to index
        %swap3A_1304 = arith.constant 80 : index
        %swap3A_1305 = tpu.vector_load %arg7[%swap3A_1302, %swap3A_1303, %swap3A_1304] {strides = array<i32>} : memref<4x32x768xf32, #tpu.memory_space<vmem>>, vector<1x1x16xf32>,
        %swap3A_1306 = vector.shape_cast %swap3A_1305 : vector<1x1x16xf32> to vector<16xf32>
        %swap3A_1307 = vector.shape_cast %add3A_1300 : vector<16xf32> to vector<1x1x16xf32>
        tpu.vector_store %arg7[%swap3A_1302, %swap3A_1303, %swap3A_1304], %swap3A_1307 {strides = array<i32>} : memref<4x32x768xf32, #tpu.memory_space<vmem>>, vector<1x1x16xf32>,
        %add3A_1308 = arith.addf %get3A_1205, %get3A_956 : vector<16xf32>
        %swap3A_1309 = arith.constant 3 : i32
        %swap3A_1310 = arith.index_cast %swap3A_1309 : i32 to index
        %swap3A_1311 = arith.index_cast %scan3A_1162 : i32 to index
        %swap3A_1312 = arith.constant 96 : index
        %swap3A_1313 = tpu.vector_load %arg7[%swap3A_1310, %swap3A_1311, %swap3A_1312] {strides = array<i32>} : memref<4x32x768xf32, #tpu.memory_space<vmem>>, vector<1x1x16xf32>,
        %swap3A_1314 = vector.shape_cast %swap3A_1313 : vector<1x1x16xf32> to vector<16xf32>
        %swap3A_1315 = vector.shape_cast %add3A_1308 : vector<16xf32> to vector<1x1x16xf32>
        tpu.vector_store %arg7[%swap3A_1310, %swap3A_1311, %swap3A_1312], %swap3A_1315 {strides = array<i32>} : memref<4x32x768xf32, #tpu.memory_space<vmem>>, vector<1x1x16xf32>,
        %add3A_1316 = arith.addf %get3A_1211, %get3A_960 : vector<16xf32>
        %swap3A_1317 = arith.constant 3 : i32
        %swap3A_1318 = arith.index_cast %swap3A_1317 : i32 to index
        %swap3A_1319 = arith.index_cast %scan3A_1162 : i32 to index
        %swap3A_1320 = arith.constant 112 : index
        %swap3A_1321 = tpu.vector_load %arg7[%swap3A_1318, %swap3A_1319, %swap3A_1320] {strides = array<i32>} : memref<4x32x768xf32, #tpu.memory_space<vmem>>, vector<1x1x16xf32>,
        %swap3A_1322 = vector.shape_cast %swap3A_1321 : vector<1x1x16xf32> to vector<16xf32>
        %swap3A_1323 = vector.shape_cast %add3A_1316 : vector<16xf32> to vector<1x1x16xf32>
        tpu.vector_store %arg7[%swap3A_1318, %swap3A_1319, %swap3A_1320], %swap3A_1323 {strides = array<i32>} : memref<4x32x768xf32, #tpu.memory_space<vmem>>, vector<1x1x16xf32>,
        %add3A_1324 = arith.addf %get3A_1217, %get3A_964 : vector<16xf32>
        %swap3A_1325 = arith.constant 3 : i32
        %swap3A_1326 = arith.index_cast %swap3A_1325 : i32 to index
        %swap3A_1327 = arith.index_cast %scan3A_1162 : i32 to index
        %swap3A_1328 = arith.constant 128 : index
        %swap3A_1329 = tpu.vector_load %arg7[%swap3A_1326, %swap3A_1327, %swap3A_1328] {strides = array<i32>} : memref<4x32x768xf32, #tpu.memory_space<vmem>>, vector<1x1x16xf32>,
        %swap3A_1330 = vector.shape_cast %swap3A_1329 : vector<1x1x16xf32> to vector<16xf32>
        %swap3A_1331 = vector.shape_cast %add3A_1324 : vector<16xf32> to vector<1x1x16xf32>
        tpu.vector_store %arg7[%swap3A_1326, %swap3A_1327, %swap3A_1328], %swap3A_1331 {strides = array<i32>} : memref<4x32x768xf32, #tpu.memory_space<vmem>>, vector<1x1x16xf32>,
        %add3A_1332 = arith.addf %get3A_1223, %get3A_968 : vector<16xf32>
        %swap3A_1333 = arith.constant 3 : i32
        %swap3A_1334 = arith.index_cast %swap3A_1333 : i32 to index
        %swap3A_1335 = arith.index_cast %scan3A_1162 : i32 to index
        %swap3A_1336 = arith.constant 144 : index
        %swap3A_1337 = tpu.vector_load %arg7[%swap3A_1334, %swap3A_1335, %swap3A_1336] {strides = array<i32>} : memref<4x32x768xf32, #tpu.memory_space<vmem>>, vector<1x1x16xf32>,
        %swap3A_1338 = vector.shape_cast %swap3A_1337 : vector<1x1x16xf32> to vector<16xf32>
        %swap3A_1339 = vector.shape_cast %add3A_1332 : vector<16xf32> to vector<1x1x16xf32>
        tpu.vector_store %arg7[%swap3A_1334, %swap3A_1335, %swap3A_1336], %swap3A_1339 {strides = array<i32>} : memref<4x32x768xf32, #tpu.memory_space<vmem>>, vector<1x1x16xf32>,
        %add3A_1340 = arith.addf %get3A_1229, %get3A_972 : vector<16xf32>
        %swap3A_1341 = arith.constant 3 : i32
        %swap3A_1342 = arith.index_cast %swap3A_1341 : i32 to index
        %swap3A_1343 = arith.index_cast %scan3A_1162 : i32 to index
        %swap3A_1344 = arith.constant 160 : index
        %swap3A_1345 = tpu.vector_load %arg7[%swap3A_1342, %swap3A_1343, %swap3A_1344] {strides = array<i32>} : memref<4x32x768xf32, #tpu.memory_space<vmem>>, vector<1x1x16xf32>,
        %swap3A_1346 = vector.shape_cast %swap3A_1345 : vector<1x1x16xf32> to vector<16xf32>
        %swap3A_1347 = vector.shape_cast %add3A_1340 : vector<16xf32> to vector<1x1x16xf32>
        tpu.vector_store %arg7[%swap3A_1342, %swap3A_1343, %swap3A_1344], %swap3A_1347 {strides = array<i32>} : memref<4x32x768xf32, #tpu.memory_space<vmem>>, vector<1x1x16xf32>,
        %add3A_1348 = arith.addf %get3A_1235, %get3A_976 : vector<16xf32>
        %swap3A_1349 = arith.constant 3 : i32
        %swap3A_1350 = arith.index_cast %swap3A_1349 : i32 to index
        %swap3A_1351 = arith.index_cast %scan3A_1162 : i32 to index
        %swap3A_1352 = arith.constant 176 : index
        %swap3A_1353 = tpu.vector_load %arg7[%swap3A_1350, %swap3A_1351, %swap3A_1352] {strides = array<i32>} : memref<4x32x768xf32, #tpu.memory_space<vmem>>, vector<1x1x16xf32>,
        %swap3A_1354 = vector.shape_cast %swap3A_1353 : vector<1x1x16xf32> to vector<16xf32>
        %swap3A_1355 = vector.shape_cast %add3A_1348 : vector<16xf32> to vector<1x1x16xf32>
        tpu.vector_store %arg7[%swap3A_1350, %swap3A_1351, %swap3A_1352], %swap3A_1355 {strides = array<i32>} : memref<4x32x768xf32, #tpu.memory_space<vmem>>, vector<1x1x16xf32>,
        %add3A_1356 = arith.addf %get3A_1241, %get3A_980 : vector<16xf32>
        %swap3A_1357 = arith.constant 3 : i32
        %swap3A_1358 = arith.index_cast %swap3A_1357 : i32 to index
        %swap3A_1359 = arith.index_cast %scan3A_1162 : i32 to index
        %swap3A_1360 = arith.constant 192 : index
        %swap3A_1361 = tpu.vector_load %arg7[%swap3A_1358, %swap3A_1359, %swap3A_1360] {strides = array<i32>} : memref<4x32x768xf32, #tpu.memory_space<vmem>>, vector<1x1x16xf32>,
        %swap3A_1362 = vector.shape_cast %swap3A_1361 : vector<1x1x16xf32> to vector<16xf32>
        %swap3A_1363 = vector.shape_cast %add3A_1356 : vector<16xf32> to vector<1x1x16xf32>
        tpu.vector_store %arg7[%swap3A_1358, %swap3A_1359, %swap3A_1360], %swap3A_1363 {strides = array<i32>} : memref<4x32x768xf32, #tpu.memory_space<vmem>>, vector<1x1x16xf32>,
        %add3A_1364 = arith.addf %get3A_1247, %get3A_984 : vector<16xf32>
        %swap3A_1365 = arith.constant 3 : i32
        %swap3A_1366 = arith.index_cast %swap3A_1365 : i32 to index
        %swap3A_1367 = arith.index_cast %scan3A_1162 : i32 to index
        %swap3A_1368 = arith.constant 208 : index
        %swap3A_1369 = tpu.vector_load %arg7[%swap3A_1366, %swap3A_1367, %swap3A_1368] {strides = array<i32>} : memref<4x32x768xf32, #tpu.memory_space<vmem>>, vector<1x1x16xf32>,
        %swap3A_1370 = vector.shape_cast %swap3A_1369 : vector<1x1x16xf32> to vector<16xf32>
        %swap3A_1371 = vector.shape_cast %add3A_1364 : vector<16xf32> to vector<1x1x16xf32>
        tpu.vector_store %arg7[%swap3A_1366, %swap3A_1367, %swap3A_1368], %swap3A_1371 {strides = array<i32>} : memref<4x32x768xf32, #tpu.memory_space<vmem>>, vector<1x1x16xf32>,
        %add3A_1372 = arith.addf %get3A_1253, %get3A_988 : vector<16xf32>
        %swap3A_1373 = arith.constant 3 : i32
        %swap3A_1374 = arith.index_cast %swap3A_1373 : i32 to index
        %swap3A_1375 = arith.index_cast %scan3A_1162 : i32 to index
        %swap3A_1376 = arith.constant 224 : index
        %swap3A_1377 = tpu.vector_load %arg7[%swap3A_1374, %swap3A_1375, %swap3A_1376] {strides = array<i32>} : memref<4x32x768xf32, #tpu.memory_space<vmem>>, vector<1x1x16xf32>,
        %swap3A_1378 = vector.shape_cast %swap3A_1377 : vector<1x1x16xf32> to vector<16xf32>
        %swap3A_1379 = vector.shape_cast %add3A_1372 : vector<16xf32> to vector<1x1x16xf32>
        tpu.vector_store %arg7[%swap3A_1374, %swap3A_1375, %swap3A_1376], %swap3A_1379 {strides = array<i32>} : memref<4x32x768xf32, #tpu.memory_space<vmem>>, vector<1x1x16xf32>,
        %add3A_1380 = arith.addf %get3A_1259, %get3A_992 : vector<16xf32>
        %swap3A_1381 = arith.constant 3 : i32
        %swap3A_1382 = arith.index_cast %swap3A_1381 : i32 to index
        %swap3A_1383 = arith.index_cast %scan3A_1162 : i32 to index
        %swap3A_1384 = arith.constant 240 : index
        %swap3A_1385 = tpu.vector_load %arg7[%swap3A_1382, %swap3A_1383, %swap3A_1384] {strides = array<i32>} : memref<4x32x768xf32, #tpu.memory_space<vmem>>, vector<1x1x16xf32>,
        %swap3A_1386 = vector.shape_cast %swap3A_1385 : vector<1x1x16xf32> to vector<16xf32>
        %swap3A_1387 = vector.shape_cast %add3A_1380 : vector<16xf32> to vector<1x1x16xf32>
        tpu.vector_store %arg7[%swap3A_1382, %swap3A_1383, %swap3A_1384], %swap3A_1387 {strides = array<i32>} : memref<4x32x768xf32, #tpu.memory_space<vmem>>, vector<1x1x16xf32>,
        %scan3A_1388 = arith.constant 0 : i32
        scf.yield %scan3A_1388 : i32
      }
      %scan3A_999 = arith.constant 32 : i32
      %get3A_1000 = arith.index_cast %sub3A_928 : i32 to index
      %get3A_1001 = arith.constant 256 : index
      %get3A_1002 = tpu.vector_load %arg9[%get3A_1000, %get3A_1001] {strides = array<i32>} : memref<16x768xf32, #tpu.memory_space<vmem>>, vector<1x16xf32>,
      %get3A_1003 = vector.shape_cast %get3A_1002 : vector<1x16xf32> to vector<16xf32>
      %get3A_1004 = arith.index_cast %sub3A_928 : i32 to index
      %get3A_1005 = arith.constant 272 : index
      %get3A_1006 = tpu.vector_load %arg9[%get3A_1004, %get3A_1005] {strides = array<i32>} : memref<16x768xf32, #tpu.memory_space<vmem>>, vector<1x16xf32>,
      %get3A_1007 = vector.shape_cast %get3A_1006 : vector<1x16xf32> to vector<16xf32>
      %get3A_1008 = arith.index_cast %sub3A_928 : i32 to index
      %get3A_1009 = arith.constant 288 : index
      %get3A_1010 = tpu.vector_load %arg9[%get3A_1008, %get3A_1009] {strides = array<i32>} : memref<16x768xf32, #tpu.memory_space<vmem>>, vector<1x16xf32>,
      %get3A_1011 = vector.shape_cast %get3A_1010 : vector<1x16xf32> to vector<16xf32>
      %get3A_1012 = arith.index_cast %sub3A_928 : i32 to index
      %get3A_1013 = arith.constant 304 : index
      %get3A_1014 = tpu.vector_load %arg9[%get3A_1012, %get3A_1013] {strides = array<i32>} : memref<16x768xf32, #tpu.memory_space<vmem>>, vector<1x16xf32>,
      %get3A_1015 = vector.shape_cast %get3A_1014 : vector<1x16xf32> to vector<16xf32>
      %get3A_1016 = arith.index_cast %sub3A_928 : i32 to index
      %get3A_1017 = arith.constant 320 : index
      %get3A_1018 = tpu.vector_load %arg9[%get3A_1016, %get3A_1017] {strides = array<i32>} : memref<16x768xf32, #tpu.memory_space<vmem>>, vector<1x16xf32>,
      %get3A_1019 = vector.shape_cast %get3A_1018 : vector<1x16xf32> to vector<16xf32>
      %get3A_1020 = arith.index_cast %sub3A_928 : i32 to index
      %get3A_1021 = arith.constant 336 : index
      %get3A_1022 = tpu.vector_load %arg9[%get3A_1020, %get3A_1021] {strides = array<i32>} : memref<16x768xf32, #tpu.memory_space<vmem>>, vector<1x16xf32>,
      %get3A_1023 = vector.shape_cast %get3A_1022 : vector<1x16xf32> to vector<16xf32>
      %get3A_1024 = arith.index_cast %sub3A_928 : i32 to index
      %get3A_1025 = arith.constant 352 : index
      %get3A_1026 = tpu.vector_load %arg9[%get3A_1024, %get3A_1025] {strides = array<i32>} : memref<16x768xf32, #tpu.memory_space<vmem>>, vector<1x16xf32>,
      %get3A_1027 = vector.shape_cast %get3A_1026 : vector<1x16xf32> to vector<16xf32>
      %get3A_1028 = arith.index_cast %sub3A_928 : i32 to index
      %get3A_1029 = arith.constant 368 : index
      %get3A_1030 = tpu.vector_load %arg9[%get3A_1028, %get3A_1029] {strides = array<i32>} : memref<16x768xf32, #tpu.memory_space<vmem>>, vector<1x16xf32>,
      %get3A_1031 = vector.shape_cast %get3A_1030 : vector<1x16xf32> to vector<16xf32>
      %get3A_1032 = arith.index_cast %sub3A_928 : i32 to index
      %get3A_1033 = arith.constant 384 : index
      %get3A_1034 = tpu.vector_load %arg9[%get3A_1032, %get3A_1033] {strides = array<i32>} : memref<16x768xf32, #tpu.memory_space<vmem>>, vector<1x16xf32>,
      %get3A_1035 = vector.shape_cast %get3A_1034 : vector<1x16xf32> to vector<16xf32>
      %get3A_1036 = arith.index_cast %sub3A_928 : i32 to index
      %get3A_1037 = arith.constant 400 : index
      %get3A_1038 = tpu.vector_load %arg9[%get3A_1036, %get3A_1037] {strides = array<i32>} : memref<16x768xf32, #tpu.memory_space<vmem>>, vector<1x16xf32>,
      %get3A_1039 = vector.shape_cast %get3A_1038 : vector<1x16xf32> to vector<16xf32>
      %get3A_1040 = arith.index_cast %sub3A_928 : i32 to index
      %get3A_1041 = arith.constant 416 : index
      %get3A_1042 = tpu.vector_load %arg9[%get3A_1040, %get3A_1041] {strides = array<i32>} : memref<16x768xf32, #tpu.memory_space<vmem>>, vector<1x16xf32>,
      %get3A_1043 = vector.shape_cast %get3A_1042 : vector<1x16xf32> to vector<16xf32>
      %get3A_1044 = arith.index_cast %sub3A_928 : i32 to index
      %get3A_1045 = arith.constant 432 : index
      %get3A_1046 = tpu.vector_load %arg9[%get3A_1044, %get3A_1045] {strides = array<i32>} : memref<16x768xf32, #tpu.memory_space<vmem>>, vector<1x16xf32>,
      %get3A_1047 = vector.shape_cast %get3A_1046 : vector<1x16xf32> to vector<16xf32>
      %get3A_1048 = arith.index_cast %sub3A_928 : i32 to index
      %get3A_1049 = arith.constant 448 : index
      %get3A_1050 = tpu.vector_load %arg9[%get3A_1048, %get3A_1049] {strides = array<i32>} : memref<16x768xf32, #tpu.memory_space<vmem>>, vector<1x16xf32>,
      %get3A_1051 = vector.shape_cast %get3A_1050 : vector<1x16xf32> to vector<16xf32>
      %get3A_1052 = arith.index_cast %sub3A_928 : i32 to index
      %get3A_1053 = arith.constant 464 : index
      %get3A_1054 = tpu.vector_load %arg9[%get3A_1052, %get3A_1053] {strides = array<i32>} : memref<16x768xf32, #tpu.memory_space<vmem>>, vector<1x16xf32>,
      %get3A_1055 = vector.shape_cast %get3A_1054 : vector<1x16xf32> to vector<16xf32>
      %get3A_1056 = arith.index_cast %sub3A_928 : i32 to index
      %get3A_1057 = arith.constant 480 : index
      %get3A_1058 = tpu.vector_load %arg9[%get3A_1056, %get3A_1057] {strides = array<i32>} : memref<16x768xf32, #tpu.memory_space<vmem>>, vector<1x16xf32>,
      %get3A_1059 = vector.shape_cast %get3A_1058 : vector<1x16xf32> to vector<16xf32>
      %get3A_1060 = arith.index_cast %sub3A_928 : i32 to index
      %get3A_1061 = arith.constant 496 : index
      %get3A_1062 = tpu.vector_load %arg9[%get3A_1060, %get3A_1061] {strides = array<i32>} : memref<16x768xf32, #tpu.memory_space<vmem>>, vector<1x16xf32>,
      %get3A_1063 = vector.shape_cast %get3A_1062 : vector<1x16xf32> to vector<16xf32>
      %scan3A_1064 = arith.constant 0 : i32
      %scan3A_1065 = arith.constant 0 : i32
      %scan3A_1066 = arith.constant 32 : i32
      %scan3A_1067 = arith.addi %scan3A_1065, %scan3A_1066 : i32
      %scan3A_1068 = arith.constant 1 : i32
      %scan3A_1069 = scf.for %scan3A_1162 = %scan3A_1065 to %scan3A_1067 step %scan3A_1068 iter_args(%scan3A_1163 = %scan3A_1064) -> (i32)  : i32 {
        %get3A_1164 = arith.constant 3 : i32
        %get3A_1165 = arith.index_cast %get3A_1164 : i32 to index
        %get3A_1166 = arith.index_cast %scan3A_1162 : i32 to index
        %get3A_1167 = arith.constant 256 : index
        %get3A_1168 = tpu.vector_load %arg7[%get3A_1165, %get3A_1166, %get3A_1167] {strides = array<i32>} : memref<4x32x768xf32, #tpu.memory_space<vmem>>, vector<1x1x16xf32>,
        %get3A_1169 = vector.shape_cast %get3A_1168 : vector<1x1x16xf32> to vector<16xf32>
        %get3A_1170 = arith.constant 3 : i32
        %get3A_1171 = arith.index_cast %get3A_1170 : i32 to index
        %get3A_1172 = arith.index_cast %scan3A_1162 : i32 to index
        %get3A_1173 = arith.constant 272 : index
        %get3A_1174 = tpu.vector_load %arg7[%get3A_1171, %get3A_1172, %get3A_1173] {strides = array<i32>} : memref<4x32x768xf32, #tpu.memory_space<vmem>>, vector<1x1x16xf32>,
        %get3A_1175 = vector.shape_cast %get3A_1174 : vector<1x1x16xf32> to vector<16xf32>
        %get3A_1176 = arith.constant 3 : i32
        %get3A_1177 = arith.index_cast %get3A_1176 : i32 to index
        %get3A_1178 = arith.index_cast %scan3A_1162 : i32 to index
        %get3A_1179 = arith.constant 288 : index
        %get3A_1180 = tpu.vector_load %arg7[%get3A_1177, %get3A_1178, %get3A_1179] {strides = array<i32>} : memref<4x32x768xf32, #tpu.memory_space<vmem>>, vector<1x1x16xf32>,
        %get3A_1181 = vector.shape_cast %get3A_1180 : vector<1x1x16xf32> to vector<16xf32>
        %get3A_1182 = arith.constant 3 : i32
        %get3A_1183 = arith.index_cast %get3A_1182 : i32 to index
        %get3A_1184 = arith.index_cast %scan3A_1162 : i32 to index
        %get3A_1185 = arith.constant 304 : index
        %get3A_1186 = tpu.vector_load %arg7[%get3A_1183, %get3A_1184, %get3A_1185] {strides = array<i32>} : memref<4x32x768xf32, #tpu.memory_space<vmem>>, vector<1x1x16xf32>,
        %get3A_1187 = vector.shape_cast %get3A_1186 : vector<1x1x16xf32> to vector<16xf32>
        %get3A_1188 = arith.constant 3 : i32
        %get3A_1189 = arith.index_cast %get3A_1188 : i32 to index
        %get3A_1190 = arith.index_cast %scan3A_1162 : i32 to index
        %get3A_1191 = arith.constant 320 : index
        %get3A_1192 = tpu.vector_load %arg7[%get3A_1189, %get3A_1190, %get3A_1191] {strides = array<i32>} : memref<4x32x768xf32, #tpu.memory_space<vmem>>, vector<1x1x16xf32>,
        %get3A_1193 = vector.shape_cast %get3A_1192 : vector<1x1x16xf32> to vector<16xf32>
        %get3A_1194 = arith.constant 3 : i32
        %get3A_1195 = arith.index_cast %get3A_1194 : i32 to index
        %get3A_1196 = arith.index_cast %scan3A_1162 : i32 to index
        %get3A_1197 = arith.constant 336 : index
        %get3A_1198 = tpu.vector_load %arg7[%get3A_1195, %get3A_1196, %get3A_1197] {strides = array<i32>} : memref<4x32x768xf32, #tpu.memory_space<vmem>>, vector<1x1x16xf32>,
        %get3A_1199 = vector.shape_cast %get3A_1198 : vector<1x1x16xf32> to vector<16xf32>
        %get3A_1200 = arith.constant 3 : i32
        %get3A_1201 = arith.index_cast %get3A_1200 : i32 to index
        %get3A_1202 = arith.index_cast %scan3A_1162 : i32 to index
        %get3A_1203 = arith.constant 352 : index
        %get3A_1204 = tpu.vector_load %arg7[%get3A_1201, %get3A_1202, %get3A_1203] {strides = array<i32>} : memref<4x32x768xf32, #tpu.memory_space<vmem>>, vector<1x1x16xf32>,
        %get3A_1205 = vector.shape_cast %get3A_1204 : vector<1x1x16xf32> to vector<16xf32>
        %get3A_1206 = arith.constant 3 : i32
        %get3A_1207 = arith.index_cast %get3A_1206 : i32 to index
        %get3A_1208 = arith.index_cast %scan3A_1162 : i32 to index
        %get3A_1209 = arith.constant 368 : index
        %get3A_1210 = tpu.vector_load %arg7[%get3A_1207, %get3A_1208, %get3A_1209] {strides = array<i32>} : memref<4x32x768xf32, #tpu.memory_space<vmem>>, vector<1x1x16xf32>,
        %get3A_1211 = vector.shape_cast %get3A_1210 : vector<1x1x16xf32> to vector<16xf32>
        %get3A_1212 = arith.constant 3 : i32
        %get3A_1213 = arith.index_cast %get3A_1212 : i32 to index
        %get3A_1214 = arith.index_cast %scan3A_1162 : i32 to index
        %get3A_1215 = arith.constant 384 : index
        %get3A_1216 = tpu.vector_load %arg7[%get3A_1213, %get3A_1214, %get3A_1215] {strides = array<i32>} : memref<4x32x768xf32, #tpu.memory_space<vmem>>, vector<1x1x16xf32>,
        %get3A_1217 = vector.shape_cast %get3A_1216 : vector<1x1x16xf32> to vector<16xf32>
        %get3A_1218 = arith.constant 3 : i32
        %get3A_1219 = arith.index_cast %get3A_1218 : i32 to index
        %get3A_1220 = arith.index_cast %scan3A_1162 : i32 to index
        %get3A_1221 = arith.constant 400 : index
        %get3A_1222 = tpu.vector_load %arg7[%get3A_1219, %get3A_1220, %get3A_1221] {strides = array<i32>} : memref<4x32x768xf32, #tpu.memory_space<vmem>>, vector<1x1x16xf32>,
        %get3A_1223 = vector.shape_cast %get3A_1222 : vector<1x1x16xf32> to vector<16xf32>
        %get3A_1224 = arith.constant 3 : i32
        %get3A_1225 = arith.index_cast %get3A_1224 : i32 to index
        %get3A_1226 = arith.index_cast %scan3A_1162 : i32 to index
        %get3A_1227 = arith.constant 416 : index
        %get3A_1228 = tpu.vector_load %arg7[%get3A_1225, %get3A_1226, %get3A_1227] {strides = array<i32>} : memref<4x32x768xf32, #tpu.memory_space<vmem>>, vector<1x1x16xf32>,
        %get3A_1229 = vector.shape_cast %get3A_1228 : vector<1x1x16xf32> to vector<16xf32>
        %get3A_1230 = arith.constant 3 : i32
        %get3A_1231 = arith.index_cast %get3A_1230 : i32 to index
        %get3A_1232 = arith.index_cast %scan3A_1162 : i32 to index
        %get3A_1233 = arith.constant 432 : index
        %get3A_1234 = tpu.vector_load %arg7[%get3A_1231, %get3A_1232, %get3A_1233] {strides = array<i32>} : memref<4x32x768xf32, #tpu.memory_space<vmem>>, vector<1x1x16xf32>,
        %get3A_1235 = vector.shape_cast %get3A_1234 : vector<1x1x16xf32> to vector<16xf32>
        %get3A_1236 = arith.constant 3 : i32
        %get3A_1237 = arith.index_cast %get3A_1236 : i32 to index
        %get3A_1238 = arith.index_cast %scan3A_1162 : i32 to index
        %get3A_1239 = arith.constant 448 : index
        %get3A_1240 = tpu.vector_load %arg7[%get3A_1237, %get3A_1238, %get3A_1239] {strides = array<i32>} : memref<4x32x768xf32, #tpu.memory_space<vmem>>, vector<1x1x16xf32>,
        %get3A_1241 = vector.shape_cast %get3A_1240 : vector<1x1x16xf32> to vector<16xf32>
        %get3A_1242 = arith.constant 3 : i32
        %get3A_1243 = arith.index_cast %get3A_1242 : i32 to index
        %get3A_1244 = arith.index_cast %scan3A_1162 : i32 to index
        %get3A_1245 = arith.constant 464 : index
        %get3A_1246 = tpu.vector_load %arg7[%get3A_1243, %get3A_1244, %get3A_1245] {strides = array<i32>} : memref<4x32x768xf32, #tpu.memory_space<vmem>>, vector<1x1x16xf32>,
        %get3A_1247 = vector.shape_cast %get3A_1246 : vector<1x1x16xf32> to vector<16xf32>
        %get3A_1248 = arith.constant 3 : i32
        %get3A_1249 = arith.index_cast %get3A_1248 : i32 to index
        %get3A_1250 = arith.index_cast %scan3A_1162 : i32 to index
        %get3A_1251 = arith.constant 480 : index
        %get3A_1252 = tpu.vector_load %arg7[%get3A_1249, %get3A_1250, %get3A_1251] {strides = array<i32>} : memref<4x32x768xf32, #tpu.memory_space<vmem>>, vector<1x1x16xf32>,
        %get3A_1253 = vector.shape_cast %get3A_1252 : vector<1x1x16xf32> to vector<16xf32>
        %get3A_1254 = arith.constant 3 : i32
        %get3A_1255 = arith.index_cast %get3A_1254 : i32 to index
        %get3A_1256 = arith.index_cast %scan3A_1162 : i32 to index
        %get3A_1257 = arith.constant 496 : index
        %get3A_1258 = tpu.vector_load %arg7[%get3A_1255, %get3A_1256, %get3A_1257] {strides = array<i32>} : memref<4x32x768xf32, #tpu.memory_space<vmem>>, vector<1x1x16xf32>,
        %get3A_1259 = vector.shape_cast %get3A_1258 : vector<1x1x16xf32> to vector<16xf32>
        %add3A_1260 = arith.addf %get3A_1169, %get3A_1003 : vector<16xf32>
        %swap3A_1261 = arith.constant 3 : i32
        %swap3A_1262 = arith.index_cast %swap3A_1261 : i32 to index
        %swap3A_1263 = arith.index_cast %scan3A_1162 : i32 to index
        %swap3A_1264 = arith.constant 256 : index
        %swap3A_1265 = tpu.vector_load %arg7[%swap3A_1262, %swap3A_1263, %swap3A_1264] {strides = array<i32>} : memref<4x32x768xf32, #tpu.memory_space<vmem>>, vector<1x1x16xf32>,
        %swap3A_1266 = vector.shape_cast %swap3A_1265 : vector<1x1x16xf32> to vector<16xf32>
        %swap3A_1267 = vector.shape_cast %add3A_1260 : vector<16xf32> to vector<1x1x16xf32>
        tpu.vector_store %arg7[%swap3A_1262, %swap3A_1263, %swap3A_1264], %swap3A_1267 {strides = array<i32>} : memref<4x32x768xf32, #tpu.memory_space<vmem>>, vector<1x1x16xf32>,
        %add3A_1268 = arith.addf %get3A_1175, %get3A_1007 : vector<16xf32>
        %swap3A_1269 = arith.constant 3 : i32
        %swap3A_1270 = arith.index_cast %swap3A_1269 : i32 to index
        %swap3A_1271 = arith.index_cast %scan3A_1162 : i32 to index
        %swap3A_1272 = arith.constant 272 : index
        %swap3A_1273 = tpu.vector_load %arg7[%swap3A_1270, %swap3A_1271, %swap3A_1272] {strides = array<i32>} : memref<4x32x768xf32, #tpu.memory_space<vmem>>, vector<1x1x16xf32>,
        %swap3A_1274 = vector.shape_cast %swap3A_1273 : vector<1x1x16xf32> to vector<16xf32>
        %swap3A_1275 = vector.shape_cast %add3A_1268 : vector<16xf32> to vector<1x1x16xf32>
        tpu.vector_store %arg7[%swap3A_1270, %swap3A_1271, %swap3A_1272], %swap3A_1275 {strides = array<i32>} : memref<4x32x768xf32, #tpu.memory_space<vmem>>, vector<1x1x16xf32>,
        %add3A_1276 = arith.addf %get3A_1181, %get3A_1011 : vector<16xf32>
        %swap3A_1277 = arith.constant 3 : i32
        %swap3A_1278 = arith.index_cast %swap3A_1277 : i32 to index
        %swap3A_1279 = arith.index_cast %scan3A_1162 : i32 to index
        %swap3A_1280 = arith.constant 288 : index
        %swap3A_1281 = tpu.vector_load %arg7[%swap3A_1278, %swap3A_1279, %swap3A_1280] {strides = array<i32>} : memref<4x32x768xf32, #tpu.memory_space<vmem>>, vector<1x1x16xf32>,
        %swap3A_1282 = vector.shape_cast %swap3A_1281 : vector<1x1x16xf32> to vector<16xf32>
        %swap3A_1283 = vector.shape_cast %add3A_1276 : vector<16xf32> to vector<1x1x16xf32>
        tpu.vector_store %arg7[%swap3A_1278, %swap3A_1279, %swap3A_1280], %swap3A_1283 {strides = array<i32>} : memref<4x32x768xf32, #tpu.memory_space<vmem>>, vector<1x1x16xf32>,
        %add3A_1284 = arith.addf %get3A_1187, %get3A_1015 : vector<16xf32>
        %swap3A_1285 = arith.constant 3 : i32
        %swap3A_1286 = arith.index_cast %swap3A_1285 : i32 to index
        %swap3A_1287 = arith.index_cast %scan3A_1162 : i32 to index
        %swap3A_1288 = arith.constant 304 : index
        %swap3A_1289 = tpu.vector_load %arg7[%swap3A_1286, %swap3A_1287, %swap3A_1288] {strides = array<i32>} : memref<4x32x768xf32, #tpu.memory_space<vmem>>, vector<1x1x16xf32>,
        %swap3A_1290 = vector.shape_cast %swap3A_1289 : vector<1x1x16xf32> to vector<16xf32>
        %swap3A_1291 = vector.shape_cast %add3A_1284 : vector<16xf32> to vector<1x1x16xf32>
        tpu.vector_store %arg7[%swap3A_1286, %swap3A_1287, %swap3A_1288], %swap3A_1291 {strides = array<i32>} : memref<4x32x768xf32, #tpu.memory_space<vmem>>, vector<1x1x16xf32>,
        %add3A_1292 = arith.addf %get3A_1193, %get3A_1019 : vector<16xf32>
        %swap3A_1293 = arith.constant 3 : i32
        %swap3A_1294 = arith.index_cast %swap3A_1293 : i32 to index
        %swap3A_1295 = arith.index_cast %scan3A_1162 : i32 to index
        %swap3A_1296 = arith.constant 320 : index
        %swap3A_1297 = tpu.vector_load %arg7[%swap3A_1294, %swap3A_1295, %swap3A_1296] {strides = array<i32>} : memref<4x32x768xf32, #tpu.memory_space<vmem>>, vector<1x1x16xf32>,
        %swap3A_1298 = vector.shape_cast %swap3A_1297 : vector<1x1x16xf32> to vector<16xf32>
        %swap3A_1299 = vector.shape_cast %add3A_1292 : vector<16xf32> to vector<1x1x16xf32>
        tpu.vector_store %arg7[%swap3A_1294, %swap3A_1295, %swap3A_1296], %swap3A_1299 {strides = array<i32>} : memref<4x32x768xf32, #tpu.memory_space<vmem>>, vector<1x1x16xf32>,
        %add3A_1300 = arith.addf %get3A_1199, %get3A_1023 : vector<16xf32>
        %swap3A_1301 = arith.constant 3 : i32
        %swap3A_1302 = arith.index_cast %swap3A_1301 : i32 to index
        %swap3A_1303 = arith.index_cast %scan3A_1162 : i32 to index
        %swap3A_1304 = arith.constant 336 : index
        %swap3A_1305 = tpu.vector_load %arg7[%swap3A_1302, %swap3A_1303, %swap3A_1304] {strides = array<i32>} : memref<4x32x768xf32, #tpu.memory_space<vmem>>, vector<1x1x16xf32>,
        %swap3A_1306 = vector.shape_cast %swap3A_1305 : vector<1x1x16xf32> to vector<16xf32>
        %swap3A_1307 = vector.shape_cast %add3A_1300 : vector<16xf32> to vector<1x1x16xf32>
        tpu.vector_store %arg7[%swap3A_1302, %swap3A_1303, %swap3A_1304], %swap3A_1307 {strides = array<i32>} : memref<4x32x768xf32, #tpu.memory_space<vmem>>, vector<1x1x16xf32>,
        %add3A_1308 = arith.addf %get3A_1205, %get3A_1027 : vector<16xf32>
        %swap3A_1309 = arith.constant 3 : i32
        %swap3A_1310 = arith.index_cast %swap3A_1309 : i32 to index
        %swap3A_1311 = arith.index_cast %scan3A_1162 : i32 to index
        %swap3A_1312 = arith.constant 352 : index
        %swap3A_1313 = tpu.vector_load %arg7[%swap3A_1310, %swap3A_1311, %swap3A_1312] {strides = array<i32>} : memref<4x32x768xf32, #tpu.memory_space<vmem>>, vector<1x1x16xf32>,
        %swap3A_1314 = vector.shape_cast %swap3A_1313 : vector<1x1x16xf32> to vector<16xf32>
        %swap3A_1315 = vector.shape_cast %add3A_1308 : vector<16xf32> to vector<1x1x16xf32>
        tpu.vector_store %arg7[%swap3A_1310, %swap3A_1311, %swap3A_1312], %swap3A_1315 {strides = array<i32>} : memref<4x32x768xf32, #tpu.memory_space<vmem>>, vector<1x1x16xf32>,
        %add3A_1316 = arith.addf %get3A_1211, %get3A_1031 : vector<16xf32>
        %swap3A_1317 = arith.constant 3 : i32
        %swap3A_1318 = arith.index_cast %swap3A_1317 : i32 to index
        %swap3A_1319 = arith.index_cast %scan3A_1162 : i32 to index
        %swap3A_1320 = arith.constant 368 : index
        %swap3A_1321 = tpu.vector_load %arg7[%swap3A_1318, %swap3A_1319, %swap3A_1320] {strides = array<i32>} : memref<4x32x768xf32, #tpu.memory_space<vmem>>, vector<1x1x16xf32>,
        %swap3A_1322 = vector.shape_cast %swap3A_1321 : vector<1x1x16xf32> to vector<16xf32>
        %swap3A_1323 = vector.shape_cast %add3A_1316 : vector<16xf32> to vector<1x1x16xf32>
        tpu.vector_store %arg7[%swap3A_1318, %swap3A_1319, %swap3A_1320], %swap3A_1323 {strides = array<i32>} : memref<4x32x768xf32, #tpu.memory_space<vmem>>, vector<1x1x16xf32>,
        %add3A_1324 = arith.addf %get3A_1217, %get3A_1035 : vector<16xf32>
        %swap3A_1325 = arith.constant 3 : i32
        %swap3A_1326 = arith.index_cast %swap3A_1325 : i32 to index
        %swap3A_1327 = arith.index_cast %scan3A_1162 : i32 to index
        %swap3A_1328 = arith.constant 384 : index
        %swap3A_1329 = tpu.vector_load %arg7[%swap3A_1326, %swap3A_1327, %swap3A_1328] {strides = array<i32>} : memref<4x32x768xf32, #tpu.memory_space<vmem>>, vector<1x1x16xf32>,
        %swap3A_1330 = vector.shape_cast %swap3A_1329 : vector<1x1x16xf32> to vector<16xf32>
        %swap3A_1331 = vector.shape_cast %add3A_1324 : vector<16xf32> to vector<1x1x16xf32>
        tpu.vector_store %arg7[%swap3A_1326, %swap3A_1327, %swap3A_1328], %swap3A_1331 {strides = array<i32>} : memref<4x32x768xf32, #tpu.memory_space<vmem>>, vector<1x1x16xf32>,
        %add3A_1332 = arith.addf %get3A_1223, %get3A_1039 : vector<16xf32>
        %swap3A_1333 = arith.constant 3 : i32
        %swap3A_1334 = arith.index_cast %swap3A_1333 : i32 to index
        %swap3A_1335 = arith.index_cast %scan3A_1162 : i32 to index
        %swap3A_1336 = arith.constant 400 : index
        %swap3A_1337 = tpu.vector_load %arg7[%swap3A_1334, %swap3A_1335, %swap3A_1336] {strides = array<i32>} : memref<4x32x768xf32, #tpu.memory_space<vmem>>, vector<1x1x16xf32>,
        %swap3A_1338 = vector.shape_cast %swap3A_1337 : vector<1x1x16xf32> to vector<16xf32>
        %swap3A_1339 = vector.shape_cast %add3A_1332 : vector<16xf32> to vector<1x1x16xf32>
        tpu.vector_store %arg7[%swap3A_1334, %swap3A_1335, %swap3A_1336], %swap3A_1339 {strides = array<i32>} : memref<4x32x768xf32, #tpu.memory_space<vmem>>, vector<1x1x16xf32>,
        %add3A_1340 = arith.addf %get3A_1229, %get3A_1043 : vector<16xf32>
        %swap3A_1341 = arith.constant 3 : i32
        %swap3A_1342 = arith.index_cast %swap3A_1341 : i32 to index
        %swap3A_1343 = arith.index_cast %scan3A_1162 : i32 to index
        %swap3A_1344 = arith.constant 416 : index
        %swap3A_1345 = tpu.vector_load %arg7[%swap3A_1342, %swap3A_1343, %swap3A_1344] {strides = array<i32>} : memref<4x32x768xf32, #tpu.memory_space<vmem>>, vector<1x1x16xf32>,
        %swap3A_1346 = vector.shape_cast %swap3A_1345 : vector<1x1x16xf32> to vector<16xf32>
        %swap3A_1347 = vector.shape_cast %add3A_1340 : vector<16xf32> to vector<1x1x16xf32>
        tpu.vector_store %arg7[%swap3A_1342, %swap3A_1343, %swap3A_1344], %swap3A_1347 {strides = array<i32>} : memref<4x32x768xf32, #tpu.memory_space<vmem>>, vector<1x1x16xf32>,
        %add3A_1348 = arith.addf %get3A_1235, %get3A_1047 : vector<16xf32>
        %swap3A_1349 = arith.constant 3 : i32
        %swap3A_1350 = arith.index_cast %swap3A_1349 : i32 to index
        %swap3A_1351 = arith.index_cast %scan3A_1162 : i32 to index
        %swap3A_1352 = arith.constant 432 : index
        %swap3A_1353 = tpu.vector_load %arg7[%swap3A_1350, %swap3A_1351, %swap3A_1352] {strides = array<i32>} : memref<4x32x768xf32, #tpu.memory_space<vmem>>, vector<1x1x16xf32>,
        %swap3A_1354 = vector.shape_cast %swap3A_1353 : vector<1x1x16xf32> to vector<16xf32>
        %swap3A_1355 = vector.shape_cast %add3A_1348 : vector<16xf32> to vector<1x1x16xf32>
        tpu.vector_store %arg7[%swap3A_1350, %swap3A_1351, %swap3A_1352], %swap3A_1355 {strides = array<i32>} : memref<4x32x768xf32, #tpu.memory_space<vmem>>, vector<1x1x16xf32>,
        %add3A_1356 = arith.addf %get3A_1241, %get3A_1051 : vector<16xf32>
        %swap3A_1357 = arith.constant 3 : i32
        %swap3A_1358 = arith.index_cast %swap3A_1357 : i32 to index
        %swap3A_1359 = arith.index_cast %scan3A_1162 : i32 to index
        %swap3A_1360 = arith.constant 448 : index
        %swap3A_1361 = tpu.vector_load %arg7[%swap3A_1358, %swap3A_1359, %swap3A_1360] {strides = array<i32>} : memref<4x32x768xf32, #tpu.memory_space<vmem>>, vector<1x1x16xf32>,
        %swap3A_1362 = vector.shape_cast %swap3A_1361 : vector<1x1x16xf32> to vector<16xf32>
        %swap3A_1363 = vector.shape_cast %add3A_1356 : vector<16xf32> to vector<1x1x16xf32>
        tpu.vector_store %arg7[%swap3A_1358, %swap3A_1359, %swap3A_1360], %swap3A_1363 {strides = array<i32>} : memref<4x32x768xf32, #tpu.memory_space<vmem>>, vector<1x1x16xf32>,
        %add3A_1364 = arith.addf %get3A_1247, %get3A_1055 : vector<16xf32>
        %swap3A_1365 = arith.constant 3 : i32
        %swap3A_1366 = arith.index_cast %swap3A_1365 : i32 to index
        %swap3A_1367 = arith.index_cast %scan3A_1162 : i32 to index
        %swap3A_1368 = arith.constant 464 : index
        %swap3A_1369 = tpu.vector_load %arg7[%swap3A_1366, %swap3A_1367, %swap3A_1368] {strides = array<i32>} : memref<4x32x768xf32, #tpu.memory_space<vmem>>, vector<1x1x16xf32>,
        %swap3A_1370 = vector.shape_cast %swap3A_1369 : vector<1x1x16xf32> to vector<16xf32>
        %swap3A_1371 = vector.shape_cast %add3A_1364 : vector<16xf32> to vector<1x1x16xf32>
        tpu.vector_store %arg7[%swap3A_1366, %swap3A_1367, %swap3A_1368], %swap3A_1371 {strides = array<i32>} : memref<4x32x768xf32, #tpu.memory_space<vmem>>, vector<1x1x16xf32>,
        %add3A_1372 = arith.addf %get3A_1253, %get3A_1059 : vector<16xf32>
        %swap3A_1373 = arith.constant 3 : i32
        %swap3A_1374 = arith.index_cast %swap3A_1373 : i32 to index
        %swap3A_1375 = arith.index_cast %scan3A_1162 : i32 to index
        %swap3A_1376 = arith.constant 480 : index
        %swap3A_1377 = tpu.vector_load %arg7[%swap3A_1374, %swap3A_1375, %swap3A_1376] {strides = array<i32>} : memref<4x32x768xf32, #tpu.memory_space<vmem>>, vector<1x1x16xf32>,
        %swap3A_1378 = vector.shape_cast %swap3A_1377 : vector<1x1x16xf32> to vector<16xf32>
        %swap3A_1379 = vector.shape_cast %add3A_1372 : vector<16xf32> to vector<1x1x16xf32>
        tpu.vector_store %arg7[%swap3A_1374, %swap3A_1375, %swap3A_1376], %swap3A_1379 {strides = array<i32>} : memref<4x32x768xf32, #tpu.memory_space<vmem>>, vector<1x1x16xf32>,
        %add3A_1380 = arith.addf %get3A_1259, %get3A_1063 : vector<16xf32>
        %swap3A_1381 = arith.constant 3 : i32
        %swap3A_1382 = arith.index_cast %swap3A_1381 : i32 to index
        %swap3A_1383 = arith.index_cast %scan3A_1162 : i32 to index
        %swap3A_1384 = arith.constant 496 : index
        %swap3A_1385 = tpu.vector_load %arg7[%swap3A_1382, %swap3A_1383, %swap3A_1384] {strides = array<i32>} : memref<4x32x768xf32, #tpu.memory_space<vmem>>, vector<1x1x16xf32>,
        %swap3A_1386 = vector.shape_cast %swap3A_1385 : vector<1x1x16xf32> to vector<16xf32>
        %swap3A_1387 = vector.shape_cast %add3A_1380 : vector<16xf32> to vector<1x1x16xf32>
        tpu.vector_store %arg7[%swap3A_1382, %swap3A_1383, %swap3A_1384], %swap3A_1387 {strides = array<i32>} : memref<4x32x768xf32, #tpu.memory_space<vmem>>, vector<1x1x16xf32>,
        %scan3A_1388 = arith.constant 0 : i32
        scf.yield %scan3A_1388 : i32
      }
      %scan3A_1070 = arith.constant 32 : i32
      %get3A_1071 = arith.index_cast %sub3A_928 : i32 to index
      %get3A_1072 = arith.constant 512 : index
      %get3A_1073 = tpu.vector_load %arg9[%get3A_1071, %get3A_1072] {strides = array<i32>} : memref<16x768xf32, #tpu.memory_space<vmem>>, vector<1x16xf32>,
      %get3A_1074 = vector.shape_cast %get3A_1073 : vector<1x16xf32> to vector<16xf32>
      %get3A_1075 = arith.index_cast %sub3A_928 : i32 to index
      %get3A_1076 = arith.constant 528 : index
      %get3A_1077 = tpu.vector_load %arg9[%get3A_1075, %get3A_1076] {strides = array<i32>} : memref<16x768xf32, #tpu.memory_space<vmem>>, vector<1x16xf32>,
      %get3A_1078 = vector.shape_cast %get3A_1077 : vector<1x16xf32> to vector<16xf32>
      %get3A_1079 = arith.index_cast %sub3A_928 : i32 to index
      %get3A_1080 = arith.constant 544 : index
      %get3A_1081 = tpu.vector_load %arg9[%get3A_1079, %get3A_1080] {strides = array<i32>} : memref<16x768xf32, #tpu.memory_space<vmem>>, vector<1x16xf32>,
      %get3A_1082 = vector.shape_cast %get3A_1081 : vector<1x16xf32> to vector<16xf32>
      %get3A_1083 = arith.index_cast %sub3A_928 : i32 to index
      %get3A_1084 = arith.constant 560 : index
      %get3A_1085 = tpu.vector_load %arg9[%get3A_1083, %get3A_1084] {strides = array<i32>} : memref<16x768xf32, #tpu.memory_space<vmem>>, vector<1x16xf32>,
      %get3A_1086 = vector.shape_cast %get3A_1085 : vector<1x16xf32> to vector<16xf32>
      %get3A_1087 = arith.index_cast %sub3A_928 : i32 to index
      %get3A_1088 = arith.constant 576 : index
      %get3A_1089 = tpu.vector_load %arg9[%get3A_1087, %get3A_1088] {strides = array<i32>} : memref<16x768xf32, #tpu.memory_space<vmem>>, vector<1x16xf32>,
      %get3A_1090 = vector.shape_cast %get3A_1089 : vector<1x16xf32> to vector<16xf32>
      %get3A_1091 = arith.index_cast %sub3A_928 : i32 to index
      %get3A_1092 = arith.constant 592 : index
      %get3A_1093 = tpu.vector_load %arg9[%get3A_1091, %get3A_1092] {strides = array<i32>} : memref<16x768xf32, #tpu.memory_space<vmem>>, vector<1x16xf32>,
      %get3A_1094 = vector.shape_cast %get3A_1093 : vector<1x16xf32> to vector<16xf32>
      %get3A_1095 = arith.index_cast %sub3A_928 : i32 to index
      %get3A_1096 = arith.constant 608 : index
      %get3A_1097 = tpu.vector_load %arg9[%get3A_1095, %get3A_1096] {strides = array<i32>} : memref<16x768xf32, #tpu.memory_space<vmem>>, vector<1x16xf32>,
      %get3A_1098 = vector.shape_cast %get3A_1097 : vector<1x16xf32> to vector<16xf32>
      %get3A_1099 = arith.index_cast %sub3A_928 : i32 to index
      %get3A_1100 = arith.constant 624 : index
      %get3A_1101 = tpu.vector_load %arg9[%get3A_1099, %get3A_1100] {strides = array<i32>} : memref<16x768xf32, #tpu.memory_space<vmem>>, vector<1x16xf32>,
      %get3A_1102 = vector.shape_cast %get3A_1101 : vector<1x16xf32> to vector<16xf32>
      %get3A_1103 = arith.index_cast %sub3A_928 : i32 to index
      %get3A_1104 = arith.constant 640 : index
      %get3A_1105 = tpu.vector_load %arg9[%get3A_1103, %get3A_1104] {strides = array<i32>} : memref<16x768xf32, #tpu.memory_space<vmem>>, vector<1x16xf32>,
      %get3A_1106 = vector.shape_cast %get3A_1105 : vector<1x16xf32> to vector<16xf32>
      %get3A_1107 = arith.index_cast %sub3A_928 : i32 to index
      %get3A_1108 = arith.constant 656 : index
      %get3A_1109 = tpu.vector_load %arg9[%get3A_1107, %get3A_1108] {strides = array<i32>} : memref<16x768xf32, #tpu.memory_space<vmem>>, vector<1x16xf32>,
      %get3A_1110 = vector.shape_cast %get3A_1109 : vector<1x16xf32> to vector<16xf32>
      %get3A_1111 = arith.index_cast %sub3A_928 : i32 to index
      %get3A_1112 = arith.constant 672 : index
      %get3A_1113 = tpu.vector_load %arg9[%get3A_1111, %get3A_1112] {strides = array<i32>} : memref<16x768xf32, #tpu.memory_space<vmem>>, vector<1x16xf32>,
      %get3A_1114 = vector.shape_cast %get3A_1113 : vector<1x16xf32> to vector<16xf32>
      %get3A_1115 = arith.index_cast %sub3A_928 : i32 to index
      %get3A_1116 = arith.constant 688 : index
      %get3A_1117 = tpu.vector_load %arg9[%get3A_1115, %get3A_1116] {strides = array<i32>} : memref<16x768xf32, #tpu.memory_space<vmem>>, vector<1x16xf32>,
      %get3A_1118 = vector.shape_cast %get3A_1117 : vector<1x16xf32> to vector<16xf32>
      %get3A_1119 = arith.index_cast %sub3A_928 : i32 to index
      %get3A_1120 = arith.constant 704 : index
      %get3A_1121 = tpu.vector_load %arg9[%get3A_1119, %get3A_1120] {strides = array<i32>} : memref<16x768xf32, #tpu.memory_space<vmem>>, vector<1x16xf32>,
      %get3A_1122 = vector.shape_cast %get3A_1121 : vector<1x16xf32> to vector<16xf32>
      %get3A_1123 = arith.index_cast %sub3A_928 : i32 to index
      %get3A_1124 = arith.constant 720 : index
      %get3A_1125 = tpu.vector_load %arg9[%get3A_1123, %get3A_1124] {strides = array<i32>} : memref<16x768xf32, #tpu.memory_space<vmem>>, vector<1x16xf32>,
      %get3A_1126 = vector.shape_cast %get3A_1125 : vector<1x16xf32> to vector<16xf32>
      %get3A_1127 = arith.index_cast %sub3A_928 : i32 to index
      %get3A_1128 = arith.constant 736 : index
      %get3A_1129 = tpu.vector_load %arg9[%get3A_1127, %get3A_1128] {strides = array<i32>} : memref<16x768xf32, #tpu.memory_space<vmem>>, vector<1x16xf32>,
      %get3A_1130 = vector.shape_cast %get3A_1129 : vector<1x16xf32> to vector<16xf32>
      %get3A_1131 = arith.index_cast %sub3A_928 : i32 to index
      %get3A_1132 = arith.constant 752 : index
      %get3A_1133 = tpu.vector_load %arg9[%get3A_1131, %get3A_1132] {strides = array<i32>} : memref<16x768xf32, #tpu.memory_space<vmem>>, vector<1x16xf32>,
      %get3A_1134 = vector.shape_cast %get3A_1133 : vector<1x16xf32> to vector<16xf32>
      %scan3A_1135 = arith.constant 0 : i32
      %scan3A_1136 = arith.constant 0 : i32
      %scan3A_1137 = arith.constant 32 : i32
      %scan3A_1138 = arith.addi %scan3A_1136, %scan3A_1137 : i32
      %scan3A_1139 = arith.constant 1 : i32
      %scan3A_1140 = scf.for %scan3A_1162 = %scan3A_1136 to %scan3A_1138 step %scan3A_1139 iter_args(%scan3A_1163 = %scan3A_1135) -> (i32)  : i32 {
        %get3A_1164 = arith.constant 3 : i32
        %get3A_1165 = arith.index_cast %get3A_1164 : i32 to index
        %get3A_1166 = arith.index_cast %scan3A_1162 : i32 to index
        %get3A_1167 = arith.constant 512 : index
        %get3A_1168 = tpu.vector_load %arg7[%get3A_1165, %get3A_1166, %get3A_1167] {strides = array<i32>} : memref<4x32x768xf32, #tpu.memory_space<vmem>>, vector<1x1x16xf32>,
        %get3A_1169 = vector.shape_cast %get3A_1168 : vector<1x1x16xf32> to vector<16xf32>
        %get3A_1170 = arith.constant 3 : i32
        %get3A_1171 = arith.index_cast %get3A_1170 : i32 to index
        %get3A_1172 = arith.index_cast %scan3A_1162 : i32 to index
        %get3A_1173 = arith.constant 528 : index
        %get3A_1174 = tpu.vector_load %arg7[%get3A_1171, %get3A_1172, %get3A_1173] {strides = array<i32>} : memref<4x32x768xf32, #tpu.memory_space<vmem>>, vector<1x1x16xf32>,
        %get3A_1175 = vector.shape_cast %get3A_1174 : vector<1x1x16xf32> to vector<16xf32>
        %get3A_1176 = arith.constant 3 : i32
        %get3A_1177 = arith.index_cast %get3A_1176 : i32 to index
        %get3A_1178 = arith.index_cast %scan3A_1162 : i32 to index
        %get3A_1179 = arith.constant 544 : index
        %get3A_1180 = tpu.vector_load %arg7[%get3A_1177, %get3A_1178, %get3A_1179] {strides = array<i32>} : memref<4x32x768xf32, #tpu.memory_space<vmem>>, vector<1x1x16xf32>,
        %get3A_1181 = vector.shape_cast %get3A_1180 : vector<1x1x16xf32> to vector<16xf32>
        %get3A_1182 = arith.constant 3 : i32
        %get3A_1183 = arith.index_cast %get3A_1182 : i32 to index
        %get3A_1184 = arith.index_cast %scan3A_1162 : i32 to index
        %get3A_1185 = arith.constant 560 : index
        %get3A_1186 = tpu.vector_load %arg7[%get3A_1183, %get3A_1184, %get3A_1185] {strides = array<i32>} : memref<4x32x768xf32, #tpu.memory_space<vmem>>, vector<1x1x16xf32>,
        %get3A_1187 = vector.shape_cast %get3A_1186 : vector<1x1x16xf32> to vector<16xf32>
        %get3A_1188 = arith.constant 3 : i32
        %get3A_1189 = arith.index_cast %get3A_1188 : i32 to index
        %get3A_1190 = arith.index_cast %scan3A_1162 : i32 to index
        %get3A_1191 = arith.constant 576 : index
        %get3A_1192 = tpu.vector_load %arg7[%get3A_1189, %get3A_1190, %get3A_1191] {strides = array<i32>} : memref<4x32x768xf32, #tpu.memory_space<vmem>>, vector<1x1x16xf32>,
        %get3A_1193 = vector.shape_cast %get3A_1192 : vector<1x1x16xf32> to vector<16xf32>
        %get3A_1194 = arith.constant 3 : i32
        %get3A_1195 = arith.index_cast %get3A_1194 : i32 to index
        %get3A_1196 = arith.index_cast %scan3A_1162 : i32 to index
        %get3A_1197 = arith.constant 592 : index
        %get3A_1198 = tpu.vector_load %arg7[%get3A_1195, %get3A_1196, %get3A_1197] {strides = array<i32>} : memref<4x32x768xf32, #tpu.memory_space<vmem>>, vector<1x1x16xf32>,
        %get3A_1199 = vector.shape_cast %get3A_1198 : vector<1x1x16xf32> to vector<16xf32>
        %get3A_1200 = arith.constant 3 : i32
        %get3A_1201 = arith.index_cast %get3A_1200 : i32 to index
        %get3A_1202 = arith.index_cast %scan3A_1162 : i32 to index
        %get3A_1203 = arith.constant 608 : index
        %get3A_1204 = tpu.vector_load %arg7[%get3A_1201, %get3A_1202, %get3A_1203] {strides = array<i32>} : memref<4x32x768xf32, #tpu.memory_space<vmem>>, vector<1x1x16xf32>,
        %get3A_1205 = vector.shape_cast %get3A_1204 : vector<1x1x16xf32> to vector<16xf32>
        %get3A_1206 = arith.constant 3 : i32
        %get3A_1207 = arith.index_cast %get3A_1206 : i32 to index
        %get3A_1208 = arith.index_cast %scan3A_1162 : i32 to index
        %get3A_1209 = arith.constant 624 : index
        %get3A_1210 = tpu.vector_load %arg7[%get3A_1207, %get3A_1208, %get3A_1209] {strides = array<i32>} : memref<4x32x768xf32, #tpu.memory_space<vmem>>, vector<1x1x16xf32>,
        %get3A_1211 = vector.shape_cast %get3A_1210 : vector<1x1x16xf32> to vector<16xf32>
        %get3A_1212 = arith.constant 3 : i32
        %get3A_1213 = arith.index_cast %get3A_1212 : i32 to index
        %get3A_1214 = arith.index_cast %scan3A_1162 : i32 to index
        %get3A_1215 = arith.constant 640 : index
        %get3A_1216 = tpu.vector_load %arg7[%get3A_1213, %get3A_1214, %get3A_1215] {strides = array<i32>} : memref<4x32x768xf32, #tpu.memory_space<vmem>>, vector<1x1x16xf32>,
        %get3A_1217 = vector.shape_cast %get3A_1216 : vector<1x1x16xf32> to vector<16xf32>
        %get3A_1218 = arith.constant 3 : i32
        %get3A_1219 = arith.index_cast %get3A_1218 : i32 to index
        %get3A_1220 = arith.index_cast %scan3A_1162 : i32 to index
        %get3A_1221 = arith.constant 656 : index
        %get3A_1222 = tpu.vector_load %arg7[%get3A_1219, %get3A_1220, %get3A_1221] {strides = array<i32>} : memref<4x32x768xf32, #tpu.memory_space<vmem>>, vector<1x1x16xf32>,
        %get3A_1223 = vector.shape_cast %get3A_1222 : vector<1x1x16xf32> to vector<16xf32>
        %get3A_1224 = arith.constant 3 : i32
        %get3A_1225 = arith.index_cast %get3A_1224 : i32 to index
        %get3A_1226 = arith.index_cast %scan3A_1162 : i32 to index
        %get3A_1227 = arith.constant 672 : index
        %get3A_1228 = tpu.vector_load %arg7[%get3A_1225, %get3A_1226, %get3A_1227] {strides = array<i32>} : memref<4x32x768xf32, #tpu.memory_space<vmem>>, vector<1x1x16xf32>,
        %get3A_1229 = vector.shape_cast %get3A_1228 : vector<1x1x16xf32> to vector<16xf32>
        %get3A_1230 = arith.constant 3 : i32
        %get3A_1231 = arith.index_cast %get3A_1230 : i32 to index
        %get3A_1232 = arith.index_cast %scan3A_1162 : i32 to index
        %get3A_1233 = arith.constant 688 : index
        %get3A_1234 = tpu.vector_load %arg7[%get3A_1231, %get3A_1232, %get3A_1233] {strides = array<i32>} : memref<4x32x768xf32, #tpu.memory_space<vmem>>, vector<1x1x16xf32>,
        %get3A_1235 = vector.shape_cast %get3A_1234 : vector<1x1x16xf32> to vector<16xf32>
        %get3A_1236 = arith.constant 3 : i32
        %get3A_1237 = arith.index_cast %get3A_1236 : i32 to index
        %get3A_1238 = arith.index_cast %scan3A_1162 : i32 to index
        %get3A_1239 = arith.constant 704 : index
        %get3A_1240 = tpu.vector_load %arg7[%get3A_1237, %get3A_1238, %get3A_1239] {strides = array<i32>} : memref<4x32x768xf32, #tpu.memory_space<vmem>>, vector<1x1x16xf32>,
        %get3A_1241 = vector.shape_cast %get3A_1240 : vector<1x1x16xf32> to vector<16xf32>
        %get3A_1242 = arith.constant 3 : i32
        %get3A_1243 = arith.index_cast %get3A_1242 : i32 to index
        %get3A_1244 = arith.index_cast %scan3A_1162 : i32 to index
        %get3A_1245 = arith.constant 720 : index
        %get3A_1246 = tpu.vector_load %arg7[%get3A_1243, %get3A_1244, %get3A_1245] {strides = array<i32>} : memref<4x32x768xf32, #tpu.memory_space<vmem>>, vector<1x1x16xf32>,
        %get3A_1247 = vector.shape_cast %get3A_1246 : vector<1x1x16xf32> to vector<16xf32>
        %get3A_1248 = arith.constant 3 : i32
        %get3A_1249 = arith.index_cast %get3A_1248 : i32 to index
        %get3A_1250 = arith.index_cast %scan3A_1162 : i32 to index
        %get3A_1251 = arith.constant 736 : index
        %get3A_1252 = tpu.vector_load %arg7[%get3A_1249, %get3A_1250, %get3A_1251] {strides = array<i32>} : memref<4x32x768xf32, #tpu.memory_space<vmem>>, vector<1x1x16xf32>,
        %get3A_1253 = vector.shape_cast %get3A_1252 : vector<1x1x16xf32> to vector<16xf32>
        %get3A_1254 = arith.constant 3 : i32
        %get3A_1255 = arith.index_cast %get3A_1254 : i32 to index
        %get3A_1256 = arith.index_cast %scan3A_1162 : i32 to index
        %get3A_1257 = arith.constant 752 : index
        %get3A_1258 = tpu.vector_load %arg7[%get3A_1255, %get3A_1256, %get3A_1257] {strides = array<i32>} : memref<4x32x768xf32, #tpu.memory_space<vmem>>, vector<1x1x16xf32>,
        %get3A_1259 = vector.shape_cast %get3A_1258 : vector<1x1x16xf32> to vector<16xf32>
        %add3A_1260 = arith.addf %get3A_1169, %get3A_1074 : vector<16xf32>
        %swap3A_1261 = arith.constant 3 : i32
        %swap3A_1262 = arith.index_cast %swap3A_1261 : i32 to index
        %swap3A_1263 = arith.index_cast %scan3A_1162 : i32 to index
        %swap3A_1264 = arith.constant 512 : index
        %swap3A_1265 = tpu.vector_load %arg7[%swap3A_1262, %swap3A_1263, %swap3A_1264] {strides = array<i32>} : memref<4x32x768xf32, #tpu.memory_space<vmem>>, vector<1x1x16xf32>,
        %swap3A_1266 = vector.shape_cast %swap3A_1265 : vector<1x1x16xf32> to vector<16xf32>
        %swap3A_1267 = vector.shape_cast %add3A_1260 : vector<16xf32> to vector<1x1x16xf32>
        tpu.vector_store %arg7[%swap3A_1262, %swap3A_1263, %swap3A_1264], %swap3A_1267 {strides = array<i32>} : memref<4x32x768xf32, #tpu.memory_space<vmem>>, vector<1x1x16xf32>,
        %add3A_1268 = arith.addf %get3A_1175, %get3A_1078 : vector<16xf32>
        %swap3A_1269 = arith.constant 3 : i32
        %swap3A_1270 = arith.index_cast %swap3A_1269 : i32 to index
        %swap3A_1271 = arith.index_cast %scan3A_1162 : i32 to index
        %swap3A_1272 = arith.constant 528 : index
        %swap3A_1273 = tpu.vector_load %arg7[%swap3A_1270, %swap3A_1271, %swap3A_1272] {strides = array<i32>} : memref<4x32x768xf32, #tpu.memory_space<vmem>>, vector<1x1x16xf32>,
        %swap3A_1274 = vector.shape_cast %swap3A_1273 : vector<1x1x16xf32> to vector<16xf32>
        %swap3A_1275 = vector.shape_cast %add3A_1268 : vector<16xf32> to vector<1x1x16xf32>
        tpu.vector_store %arg7[%swap3A_1270, %swap3A_1271, %swap3A_1272], %swap3A_1275 {strides = array<i32>} : memref<4x32x768xf32, #tpu.memory_space<vmem>>, vector<1x1x16xf32>,
        %add3A_1276 = arith.addf %get3A_1181, %get3A_1082 : vector<16xf32>
        %swap3A_1277 = arith.constant 3 : i32
        %swap3A_1278 = arith.index_cast %swap3A_1277 : i32 to index
        %swap3A_1279 = arith.index_cast %scan3A_1162 : i32 to index
        %swap3A_1280 = arith.constant 544 : index
        %swap3A_1281 = tpu.vector_load %arg7[%swap3A_1278, %swap3A_1279, %swap3A_1280] {strides = array<i32>} : memref<4x32x768xf32, #tpu.memory_space<vmem>>, vector<1x1x16xf32>,
        %swap3A_1282 = vector.shape_cast %swap3A_1281 : vector<1x1x16xf32> to vector<16xf32>
        %swap3A_1283 = vector.shape_cast %add3A_1276 : vector<16xf32> to vector<1x1x16xf32>
        tpu.vector_store %arg7[%swap3A_1278, %swap3A_1279, %swap3A_1280], %swap3A_1283 {strides = array<i32>} : memref<4x32x768xf32, #tpu.memory_space<vmem>>, vector<1x1x16xf32>,
        %add3A_1284 = arith.addf %get3A_1187, %get3A_1086 : vector<16xf32>
        %swap3A_1285 = arith.constant 3 : i32
        %swap3A_1286 = arith.index_cast %swap3A_1285 : i32 to index
        %swap3A_1287 = arith.index_cast %scan3A_1162 : i32 to index
        %swap3A_1288 = arith.constant 560 : index
        %swap3A_1289 = tpu.vector_load %arg7[%swap3A_1286, %swap3A_1287, %swap3A_1288] {strides = array<i32>} : memref<4x32x768xf32, #tpu.memory_space<vmem>>, vector<1x1x16xf32>,
        %swap3A_1290 = vector.shape_cast %swap3A_1289 : vector<1x1x16xf32> to vector<16xf32>
        %swap3A_1291 = vector.shape_cast %add3A_1284 : vector<16xf32> to vector<1x1x16xf32>
        tpu.vector_store %arg7[%swap3A_1286, %swap3A_1287, %swap3A_1288], %swap3A_1291 {strides = array<i32>} : memref<4x32x768xf32, #tpu.memory_space<vmem>>, vector<1x1x16xf32>,
        %add3A_1292 = arith.addf %get3A_1193, %get3A_1090 : vector<16xf32>
        %swap3A_1293 = arith.constant 3 : i32
        %swap3A_1294 = arith.index_cast %swap3A_1293 : i32 to index
        %swap3A_1295 = arith.index_cast %scan3A_1162 : i32 to index
        %swap3A_1296 = arith.constant 576 : index
        %swap3A_1297 = tpu.vector_load %arg7[%swap3A_1294, %swap3A_1295, %swap3A_1296] {strides = array<i32>} : memref<4x32x768xf32, #tpu.memory_space<vmem>>, vector<1x1x16xf32>,
        %swap3A_1298 = vector.shape_cast %swap3A_1297 : vector<1x1x16xf32> to vector<16xf32>
        %swap3A_1299 = vector.shape_cast %add3A_1292 : vector<16xf32> to vector<1x1x16xf32>
        tpu.vector_store %arg7[%swap3A_1294, %swap3A_1295, %swap3A_1296], %swap3A_1299 {strides = array<i32>} : memref<4x32x768xf32, #tpu.memory_space<vmem>>, vector<1x1x16xf32>,
        %add3A_1300 = arith.addf %get3A_1199, %get3A_1094 : vector<16xf32>
        %swap3A_1301 = arith.constant 3 : i32
        %swap3A_1302 = arith.index_cast %swap3A_1301 : i32 to index
        %swap3A_1303 = arith.index_cast %scan3A_1162 : i32 to index
        %swap3A_1304 = arith.constant 592 : index
        %swap3A_1305 = tpu.vector_load %arg7[%swap3A_1302, %swap3A_1303, %swap3A_1304] {strides = array<i32>} : memref<4x32x768xf32, #tpu.memory_space<vmem>>, vector<1x1x16xf32>,
        %swap3A_1306 = vector.shape_cast %swap3A_1305 : vector<1x1x16xf32> to vector<16xf32>
        %swap3A_1307 = vector.shape_cast %add3A_1300 : vector<16xf32> to vector<1x1x16xf32>
        tpu.vector_store %arg7[%swap3A_1302, %swap3A_1303, %swap3A_1304], %swap3A_1307 {strides = array<i32>} : memref<4x32x768xf32, #tpu.memory_space<vmem>>, vector<1x1x16xf32>,
        %add3A_1308 = arith.addf %get3A_1205, %get3A_1098 : vector<16xf32>
        %swap3A_1309 = arith.constant 3 : i32
        %swap3A_1310 = arith.index_cast %swap3A_1309 : i32 to index
        %swap3A_1311 = arith.index_cast %scan3A_1162 : i32 to index
        %swap3A_1312 = arith.constant 608 : index
        %swap3A_1313 = tpu.vector_load %arg7[%swap3A_1310, %swap3A_1311, %swap3A_1312] {strides = array<i32>} : memref<4x32x768xf32, #tpu.memory_space<vmem>>, vector<1x1x16xf32>,
        %swap3A_1314 = vector.shape_cast %swap3A_1313 : vector<1x1x16xf32> to vector<16xf32>
        %swap3A_1315 = vector.shape_cast %add3A_1308 : vector<16xf32> to vector<1x1x16xf32>
        tpu.vector_store %arg7[%swap3A_1310, %swap3A_1311, %swap3A_1312], %swap3A_1315 {strides = array<i32>} : memref<4x32x768xf32, #tpu.memory_space<vmem>>, vector<1x1x16xf32>,
        %add3A_1316 = arith.addf %get3A_1211, %get3A_1102 : vector<16xf32>
        %swap3A_1317 = arith.constant 3 : i32
        %swap3A_1318 = arith.index_cast %swap3A_1317 : i32 to index
        %swap3A_1319 = arith.index_cast %scan3A_1162 : i32 to index
        %swap3A_1320 = arith.constant 624 : index
        %swap3A_1321 = tpu.vector_load %arg7[%swap3A_1318, %swap3A_1319, %swap3A_1320] {strides = array<i32>} : memref<4x32x768xf32, #tpu.memory_space<vmem>>, vector<1x1x16xf32>,
        %swap3A_1322 = vector.shape_cast %swap3A_1321 : vector<1x1x16xf32> to vector<16xf32>
        %swap3A_1323 = vector.shape_cast %add3A_1316 : vector<16xf32> to vector<1x1x16xf32>
        tpu.vector_store %arg7[%swap3A_1318, %swap3A_1319, %swap3A_1320], %swap3A_1323 {strides = array<i32>} : memref<4x32x768xf32, #tpu.memory_space<vmem>>, vector<1x1x16xf32>,
        %add3A_1324 = arith.addf %get3A_1217, %get3A_1106 : vector<16xf32>
        %swap3A_1325 = arith.constant 3 : i32
        %swap3A_1326 = arith.index_cast %swap3A_1325 : i32 to index
        %swap3A_1327 = arith.index_cast %scan3A_1162 : i32 to index
        %swap3A_1328 = arith.constant 640 : index
        %swap3A_1329 = tpu.vector_load %arg7[%swap3A_1326, %swap3A_1327, %swap3A_1328] {strides = array<i32>} : memref<4x32x768xf32, #tpu.memory_space<vmem>>, vector<1x1x16xf32>,
        %swap3A_1330 = vector.shape_cast %swap3A_1329 : vector<1x1x16xf32> to vector<16xf32>
        %swap3A_1331 = vector.shape_cast %add3A_1324 : vector<16xf32> to vector<1x1x16xf32>
        tpu.vector_store %arg7[%swap3A_1326, %swap3A_1327, %swap3A_1328], %swap3A_1331 {strides = array<i32>} : memref<4x32x768xf32, #tpu.memory_space<vmem>>, vector<1x1x16xf32>,
        %add3A_1332 = arith.addf %get3A_1223, %get3A_1110 : vector<16xf32>
        %swap3A_1333 = arith.constant 3 : i32
        %swap3A_1334 = arith.index_cast %swap3A_1333 : i32 to index
        %swap3A_1335 = arith.index_cast %scan3A_1162 : i32 to index
        %swap3A_1336 = arith.constant 656 : index
        %swap3A_1337 = tpu.vector_load %arg7[%swap3A_1334, %swap3A_1335, %swap3A_1336] {strides = array<i32>} : memref<4x32x768xf32, #tpu.memory_space<vmem>>, vector<1x1x16xf32>,
        %swap3A_1338 = vector.shape_cast %swap3A_1337 : vector<1x1x16xf32> to vector<16xf32>
        %swap3A_1339 = vector.shape_cast %add3A_1332 : vector<16xf32> to vector<1x1x16xf32>
        tpu.vector_store %arg7[%swap3A_1334, %swap3A_1335, %swap3A_1336], %swap3A_1339 {strides = array<i32>} : memref<4x32x768xf32, #tpu.memory_space<vmem>>, vector<1x1x16xf32>,
        %add3A_1340 = arith.addf %get3A_1229, %get3A_1114 : vector<16xf32>
        %swap3A_1341 = arith.constant 3 : i32
        %swap3A_1342 = arith.index_cast %swap3A_1341 : i32 to index
        %swap3A_1343 = arith.index_cast %scan3A_1162 : i32 to index
        %swap3A_1344 = arith.constant 672 : index
        %swap3A_1345 = tpu.vector_load %arg7[%swap3A_1342, %swap3A_1343, %swap3A_1344] {strides = array<i32>} : memref<4x32x768xf32, #tpu.memory_space<vmem>>, vector<1x1x16xf32>,
        %swap3A_1346 = vector.shape_cast %swap3A_1345 : vector<1x1x16xf32> to vector<16xf32>
        %swap3A_1347 = vector.shape_cast %add3A_1340 : vector<16xf32> to vector<1x1x16xf32>
        tpu.vector_store %arg7[%swap3A_1342, %swap3A_1343, %swap3A_1344], %swap3A_1347 {strides = array<i32>} : memref<4x32x768xf32, #tpu.memory_space<vmem>>, vector<1x1x16xf32>,
        %add3A_1348 = arith.addf %get3A_1235, %get3A_1118 : vector<16xf32>
        %swap3A_1349 = arith.constant 3 : i32
        %swap3A_1350 = arith.index_cast %swap3A_1349 : i32 to index
        %swap3A_1351 = arith.index_cast %scan3A_1162 : i32 to index
        %swap3A_1352 = arith.constant 688 : index
        %swap3A_1353 = tpu.vector_load %arg7[%swap3A_1350, %swap3A_1351, %swap3A_1352] {strides = array<i32>} : memref<4x32x768xf32, #tpu.memory_space<vmem>>, vector<1x1x16xf32>,
        %swap3A_1354 = vector.shape_cast %swap3A_1353 : vector<1x1x16xf32> to vector<16xf32>
        %swap3A_1355 = vector.shape_cast %add3A_1348 : vector<16xf32> to vector<1x1x16xf32>
        tpu.vector_store %arg7[%swap3A_1350, %swap3A_1351, %swap3A_1352], %swap3A_1355 {strides = array<i32>} : memref<4x32x768xf32, #tpu.memory_space<vmem>>, vector<1x1x16xf32>,
        %add3A_1356 = arith.addf %get3A_1241, %get3A_1122 : vector<16xf32>
        %swap3A_1357 = arith.constant 3 : i32
        %swap3A_1358 = arith.index_cast %swap3A_1357 : i32 to index
        %swap3A_1359 = arith.index_cast %scan3A_1162 : i32 to index
        %swap3A_1360 = arith.constant 704 : index
        %swap3A_1361 = tpu.vector_load %arg7[%swap3A_1358, %swap3A_1359, %swap3A_1360] {strides = array<i32>} : memref<4x32x768xf32, #tpu.memory_space<vmem>>, vector<1x1x16xf32>,
        %swap3A_1362 = vector.shape_cast %swap3A_1361 : vector<1x1x16xf32> to vector<16xf32>
        %swap3A_1363 = vector.shape_cast %add3A_1356 : vector<16xf32> to vector<1x1x16xf32>
        tpu.vector_store %arg7[%swap3A_1358, %swap3A_1359, %swap3A_1360], %swap3A_1363 {strides = array<i32>} : memref<4x32x768xf32, #tpu.memory_space<vmem>>, vector<1x1x16xf32>,
        %add3A_1364 = arith.addf %get3A_1247, %get3A_1126 : vector<16xf32>
        %swap3A_1365 = arith.constant 3 : i32
        %swap3A_1366 = arith.index_cast %swap3A_1365 : i32 to index
        %swap3A_1367 = arith.index_cast %scan3A_1162 : i32 to index
        %swap3A_1368 = arith.constant 720 : index
        %swap3A_1369 = tpu.vector_load %arg7[%swap3A_1366, %swap3A_1367, %swap3A_1368] {strides = array<i32>} : memref<4x32x768xf32, #tpu.memory_space<vmem>>, vector<1x1x16xf32>,
        %swap3A_1370 = vector.shape_cast %swap3A_1369 : vector<1x1x16xf32> to vector<16xf32>
        %swap3A_1371 = vector.shape_cast %add3A_1364 : vector<16xf32> to vector<1x1x16xf32>
        tpu.vector_store %arg7[%swap3A_1366, %swap3A_1367, %swap3A_1368], %swap3A_1371 {strides = array<i32>} : memref<4x32x768xf32, #tpu.memory_space<vmem>>, vector<1x1x16xf32>,
        %add3A_1372 = arith.addf %get3A_1253, %get3A_1130 : vector<16xf32>
        %swap3A_1373 = arith.constant 3 : i32
        %swap3A_1374 = arith.index_cast %swap3A_1373 : i32 to index
        %swap3A_1375 = arith.index_cast %scan3A_1162 : i32 to index
        %swap3A_1376 = arith.constant 736 : index
        %swap3A_1377 = tpu.vector_load %arg7[%swap3A_1374, %swap3A_1375, %swap3A_1376] {strides = array<i32>} : memref<4x32x768xf32, #tpu.memory_space<vmem>>, vector<1x1x16xf32>,
        %swap3A_1378 = vector.shape_cast %swap3A_1377 : vector<1x1x16xf32> to vector<16xf32>
        %swap3A_1379 = vector.shape_cast %add3A_1372 : vector<16xf32> to vector<1x1x16xf32>
        tpu.vector_store %arg7[%swap3A_1374, %swap3A_1375, %swap3A_1376], %swap3A_1379 {strides = array<i32>} : memref<4x32x768xf32, #tpu.memory_space<vmem>>, vector<1x1x16xf32>,
        %add3A_1380 = arith.addf %get3A_1259, %get3A_1134 : vector<16xf32>
        %swap3A_1381 = arith.constant 3 : i32
        %swap3A_1382 = arith.index_cast %swap3A_1381 : i32 to index
        %swap3A_1383 = arith.index_cast %scan3A_1162 : i32 to index
        %swap3A_1384 = arith.constant 752 : index
        %swap3A_1385 = tpu.vector_load %arg7[%swap3A_1382, %swap3A_1383, %swap3A_1384] {strides = array<i32>} : memref<4x32x768xf32, #tpu.memory_space<vmem>>, vector<1x1x16xf32>,
        %swap3A_1386 = vector.shape_cast %swap3A_1385 : vector<1x1x16xf32> to vector<16xf32>
        %swap3A_1387 = vector.shape_cast %add3A_1380 : vector<16xf32> to vector<1x1x16xf32>
        tpu.vector_store %arg7[%swap3A_1382, %swap3A_1383, %swap3A_1384], %swap3A_1387 {strides = array<i32>} : memref<4x32x768xf32, #tpu.memory_space<vmem>>, vector<1x1x16xf32>,
        %scan3A_1388 = arith.constant 0 : i32
        scf.yield %scan3A_1388 : i32
      }
      %scan3A_1141 = arith.constant 32 : i32
      %mul3A_1142 = arith.constant 32 : i32
      %mul3A_1143 = arith.muli %add3A_901, %mul3A_1142 : i32
      %add3A_1144 = arith.addi %mul3A_2, %mul3A_1143 : i32
      %dma_start3A_1145 = arith.constant 3 : i32
      %dma_start3A_1146 = arith.constant 3 : i32
      %dma_start3A_1147 = arith.constant 0 : i32
      %dma_start3A_1148 = arith.constant 0 : i32
      %dma_start3A_1149 = tpu.memref_slice %arg7[%dma_start3A_1145, %dma_start3A_1147, %dma_start3A_1148] : memref<4x32x768xf32, #tpu.memory_space<vmem>> -> memref<1x32x768xf32, #tpu.memory_space<vmem>>
      %dma_start3A_1150 = tpu.memref_squeeze %dma_start3A_1149 : memref<1x32x768xf32, #tpu.memory_space<vmem>> -> memref<32x768xf32, #tpu.memory_space<vmem>>
      %dma_start3A_1151 = arith.constant 0 : i32
      %dma_start3A_1152 = tpu.memref_slice %arg5[%add3A_1144, %dma_start3A_1151] : memref<315392x768xf32, #tpu.memory_space<hbm>> -> memref<32x768xf32, #tpu.memory_space<hbm>>
      %dma_start3A_1153 = tpu.memref_slice %arg11[%dma_start3A_1146] : memref<4x!tpu.dma_semaphore, #tpu.memory_space<semaphore_mem>> -> memref<1x!tpu.dma_semaphore, #tpu.memory_space<semaphore_mem>>
      %dma_start3A_1154 = tpu.memref_squeeze %dma_start3A_1153 : memref<1x!tpu.dma_semaphore, #tpu.memory_space<semaphore_mem>> -> memref<!tpu.dma_semaphore, #tpu.memory_space<semaphore_mem>>
      %dma_start3A_1155 = arith.constant 0 : i32
      %dma_start3A_1156 = tpu.memref_slice %arg5[%add3A_1144, %dma_start3A_1155] : memref<315392x768xf32, #tpu.memory_space<hbm>> -> memref<32x768xf32, #tpu.memory_space<hbm>>
      %dma_start3A_1157 = arith.constant 0 : i32
      %dma_start3A_1158 = arith.constant 0 : i32
      %dma_start3A_1159 = tpu.memref_slice %arg7[%dma_start3A_1145, %dma_start3A_1157, %dma_start3A_1158] : memref<4x32x768xf32, #tpu.memory_space<vmem>> -> memref<1x32x768xf32, #tpu.memory_space<vmem>>
      %dma_start3A_1160 = tpu.memref_squeeze %dma_start3A_1159 : memref<1x32x768xf32, #tpu.memory_space<vmem>> -> memref<32x768xf32, #tpu.memory_space<vmem>>
      tpu.enqueue_dma source(%dma_start3A_1160 : memref<32x768xf32, #tpu.memory_space<vmem>>) target(%dma_start3A_1156 : memref<32x768xf32, #tpu.memory_space<hbm>>) target_semaphore(%dma_start3A_1154 : memref<!tpu.dma_semaphore, #tpu.memory_space<semaphore_mem>>)
      %scan3A_1161 = arith.constant 0 : i32
      scf.yield %scan3A_1161 : i32
    }
    %scan3A_39 = arith.constant 77 : i32
    %add3A_40 = arith.constant 9728 : i32
    %add3A_41 = arith.addi %mul3A_2, %add3A_40 : i32
    %dma_wait3A_42 = arith.constant 0 : i32
    %dma_wait3A_43 = arith.constant 0 : i32
    %dma_wait3A_44 = arith.constant 0 : i32
    %dma_wait3A_45 = arith.constant 0 : i32
    %dma_wait3A_46 = tpu.memref_slice %arg7[%dma_wait3A_42, %dma_wait3A_44, %dma_wait3A_45] : memref<4x32x768xf32, #tpu.memory_space<vmem>> -> memref<1x32x768xf32, #tpu.memory_space<vmem>>
    %dma_wait3A_47 = tpu.memref_squeeze %dma_wait3A_46 : memref<1x32x768xf32, #tpu.memory_space<vmem>> -> memref<32x768xf32, #tpu.memory_space<vmem>>
    %dma_wait3A_48 = arith.constant 0 : i32
    %dma_wait3A_49 = tpu.memref_slice %arg5[%add3A_41, %dma_wait3A_48] : memref<315392x768xf32, #tpu.memory_space<hbm>> -> memref<32x768xf32, #tpu.memory_space<hbm>>
    %dma_wait3A_50 = tpu.memref_slice %arg11[%dma_wait3A_43] : memref<4x!tpu.dma_semaphore, #tpu.memory_space<semaphore_mem>> -> memref<1x!tpu.dma_semaphore, #tpu.memory_space<semaphore_mem>>
    %dma_wait3A_51 = tpu.memref_squeeze %dma_wait3A_50 : memref<1x!tpu.dma_semaphore, #tpu.memory_space<semaphore_mem>> -> memref<!tpu.dma_semaphore, #tpu.memory_space<semaphore_mem>>
    %dma_wait3A_52 = arith.constant 0 : i32
    %dma_wait3A_53 = tpu.memref_slice %arg5[%add3A_41, %dma_wait3A_52] : memref<315392x768xf32, #tpu.memory_space<hbm>> -> memref<32x768xf32, #tpu.memory_space<hbm>>
    %dma_wait3A_54 = arith.constant 0 : i32
    %dma_wait3A_55 = arith.constant 0 : i32
    %dma_wait3A_56 = tpu.memref_slice %arg7[%dma_wait3A_42, %dma_wait3A_54, %dma_wait3A_55] : memref<4x32x768xf32, #tpu.memory_space<vmem>> -> memref<1x32x768xf32, #tpu.memory_space<vmem>>
    %dma_wait3A_57 = tpu.memref_squeeze %dma_wait3A_56 : memref<1x32x768xf32, #tpu.memory_space<vmem>> -> memref<32x768xf32, #tpu.memory_space<vmem>>
    tpu.wait_dma2 semaphore(%dma_wait3A_51 : memref<!tpu.dma_semaphore, #tpu.memory_space<semaphore_mem>>) src(%dma_wait3A_57 : memref<32x768xf32, #tpu.memory_space<vmem>>) dst(%dma_wait3A_53 : memref<32x768xf32, #tpu.memory_space<hbm>>)
    %add3A_58 = arith.constant 9760 : i32
    %add3A_59 = arith.addi %mul3A_2, %add3A_58 : i32
    %dma_wait3A_60 = arith.constant 1 : i32
    %dma_wait3A_61 = arith.constant 1 : i32
    %dma_wait3A_62 = arith.constant 0 : i32
    %dma_wait3A_63 = arith.constant 0 : i32
    %dma_wait3A_64 = tpu.memref_slice %arg7[%dma_wait3A_60, %dma_wait3A_62, %dma_wait3A_63] : memref<4x32x768xf32, #tpu.memory_space<vmem>> -> memref<1x32x768xf32, #tpu.memory_space<vmem>>
    %dma_wait3A_65 = tpu.memref_squeeze %dma_wait3A_64 : memref<1x32x768xf32, #tpu.memory_space<vmem>> -> memref<32x768xf32, #tpu.memory_space<vmem>>
    %dma_wait3A_66 = arith.constant 0 : i32
    %dma_wait3A_67 = tpu.memref_slice %arg5[%add3A_59, %dma_wait3A_66] : memref<315392x768xf32, #tpu.memory_space<hbm>> -> memref<32x768xf32, #tpu.memory_space<hbm>>
    %dma_wait3A_68 = tpu.memref_slice %arg11[%dma_wait3A_61] : memref<4x!tpu.dma_semaphore, #tpu.memory_space<semaphore_mem>> -> memref<1x!tpu.dma_semaphore, #tpu.memory_space<semaphore_mem>>
    %dma_wait3A_69 = tpu.memref_squeeze %dma_wait3A_68 : memref<1x!tpu.dma_semaphore, #tpu.memory_space<semaphore_mem>> -> memref<!tpu.dma_semaphore, #tpu.memory_space<semaphore_mem>>
    %dma_wait3A_70 = arith.constant 0 : i32
    %dma_wait3A_71 = tpu.memref_slice %arg5[%add3A_59, %dma_wait3A_70] : memref<315392x768xf32, #tpu.memory_space<hbm>> -> memref<32x768xf32, #tpu.memory_space<hbm>>
    %dma_wait3A_72 = arith.constant 0 : i32
    %dma_wait3A_73 = arith.constant 0 : i32
    %dma_wait3A_74 = tpu.memref_slice %arg7[%dma_wait3A_60, %dma_wait3A_72, %dma_wait3A_73] : memref<4x32x768xf32, #tpu.memory_space<vmem>> -> memref<1x32x768xf32, #tpu.memory_space<vmem>>
    %dma_wait3A_75 = tpu.memref_squeeze %dma_wait3A_74 : memref<1x32x768xf32, #tpu.memory_space<vmem>> -> memref<32x768xf32, #tpu.memory_space<vmem>>
    tpu.wait_dma2 semaphore(%dma_wait3A_69 : memref<!tpu.dma_semaphore, #tpu.memory_space<semaphore_mem>>) src(%dma_wait3A_75 : memref<32x768xf32, #tpu.memory_space<vmem>>) dst(%dma_wait3A_71 : memref<32x768xf32, #tpu.memory_space<hbm>>)
    %add3A_76 = arith.constant 9792 : i32
    %add3A_77 = arith.addi %mul3A_2, %add3A_76 : i32
    %dma_wait3A_78 = arith.constant 2 : i32
    %dma_wait3A_79 = arith.constant 2 : i32
    %dma_wait3A_80 = arith.constant 0 : i32
    %dma_wait3A_81 = arith.constant 0 : i32
    %dma_wait3A_82 = tpu.memref_slice %arg7[%dma_wait3A_78, %dma_wait3A_80, %dma_wait3A_81] : memref<4x32x768xf32, #tpu.memory_space<vmem>> -> memref<1x32x768xf32, #tpu.memory_space<vmem>>
    %dma_wait3A_83 = tpu.memref_squeeze %dma_wait3A_82 : memref<1x32x768xf32, #tpu.memory_space<vmem>> -> memref<32x768xf32, #tpu.memory_space<vmem>>
    %dma_wait3A_84 = arith.constant 0 : i32
    %dma_wait3A_85 = tpu.memref_slice %arg5[%add3A_77, %dma_wait3A_84] : memref<315392x768xf32, #tpu.memory_space<hbm>> -> memref<32x768xf32, #tpu.memory_space<hbm>>
    %dma_wait3A_86 = tpu.memref_slice %arg11[%dma_wait3A_79] : memref<4x!tpu.dma_semaphore, #tpu.memory_space<semaphore_mem>> -> memref<1x!tpu.dma_semaphore, #tpu.memory_space<semaphore_mem>>
    %dma_wait3A_87 = tpu.memref_squeeze %dma_wait3A_86 : memref<1x!tpu.dma_semaphore, #tpu.memory_space<semaphore_mem>> -> memref<!tpu.dma_semaphore, #tpu.memory_space<semaphore_mem>>
    %dma_wait3A_88 = arith.constant 0 : i32
    %dma_wait3A_89 = tpu.memref_slice %arg5[%add3A_77, %dma_wait3A_88] : memref<315392x768xf32, #tpu.memory_space<hbm>> -> memref<32x768xf32, #tpu.memory_space<hbm>>
    %dma_wait3A_90 = arith.constant 0 : i32
    %dma_wait3A_91 = arith.constant 0 : i32
    %dma_wait3A_92 = tpu.memref_slice %arg7[%dma_wait3A_78, %dma_wait3A_90, %dma_wait3A_91] : memref<4x32x768xf32, #tpu.memory_space<vmem>> -> memref<1x32x768xf32, #tpu.memory_space<vmem>>
    %dma_wait3A_93 = tpu.memref_squeeze %dma_wait3A_92 : memref<1x32x768xf32, #tpu.memory_space<vmem>> -> memref<32x768xf32, #tpu.memory_space<vmem>>
    tpu.wait_dma2 semaphore(%dma_wait3A_87 : memref<!tpu.dma_semaphore, #tpu.memory_space<semaphore_mem>>) src(%dma_wait3A_93 : memref<32x768xf32, #tpu.memory_space<vmem>>) dst(%dma_wait3A_89 : memref<32x768xf32, #tpu.memory_space<hbm>>)
    %add3A_94 = arith.constant 9824 : i32
    %add3A_95 = arith.addi %mul3A_2, %add3A_94 : i32
    %dma_wait3A_96 = arith.constant 3 : i32
    %dma_wait3A_97 = arith.constant 3 : i32
    %dma_wait3A_98 = arith.constant 0 : i32
    %dma_wait3A_99 = arith.constant 0 : i32
    %dma_wait3A_100 = tpu.memref_slice %arg7[%dma_wait3A_96, %dma_wait3A_98, %dma_wait3A_99] : memref<4x32x768xf32, #tpu.memory_space<vmem>> -> memref<1x32x768xf32, #tpu.memory_space<vmem>>
    %dma_wait3A_101 = tpu.memref_squeeze %dma_wait3A_100 : memref<1x32x768xf32, #tpu.memory_space<vmem>> -> memref<32x768xf32, #tpu.memory_space<vmem>>
    %dma_wait3A_102 = arith.constant 0 : i32
    %dma_wait3A_103 = tpu.memref_slice %arg5[%add3A_95, %dma_wait3A_102] : memref<315392x768xf32, #tpu.memory_space<hbm>> -> memref<32x768xf32, #tpu.memory_space<hbm>>
    %dma_wait3A_104 = tpu.memref_slice %arg11[%dma_wait3A_97] : memref<4x!tpu.dma_semaphore, #tpu.memory_space<semaphore_mem>> -> memref<1x!tpu.dma_semaphore, #tpu.memory_space<semaphore_mem>>
    %dma_wait3A_105 = tpu.memref_squeeze %dma_wait3A_104 : memref<1x!tpu.dma_semaphore, #tpu.memory_space<semaphore_mem>> -> memref<!tpu.dma_semaphore, #tpu.memory_space<semaphore_mem>>
    %dma_wait3A_106 = arith.constant 0 : i32
    %dma_wait3A_107 = tpu.memref_slice %arg5[%add3A_95, %dma_wait3A_106] : memref<315392x768xf32, #tpu.memory_space<hbm>> -> memref<32x768xf32, #tpu.memory_space<hbm>>
    %dma_wait3A_108 = arith.constant 0 : i32
    %dma_wait3A_109 = arith.constant 0 : i32
    %dma_wait3A_110 = tpu.memref_slice %arg7[%dma_wait3A_96, %dma_wait3A_108, %dma_wait3A_109] : memref<4x32x768xf32, #tpu.memory_space<vmem>> -> memref<1x32x768xf32, #tpu.memory_space<vmem>>
    %dma_wait3A_111 = tpu.memref_squeeze %dma_wait3A_110 : memref<1x32x768xf32, #tpu.memory_space<vmem>> -> memref<32x768xf32, #tpu.memory_space<vmem>>
    tpu.wait_dma2 semaphore(%dma_wait3A_105 : memref<!tpu.dma_semaphore, #tpu.memory_space<semaphore_mem>>) src(%dma_wait3A_111 : memref<32x768xf32, #tpu.memory_space<vmem>>) dst(%dma_wait3A_107 : memref<32x768xf32, #tpu.memory_space<hbm>>)
    return
  }
}

</mosaic_0001>

<sc_bundles>
// kernel: kernel.3.cloned.1.call-start
scs
__scs_entry_jumppad:
0x0: {  	(pc) =	sbr.rel $0x88, $3  }
0x1: {  	(tag) =	ssettag $0x0;
	lr =	simm.s32 $0x1  }
0x2: {  	[smem:$0x3F9E] =	sst lr;
	_ =	strace $0xD0000000  }
0x3: {  	_ = 	snop  }
0x4: {  	_ = 	snop  }
0x5: {  	_ = 	snop  }
0x6: {  	_ = 	snop  }
0x7: {  	_ = 	snop  }
__scs_overlays_trampoline_lowered:
0x8: {  	[smem:$0x3FAD] =	sst s0  }
0x9: {  	[smem:$0x3FAE] =	sst s1  }
0xa: {  	[smem:$0x3FAF] =	sst s2  }
0xb: {  	[smem:$0x3FB0] =	sst s3  }
0xc: {  	[smem:$0x3FB1] =	sst s4  }
0xd: {  	[smem:$0x3FB2] =	sst s5  }
0xe: {  	[smem:$0x3FB3] =	sst s6  }
0xf: {  	[smem:$0x3FB4] =	sst s7  }
0x10: {  	[smem:$0x3FB5] =	sst s8  }
0x11: {  	[smem:$0x3FB6] =	sst s9;
	s0 =	simm.s32 @!p0 $0x0  }
0x12: {  	s1 =	sld [smem:$0x3F9C];
	s0 =	simm.s32 @p0 $0x1  }
0x13: {  	[smem:$0x3FB7] =	sst s0;
	s0 =	simm.s32 @!p1 $0x0  }
0x14: {  	s2 =	sld [smem:$0x3F9B];
	s0 =	simm.s32 @p1 $0x1  }
0x15: {  	[smem:$0x3FB8] =	sst s0;
	s0 =	simm.s32 @!p2 $0x0  }
0x16: {  	s3 =	sld [smem:$0x3FDB];
	s0 =	simm.s32 @p2 $0x1  }
0x17: {  	s4 =	simm.s32 $0x1BF5;
	[smem:$0x3FBA] =	sst s0  }
0x18: {  	s0 =	sld [smem:$0x3F9D];
	_ =	swait.ge [sflag:s4], $0x0  }
0x19: {  	s7 =	sld [smem:$0x3F9E]  }
0x1a: {  	s8 =	sadd.s32 $0xFFFFE003, lr  }
0x1b: {  	s9 =	sadd.s32 $0xFFFFFEF7, lr;
	s5 =	simm.s32 $0xFFFFFFFF;
	p2 =	slt.u32 s8, $0xFFFFF086  }
0x1c: {  	p1 =	slt.u32 s9, $0xF7A;
	s5 =	simm.s32 @!p2 $0x0  }
0x1d: {  	s5 =	simm.s32 @p1 $0x1;
	p0 =	seq.s32 s7, s2  }
0x1e: {  	s7 =	smul.u32 @!p0 $0xF7A, s2;
	p2 =	seq.s32 @!p0 s5, $0x0  }
0x1f: {  	s9 =	smul.u32 $0xF7A, s1;
	s8 =	simm.s32 @!p0 $0x1BF5;
	p2 =	por !p2, p0  }
0x20: {  	[sflag:s8] =	ssyncset.s32 @!p0 $0xFFFFF086;
	s6 =	sadd.s32 @!p0 s3, s7;
	s7 =	simm.s32 @!p0 $0x108  }
0x21: {  	s3 =	sadd.s32 s3, s9;
	s6 =	sadd.s32 @!p0 $0x88, s6;
	s7 =	simm.s32 @p2 $0x1082  }
0x22: {  	[simem:s7], [sflag:s8] =	dma.local @!p0 [hbm:s6], $0xF7A  }
0x23: {  	s9 =	sor.u32 $0xD0000000, s2;
	s6 =	simm.s32 $0x108;
	_ =	swait.ge @!p0 [sflag:s8], $0x0  }
0x24: {  	s3 =	sadd.s32 $0x88, s3;
	s6 =	simm.s32 @!p1 $0x1082;
	[sflag:s4] =	ssyncset.s32 $0xFFFFF086  }
0x25: {  	[simem:s6], [sflag:s4] =	dma.local [hbm:s3], $0xF7A  }
0x26: {  	[smem:$0x3F9E] =	sst s1;
	(tag) =	ssettag s2;
	_ =	strace s9  }
0x27: {  	s1 =	sld [smem:$0x3FAE]  }
0x28: {  	s2 =	sld [smem:$0x3FAF]  }
0x29: {  	s4 =	sld [smem:$0x3FB1]  }
0x2a: {  	p0 =	seq.s32 s5, $0x0;
	s5 =	sld [smem:$0x3FB2]  }
0x2b: {  	s6 =	sld [smem:$0x3FB3]  }
0x2c: {  	s7 =	sld [smem:$0x3FB4]  }
0x2d: {  	s3 =	simm.s32 $0x108;
	s8 =	sld [smem:$0x3FB5]  }
0x2e: {  	s3 =	simm.s32 @!p0 $0x1082;
	s9 =	sld [smem:$0x3FB6]  }
0x2f: {  	lr =	sadd.s32 s0, s3;
	s0 =	sld [smem:$0x3FAD]  }
0x30: {  	s3 =	sld [smem:$0x3FB0]  }
0x31: {  	[smem:$0x3FB9] =	sst s10  }
0x32: {  	s10 =	sld [smem:$0x3FB7];
	_ =	sdelay $0x3  }
0x33: {  	p0 =	seq.s32 s10, $0x1;
	s10 =	sld [smem:$0x3FB9];
	_ =	sdelay $0x3  }
0x34: {  	[smem:$0x3FB9] =	sst s10  }
0x35: {  	s10 =	sld [smem:$0x3FB8];
	_ =	sdelay $0x3  }
0x36: {  	p1 =	seq.s32 s10, $0x1;
	s10 =	sld [smem:$0x3FB9];
	_ =	sdelay $0x3  }
0x37: {  	[smem:$0x3FB9] =	sst s10  }
0x38: {  	s10 =	sld [smem:$0x3FBA]  }
0x39: {  	_ = 	snop;
	(pc) =	sbr.ind lr, $3  }
0x3a: {  	_ = 	snop  }
0x3b: {  	_ = 	snop  }
0x3c: {  	p2 =	seq.s32 s10, $0x1;
	s10 =	sld [smem:$0x3FB9]  }
0x3d: {  	_ =	shalt  }
0x3e: {  	_ =	shalt  }
0x3f: {  	_ =	shalt  }
0x40: {  	_ =	shalt  }
0x41: {  	_ =	shalt  }
0x42: {  	_ =	shalt  }
0x43: {  	_ =	shalt  }
0x44: {  	_ =	shalt  }
0x45: {  	_ =	shalt  }
0x46: {  	_ =	shalt  }
0x47: {  	_ =	shalt  }
0x48: {  	_ =	shalt  }
0x49: {  	_ =	shalt  }
0x4a: {  	_ =	shalt  }
0x4b: {  	_ =	shalt  }
0x4c: {  	_ =	shalt  }
0x4d: {  	_ =	shalt  }
0x4e: {  	_ =	shalt  }
0x4f: {  	_ =	shalt  }
0x50: {  	_ =	shalt  }
0x51: {  	_ =	shalt  }
0x52: {  	_ =	shalt  }
0x53: {  	_ =	shalt  }
0x54: {  	_ =	shalt  }
0x55: {  	_ =	shalt  }
0x56: {  	_ =	shalt  }
0x57: {  	_ =	shalt  }
0x58: {  	_ =	shalt  }
0x59: {  	_ =	shalt  }
0x5a: {  	_ =	shalt  }
0x5b: {  	_ =	shalt  }
0x5c: {  	_ =	shalt  }
0x5d: {  	_ =	shalt  }
0x5e: {  	_ =	shalt  }
0x5f: {  	_ =	shalt  }
0x60: {  	_ =	shalt  }
0x61: {  	_ =	shalt  }
0x62: {  	_ =	shalt  }
0x63: {  	_ =	shalt  }
0x64: {  	_ =	shalt  }
0x65: {  	_ =	shalt  }
0x66: {  	_ =	shalt  }
0x67: {  	_ =	shalt  }
0x68: {  	_ =	shalt  }
0x69: {  	_ =	shalt  }
0x6a: {  	_ =	shalt  }
0x6b: {  	_ =	shalt  }
0x6c: {  	_ =	shalt  }
0x6d: {  	_ =	shalt  }
0x6e: {  	_ =	shalt  }
0x6f: {  	_ =	shalt  }
0x70: {  	_ =	shalt  }
0x71: {  	_ =	shalt  }
0x72: {  	_ =	shalt  }
0x73: {  	_ =	shalt  }
0x74: {  	_ =	shalt  }
0x75: {  	_ =	shalt  }
0x76: {  	_ =	shalt  }
0x77: {  	_ =	shalt  }
0x78: {  	_ =	shalt  }
0x79: {  	_ =	shalt  }
0x7a: {  	_ =	shalt  }
0x7b: {  	_ =	shalt  }
0x7c: {  	_ =	shalt  }
0x7d: {  	_ =	shalt  }
0x7e: {  	_ =	shalt  }
0x7f: {  	_ =	shalt  }
0x80: {  	_ =	shalt  }
0x81: {  	_ =	shalt  }
0x82: {  	_ =	shalt  }
0x83: {  	_ =	shalt  }
0x84: {  	_ =	shalt  }
0x85: {  	_ =	shalt  }
0x86: {  	_ =	shalt  }
0x87: {  	_ =	shalt  }
.Lfunc_end0:
.L_simem_size_0:
called_computation_lowered:
.L_overlay_start_0:
0x88: {  	s2 =	sld [smem:$0x3FD9]  }
0x89: {  	s3 =	sld [smem:$0x3FFE];
	_ =	sdelay $0x1  }
0x8a: {  	s1 =	srdreg.scid  }
0x8b: {  	s0 =	sand.u32 $0x1, s1  }
0x8c: {  	s17 =	sshll.u32 s0, $0xA;
	s2 =	sadd.s32 s3, s2  }
0x8d: {  	s2 =	sadd.s32 s2, s17  }
0x8e: {  	[smem:$0x3FC5] =	sst s2  }
0x8f: {  	_ = 	snop  }
0x90: {  	s2 =	sld [smem:$0x3FC8]  }
0x91: {  	s18 =	sld [smem:$0x3FC7]  }
0x92: {  	s4 =	sld [smem:$0x3FD0];
	(tm) =	ssettm $0x1  }
0x93: {  	s5 =	sld [smem:$0x3FFB];
	_ =	sdelay $0x3  }
0x94: {  	_ =	strace s5  }
0x95: {  	s5 =	sld [smem:$0x3FFC];
	_ =	sdelay $0x3  }
0x96: {  	_ =	strace s5  }
0x97: {  	s5 =	sld [smem:$0x3FFD];
	_ =	sdelay $0x3  }
0x98: {  	_ =	strace s5  }
0x99: {  	_ =	strace $0x8FFFFFFF  }
0x9a: {  	s19 =	sld [smem:$0x3FDB];
	_ =	sdelay $0x1  }
0x9b: {  	s6 =	simm.s32 $_scs_section_size  }
0x9c: {  	s7 =	simm.s32 $_size__tile_overlayer_lowered;
	s8 =	simm.s32 $_tile_overlayer_lowered  }
0x9d: {  	s22 =	simm.s32 $0x1BFF;
	s21 =	sshll.u32 s8, $0x1;
	s5 =	sadd.s32 s6, s19  }
0x9e: {  	s9 =	simm.s32 $0x0;
	s20 =	sshll.u32 s7, $0x1;
	s7 =	sadd.s32 s21, s5  }
0x9f: {  	[timem:s9], [sflag:s22] =	dma.local [hbm:s7], s20  }
0xa0: {  	_ =	swait.ge [sflag:s22], s20  }
0xa1: {  	s6 =	ssub.s32 $0x0, s20;
	[sflag:s22] =	ssyncset.done $0x0  }
0xa2: {  	[sflag:s22] =	ssyncadd.s32 s6;
	_ =	sdelay $0x1  }
0xa3: {  	s23 =	simm.s32 $0x1B8B  }
0xa4: {  	_ =	swait.ge [sflag:s23], $0x1  }
0xa5: {  	[sflag:s23] =	ssyncset.done $0x0  }
0xa6: {  	s25 =	simm.s32 $0x1B8E;
	s24 =	sld [smem:$0x3FFE];
	[sflag:s23] =	ssyncadd.s32 $0xFFFFFFFF  }
0xa7: {  	s26 =	simm.s32 $execute0_lowered;
	[smem:$0x3FD2] =	sst s25  }
0xa8: {  	s7 =	sshll.u32 s26, $0x1;
	_ =	strace $0x80000046;
	[dreg:$0x1] =	wrdreg $0xFFFFFFFF  }
0xa9: {  	s28 =	simm.s32 $_size_execute0_lowered;
	s5 =	sadd.s32 s5, s7;
	[dreg:$0x0] =	wrdreg $0x0  }
0xaa: {  	s7 =	sshll.u32 s28, $0x1;
	[dreg:$0x2] =	wrdreg s5  }
0xab: {  	[dreg:$0x3] =	wrdreg s7  }
0xac: {  	[dreg:$0x4] =	wrdreg $0xC0  }
0xad: {  	_ =	task [dreg:s9], $0x5FFFF  }
0xae: {  	[dreg:$0x1] =	wrdreg $0xFFFFFFFF  }
0xaf: {  	[dreg:$0x0] =	wrdreg $0x60  }
0xb0: {  	[dreg:$0x2] =	wrdreg s24  }
0xb1: {  	[dreg:$0x3] =	wrdreg s2  }
0xb2: {  	[dreg:$0x4] =	wrdreg s18  }
0xb3: {  	[dreg:$0x5] =	wrdreg s4  }
0xb4: {  	[dreg:$0x6] =	wrdreg $0x9  }
0xb5: {  	_ =	task.clear_ibuf [dreg:s9], $0x7FFFF;
	_ =	strace $0x90000046  }
0xb6: {  	s29 =	simm.s32 $0x9;
	_ =	strace $0x80000048  }
0xb7: {  	_ =	swait.ge [sflag:s29], $0x1  }
0xb8: {  	[sflag:s29] =	ssyncadd.s32 $0xFFFFFFFF  }
0xb9: {  	_ =	strace $0x90000048  }
0xba: {  	_ =	sfence  }
0xbb: {  	s30 =	sld [smem:$0x0];
	_ =	sdelay $0x2  }
0xbc: {  	s31 =	sshll.u32 s1, $0xD;
	s1 =	sshrl.u32 s1, $0x2  }
0xbd: {  	s3 =	sand.u32 $0x4000, s31;
	s1 =	sadd.s32 s1, s30  }
0xbe: {  	s0 =	sor.u32 s3, s0;
	s1 =	sshll.u32 s1, $0x11  }
0xbf: {  	s0 =	sor.u32 s1, s0  }
0xc0: {  	s0 =	sadd.s32 $0x8F2B, s0  }
0xc1: {  	[sflag:s0] =	ssyncadd.remote.s32 $0x1  }
0xc2: {  	_ =	sfence.sel $0xFFFF  }
0xc3: {  	[dreg:$0x0] =	wrdreg $0xFFFFFFFF;
	(pc) =	sbr.abs _section_cstart, $3  }
0xc4: {  	[dreg:$0x1] =	wrdreg $0xFFFFFFFF  }
0xc5: {  	_ =	task.clear_ibuf [dreg:s9], $0x2FFFF;
	_ =	strace $0x9FFFFFFF  }
0xc6: {  	(tm) =	ssettm $0x7FFFFFFF  }
0xc7: {  	_ =	shalt  }
tec
execute0_lowered:
.L_overlay_start_1:
0x0: {  	(tag) =	ssettag $0x1  }
0x1: {  	s2 =	srdreg.scid;
	s3 =	stileid.u32  }
0x2: {  	s2 =	sand.u32 $0x1, s2;
	s3 =	sshll.u32 s3, $0x1  }
0x3: {  	s0 =	rddreg [dreg:$0x0];
	s3 =	sor.u32 s2, s3  }
0x4: {  	s1 =	rddreg [dreg:$0x1];
	s5 =	smul.u32 $0x2680, s3  }
0x5: {  	s7 =	rddreg [dreg:$0x2]  }
0x6: {  	s4 =	rddreg [dreg:$0x3];
	v2 =	vlaneseq.u32;
	s8 =	sshrl.u32 s5, $0xC  }
0x7: {  	s6 =	simm.s32 $0x0;
	s21 =	simm.s32 $0x1;
	s22 =	simm.s32 $0x2680;
	v0 =	vadd.s32 s8, v2  }
0x8: {  	s16 =	simm.s32 $0x8680;
	s31 =	simm.s32 $0xE680;
	s19 =	simm.s32 $0x2;
	v0 =	vmin.u32 v0, $0x4C  }
0x9: {  	s20 =	simm.s32 $0x14680;
	s15 =	simm.s32 $0x19680;
	s13 =	simm.s32 $0x3;
	v1 =	vshrl.u32 v0, $0x3  }
0xa: {  	s10 =	simm.s32 $0x0;
	[smem:$0x7FF] =	sst s6;
	s28 =	sadd.s32 $0x100, s7;
	v1 =	vmul.u32 $0x30, v1  }
0xb: {  	s29 =	sadd.s32 $0x200, s7;
	s11 =	sadd.s32 $0x100, s1;
	s2 =	ssub.s32 $0x2, s2;
	v3 =	vand.u32 $0x7, v0  }
0xc: {  	s12 =	sadd.s32 $0x200, s1;
	_ =	strace $0x80000047;
	s26 =	sshrl.u32 s2, $0x1;
	v4 =	vor.u32 v3, v1  }
0xd: {  	[dreg:$0x6] =	wrdreg s28;
	s2 =	ssub.s32 s2, s26;
	s3 =	sshrl.u32 s5, $0x3;
	v1 =	vand.u32 $0x7, v2;
	v3 =	vshrl.u32 v2, $0x3;
	v2 =	vor.u32 $0x8, v2  }
0xe: {  	[dreg:$0x7] =	wrdreg s29;
	s30 =	smax.u32 s2, $0x1;
	s0 =	sadd.s32 s3, s0;
	v5 =	vperm.xlane v4, v1;
	v3 =	vmul.u32 $0x8, v3;
	v6 =	vperm.xlane v4, v2  }
0xf: {  	s7 =	simm.s32 $0x19E80;
	[dreg:$0x8] =	wrdreg s30;
	s0 =	sadd.s32 $0x400, s0  }
0x10: {  	vm0 =	vmmov $0xffff;
	s3 =	simm.s32 $0x4;
	[dreg:$0x5] =	wrdreg s0;
	s0 =	simm.s32 $0x18E80;
	v4 =	vadd.s32 v3, v5;
	v5 =	vadd.s32 v3, v6  }
.LBB2_1:
0x11: {  	[dreg:$0x9] =	wrdreg s10  }
0x12: {  	s2 =	rddreg [dreg:$0x5];
	s24 =	simm.s32 $0x9  }
0x13: {  	[tilespmem:s6], [sflag:$0x9] =	stream.linear.gather [hbm4b:s2+s6], $0x2680, $0x38;
	[tilespmem:$0x1D700] =	vst v63  }
0x14: {  	_ =	swait.ge [sflag:s24], $0x2680  }
0x15: {  	[sflag:s24] =	ssyncset.done $0x0  }
0x16: {  	[sflag:s24] =	ssyncadd.s32 $0xFFFFD980  }
0x17: {  	s9 =	simm.s32 $0x1A700;
	[tilespmem:$0x1A680] =	vst v0;
	s2 =	rddreg [dreg:$0x2]  }
0x18: {  	[tilespmem:s9], [sflag:$0x1] =	stream.indirect_vreg.gather [hbm4b:s2+s6], $0x80, v4, vm0, $0xb8;
	[tilespmem:$0x1D700] =	vst v63  }
0x19: {  	s26 =	simm.s32 $0x1AF00;
	s25 =	rddreg [dreg:$0x6]  }
0x1a: {  	[tilespmem:s26], [sflag:$0x1] =	stream.indirect_vreg.gather [hbm4b:s25+s6], $0x80, v4, vm0, $0xb8;
	[tilespmem:$0x1D700] =	vst v63  }
0x1b: {  	s14 =	simm.s32 $0x1B700;
	s28 =	rddreg [dreg:$0x7]  }
0x1c: {  	[tilespmem:s14], [sflag:$0x1] =	stream.indirect_vreg.gather [hbm4b:s28+s6], $0x80, v4, vm0, $0xb8;
	[tilespmem:$0x1D700] =	vst v63  }
0x1d: {  	s29 =	simm.s32 $0x1BF00  }
0x1e: {  	[tilespmem:s29], [sflag:$0x1] =	stream.indirect_vreg.gather [hbm4b:s2+s6], $0x80, v5, vm0, $0xb8;
	[tilespmem:$0x1D700] =	vst v63  }
0x1f: {  	s30 =	simm.s32 $0x1C700  }
0x20: {  	[tilespmem:s30], [sflag:$0x1] =	stream.indirect_vreg.gather [hbm4b:s25+s6], $0x80, v5, vm0, $0xb8;
	[tilespmem:$0x1D700] =	vst v63  }
0x21: {  	s9 =	simm.s32 $0x1CF00  }
0x22: {  	[tilespmem:s9], [sflag:$0x1] =	stream.indirect_vreg.gather [hbm4b:s28+s6], $0x80, v5, vm0, $0xb8;
	[tilespmem:$0x1D700] =	vst v63  }
0x23: {  	_ =	swait.ge [sflag:s21], $0x3000  }
0x24: {  	[sflag:s21] =	ssyncset.done $0x0  }
0x25: {  	[sflag:s21] =	ssyncadd.s32 $0xFFFFD000  }
0x26: {  	v6 =	vld [tilespmem:$0x0];
	_ =	sdelay $0x4  }
0x27: {  	v7 =	vshrl.u32 v6, $0x3  }
0x28: {  	v7 =	vmul.u32 $0x30, v7  }
0x29: {  	v6 =	vand.u32 $0x7, v6  }
0x2a: {  	v6 =	vor.u32 v6, v7  }
0x2b: {  	v7 =	vperm.xlane v6, v1;
	_ =	sdelay $0x1  }
0x2c: {  	v7 =	vadd.s32 v3, v7;
	_ =	sdelay $0x3  }
0x2d: {  	v6 =	vperm.xlane v6, v2  }
0x2e: {  	[tilespmem:s22], [sflag:$0x1] =	stream.indirect_vreg.gather [hbm4b:s1+s6], $0x80, v7, vm0, $0xb8;
	[tilespmem:$0x1D700] =	vst v63  }
0x2f: {  	s10 =	simm.s32 $0x2E80;
	v6 =	vadd.s32 v3, v6  }
0x30: {  	[tilespmem:s10], [sflag:$0x1] =	stream.indirect_vreg.gather [hbm4b:s11+s6], $0x80, v7, vm0, $0xb8;
	[tilespmem:$0x1D700] =	vst v63  }
0x31: {  	s14 =	simm.s32 $0x3680  }
0x32: {  	[tilespmem:s14], [sflag:$0x1] =	stream.indirect_vreg.gather [hbm4b:s12+s6], $0x80, v7, vm0, $0xb8;
	[tilespmem:$0x1D700] =	vst v63  }
0x33: {  	s17 =	simm.s32 $0x3E80  }
0x34: {  	[tilespmem:s17], [sflag:$0x1] =	stream.indirect_vreg.gather [hbm4b:s1+s6], $0x80, v6, vm0, $0xb8;
	[tilespmem:$0x1D700] =	vst v63  }
0x35: {  	s18 =	simm.s32 $0x4680  }
0x36: {  	[tilespmem:s18], [sflag:$0x1] =	stream.indirect_vreg.gather [hbm4b:s11+s6], $0x80, v6, vm0, $0xb8;
	[tilespmem:$0x1D700] =	vst v63  }
0x37: {  	s23 =	simm.s32 $0x4E80  }
0x38: {  	[tilespmem:s23], [sflag:$0x1] =	stream.indirect_vreg.gather [hbm4b:s12+s6], $0x80, v6, vm0, $0xb8;
	[tilespmem:$0x1D700] =	vst v63  }
0x39: {  	v6 =	vld [tilespmem:$0x10];
	_ =	sdelay $0x4  }
0x3a: {  	v7 =	vshrl.u32 v6, $0x3  }
0x3b: {  	v7 =	vmul.u32 $0x30, v7  }
0x3c: {  	v6 =	vand.u32 $0x7, v6  }
0x3d: {  	v6 =	vor.u32 v6, v7  }
0x3e: {  	v7 =	vperm.xlane v6, v1;
	_ =	sdelay $0x1  }
0x3f: {  	v7 =	vadd.s32 v3, v7;
	_ =	sdelay $0x3  }
0x40: {  	s24 =	simm.s32 $0x5680;
	v6 =	vperm.xlane v6, v2  }
0x41: {  	[tilespmem:s24], [sflag:$0x1] =	stream.indirect_vreg.gather [hbm4b:s1+s6], $0x80, v7, vm0, $0xb8;
	[tilespmem:$0x1D700] =	vst v63  }
0x42: {  	s25 =	simm.s32 $0x5E80;
	v6 =	vadd.s32 v3, v6  }
0x43: {  	[tilespmem:s25], [sflag:$0x1] =	stream.indirect_vreg.gather [hbm4b:s11+s6], $0x80, v7, vm0, $0xb8;
	[tilespmem:$0x1D700] =	vst v63  }
0x44: {  	s26 =	simm.s32 $0x6680  }
0x45: {  	[tilespmem:s26], [sflag:$0x1] =	stream.indirect_vreg.gather [hbm4b:s12+s6], $0x80, v7, vm0, $0xb8;
	[tilespmem:$0x1D700] =	vst v63  }
0x46: {  	s28 =	simm.s32 $0x6E80  }
0x47: {  	[tilespmem:s28], [sflag:$0x1] =	stream.indirect_vreg.gather [hbm4b:s1+s6], $0x80, v6, vm0, $0xb8;
	[tilespmem:$0x1D700] =	vst v63  }
0x48: {  	s29 =	simm.s32 $0x7680  }
0x49: {  	[tilespmem:s29], [sflag:$0x1] =	stream.indirect_vreg.gather [hbm4b:s11+s6], $0x80, v6, vm0, $0xb8;
	[tilespmem:$0x1D700] =	vst v63  }
0x4a: {  	s30 =	simm.s32 $0x7E80;
	s14 =	simm.s32 $0x0  }
0x4b: {  	[tilespmem:s30], [sflag:$0x1] =	stream.indirect_vreg.gather [hbm4b:s12+s6], $0x80, v6, vm0, $0xb8;
	[tilespmem:$0x1D700] =	vst v63  }
.LBB2_2:
0x4c: {  	p0 =	seq.s32 s14, $0x0  }
0x4d: {  	s9 =	sshll.u32 s14, $0x2;
	s17 =	simm.s32 @!p0 $0x6  }
0x4e: {  	s10 =	sor.u32 $0x1, s9;
	_ =	swait.ge @!p0 [sflag:s17], $0x6000  }
0x4f: {  	s10 =	sshll.u32 s10, $0x5;
	[sflag:s17] =	ssyncset.done @!p0 $0x0  }
0x50: {  	s25 =	sand.u32 $0x3FFFFFE0, s10;
	[sflag:s17] =	ssyncadd.s32 @!p0 $0xFFFFA000  }
0x51: {  	v6 =	vld [tilespmem:s25+$0x0];
	_ =	sdelay $0x4  }
0x52: {  	v7 =	vshrl.u32 v6, $0x3  }
0x53: {  	v7 =	vmul.u32 $0x30, v7  }
0x54: {  	v6 =	vand.u32 $0x7, v6  }
0x55: {  	v6 =	vor.u32 v6, v7  }
0x56: {  	v7 =	vperm.xlane v6, v1;
	_ =	sdelay $0x1  }
0x57: {  	v7 =	vadd.s32 v3, v7;
	_ =	sdelay $0x3  }
0x58: {  	s18 =	simm.s32 $0x0;
	v6 =	vperm.xlane v6, v2  }
0x59: {  	[tilespmem:s16], [sflag:$0x2] =	stream.indirect_vreg.gather [hbm4b:s1+s18], $0x80, v7, vm0, $0xb8;
	[tilespmem:$0x1D700] =	vst v63  }
0x5a: {  	s2 =	simm.s32 $0x8E80;
	v6 =	vadd.s32 v3, v6  }
0x5b: {  	[tilespmem:s2], [sflag:$0x2] =	stream.indirect_vreg.gather [hbm4b:s11+s18], $0x80, v7, vm0, $0xb8;
	[tilespmem:$0x1D700] =	vst v63  }
0x5c: {  	s26 =	simm.s32 $0x9680  }
0x5d: {  	[tilespmem:s26], [sflag:$0x2] =	stream.indirect_vreg.gather [hbm4b:s12+s18], $0x80, v7, vm0, $0xb8;
	[tilespmem:$0x1D700] =	vst v63  }
0x5e: {  	s28 =	simm.s32 $0x9E80  }
0x5f: {  	[tilespmem:s28], [sflag:$0x2] =	stream.indirect_vreg.gather [hbm4b:s1+s18], $0x80, v6, vm0, $0xb8;
	[tilespmem:$0x1D700] =	vst v63  }
0x60: {  	s29 =	simm.s32 $0xA680  }
0x61: {  	[tilespmem:s29], [sflag:$0x2] =	stream.indirect_vreg.gather [hbm4b:s11+s18], $0x80, v6, vm0, $0xb8;
	[tilespmem:$0x1D700] =	vst v63  }
0x62: {  	s30 =	simm.s32 $0xAE80  }
0x63: {  	[tilespmem:s30], [sflag:$0x2] =	stream.indirect_vreg.gather [hbm4b:s12+s18], $0x80, v6, vm0, $0xb8;
	[tilespmem:$0x1D700] =	vst v63  }
0x64: {  	v6 =	vld [tilespmem:s25+$0x10];
	_ =	sdelay $0x4  }
0x65: {  	v7 =	vshrl.u32 v6, $0x3  }
0x66: {  	v7 =	vmul.u32 $0x30, v7  }
0x67: {  	v6 =	vand.u32 $0x7, v6  }
0x68: {  	v6 =	vor.u32 v6, v7  }
0x69: {  	v7 =	vperm.xlane v6, v1;
	_ =	sdelay $0x1  }
0x6a: {  	v7 =	vadd.s32 v3, v7;
	_ =	sdelay $0x3  }
0x6b: {  	s17 =	simm.s32 $0xB680;
	s29 =	sshll.u32 s14, $0x7;
	v6 =	vperm.xlane v6, v2  }
0x6c: {  	[tilespmem:s17], [sflag:$0x2] =	stream.indirect_vreg.gather [hbm4b:s1+s18], $0x80, v7, vm0, $0xb8;
	[tilespmem:$0x1D700] =	vst v63  }
0x6d: {  	s23 =	simm.s32 $0xBE80;
	v6 =	vadd.s32 v3, v6;
	s17 =	sadd.s32 s5, s29  }
0x6e: {  	[tilespmem:s23], [sflag:$0x2] =	stream.indirect_vreg.gather [hbm4b:s11+s18], $0x80, v7, vm0, $0xb8;
	[tilespmem:$0x1D700] =	vst v63  }
0x6f: {  	s24 =	simm.s32 $0xC680;
	s23 =	sshrl.u32 s17, $0xC  }
0x70: {  	[tilespmem:s24], [sflag:$0x2] =	stream.indirect_vreg.gather [hbm4b:s12+s18], $0x80, v7, vm0, $0xb8;
	[tilespmem:$0x1D700] =	vst v63  }
0x71: {  	s25 =	simm.s32 $0xCE80;
	s23 =	ssub.s32 s23, s8  }
0x72: {  	[tilespmem:s25], [sflag:$0x2] =	stream.indirect_vreg.gather [hbm4b:s1+s18], $0x80, v6, vm0, $0xb8;
	[tilespmem:$0x1D700] =	vst v63  }
0x73: {  	s26 =	simm.s32 $0xD680;
	s24 =	sshrl.u32 s23, $0x3  }
0x74: {  	[tilespmem:s26], [sflag:$0x2] =	stream.indirect_vreg.gather [hbm4b:s11+s18], $0x80, v6, vm0, $0xb8;
	[tilespmem:$0x1D700] =	vst v63  }
0x75: {  	s28 =	simm.s32 $0xDE80;
	s24 =	smul.u32 $0x6000, s24  }
0x76: {  	[tilespmem:s28], [sflag:$0x2] =	stream.indirect_vreg.gather [hbm4b:s12+s18], $0x80, v6, vm0, $0xb8;
	[tilespmem:$0x1D700] =	vst v63  }
0x77: {  	s23 =	sshll.u32 s23, $0x7;
	_ =	swait.ge [sflag:s21], $0x6000  }
0x78: {  	s23 =	sand.u32 $0x380, s23;
	s24 =	sshra.s32 s24, $0x2;
	[sflag:s21] =	ssyncset.done $0x0  }
0x79: {  	s25 =	sor.u32 s23, s24;
	[sflag:s21] =	ssyncadd.s32 $0xFFFFA000  }
0x7a: {  	s26 =	sadd.s32 $0x1A700, s25;
	v14 =	vld [tilespmem:s25+$0x1A700]  }
0x7b: {  	v16 =	vld [tilespmem:s26+$0x10]  }
0x7c: {  	v17 =	vld [tilespmem:s26+$0x20]  }
0x7d: {  	v19 =	vld [tilespmem:s26+$0x30]  }
0x7e: {  	v20 =	vld [tilespmem:s26+$0x40]  }
0x7f: {  	v21 =	vld [tilespmem:s26+$0x50]  }
0x80: {  	v18 =	vld [tilespmem:s26+$0x60]  }
0x81: {  	v15 =	vld [tilespmem:s26+$0x70]  }
0x82: {  	v13 =	vld [tilespmem:s26+$0x400]  }
0x83: {  	v12 =	vld [tilespmem:s26+$0x410]  }
0x84: {  	v11 =	vld [tilespmem:s26+$0x420]  }
0x85: {  	s30 =	simm.s32 $0x0;
	v7 =	vld [tilespmem:s26+$0x430]  }
0x86: {  	v8 =	vld [tilespmem:s26+$0x440];
	s25 =	smul.u32 $0x6000, s30  }
0x87: {  	v9 =	vld [tilespmem:s26+$0x450]  }
0x88: {  	s28 =	sand.u32 $0x380, s18;
	v6 =	vld [tilespmem:s26+$0x460];
	s25 =	sshra.s32 s25, $0x2  }
0x89: {  	v10 =	vld [tilespmem:s26+$0x470];
	s25 =	sor.u32 s28, s25  }
0x8a: {  	v22 =	vld [tilespmem:s25+$0x2680]  }
0x8b: {  	v23 =	vld [tilespmem:s25+$0x2690]  }
0x8c: {  	v27 =	vld [tilespmem:s25+$0x26B0]  }
0x8d: {  	v25 =	vld [tilespmem:s25+$0x26A0]  }
0x8e: {  	v28 =	vld [tilespmem:s25+$0x26C0]  }
0x8f: {  	v29 =	vld [tilespmem:s25+$0x26D0];
	v22 =	vadd.f32 v22, v14  }
0x90: {  	v26 =	vld [tilespmem:s25+$0x26E0];
	v23 =	vadd.f32 v23, v16  }
0x91: {  	v24 =	vld [tilespmem:s25+$0x26F0];
	v27 =	vadd.f32 v27, v19;
	[tilespmem:s25+$0x2680] =	vst v22  }
0x92: {  	v22 =	vadd.f32 v25, v17;
	v25 =	vld [tilespmem:s25+$0x2A80];
	[tilespmem:s25+$0x2690] =	vst v23  }
0x93: {  	v28 =	vadd.f32 v28, v20;
	v23 =	vld [tilespmem:s25+$0x2A90];
	[tilespmem:s25+$0x26B0] =	vst v27  }
0x94: {  	s26 =	simm.s32 $0x1;
	v27 =	vadd.f32 v29, v21;
	[tilespmem:s25+$0x26A0] =	vst v22;
	v22 =	vld [tilespmem:s25+$0x2AA0]  }
.LBB2_3:
0x95: {  	s28 =	sshrl.u32 s26, $0x3;
	p1 =	sne.s32 s26, $0x1F;
	v29 =	vld [tilespmem:s25+$0x2AB0];
	[tilespmem:s25+$0x26C0] =	vst v28;
	v26 =	vadd.f32 v26, v18  }
0x96: {  	s28 =	smul.u32 $0x6000, s28;
	v28 =	vld [tilespmem:s25+$0x2AC0];
	[tilespmem:s25+$0x26D0] =	vst v27;
	v24 =	vadd.f32 v24, v15  }
0x97: {  	s18 =	sadd.s32 $0x80, s18;
	v27 =	vld [tilespmem:s25+$0x2AD0];
	[tilespmem:s25+$0x26E0] =	vst v26;
	v25 =	vadd.f32 v25, v13  }
0x98: {  	s29 =	sand.u32 $0x380, s18;
	s28 =	sshra.s32 s28, $0x2;
	v26 =	vld [tilespmem:s25+$0x2AE0];
	[tilespmem:s25+$0x26F0] =	vst v24;
	v23 =	vadd.f32 v23, v12  }
0x99: {  	s28 =	sor.u32 s29, s28;
	v24 =	vld [tilespmem:s25+$0x2AF0];
	[tilespmem:s25+$0x2A80] =	vst v25;
	v22 =	vadd.f32 v22, v11  }
0x9a: {  	v25 =	vld [tilespmem:s28+$0x2680];
	[tilespmem:s25+$0x2A90] =	vst v23;
	v23 =	vadd.f32 v29, v7  }
0x9b: {  	v29 =	vld [tilespmem:s28+$0x2690];
	[tilespmem:s25+$0x2AA0] =	vst v22;
	v22 =	vadd.f32 v28, v8  }
0x9c: {  	v28 =	vld [tilespmem:s28+$0x26A0];
	[tilespmem:s25+$0x2AB0] =	vst v23;
	v23 =	vadd.f32 v27, v9  }
0x9d: {  	v27 =	vld [tilespmem:s28+$0x26B0];
	[tilespmem:s25+$0x2AC0] =	vst v22;
	v22 =	vadd.f32 v26, v6  }
0x9e: {  	v30 =	vld [tilespmem:s28+$0x26C0];
	[tilespmem:s25+$0x2AD0] =	vst v23;
	v23 =	vadd.f32 v24, v10  }
0x9f: {  	v31 =	vld [tilespmem:s28+$0x26D0];
	v25 =	vadd.f32 v25, v14;
	[tilespmem:s25+$0x2AE0] =	vst v22  }
.Ltmp0:
0xa0: {  	v26 =	vld [tilespmem:s28+$0x26E0];
	v22 =	vadd.f32 v29, v16;
	[tilespmem:s25+$0x2AF0] =	vst v23;
	s25 =	smov.u32 s28;
	(pc) =	sbr.rel @p1 .LBB2_3-.Ltmp0, $4  }
0xa1: {  	v24 =	vld [tilespmem:s25+$0x26F0];
	[tilespmem:s25+$0x2680] =	vst v25;
	v28 =	vadd.f32 v28, v17  }
0xa2: {  	v25 =	vld [tilespmem:s25+$0x2A80];
	[tilespmem:s25+$0x2690] =	vst v22;
	v27 =	vadd.f32 v27, v19  }
0xa3: {  	v23 =	vld [tilespmem:s25+$0x2A90];
	[tilespmem:s25+$0x26A0] =	vst v28;
	v28 =	vadd.f32 v30, v20  }
0xa4: {  	s26 =	sadd.s32 $0x1, s26;
	v22 =	vld [tilespmem:s25+$0x2AA0];
	[tilespmem:s25+$0x26B0] =	vst v27;
	v27 =	vadd.f32 v31, v21  }
0xa5: {  	v14 =	vld [tilespmem:s25+$0x2AB0];
	[tilespmem:s25+$0x26C0] =	vst v28;
	v16 =	vadd.f32 v26, v18  }
0xa6: {  	v17 =	vld [tilespmem:s25+$0x2AC0];
	[tilespmem:s25+$0x26D0] =	vst v27;
	v15 =	vadd.f32 v24, v15  }
0xa7: {  	v18 =	vld [tilespmem:s25+$0x2AD0];
	[tilespmem:s25+$0x26E0] =	vst v16;
	v13 =	vadd.f32 v25, v13  }
0xa8: {  	v16 =	vld [tilespmem:s25+$0x2AE0];
	[tilespmem:s25+$0x26F0] =	vst v15;
	v12 =	vadd.f32 v23, v12  }
0xa9: {  	v15 =	vld [tilespmem:s25+$0x2AF0];
	[tilespmem:s25+$0x2A80] =	vst v13;
	v11 =	vadd.f32 v22, v11  }
0xaa: {  	[tilespmem:s25+$0x2A90] =	vst v12;
	v7 =	vadd.f32 v14, v7  }
0xab: {  	v8 =	vadd.f32 v17, v8;
	[tilespmem:s25+$0x2AA0] =	vst v11  }
0xac: {  	[tilespmem:s25+$0x2AB0] =	vst v7;
	v7 =	vadd.f32 v18, v9  }
0xad: {  	[tilespmem:s25+$0x2AC0] =	vst v8;
	v6 =	vadd.f32 v16, v6  }
0xae: {  	[tilespmem:s25+$0x2AD0] =	vst v7;
	v7 =	vadd.f32 v15, v10  }
0xaf: {  	[tilespmem:s25+$0x2AE0] =	vst v6  }
0xb0: {  	s18 =	sadd.s32 s23, s24;
	[tilespmem:s25+$0x2AF0] =	vst v7  }
0xb1: {  	s23 =	sadd.s32 $0x1AF00, s18;
	v15 =	vld [tilespmem:s18+$0x1AF00]  }
0xb2: {  	v16 =	vld [tilespmem:s23+$0x10]  }
0xb3: {  	v18 =	vld [tilespmem:s23+$0x20]  }
0xb4: {  	v19 =	vld [tilespmem:s23+$0x30]  }
0xb5: {  	v20 =	vld [tilespmem:s23+$0x40]  }
0xb6: {  	v21 =	vld [tilespmem:s23+$0x50]  }
0xb7: {  	v17 =	vld [tilespmem:s23+$0x60]  }
0xb8: {  	v13 =	vld [tilespmem:s23+$0x70]  }
0xb9: {  	s29 =	sadd.s32 $0x1B300, s18;
	v14 =	vld [tilespmem:s18+$0x1B300]  }
0xba: {  	v9 =	vld [tilespmem:s29+$0x10]  }
0xbb: {  	s30 =	simm.s32 $0x0;
	v6 =	vld [tilespmem:s29+$0x20]  }
0xbc: {  	s23 =	smul.u32 $0x6000, s30;
	v7 =	vld [tilespmem:s29+$0x30]  }
0xbd: {  	s24 =	simm.s32 $0x0;
	v8 =	vld [tilespmem:s29+$0x40]  }
0xbe: {  	s26 =	sand.u32 $0x380, s24;
	v10 =	vld [tilespmem:s29+$0x50];
	s23 =	sshra.s32 s23, $0x2  }
0xbf: {  	v11 =	vld [tilespmem:s29+$0x60];
	s23 =	sor.u32 s26, s23  }
0xc0: {  	v22 =	vld [tilespmem:s23+$0x2E80]  }
0xc1: {  	v23 =	vld [tilespmem:s23+$0x2E90]  }
0xc2: {  	v25 =	vld [tilespmem:s23+$0x2EA0]  }
0xc3: {  	v26 =	vld [tilespmem:s23+$0x2EB0]  }
0xc4: {  	v12 =	vld [tilespmem:s29+$0x70]  }
0xc5: {  	v27 =	vld [tilespmem:s23+$0x2EC0]  }
0xc6: {  	v29 =	vld [tilespmem:s23+$0x2ED0];
	v22 =	vadd.f32 v22, v15  }
0xc7: {  	v23 =	vadd.f32 v23, v16;
	v28 =	vadd.f32 v25, v18;
	v25 =	vld [tilespmem:s23+$0x2EE0]  }
0xc8: {  	v30 =	vadd.f32 v26, v19;
	v26 =	vld [tilespmem:s23+$0x2EF0];
	[tilespmem:s23+$0x2E80] =	vst v22  }
0xc9: {  	v24 =	vld [tilespmem:s23+$0x3280];
	[tilespmem:s23+$0x2E90] =	vst v23  }
0xca: {  	v22 =	vld [tilespmem:s23+$0x3290];
	[tilespmem:s23+$0x2EA0] =	vst v28;
	v28 =	vadd.f32 v27, v20  }
0xcb: {  	s25 =	simm.s32 $0x1;
	v23 =	vld [tilespmem:s23+$0x32A0];
	[tilespmem:s23+$0x2EB0] =	vst v30;
	v27 =	vadd.f32 v29, v21  }
.LBB2_5:
0xcc: {  	s26 =	sshrl.u32 s25, $0x3;
	p1 =	sne.s32 s25, $0x1F;
	v29 =	vld [tilespmem:s23+$0x32B0];
	[tilespmem:s23+$0x2EC0] =	vst v28;
	v25 =	vadd.f32 v25, v17  }
0xcd: {  	s26 =	smul.u32 $0x6000, s26;
	v28 =	vld [tilespmem:s23+$0x32C0];
	[tilespmem:s23+$0x2ED0] =	vst v27;
	v26 =	vadd.f32 v26, v13  }
0xce: {  	s24 =	sadd.s32 $0x80, s24;
	v27 =	vld [tilespmem:s23+$0x32D0];
	[tilespmem:s23+$0x2EE0] =	vst v25;
	v24 =	vadd.f32 v24, v14  }
0xcf: {  	s28 =	sand.u32 $0x380, s24;
	s26 =	sshra.s32 s26, $0x2;
	v25 =	vld [tilespmem:s23+$0x32E0];
	[tilespmem:s23+$0x2EF0] =	vst v26;
	v22 =	vadd.f32 v22, v9  }
0xd0: {  	s26 =	sor.u32 s28, s26;
	v26 =	vld [tilespmem:s23+$0x32F0];
	[tilespmem:s23+$0x3280] =	vst v24;
	v23 =	vadd.f32 v23, v6  }
0xd1: {  	v24 =	vld [tilespmem:s26+$0x2E80];
	[tilespmem:s23+$0x3290] =	vst v22;
	v22 =	vadd.f32 v29, v7  }
0xd2: {  	v29 =	vld [tilespmem:s26+$0x2E90];
	[tilespmem:s23+$0x32A0] =	vst v23;
	v23 =	vadd.f32 v28, v8  }
0xd3: {  	v28 =	vld [tilespmem:s26+$0x2EA0];
	[tilespmem:s23+$0x32B0] =	vst v22;
	v22 =	vadd.f32 v27, v10  }
0xd4: {  	v27 =	vld [tilespmem:s26+$0x2EB0];
	[tilespmem:s23+$0x32C0] =	vst v23;
	v23 =	vadd.f32 v25, v11  }
0xd5: {  	v30 =	vld [tilespmem:s26+$0x2EC0];
	[tilespmem:s23+$0x32D0] =	vst v22;
	v22 =	vadd.f32 v26, v12  }
0xd6: {  	v31 =	vld [tilespmem:s26+$0x2ED0];
	v24 =	vadd.f32 v24, v15;
	[tilespmem:s23+$0x32E0] =	vst v23  }
.Ltmp1:
0xd7: {  	v25 =	vld [tilespmem:s26+$0x2EE0];
	v23 =	vadd.f32 v29, v16;
	[tilespmem:s23+$0x32F0] =	vst v22;
	s23 =	smov.u32 s26;
	(pc) =	sbr.rel @p1 .LBB2_5-.Ltmp1, $4  }
0xd8: {  	v26 =	vld [tilespmem:s23+$0x2EF0];
	[tilespmem:s23+$0x2E80] =	vst v24;
	v28 =	vadd.f32 v28, v18  }
0xd9: {  	v24 =	vld [tilespmem:s23+$0x3280];
	[tilespmem:s23+$0x2E90] =	vst v23;
	v27 =	vadd.f32 v27, v19  }
0xda: {  	v22 =	vld [tilespmem:s23+$0x3290];
	[tilespmem:s23+$0x2EA0] =	vst v28;
	v28 =	vadd.f32 v30, v20  }
0xdb: {  	s25 =	sadd.s32 $0x1, s25;
	v23 =	vld [tilespmem:s23+$0x32A0];
	[tilespmem:s23+$0x2EB0] =	vst v27;
	v27 =	vadd.f32 v31, v21  }
0xdc: {  	v15 =	vld [tilespmem:s23+$0x32B0];
	[tilespmem:s23+$0x2EC0] =	vst v28;
	v17 =	vadd.f32 v25, v17  }
0xdd: {  	v16 =	vld [tilespmem:s23+$0x32C0];
	[tilespmem:s23+$0x2ED0] =	vst v27;
	v13 =	vadd.f32 v26, v13  }
0xde: {  	v18 =	vld [tilespmem:s23+$0x32D0];
	[tilespmem:s23+$0x2EE0] =	vst v17;
	v14 =	vadd.f32 v24, v14  }
0xdf: {  	v17 =	vld [tilespmem:s23+$0x32E0];
	[tilespmem:s23+$0x2EF0] =	vst v13;
	v9 =	vadd.f32 v22, v9  }
0xe0: {  	v13 =	vld [tilespmem:s23+$0x32F0];
	[tilespmem:s23+$0x3280] =	vst v14;
	v6 =	vadd.f32 v23, v6  }
0xe1: {  	[tilespmem:s23+$0x3290] =	vst v9;
	v7 =	vadd.f32 v15, v7  }
0xe2: {  	[tilespmem:s23+$0x32A0] =	vst v6;
	v6 =	vadd.f32 v16, v8  }
0xe3: {  	[tilespmem:s23+$0x32B0] =	vst v7;
	v7 =	vadd.f32 v18, v10  }
0xe4: {  	[tilespmem:s23+$0x32C0] =	vst v6;
	v6 =	vadd.f32 v17, v11  }
0xe5: {  	[tilespmem:s23+$0x32D0] =	vst v7;
	v7 =	vadd.f32 v13, v12  }
0xe6: {  	[tilespmem:s23+$0x32E0] =	vst v6  }
0xe7: {  	[tilespmem:s23+$0x32F0] =	vst v7  }
0xe8: {  	s29 =	sadd.s32 $0x1B700, s18;
	v15 =	vld [tilespmem:s18+$0x1B700]  }
0xe9: {  	v16 =	vld [tilespmem:s29+$0x10]  }
0xea: {  	v18 =	vld [tilespmem:s29+$0x20]  }
0xeb: {  	v19 =	vld [tilespmem:s29+$0x30]  }
0xec: {  	v20 =	vld [tilespmem:s29+$0x40]  }
0xed: {  	v21 =	vld [tilespmem:s29+$0x50]  }
0xee: {  	v17 =	vld [tilespmem:s29+$0x60]  }
0xef: {  	v13 =	vld [tilespmem:s29+$0x70]  }
0xf0: {  	s24 =	sadd.s32 $0x1BB00, s18;
	v14 =	vld [tilespmem:s18+$0x1BB00]  }
0xf1: {  	v9 =	vld [tilespmem:s24+$0x10]  }
0xf2: {  	s30 =	simm.s32 $0x0;
	v6 =	vld [tilespmem:s24+$0x20]  }
0xf3: {  	s18 =	smul.u32 $0x6000, s30;
	v7 =	vld [tilespmem:s24+$0x30]  }
0xf4: {  	s23 =	simm.s32 $0x0;
	v8 =	vld [tilespmem:s24+$0x40]  }
0xf5: {  	s25 =	sand.u32 $0x380, s23;
	v11 =	vld [tilespmem:s24+$0x50];
	s18 =	sshra.s32 s18, $0x2  }
0xf6: {  	v12 =	vld [tilespmem:s24+$0x60];
	s18 =	sor.u32 s25, s18  }
0xf7: {  	v22 =	vld [tilespmem:s18+$0x3680]  }
0xf8: {  	v23 =	vld [tilespmem:s18+$0x3690]  }
0xf9: {  	v25 =	vld [tilespmem:s18+$0x36A0]  }
0xfa: {  	v26 =	vld [tilespmem:s18+$0x36B0]  }
0xfb: {  	v10 =	vld [tilespmem:s24+$0x70]  }
0xfc: {  	v27 =	vld [tilespmem:s18+$0x36C0]  }
0xfd: {  	v29 =	vld [tilespmem:s18+$0x36D0];
	v22 =	vadd.f32 v22, v15  }
0xfe: {  	v23 =	vadd.f32 v23, v16;
	v28 =	vadd.f32 v25, v18;
	v25 =	vld [tilespmem:s18+$0x36E0]  }
0xff: {  	v30 =	vadd.f32 v26, v19;
	v26 =	vld [tilespmem:s18+$0x36F0];
	[tilespmem:s18+$0x3680] =	vst v22  }
0x100: {  	v24 =	vld [tilespmem:s18+$0x3A80];
	[tilespmem:s18+$0x3690] =	vst v23  }
0x101: {  	v22 =	vld [tilespmem:s18+$0x3A90];
	[tilespmem:s18+$0x36A0] =	vst v28;
	v28 =	vadd.f32 v27, v20  }
0x102: {  	s24 =	simm.s32 $0x1;
	v23 =	vld [tilespmem:s18+$0x3AA0];
	[tilespmem:s18+$0x36B0] =	vst v30;
	v27 =	vadd.f32 v29, v21  }
.LBB2_7:
0x103: {  	s25 =	sshrl.u32 s24, $0x3;
	p1 =	sne.s32 s24, $0x1F;
	v29 =	vld [tilespmem:s18+$0x3AB0];
	[tilespmem:s18+$0x36C0] =	vst v28;
	v25 =	vadd.f32 v25, v17  }
0x104: {  	s25 =	smul.u32 $0x6000, s25;
	v28 =	vld [tilespmem:s18+$0x3AC0];
	[tilespmem:s18+$0x36D0] =	vst v27;
	v26 =	vadd.f32 v26, v13  }
0x105: {  	s23 =	sadd.s32 $0x80, s23;
	v27 =	vld [tilespmem:s18+$0x3AD0];
	[tilespmem:s18+$0x36E0] =	vst v25;
	v24 =	vadd.f32 v24, v14  }
0x106: {  	s26 =	sand.u32 $0x380, s23;
	s25 =	sshra.s32 s25, $0x2;
	v25 =	vld [tilespmem:s18+$0x3AE0];
	[tilespmem:s18+$0x36F0] =	vst v26;
	v22 =	vadd.f32 v22, v9  }
0x107: {  	s25 =	sor.u32 s26, s25;
	v26 =	vld [tilespmem:s18+$0x3AF0];
	[tilespmem:s18+$0x3A80] =	vst v24;
	v23 =	vadd.f32 v23, v6  }
0x108: {  	v24 =	vld [tilespmem:s25+$0x3680];
	[tilespmem:s18+$0x3A90] =	vst v22;
	v22 =	vadd.f32 v29, v7  }
0x109: {  	v29 =	vld [tilespmem:s25+$0x3690];
	[tilespmem:s18+$0x3AA0] =	vst v23;
	v23 =	vadd.f32 v28, v8  }
0x10a: {  	v28 =	vld [tilespmem:s25+$0x36A0];
	[tilespmem:s18+$0x3AB0] =	vst v22;
	v22 =	vadd.f32 v27, v11  }
0x10b: {  	v27 =	vld [tilespmem:s25+$0x36B0];
	[tilespmem:s18+$0x3AC0] =	vst v23;
	v23 =	vadd.f32 v25, v12  }
0x10c: {  	v30 =	vld [tilespmem:s25+$0x36C0];
	[tilespmem:s18+$0x3AD0] =	vst v22;
	v22 =	vadd.f32 v26, v10  }
0x10d: {  	v31 =	vld [tilespmem:s25+$0x36D0];
	v24 =	vadd.f32 v24, v15;
	[tilespmem:s18+$0x3AE0] =	vst v23  }
.Ltmp2:
0x10e: {  	v25 =	vld [tilespmem:s25+$0x36E0];
	v23 =	vadd.f32 v29, v16;
	[tilespmem:s18+$0x3AF0] =	vst v22;
	s18 =	smov.u32 s25;
	(pc) =	sbr.rel @p1 .LBB2_7-.Ltmp2, $4  }
0x10f: {  	v26 =	vld [tilespmem:s18+$0x36F0];
	[tilespmem:s18+$0x3680] =	vst v24;
	v28 =	vadd.f32 v28, v18  }
0x110: {  	v24 =	vld [tilespmem:s18+$0x3A80];
	[tilespmem:s18+$0x3690] =	vst v23;
	v27 =	vadd.f32 v27, v19  }
0x111: {  	v22 =	vld [tilespmem:s18+$0x3A90];
	[tilespmem:s18+$0x36A0] =	vst v28;
	v28 =	vadd.f32 v30, v20  }
0x112: {  	s24 =	sadd.s32 $0x1, s24;
	v23 =	vld [tilespmem:s18+$0x3AA0];
	[tilespmem:s18+$0x36B0] =	vst v27;
	v27 =	vadd.f32 v31, v21  }
0x113: {  	v15 =	vld [tilespmem:s18+$0x3AB0];
	[tilespmem:s18+$0x36C0] =	vst v28;
	v17 =	vadd.f32 v25, v17  }
0x114: {  	v16 =	vld [tilespmem:s18+$0x3AC0];
	[tilespmem:s18+$0x36D0] =	vst v27;
	v13 =	vadd.f32 v26, v13  }
0x115: {  	v18 =	vld [tilespmem:s18+$0x3AD0];
	[tilespmem:s18+$0x36E0] =	vst v17;
	v14 =	vadd.f32 v24, v14  }
0x116: {  	v17 =	vld [tilespmem:s18+$0x3AE0];
	[tilespmem:s18+$0x36F0] =	vst v13;
	v9 =	vadd.f32 v22, v9  }
0x117: {  	v13 =	vld [tilespmem:s18+$0x3AF0];
	[tilespmem:s18+$0x3A80] =	vst v14;
	v6 =	vadd.f32 v23, v6  }
0x118: {  	[tilespmem:s18+$0x3A90] =	vst v9;
	v7 =	vadd.f32 v15, v7  }
0x119: {  	[tilespmem:s18+$0x3AA0] =	vst v6;
	v6 =	vadd.f32 v16, v8  }
0x11a: {  	[tilespmem:s18+$0x3AB0] =	vst v7;
	v7 =	vadd.f32 v18, v11  }
0x11b: {  	s17 =	sshrl.u32 s17, $0x3;
	[tilespmem:s18+$0x3AC0] =	vst v6;
	v6 =	vadd.f32 v17, v12  }
0x11c: {  	s17 =	smul.u32 $0x300, s17;
	[tilespmem:s18+$0x3AD0] =	vst v7;
	v7 =	vadd.f32 v13, v10  }
0x11d: {  	[tilespmem:s18+$0x3AE0] =	vst v6  }
0x11e: {  	s17 =	sadd.s32 s4, s17;
	[tilespmem:s18+$0x3AF0] =	vst v7;
	s18 =	simm.s32 @!p0 $0x7  }
0x11f: {  	[hbm4b:s17+s6] =	stream.linear.scatter [tilespmem:s22], [sflag:$0x5], $0x6000, $0x38;
	[tilespmem:$0x1D700] =	vst v63  }
0x120: {  	s24 =	sor.u32 $0x2, s9;
	_ =	swait.ge @!p0 [sflag:s18], $0x6000  }
0x121: {  	s17 =	sshll.u32 s24, $0x5;
	[sflag:s18] =	ssyncset.done @!p0 $0x0  }
0x122: {  	s23 =	sand.u32 $0x3FFFFFE0, s17;
	[sflag:s18] =	ssyncadd.s32 @!p0 $0xFFFFA000  }
0x123: {  	v6 =	vld [tilespmem:s23+$0x0];
	_ =	sdelay $0x4  }
0x124: {  	v7 =	vshrl.u32 v6, $0x3  }
0x125: {  	v7 =	vmul.u32 $0x30, v7  }
0x126: {  	v6 =	vand.u32 $0x7, v6  }
0x127: {  	v6 =	vor.u32 v6, v7  }
0x128: {  	v7 =	vperm.xlane v6, v1;
	_ =	sdelay $0x1  }
0x129: {  	v7 =	vadd.s32 v3, v7;
	_ =	sdelay $0x3  }
0x12a: {  	s18 =	simm.s32 $0x0;
	v6 =	vperm.xlane v6, v2  }
0x12b: {  	[tilespmem:s31], [sflag:$0x3] =	stream.indirect_vreg.gather [hbm4b:s1+s18], $0x80, v7, vm0, $0xb8;
	[tilespmem:$0x1D700] =	vst v63  }
0x12c: {  	s2 =	simm.s32 $0xEE80;
	v6 =	vadd.s32 v3, v6  }
0x12d: {  	[tilespmem:s2], [sflag:$0x3] =	stream.indirect_vreg.gather [hbm4b:s11+s18], $0x80, v7, vm0, $0xb8;
	[tilespmem:$0x1D700] =	vst v63  }
0x12e: {  	s25 =	simm.s32 $0xF680  }
0x12f: {  	[tilespmem:s25], [sflag:$0x3] =	stream.indirect_vreg.gather [hbm4b:s12+s18], $0x80, v7, vm0, $0xb8;
	[tilespmem:$0x1D700] =	vst v63  }
0x130: {  	s26 =	simm.s32 $0xFE80  }
0x131: {  	[tilespmem:s26], [sflag:$0x3] =	stream.indirect_vreg.gather [hbm4b:s1+s18], $0x80, v6, vm0, $0xb8;
	[tilespmem:$0x1D700] =	vst v63  }
0x132: {  	s28 =	simm.s32 $0x10680  }
0x133: {  	[tilespmem:s28], [sflag:$0x3] =	stream.indirect_vreg.gather [hbm4b:s11+s18], $0x80, v6, vm0, $0xb8;
	[tilespmem:$0x1D700] =	vst v63  }
0x134: {  	s29 =	simm.s32 $0x10E80  }
0x135: {  	[tilespmem:s29], [sflag:$0x3] =	stream.indirect_vreg.gather [hbm4b:s12+s18], $0x80, v6, vm0, $0xb8;
	[tilespmem:$0x1D700] =	vst v63  }
0x136: {  	v6 =	vld [tilespmem:s23+$0x10];
	_ =	sdelay $0x4  }
0x137: {  	v7 =	vshrl.u32 v6, $0x3  }
0x138: {  	v7 =	vmul.u32 $0x30, v7  }
0x139: {  	v6 =	vand.u32 $0x7, v6  }
0x13a: {  	v6 =	vor.u32 v6, v7  }
0x13b: {  	v7 =	vperm.xlane v6, v1;
	_ =	sdelay $0x1  }
0x13c: {  	v7 =	vadd.s32 v3, v7;
	_ =	sdelay $0x3  }
0x13d: {  	s30 =	simm.s32 $0x11680;
	v6 =	vperm.xlane v6, v2  }
0x13e: {  	[tilespmem:s30], [sflag:$0x3] =	stream.indirect_vreg.gather [hbm4b:s1+s18], $0x80, v7, vm0, $0xb8;
	[tilespmem:$0x1D700] =	vst v63  }
0x13f: {  	s10 =	sadd.s32 s5, s10;
	s23 =	simm.s32 $0x11E80;
	v6 =	vadd.s32 v3, v6  }
0x140: {  	[tilespmem:s23], [sflag:$0x3] =	stream.indirect_vreg.gather [hbm4b:s11+s18], $0x80, v7, vm0, $0xb8;
	[tilespmem:$0x1D700] =	vst v63  }
0x141: {  	s24 =	simm.s32 $0x12680;
	s29 =	sshrl.u32 s10, $0xC  }
0x142: {  	[tilespmem:s24], [sflag:$0x3] =	stream.indirect_vreg.gather [hbm4b:s12+s18], $0x80, v7, vm0, $0xb8;
	[tilespmem:$0x1D700] =	vst v63  }
0x143: {  	s25 =	simm.s32 $0x12E80;
	s23 =	ssub.s32 s29, s8  }
0x144: {  	[tilespmem:s25], [sflag:$0x3] =	stream.indirect_vreg.gather [hbm4b:s1+s18], $0x80, v6, vm0, $0xb8;
	[tilespmem:$0x1D700] =	vst v63  }
0x145: {  	s26 =	simm.s32 $0x13680;
	s24 =	sshrl.u32 s23, $0x3  }
0x146: {  	[tilespmem:s26], [sflag:$0x3] =	stream.indirect_vreg.gather [hbm4b:s11+s18], $0x80, v6, vm0, $0xb8;
	[tilespmem:$0x1D700] =	vst v63  }
0x147: {  	s28 =	simm.s32 $0x13E80;
	s24 =	smul.u32 $0x6000, s24  }
0x148: {  	[tilespmem:s28], [sflag:$0x3] =	stream.indirect_vreg.gather [hbm4b:s12+s18], $0x80, v6, vm0, $0xb8;
	[tilespmem:$0x1D700] =	vst v63  }
0x149: {  	s23 =	sshll.u32 s23, $0x7;
	_ =	swait.ge [sflag:s19], $0x6000  }
0x14a: {  	s23 =	sand.u32 $0x380, s23;
	s24 =	sshra.s32 s24, $0x2;
	[sflag:s19] =	ssyncset.done $0x0  }
0x14b: {  	s25 =	sor.u32 s23, s24;
	[sflag:s19] =	ssyncadd.s32 $0xFFFFA000  }
0x14c: {  	s26 =	sadd.s32 $0x1A700, s25;
	v15 =	vld [tilespmem:s25+$0x1A700]  }
0x14d: {  	v16 =	vld [tilespmem:s26+$0x10]  }
0x14e: {  	v18 =	vld [tilespmem:s26+$0x20]  }
0x14f: {  	v19 =	vld [tilespmem:s26+$0x30]  }
0x150: {  	v20 =	vld [tilespmem:s26+$0x40]  }
0x151: {  	v21 =	vld [tilespmem:s26+$0x50]  }
0x152: {  	v17 =	vld [tilespmem:s26+$0x60]  }
0x153: {  	v14 =	vld [tilespmem:s26+$0x70]  }
0x154: {  	v13 =	vld [tilespmem:s26+$0x400]  }
0x155: {  	v9 =	vld [tilespmem:s26+$0x410]  }
0x156: {  	s30 =	simm.s32 $0x0;
	v7 =	vld [tilespmem:s26+$0x420]  }
0x157: {  	s25 =	smul.u32 $0x6000, s30;
	v8 =	vld [tilespmem:s26+$0x430]  }
0x158: {  	v6 =	vld [tilespmem:s26+$0x440]  }
0x159: {  	s28 =	sand.u32 $0x380, s18;
	v10 =	vld [tilespmem:s26+$0x450];
	s25 =	sshra.s32 s25, $0x2  }
0x15a: {  	v11 =	vld [tilespmem:s26+$0x460];
	s25 =	sor.u32 s28, s25  }
0x15b: {  	v22 =	vld [tilespmem:s25+$0x8680]  }
0x15c: {  	v23 =	vld [tilespmem:s25+$0x8690]  }
0x15d: {  	v25 =	vld [tilespmem:s25+$0x86A0]  }
0x15e: {  	v26 =	vld [tilespmem:s25+$0x86B0]  }
0x15f: {  	v12 =	vld [tilespmem:s26+$0x470]  }
0x160: {  	v27 =	vld [tilespmem:s25+$0x86C0]  }
0x161: {  	v29 =	vld [tilespmem:s25+$0x86D0];
	v22 =	vadd.f32 v22, v15  }
0x162: {  	v23 =	vadd.f32 v23, v16;
	v28 =	vadd.f32 v25, v18;
	v25 =	vld [tilespmem:s25+$0x86E0]  }
0x163: {  	v30 =	vadd.f32 v26, v19;
	v26 =	vld [tilespmem:s25+$0x86F0];
	[tilespmem:s25+$0x8680] =	vst v22  }
0x164: {  	v24 =	vld [tilespmem:s25+$0x8A80];
	[tilespmem:s25+$0x8690] =	vst v23  }
0x165: {  	v22 =	vld [tilespmem:s25+$0x8A90];
	[tilespmem:s25+$0x86A0] =	vst v28;
	v28 =	vadd.f32 v27, v20  }
0x166: {  	s26 =	simm.s32 $0x1;
	v23 =	vld [tilespmem:s25+$0x8AA0];
	[tilespmem:s25+$0x86B0] =	vst v30;
	v27 =	vadd.f32 v29, v21  }
.LBB2_9:
0x167: {  	s28 =	sshrl.u32 s26, $0x3;
	p1 =	sne.s32 s26, $0x1F;
	v29 =	vld [tilespmem:s25+$0x8AB0];
	[tilespmem:s25+$0x86C0] =	vst v28;
	v25 =	vadd.f32 v25, v17  }
0x168: {  	s28 =	smul.u32 $0x6000, s28;
	v28 =	vld [tilespmem:s25+$0x8AC0];
	[tilespmem:s25+$0x86D0] =	vst v27;
	v26 =	vadd.f32 v26, v14  }
0x169: {  	s18 =	sadd.s32 $0x80, s18;
	v27 =	vld [tilespmem:s25+$0x8AD0];
	[tilespmem:s25+$0x86E0] =	vst v25;
	v24 =	vadd.f32 v24, v13  }
0x16a: {  	s29 =	sand.u32 $0x380, s18;
	s28 =	sshra.s32 s28, $0x2;
	v25 =	vld [tilespmem:s25+$0x8AE0];
	[tilespmem:s25+$0x86F0] =	vst v26;
	v22 =	vadd.f32 v22, v9  }
0x16b: {  	s28 =	sor.u32 s29, s28;
	v26 =	vld [tilespmem:s25+$0x8AF0];
	[tilespmem:s25+$0x8A80] =	vst v24;
	v23 =	vadd.f32 v23, v7  }
0x16c: {  	v24 =	vld [tilespmem:s28+$0x8680];
	[tilespmem:s25+$0x8A90] =	vst v22;
	v22 =	vadd.f32 v29, v8  }
0x16d: {  	v29 =	vld [tilespmem:s28+$0x8690];
	[tilespmem:s25+$0x8AA0] =	vst v23;
	v23 =	vadd.f32 v28, v6  }
0x16e: {  	v28 =	vld [tilespmem:s28+$0x86A0];
	[tilespmem:s25+$0x8AB0] =	vst v22;
	v22 =	vadd.f32 v27, v10  }
0x16f: {  	v27 =	vld [tilespmem:s28+$0x86B0];
	[tilespmem:s25+$0x8AC0] =	vst v23;
	v23 =	vadd.f32 v25, v11  }
0x170: {  	v30 =	vld [tilespmem:s28+$0x86C0];
	[tilespmem:s25+$0x8AD0] =	vst v22;
	v22 =	vadd.f32 v26, v12  }
0x171: {  	v31 =	vld [tilespmem:s28+$0x86D0];
	v24 =	vadd.f32 v24, v15;
	[tilespmem:s25+$0x8AE0] =	vst v23  }
.Ltmp3:
0x172: {  	v25 =	vld [tilespmem:s28+$0x86E0];
	v23 =	vadd.f32 v29, v16;
	[tilespmem:s25+$0x8AF0] =	vst v22;
	s25 =	smov.u32 s28;
	(pc) =	sbr.rel @p1 .LBB2_9-.Ltmp3, $4  }
0x173: {  	v26 =	vld [tilespmem:s25+$0x86F0];
	[tilespmem:s25+$0x8680] =	vst v24;
	v28 =	vadd.f32 v28, v18  }
0x174: {  	v24 =	vld [tilespmem:s25+$0x8A80];
	[tilespmem:s25+$0x8690] =	vst v23;
	v27 =	vadd.f32 v27, v19  }
0x175: {  	v22 =	vld [tilespmem:s25+$0x8A90];
	[tilespmem:s25+$0x86A0] =	vst v28;
	v28 =	vadd.f32 v30, v20  }
0x176: {  	s26 =	sadd.s32 $0x1, s26;
	v23 =	vld [tilespmem:s25+$0x8AA0];
	[tilespmem:s25+$0x86B0] =	vst v27;
	v27 =	vadd.f32 v31, v21  }
0x177: {  	v15 =	vld [tilespmem:s25+$0x8AB0];
	[tilespmem:s25+$0x86C0] =	vst v28;
	v17 =	vadd.f32 v25, v17  }
0x178: {  	v16 =	vld [tilespmem:s25+$0x8AC0];
	[tilespmem:s25+$0x86D0] =	vst v27;
	v14 =	vadd.f32 v26, v14  }
0x179: {  	v18 =	vld [tilespmem:s25+$0x8AD0];
	[tilespmem:s25+$0x86E0] =	vst v17;
	v13 =	vadd.f32 v24, v13  }
0x17a: {  	v17 =	vld [tilespmem:s25+$0x8AE0];
	[tilespmem:s25+$0x86F0] =	vst v14;
	v9 =	vadd.f32 v22, v9  }
0x17b: {  	v14 =	vld [tilespmem:s25+$0x8AF0];
	[tilespmem:s25+$0x8A80] =	vst v13;
	v7 =	vadd.f32 v23, v7  }
0x17c: {  	[tilespmem:s25+$0x8A90] =	vst v9;
	v8 =	vadd.f32 v15, v8  }
0x17d: {  	v6 =	vadd.f32 v16, v6;
	[tilespmem:s25+$0x8AA0] =	vst v7  }
0x17e: {  	v7 =	vadd.f32 v18, v10;
	[tilespmem:s25+$0x8AB0] =	vst v8  }
0x17f: {  	[tilespmem:s25+$0x8AC0] =	vst v6;
	v6 =	vadd.f32 v17, v11  }
0x180: {  	[tilespmem:s25+$0x8AD0] =	vst v7;
	v7 =	vadd.f32 v14, v12  }
0x181: {  	[tilespmem:s25+$0x8AE0] =	vst v6  }
0x182: {  	s18 =	sadd.s32 s23, s24;
	[tilespmem:s25+$0x8AF0] =	vst v7  }
0x183: {  	s23 =	sadd.s32 $0x1AF00, s18;
	v15 =	vld [tilespmem:s18+$0x1AF00]  }
0x184: {  	v16 =	vld [tilespmem:s23+$0x10]  }
0x185: {  	v18 =	vld [tilespmem:s23+$0x20]  }
0x186: {  	v19 =	vld [tilespmem:s23+$0x30]  }
0x187: {  	v20 =	vld [tilespmem:s23+$0x40]  }
0x188: {  	v21 =	vld [tilespmem:s23+$0x50]  }
0x189: {  	v17 =	vld [tilespmem:s23+$0x60]  }
0x18a: {  	v13 =	vld [tilespmem:s23+$0x70]  }
0x18b: {  	s29 =	sadd.s32 $0x1B300, s18;
	v14 =	vld [tilespmem:s18+$0x1B300]  }
0x18c: {  	v9 =	vld [tilespmem:s29+$0x10]  }
0x18d: {  	s30 =	simm.s32 $0x0;
	v6 =	vld [tilespmem:s29+$0x20]  }
0x18e: {  	s23 =	smul.u32 $0x6000, s30;
	v7 =	vld [tilespmem:s29+$0x30]  }
0x18f: {  	s24 =	simm.s32 $0x0;
	v8 =	vld [tilespmem:s29+$0x40]  }
0x190: {  	s26 =	sand.u32 $0x380, s24;
	v10 =	vld [tilespmem:s29+$0x50];
	s23 =	sshra.s32 s23, $0x2  }
0x191: {  	v11 =	vld [tilespmem:s29+$0x60];
	s23 =	sor.u32 s26, s23  }
0x192: {  	v22 =	vld [tilespmem:s23+$0x8E80]  }
0x193: {  	v23 =	vld [tilespmem:s23+$0x8E90]  }
0x194: {  	v25 =	vld [tilespmem:s23+$0x8EA0]  }
0x195: {  	v26 =	vld [tilespmem:s23+$0x8EB0]  }
0x196: {  	v12 =	vld [tilespmem:s29+$0x70]  }
0x197: {  	v27 =	vld [tilespmem:s23+$0x8EC0]  }
0x198: {  	v29 =	vld [tilespmem:s23+$0x8ED0];
	v22 =	vadd.f32 v22, v15  }
0x199: {  	v23 =	vadd.f32 v23, v16;
	v28 =	vadd.f32 v25, v18;
	v25 =	vld [tilespmem:s23+$0x8EE0]  }
0x19a: {  	v30 =	vadd.f32 v26, v19;
	v26 =	vld [tilespmem:s23+$0x8EF0];
	[tilespmem:s23+$0x8E80] =	vst v22  }
0x19b: {  	v24 =	vld [tilespmem:s23+$0x9280];
	[tilespmem:s23+$0x8E90] =	vst v23  }
0x19c: {  	v22 =	vld [tilespmem:s23+$0x9290];
	[tilespmem:s23+$0x8EA0] =	vst v28;
	v28 =	vadd.f32 v27, v20  }
0x19d: {  	s25 =	simm.s32 $0x1;
	v23 =	vld [tilespmem:s23+$0x92A0];
	[tilespmem:s23+$0x8EB0] =	vst v30;
	v27 =	vadd.f32 v29, v21  }
.LBB2_11:
0x19e: {  	s26 =	sshrl.u32 s25, $0x3;
	p1 =	sne.s32 s25, $0x1F;
	v29 =	vld [tilespmem:s23+$0x92B0];
	[tilespmem:s23+$0x8EC0] =	vst v28;
	v25 =	vadd.f32 v25, v17  }
0x19f: {  	s26 =	smul.u32 $0x6000, s26;
	v28 =	vld [tilespmem:s23+$0x92C0];
	[tilespmem:s23+$0x8ED0] =	vst v27;
	v26 =	vadd.f32 v26, v13  }
0x1a0: {  	s24 =	sadd.s32 $0x80, s24;
	v27 =	vld [tilespmem:s23+$0x92D0];
	[tilespmem:s23+$0x8EE0] =	vst v25;
	v24 =	vadd.f32 v24, v14  }
0x1a1: {  	s28 =	sand.u32 $0x380, s24;
	s26 =	sshra.s32 s26, $0x2;
	v25 =	vld [tilespmem:s23+$0x92E0];
	[tilespmem:s23+$0x8EF0] =	vst v26;
	v22 =	vadd.f32 v22, v9  }
0x1a2: {  	s26 =	sor.u32 s28, s26;
	v26 =	vld [tilespmem:s23+$0x92F0];
	[tilespmem:s23+$0x9280] =	vst v24;
	v23 =	vadd.f32 v23, v6  }
0x1a3: {  	v24 =	vld [tilespmem:s26+$0x8E80];
	[tilespmem:s23+$0x9290] =	vst v22;
	v22 =	vadd.f32 v29, v7  }
0x1a4: {  	v29 =	vld [tilespmem:s26+$0x8E90];
	[tilespmem:s23+$0x92A0] =	vst v23;
	v23 =	vadd.f32 v28, v8  }
0x1a5: {  	v28 =	vld [tilespmem:s26+$0x8EA0];
	[tilespmem:s23+$0x92B0] =	vst v22;
	v22 =	vadd.f32 v27, v10  }
0x1a6: {  	v27 =	vld [tilespmem:s26+$0x8EB0];
	[tilespmem:s23+$0x92C0] =	vst v23;
	v23 =	vadd.f32 v25, v11  }
0x1a7: {  	v30 =	vld [tilespmem:s26+$0x8EC0];
	[tilespmem:s23+$0x92D0] =	vst v22;
	v22 =	vadd.f32 v26, v12  }
0x1a8: {  	v31 =	vld [tilespmem:s26+$0x8ED0];
	v24 =	vadd.f32 v24, v15;
	[tilespmem:s23+$0x92E0] =	vst v23  }
.Ltmp4:
0x1a9: {  	v25 =	vld [tilespmem:s26+$0x8EE0];
	v23 =	vadd.f32 v29, v16;
	[tilespmem:s23+$0x92F0] =	vst v22;
	s23 =	smov.u32 s26;
	(pc) =	sbr.rel @p1 .LBB2_11-.Ltmp4, $4  }
0x1aa: {  	v26 =	vld [tilespmem:s23+$0x8EF0];
	[tilespmem:s23+$0x8E80] =	vst v24;
	v28 =	vadd.f32 v28, v18  }
0x1ab: {  	v24 =	vld [tilespmem:s23+$0x9280];
	[tilespmem:s23+$0x8E90] =	vst v23;
	v27 =	vadd.f32 v27, v19  }
0x1ac: {  	v22 =	vld [tilespmem:s23+$0x9290];
	[tilespmem:s23+$0x8EA0] =	vst v28;
	v28 =	vadd.f32 v30, v20  }
0x1ad: {  	s25 =	sadd.s32 $0x1, s25;
	v23 =	vld [tilespmem:s23+$0x92A0];
	[tilespmem:s23+$0x8EB0] =	vst v27;
	v27 =	vadd.f32 v31, v21  }
0x1ae: {  	v15 =	vld [tilespmem:s23+$0x92B0];
	[tilespmem:s23+$0x8EC0] =	vst v28;
	v17 =	vadd.f32 v25, v17  }
0x1af: {  	v16 =	vld [tilespmem:s23+$0x92C0];
	[tilespmem:s23+$0x8ED0] =	vst v27;
	v13 =	vadd.f32 v26, v13  }
0x1b0: {  	v18 =	vld [tilespmem:s23+$0x92D0];
	[tilespmem:s23+$0x8EE0] =	vst v17;
	v14 =	vadd.f32 v24, v14  }
0x1b1: {  	v17 =	vld [tilespmem:s23+$0x92E0];
	[tilespmem:s23+$0x8EF0] =	vst v13;
	v9 =	vadd.f32 v22, v9  }
0x1b2: {  	v13 =	vld [tilespmem:s23+$0x92F0];
	[tilespmem:s23+$0x9280] =	vst v14;
	v6 =	vadd.f32 v23, v6  }
0x1b3: {  	[tilespmem:s23+$0x9290] =	vst v9;
	v7 =	vadd.f32 v15, v7  }
0x1b4: {  	[tilespmem:s23+$0x92A0] =	vst v6;
	v6 =	vadd.f32 v16, v8  }
0x1b5: {  	[tilespmem:s23+$0x92B0] =	vst v7;
	v7 =	vadd.f32 v18, v10  }
0x1b6: {  	[tilespmem:s23+$0x92C0] =	vst v6;
	v6 =	vadd.f32 v17, v11  }
0x1b7: {  	[tilespmem:s23+$0x92D0] =	vst v7;
	v7 =	vadd.f32 v13, v12  }
0x1b8: {  	[tilespmem:s23+$0x92E0] =	vst v6  }
0x1b9: {  	[tilespmem:s23+$0x92F0] =	vst v7  }
0x1ba: {  	s29 =	sadd.s32 $0x1B700, s18;
	v15 =	vld [tilespmem:s18+$0x1B700]  }
0x1bb: {  	v16 =	vld [tilespmem:s29+$0x10]  }
0x1bc: {  	v18 =	vld [tilespmem:s29+$0x20]  }
0x1bd: {  	v19 =	vld [tilespmem:s29+$0x30]  }
0x1be: {  	v20 =	vld [tilespmem:s29+$0x40]  }
0x1bf: {  	v21 =	vld [tilespmem:s29+$0x50]  }
0x1c0: {  	v17 =	vld [tilespmem:s29+$0x60]  }
0x1c1: {  	v13 =	vld [tilespmem:s29+$0x70]  }
0x1c2: {  	s24 =	sadd.s32 $0x1BB00, s18;
	v14 =	vld [tilespmem:s18+$0x1BB00]  }
0x1c3: {  	v9 =	vld [tilespmem:s24+$0x10]  }
0x1c4: {  	s30 =	simm.s32 $0x0;
	v6 =	vld [tilespmem:s24+$0x20]  }
0x1c5: {  	s18 =	smul.u32 $0x6000, s30;
	v7 =	vld [tilespmem:s24+$0x30]  }
0x1c6: {  	s23 =	simm.s32 $0x0;
	v8 =	vld [tilespmem:s24+$0x40]  }
0x1c7: {  	s25 =	sand.u32 $0x380, s23;
	v11 =	vld [tilespmem:s24+$0x50];
	s18 =	sshra.s32 s18, $0x2  }
0x1c8: {  	v12 =	vld [tilespmem:s24+$0x60];
	s18 =	sor.u32 s25, s18  }
0x1c9: {  	v22 =	vld [tilespmem:s18+$0x9680]  }
0x1ca: {  	v23 =	vld [tilespmem:s18+$0x9690]  }
0x1cb: {  	v25 =	vld [tilespmem:s18+$0x96A0]  }
0x1cc: {  	v26 =	vld [tilespmem:s18+$0x96B0]  }
0x1cd: {  	v10 =	vld [tilespmem:s24+$0x70]  }
0x1ce: {  	v27 =	vld [tilespmem:s18+$0x96C0]  }
0x1cf: {  	v29 =	vld [tilespmem:s18+$0x96D0];
	v22 =	vadd.f32 v22, v15  }
0x1d0: {  	v23 =	vadd.f32 v23, v16;
	v28 =	vadd.f32 v25, v18;
	v25 =	vld [tilespmem:s18+$0x96E0]  }
0x1d1: {  	v30 =	vadd.f32 v26, v19;
	v26 =	vld [tilespmem:s18+$0x96F0];
	[tilespmem:s18+$0x9680] =	vst v22  }
0x1d2: {  	v24 =	vld [tilespmem:s18+$0x9A80];
	[tilespmem:s18+$0x9690] =	vst v23  }
0x1d3: {  	v22 =	vld [tilespmem:s18+$0x9A90];
	[tilespmem:s18+$0x96A0] =	vst v28;
	v28 =	vadd.f32 v27, v20  }
0x1d4: {  	s24 =	simm.s32 $0x1;
	v23 =	vld [tilespmem:s18+$0x9AA0];
	[tilespmem:s18+$0x96B0] =	vst v30;
	v27 =	vadd.f32 v29, v21  }
.LBB2_13:
0x1d5: {  	s25 =	sshrl.u32 s24, $0x3;
	p1 =	sne.s32 s24, $0x1F;
	v29 =	vld [tilespmem:s18+$0x9AB0];
	[tilespmem:s18+$0x96C0] =	vst v28;
	v25 =	vadd.f32 v25, v17  }
0x1d6: {  	s25 =	smul.u32 $0x6000, s25;
	v28 =	vld [tilespmem:s18+$0x9AC0];
	[tilespmem:s18+$0x96D0] =	vst v27;
	v26 =	vadd.f32 v26, v13  }
0x1d7: {  	s23 =	sadd.s32 $0x80, s23;
	v27 =	vld [tilespmem:s18+$0x9AD0];
	[tilespmem:s18+$0x96E0] =	vst v25;
	v24 =	vadd.f32 v24, v14  }
0x1d8: {  	s26 =	sand.u32 $0x380, s23;
	s25 =	sshra.s32 s25, $0x2;
	v25 =	vld [tilespmem:s18+$0x9AE0];
	[tilespmem:s18+$0x96F0] =	vst v26;
	v22 =	vadd.f32 v22, v9  }
0x1d9: {  	s25 =	sor.u32 s26, s25;
	v26 =	vld [tilespmem:s18+$0x9AF0];
	[tilespmem:s18+$0x9A80] =	vst v24;
	v23 =	vadd.f32 v23, v6  }
0x1da: {  	v24 =	vld [tilespmem:s25+$0x9680];
	[tilespmem:s18+$0x9A90] =	vst v22;
	v22 =	vadd.f32 v29, v7  }
0x1db: {  	v29 =	vld [tilespmem:s25+$0x9690];
	[tilespmem:s18+$0x9AA0] =	vst v23;
	v23 =	vadd.f32 v28, v8  }
0x1dc: {  	v28 =	vld [tilespmem:s25+$0x96A0];
	[tilespmem:s18+$0x9AB0] =	vst v22;
	v22 =	vadd.f32 v27, v11  }
0x1dd: {  	v27 =	vld [tilespmem:s25+$0x96B0];
	[tilespmem:s18+$0x9AC0] =	vst v23;
	v23 =	vadd.f32 v25, v12  }
0x1de: {  	v30 =	vld [tilespmem:s25+$0x96C0];
	[tilespmem:s18+$0x9AD0] =	vst v22;
	v22 =	vadd.f32 v26, v10  }
0x1df: {  	v31 =	vld [tilespmem:s25+$0x96D0];
	v24 =	vadd.f32 v24, v15;
	[tilespmem:s18+$0x9AE0] =	vst v23  }
.Ltmp5:
0x1e0: {  	v25 =	vld [tilespmem:s25+$0x96E0];
	v23 =	vadd.f32 v29, v16;
	[tilespmem:s18+$0x9AF0] =	vst v22;
	s18 =	smov.u32 s25;
	(pc) =	sbr.rel @p1 .LBB2_13-.Ltmp5, $4  }
0x1e1: {  	v26 =	vld [tilespmem:s18+$0x96F0];
	[tilespmem:s18+$0x9680] =	vst v24;
	v28 =	vadd.f32 v28, v18  }
0x1e2: {  	v24 =	vld [tilespmem:s18+$0x9A80];
	[tilespmem:s18+$0x9690] =	vst v23;
	v27 =	vadd.f32 v27, v19  }
0x1e3: {  	v22 =	vld [tilespmem:s18+$0x9A90];
	[tilespmem:s18+$0x96A0] =	vst v28;
	v28 =	vadd.f32 v30, v20  }
0x1e4: {  	s24 =	sadd.s32 $0x1, s24;
	v23 =	vld [tilespmem:s18+$0x9AA0];
	[tilespmem:s18+$0x96B0] =	vst v27;
	v27 =	vadd.f32 v31, v21  }
0x1e5: {  	v15 =	vld [tilespmem:s18+$0x9AB0];
	[tilespmem:s18+$0x96C0] =	vst v28;
	v17 =	vadd.f32 v25, v17  }
0x1e6: {  	v16 =	vld [tilespmem:s18+$0x9AC0];
	[tilespmem:s18+$0x96D0] =	vst v27;
	v13 =	vadd.f32 v26, v13  }
0x1e7: {  	v18 =	vld [tilespmem:s18+$0x9AD0];
	[tilespmem:s18+$0x96E0] =	vst v17;
	v14 =	vadd.f32 v24, v14  }
0x1e8: {  	v17 =	vld [tilespmem:s18+$0x9AE0];
	[tilespmem:s18+$0x96F0] =	vst v13;
	v9 =	vadd.f32 v22, v9  }
0x1e9: {  	v13 =	vld [tilespmem:s18+$0x9AF0];
	[tilespmem:s18+$0x9A80] =	vst v14;
	v6 =	vadd.f32 v23, v6  }
0x1ea: {  	[tilespmem:s18+$0x9A90] =	vst v9;
	v7 =	vadd.f32 v15, v7  }
0x1eb: {  	[tilespmem:s18+$0x9AA0] =	vst v6;
	v6 =	vadd.f32 v16, v8  }
0x1ec: {  	[tilespmem:s18+$0x9AB0] =	vst v7;
	v7 =	vadd.f32 v18, v11  }
0x1ed: {  	s10 =	sshrl.u32 s10, $0x3;
	[tilespmem:s18+$0x9AC0] =	vst v6;
	v6 =	vadd.f32 v17, v12  }
0x1ee: {  	s10 =	smul.u32 $0x300, s10;
	[tilespmem:s18+$0x9AD0] =	vst v7;
	v7 =	vadd.f32 v13, v10  }
0x1ef: {  	[tilespmem:s18+$0x9AE0] =	vst v6  }
0x1f0: {  	s10 =	sadd.s32 s4, s10;
	[tilespmem:s18+$0x9AF0] =	vst v7  }
0x1f1: {  	[hbm4b:s10+s6] =	stream.linear.scatter [tilespmem:s16], [sflag:$0x6], $0x6000, $0x38;
	[tilespmem:$0x1D700] =	vst v63  }
0x1f2: {  	s10 =	simm.s32 @!p0 $0x8  }
0x1f3: {  	s9 =	sor.u32 $0x3, s9;
	_ =	swait.ge @!p0 [sflag:s10], $0x6000  }
0x1f4: {  	s9 =	sshll.u32 s9, $0x5;
	[sflag:s10] =	ssyncset.done @!p0 $0x0  }
0x1f5: {  	s29 =	sand.u32 $0x3FFFFFE0, s9;
	[sflag:s10] =	ssyncadd.s32 @!p0 $0xFFFFA000  }
0x1f6: {  	v6 =	vld [tilespmem:s29+$0x0];
	_ =	sdelay $0x4  }
0x1f7: {  	v7 =	vshrl.u32 v6, $0x3  }
0x1f8: {  	v7 =	vmul.u32 $0x30, v7  }
0x1f9: {  	v6 =	vand.u32 $0x7, v6  }
0x1fa: {  	v6 =	vor.u32 v6, v7  }
0x1fb: {  	v7 =	vperm.xlane v6, v1;
	_ =	sdelay $0x1  }
0x1fc: {  	v7 =	vadd.s32 v3, v7;
	_ =	sdelay $0x3  }
0x1fd: {  	s18 =	simm.s32 $0x0;
	v6 =	vperm.xlane v6, v2  }
0x1fe: {  	[tilespmem:s20], [sflag:$0x4] =	stream.indirect_vreg.gather [hbm4b:s1+s18], $0x80, v7, vm0, $0xb8;
	[tilespmem:$0x1D700] =	vst v63  }
0x1ff: {  	s2 =	simm.s32 $0x14E80;
	v6 =	vadd.s32 v3, v6  }
0x200: {  	[tilespmem:s2], [sflag:$0x4] =	stream.indirect_vreg.gather [hbm4b:s11+s18], $0x80, v7, vm0, $0xb8;
	[tilespmem:$0x1D700] =	vst v63  }
0x201: {  	s30 =	simm.s32 $0x15680  }
0x202: {  	[tilespmem:s30], [sflag:$0x4] =	stream.indirect_vreg.gather [hbm4b:s12+s18], $0x80, v7, vm0, $0xb8;
	[tilespmem:$0x1D700] =	vst v63  }
0x203: {  	s23 =	simm.s32 $0x15E80  }
0x204: {  	[tilespmem:s23], [sflag:$0x4] =	stream.indirect_vreg.gather [hbm4b:s1+s18], $0x80, v6, vm0, $0xb8;
	[tilespmem:$0x1D700] =	vst v63  }
0x205: {  	s24 =	simm.s32 $0x16680  }
0x206: {  	[tilespmem:s24], [sflag:$0x4] =	stream.indirect_vreg.gather [hbm4b:s11+s18], $0x80, v6, vm0, $0xb8;
	[tilespmem:$0x1D700] =	vst v63  }
0x207: {  	s25 =	simm.s32 $0x16E80  }
0x208: {  	[tilespmem:s25], [sflag:$0x4] =	stream.indirect_vreg.gather [hbm4b:s12+s18], $0x80, v6, vm0, $0xb8;
	[tilespmem:$0x1D700] =	vst v63  }
0x209: {  	v6 =	vld [tilespmem:s29+$0x10];
	_ =	sdelay $0x4  }
0x20a: {  	v7 =	vshrl.u32 v6, $0x3  }
0x20b: {  	v7 =	vmul.u32 $0x30, v7  }
0x20c: {  	v6 =	vand.u32 $0x7, v6  }
0x20d: {  	v6 =	vor.u32 v6, v7  }
0x20e: {  	v7 =	vperm.xlane v6, v1;
	_ =	sdelay $0x1  }
0x20f: {  	v7 =	vadd.s32 v3, v7;
	_ =	sdelay $0x3  }
0x210: {  	s26 =	simm.s32 $0x17680;
	v6 =	vperm.xlane v6, v2  }
0x211: {  	[tilespmem:s26], [sflag:$0x4] =	stream.indirect_vreg.gather [hbm4b:s1+s18], $0x80, v7, vm0, $0xb8;
	[tilespmem:$0x1D700] =	vst v63  }
0x212: {  	s28 =	simm.s32 $0x17E80;
	s10 =	sadd.s32 s5, s17;
	v6 =	vadd.s32 v3, v6  }
0x213: {  	[tilespmem:s28], [sflag:$0x4] =	stream.indirect_vreg.gather [hbm4b:s11+s18], $0x80, v7, vm0, $0xb8;
	[tilespmem:$0x1D700] =	vst v63  }
0x214: {  	s17 =	sshrl.u32 s10, $0xC;
	s29 =	simm.s32 $0x18680  }
0x215: {  	[tilespmem:s29], [sflag:$0x4] =	stream.indirect_vreg.gather [hbm4b:s12+s18], $0x80, v7, vm0, $0xb8;
	[tilespmem:$0x1D700] =	vst v63  }
0x216: {  	s17 =	ssub.s32 s17, s8  }
0x217: {  	[tilespmem:s0], [sflag:$0x4] =	stream.indirect_vreg.gather [hbm4b:s1+s18], $0x80, v6, vm0, $0xb8;
	[tilespmem:$0x1D700] =	vst v63  }
0x218: {  	s23 =	sshrl.u32 s17, $0x3  }
0x219: {  	[tilespmem:s15], [sflag:$0x4] =	stream.indirect_vreg.gather [hbm4b:s11+s18], $0x80, v6, vm0, $0xb8;
	[tilespmem:$0x1D700] =	vst v63  }
0x21a: {  	s23 =	smul.u32 $0x6000, s23  }
0x21b: {  	[tilespmem:s7], [sflag:$0x4] =	stream.indirect_vreg.gather [hbm4b:s12+s18], $0x80, v6, vm0, $0xb8;
	[tilespmem:$0x1D700] =	vst v63  }
0x21c: {  	s17 =	sshll.u32 s17, $0x7;
	_ =	swait.ge [sflag:s13], $0x6000  }
0x21d: {  	s17 =	sand.u32 $0x380, s17;
	s23 =	sshra.s32 s23, $0x2;
	[sflag:s13] =	ssyncset.done $0x0  }
0x21e: {  	s24 =	sor.u32 s17, s23;
	[sflag:s13] =	ssyncadd.s32 $0xFFFFA000  }
0x21f: {  	s25 =	sadd.s32 $0x1A700, s24;
	v15 =	vld [tilespmem:s24+$0x1A700]  }
0x220: {  	v16 =	vld [tilespmem:s25+$0x10]  }
0x221: {  	v18 =	vld [tilespmem:s25+$0x20]  }
0x222: {  	v19 =	vld [tilespmem:s25+$0x30]  }
0x223: {  	v20 =	vld [tilespmem:s25+$0x40]  }
0x224: {  	v21 =	vld [tilespmem:s25+$0x50]  }
0x225: {  	v17 =	vld [tilespmem:s25+$0x60]  }
0x226: {  	v14 =	vld [tilespmem:s25+$0x70]  }
0x227: {  	v13 =	vld [tilespmem:s25+$0x400]  }
0x228: {  	v9 =	vld [tilespmem:s25+$0x410]  }
0x229: {  	s30 =	simm.s32 $0x0;
	v7 =	vld [tilespmem:s25+$0x420]  }
0x22a: {  	s24 =	smul.u32 $0x6000, s30;
	v8 =	vld [tilespmem:s25+$0x430]  }
0x22b: {  	v6 =	vld [tilespmem:s25+$0x440]  }
0x22c: {  	s26 =	sand.u32 $0x380, s18;
	v10 =	vld [tilespmem:s25+$0x450];
	s24 =	sshra.s32 s24, $0x2  }
0x22d: {  	v11 =	vld [tilespmem:s25+$0x460];
	s24 =	sor.u32 s26, s24  }
0x22e: {  	v22 =	vld [tilespmem:s24+$0xE680]  }
0x22f: {  	v23 =	vld [tilespmem:s24+$0xE690]  }
0x230: {  	v25 =	vld [tilespmem:s24+$0xE6A0]  }
0x231: {  	v26 =	vld [tilespmem:s24+$0xE6B0]  }
0x232: {  	v12 =	vld [tilespmem:s25+$0x470]  }
0x233: {  	v27 =	vld [tilespmem:s24+$0xE6C0]  }
0x234: {  	v29 =	vld [tilespmem:s24+$0xE6D0];
	v22 =	vadd.f32 v22, v15  }
0x235: {  	v23 =	vadd.f32 v23, v16;
	v28 =	vadd.f32 v25, v18;
	v25 =	vld [tilespmem:s24+$0xE6E0]  }
0x236: {  	v30 =	vadd.f32 v26, v19;
	v26 =	vld [tilespmem:s24+$0xE6F0];
	[tilespmem:s24+$0xE680] =	vst v22  }
0x237: {  	v24 =	vld [tilespmem:s24+$0xEA80];
	[tilespmem:s24+$0xE690] =	vst v23  }
0x238: {  	v22 =	vld [tilespmem:s24+$0xEA90];
	[tilespmem:s24+$0xE6A0] =	vst v28;
	v28 =	vadd.f32 v27, v20  }
0x239: {  	s25 =	simm.s32 $0x1;
	v23 =	vld [tilespmem:s24+$0xEAA0];
	[tilespmem:s24+$0xE6B0] =	vst v30;
	v27 =	vadd.f32 v29, v21  }
.LBB2_15:
0x23a: {  	s26 =	sshrl.u32 s25, $0x3;
	p0 =	sne.s32 s25, $0x1F;
	v29 =	vld [tilespmem:s24+$0xEAB0];
	[tilespmem:s24+$0xE6C0] =	vst v28;
	v25 =	vadd.f32 v25, v17  }
0x23b: {  	s26 =	smul.u32 $0x6000, s26;
	v28 =	vld [tilespmem:s24+$0xEAC0];
	[tilespmem:s24+$0xE6D0] =	vst v27;
	v26 =	vadd.f32 v26, v14  }
0x23c: {  	s18 =	sadd.s32 $0x80, s18;
	v27 =	vld [tilespmem:s24+$0xEAD0];
	[tilespmem:s24+$0xE6E0] =	vst v25;
	v24 =	vadd.f32 v24, v13  }
0x23d: {  	s28 =	sand.u32 $0x380, s18;
	s26 =	sshra.s32 s26, $0x2;
	v25 =	vld [tilespmem:s24+$0xEAE0];
	[tilespmem:s24+$0xE6F0] =	vst v26;
	v22 =	vadd.f32 v22, v9  }
0x23e: {  	s26 =	sor.u32 s28, s26;
	v26 =	vld [tilespmem:s24+$0xEAF0];
	[tilespmem:s24+$0xEA80] =	vst v24;
	v23 =	vadd.f32 v23, v7  }
0x23f: {  	v24 =	vld [tilespmem:s26+$0xE680];
	[tilespmem:s24+$0xEA90] =	vst v22;
	v22 =	vadd.f32 v29, v8  }
0x240: {  	v29 =	vld [tilespmem:s26+$0xE690];
	[tilespmem:s24+$0xEAA0] =	vst v23;
	v23 =	vadd.f32 v28, v6  }
0x241: {  	v28 =	vld [tilespmem:s26+$0xE6A0];
	[tilespmem:s24+$0xEAB0] =	vst v22;
	v22 =	vadd.f32 v27, v10  }
0x242: {  	v27 =	vld [tilespmem:s26+$0xE6B0];
	[tilespmem:s24+$0xEAC0] =	vst v23;
	v23 =	vadd.f32 v25, v11  }
0x243: {  	v30 =	vld [tilespmem:s26+$0xE6C0];
	[tilespmem:s24+$0xEAD0] =	vst v22;
	v22 =	vadd.f32 v26, v12  }
0x244: {  	v31 =	vld [tilespmem:s26+$0xE6D0];
	v24 =	vadd.f32 v24, v15;
	[tilespmem:s24+$0xEAE0] =	vst v23  }
.Ltmp6:
0x245: {  	v25 =	vld [tilespmem:s26+$0xE6E0];
	v23 =	vadd.f32 v29, v16;
	[tilespmem:s24+$0xEAF0] =	vst v22;
	s24 =	smov.u32 s26;
	(pc) =	sbr.rel @p0 .LBB2_15-.Ltmp6, $4  }
0x246: {  	v26 =	vld [tilespmem:s24+$0xE6F0];
	[tilespmem:s24+$0xE680] =	vst v24;
	v28 =	vadd.f32 v28, v18  }
0x247: {  	v24 =	vld [tilespmem:s24+$0xEA80];
	[tilespmem:s24+$0xE690] =	vst v23;
	v27 =	vadd.f32 v27, v19  }
0x248: {  	v22 =	vld [tilespmem:s24+$0xEA90];
	[tilespmem:s24+$0xE6A0] =	vst v28;
	v28 =	vadd.f32 v30, v20  }
0x249: {  	s25 =	sadd.s32 $0x1, s25;
	v23 =	vld [tilespmem:s24+$0xEAA0];
	[tilespmem:s24+$0xE6B0] =	vst v27;
	v27 =	vadd.f32 v31, v21  }
0x24a: {  	v15 =	vld [tilespmem:s24+$0xEAB0];
	[tilespmem:s24+$0xE6C0] =	vst v28;
	v17 =	vadd.f32 v25, v17  }
0x24b: {  	v16 =	vld [tilespmem:s24+$0xEAC0];
	[tilespmem:s24+$0xE6D0] =	vst v27;
	v14 =	vadd.f32 v26, v14  }
0x24c: {  	v18 =	vld [tilespmem:s24+$0xEAD0];
	[tilespmem:s24+$0xE6E0] =	vst v17;
	v13 =	vadd.f32 v24, v13  }
0x24d: {  	v17 =	vld [tilespmem:s24+$0xEAE0];
	[tilespmem:s24+$0xE6F0] =	vst v14;
	v9 =	vadd.f32 v22, v9  }
0x24e: {  	v14 =	vld [tilespmem:s24+$0xEAF0];
	[tilespmem:s24+$0xEA80] =	vst v13;
	v7 =	vadd.f32 v23, v7  }
0x24f: {  	[tilespmem:s24+$0xEA90] =	vst v9;
	v8 =	vadd.f32 v15, v8  }
0x250: {  	v6 =	vadd.f32 v16, v6;
	[tilespmem:s24+$0xEAA0] =	vst v7  }
0x251: {  	v7 =	vadd.f32 v18, v10;
	[tilespmem:s24+$0xEAB0] =	vst v8  }
0x252: {  	[tilespmem:s24+$0xEAC0] =	vst v6;
	v6 =	vadd.f32 v17, v11  }
0x253: {  	[tilespmem:s24+$0xEAD0] =	vst v7;
	v7 =	vadd.f32 v14, v12  }
0x254: {  	[tilespmem:s24+$0xEAE0] =	vst v6  }
0x255: {  	s17 =	sadd.s32 s17, s23;
	[tilespmem:s24+$0xEAF0] =	vst v7  }
0x256: {  	s18 =	sadd.s32 $0x1AF00, s17;
	v15 =	vld [tilespmem:s17+$0x1AF00]  }
0x257: {  	v16 =	vld [tilespmem:s18+$0x10]  }
0x258: {  	v18 =	vld [tilespmem:s18+$0x20]  }
0x259: {  	v19 =	vld [tilespmem:s18+$0x30]  }
0x25a: {  	v20 =	vld [tilespmem:s18+$0x40]  }
0x25b: {  	v21 =	vld [tilespmem:s18+$0x50]  }
0x25c: {  	v17 =	vld [tilespmem:s18+$0x60]  }
0x25d: {  	v13 =	vld [tilespmem:s18+$0x70]  }
0x25e: {  	s29 =	sadd.s32 $0x1B300, s17;
	v14 =	vld [tilespmem:s17+$0x1B300]  }
0x25f: {  	v9 =	vld [tilespmem:s29+$0x10]  }
0x260: {  	s30 =	simm.s32 $0x0;
	v6 =	vld [tilespmem:s29+$0x20]  }
0x261: {  	s18 =	smul.u32 $0x6000, s30;
	v7 =	vld [tilespmem:s29+$0x30]  }
0x262: {  	s23 =	simm.s32 $0x0;
	v8 =	vld [tilespmem:s29+$0x40]  }
0x263: {  	s25 =	sand.u32 $0x380, s23;
	v10 =	vld [tilespmem:s29+$0x50];
	s18 =	sshra.s32 s18, $0x2  }
0x264: {  	v11 =	vld [tilespmem:s29+$0x60];
	s18 =	sor.u32 s25, s18  }
0x265: {  	v22 =	vld [tilespmem:s18+$0xEE80]  }
0x266: {  	v23 =	vld [tilespmem:s18+$0xEE90]  }
0x267: {  	v25 =	vld [tilespmem:s18+$0xEEA0]  }
0x268: {  	v26 =	vld [tilespmem:s18+$0xEEB0]  }
0x269: {  	v12 =	vld [tilespmem:s29+$0x70]  }
0x26a: {  	v27 =	vld [tilespmem:s18+$0xEEC0]  }
0x26b: {  	v29 =	vld [tilespmem:s18+$0xEED0];
	v22 =	vadd.f32 v22, v15  }
0x26c: {  	v23 =	vadd.f32 v23, v16;
	v28 =	vadd.f32 v25, v18;
	v25 =	vld [tilespmem:s18+$0xEEE0]  }
0x26d: {  	v30 =	vadd.f32 v26, v19;
	v26 =	vld [tilespmem:s18+$0xEEF0];
	[tilespmem:s18+$0xEE80] =	vst v22  }
0x26e: {  	v24 =	vld [tilespmem:s18+$0xF280];
	[tilespmem:s18+$0xEE90] =	vst v23  }
0x26f: {  	v22 =	vld [tilespmem:s18+$0xF290];
	[tilespmem:s18+$0xEEA0] =	vst v28;
	v28 =	vadd.f32 v27, v20  }
0x270: {  	s24 =	simm.s32 $0x1;
	v23 =	vld [tilespmem:s18+$0xF2A0];
	[tilespmem:s18+$0xEEB0] =	vst v30;
	v27 =	vadd.f32 v29, v21  }
.LBB2_17:
0x271: {  	s25 =	sshrl.u32 s24, $0x3;
	p0 =	sne.s32 s24, $0x1F;
	v29 =	vld [tilespmem:s18+$0xF2B0];
	[tilespmem:s18+$0xEEC0] =	vst v28;
	v25 =	vadd.f32 v25, v17  }
0x272: {  	s25 =	smul.u32 $0x6000, s25;
	v28 =	vld [tilespmem:s18+$0xF2C0];
	[tilespmem:s18+$0xEED0] =	vst v27;
	v26 =	vadd.f32 v26, v13  }
0x273: {  	s23 =	sadd.s32 $0x80, s23;
	v27 =	vld [tilespmem:s18+$0xF2D0];
	[tilespmem:s18+$0xEEE0] =	vst v25;
	v24 =	vadd.f32 v24, v14  }
0x274: {  	s26 =	sand.u32 $0x380, s23;
	s25 =	sshra.s32 s25, $0x2;
	v25 =	vld [tilespmem:s18+$0xF2E0];
	[tilespmem:s18+$0xEEF0] =	vst v26;
	v22 =	vadd.f32 v22, v9  }
0x275: {  	s25 =	sor.u32 s26, s25;
	v26 =	vld [tilespmem:s18+$0xF2F0];
	[tilespmem:s18+$0xF280] =	vst v24;
	v23 =	vadd.f32 v23, v6  }
0x276: {  	v24 =	vld [tilespmem:s25+$0xEE80];
	[tilespmem:s18+$0xF290] =	vst v22;
	v22 =	vadd.f32 v29, v7  }
0x277: {  	v29 =	vld [tilespmem:s25+$0xEE90];
	[tilespmem:s18+$0xF2A0] =	vst v23;
	v23 =	vadd.f32 v28, v8  }
0x278: {  	v28 =	vld [tilespmem:s25+$0xEEA0];
	[tilespmem:s18+$0xF2B0] =	vst v22;
	v22 =	vadd.f32 v27, v10  }
0x279: {  	v27 =	vld [tilespmem:s25+$0xEEB0];
	[tilespmem:s18+$0xF2C0] =	vst v23;
	v23 =	vadd.f32 v25, v11  }
0x27a: {  	v30 =	vld [tilespmem:s25+$0xEEC0];
	[tilespmem:s18+$0xF2D0] =	vst v22;
	v22 =	vadd.f32 v26, v12  }
0x27b: {  	v31 =	vld [tilespmem:s25+$0xEED0];
	v24 =	vadd.f32 v24, v15;
	[tilespmem:s18+$0xF2E0] =	vst v23  }
.Ltmp7:
0x27c: {  	v25 =	vld [tilespmem:s25+$0xEEE0];
	v23 =	vadd.f32 v29, v16;
	[tilespmem:s18+$0xF2F0] =	vst v22;
	s18 =	smov.u32 s25;
	(pc) =	sbr.rel @p0 .LBB2_17-.Ltmp7, $4  }
0x27d: {  	v26 =	vld [tilespmem:s18+$0xEEF0];
	[tilespmem:s18+$0xEE80] =	vst v24;
	v28 =	vadd.f32 v28, v18  }
0x27e: {  	v24 =	vld [tilespmem:s18+$0xF280];
	[tilespmem:s18+$0xEE90] =	vst v23;
	v27 =	vadd.f32 v27, v19  }
0x27f: {  	v22 =	vld [tilespmem:s18+$0xF290];
	[tilespmem:s18+$0xEEA0] =	vst v28;
	v28 =	vadd.f32 v30, v20  }
0x280: {  	s24 =	sadd.s32 $0x1, s24;
	v23 =	vld [tilespmem:s18+$0xF2A0];
	[tilespmem:s18+$0xEEB0] =	vst v27;
	v27 =	vadd.f32 v31, v21  }
0x281: {  	v15 =	vld [tilespmem:s18+$0xF2B0];
	[tilespmem:s18+$0xEEC0] =	vst v28;
	v17 =	vadd.f32 v25, v17  }
0x282: {  	v16 =	vld [tilespmem:s18+$0xF2C0];
	[tilespmem:s18+$0xEED0] =	vst v27;
	v13 =	vadd.f32 v26, v13  }
0x283: {  	v18 =	vld [tilespmem:s18+$0xF2D0];
	[tilespmem:s18+$0xEEE0] =	vst v17;
	v14 =	vadd.f32 v24, v14  }
0x284: {  	v17 =	vld [tilespmem:s18+$0xF2E0];
	[tilespmem:s18+$0xEEF0] =	vst v13;
	v9 =	vadd.f32 v22, v9  }
0x285: {  	v13 =	vld [tilespmem:s18+$0xF2F0];
	[tilespmem:s18+$0xF280] =	vst v14;
	v6 =	vadd.f32 v23, v6  }
0x286: {  	[tilespmem:s18+$0xF290] =	vst v9;
	v7 =	vadd.f32 v15, v7  }
0x287: {  	[tilespmem:s18+$0xF2A0] =	vst v6;
	v6 =	vadd.f32 v16, v8  }
0x288: {  	[tilespmem:s18+$0xF2B0] =	vst v7;
	v7 =	vadd.f32 v18, v10  }
0x289: {  	[tilespmem:s18+$0xF2C0] =	vst v6;
	v6 =	vadd.f32 v17, v11  }
0x28a: {  	[tilespmem:s18+$0xF2D0] =	vst v7;
	v7 =	vadd.f32 v13, v12  }
0x28b: {  	[tilespmem:s18+$0xF2E0] =	vst v6  }
0x28c: {  	[tilespmem:s18+$0xF2F0] =	vst v7  }
0x28d: {  	s29 =	sadd.s32 $0x1B700, s17;
	v15 =	vld [tilespmem:s17+$0x1B700]  }
0x28e: {  	v16 =	vld [tilespmem:s29+$0x10]  }
0x28f: {  	v18 =	vld [tilespmem:s29+$0x20]  }
0x290: {  	v19 =	vld [tilespmem:s29+$0x30]  }
0x291: {  	v20 =	vld [tilespmem:s29+$0x40]  }
0x292: {  	v21 =	vld [tilespmem:s29+$0x50]  }
0x293: {  	v17 =	vld [tilespmem:s29+$0x60]  }
0x294: {  	v13 =	vld [tilespmem:s29+$0x70]  }
0x295: {  	s23 =	sadd.s32 $0x1BB00, s17;
	v14 =	vld [tilespmem:s17+$0x1BB00]  }
0x296: {  	v9 =	vld [tilespmem:s23+$0x10]  }
0x297: {  	s30 =	simm.s32 $0x0;
	v6 =	vld [tilespmem:s23+$0x20]  }
0x298: {  	s17 =	smul.u32 $0x6000, s30;
	v7 =	vld [tilespmem:s23+$0x30]  }
0x299: {  	s18 =	simm.s32 $0x0;
	v8 =	vld [tilespmem:s23+$0x40]  }
0x29a: {  	s24 =	sand.u32 $0x380, s18;
	v11 =	vld [tilespmem:s23+$0x50];
	s17 =	sshra.s32 s17, $0x2  }
0x29b: {  	v12 =	vld [tilespmem:s23+$0x60];
	s17 =	sor.u32 s24, s17  }
0x29c: {  	v22 =	vld [tilespmem:s17+$0xF680]  }
0x29d: {  	v23 =	vld [tilespmem:s17+$0xF690]  }
0x29e: {  	v25 =	vld [tilespmem:s17+$0xF6A0]  }
0x29f: {  	v26 =	vld [tilespmem:s17+$0xF6B0]  }
0x2a0: {  	v10 =	vld [tilespmem:s23+$0x70]  }
0x2a1: {  	v27 =	vld [tilespmem:s17+$0xF6C0]  }
0x2a2: {  	v29 =	vld [tilespmem:s17+$0xF6D0];
	v22 =	vadd.f32 v22, v15  }
0x2a3: {  	v23 =	vadd.f32 v23, v16;
	v28 =	vadd.f32 v25, v18;
	v25 =	vld [tilespmem:s17+$0xF6E0]  }
0x2a4: {  	v30 =	vadd.f32 v26, v19;
	v26 =	vld [tilespmem:s17+$0xF6F0];
	[tilespmem:s17+$0xF680] =	vst v22  }
0x2a5: {  	v24 =	vld [tilespmem:s17+$0xFA80];
	[tilespmem:s17+$0xF690] =	vst v23  }
0x2a6: {  	v22 =	vld [tilespmem:s17+$0xFA90];
	[tilespmem:s17+$0xF6A0] =	vst v28;
	v28 =	vadd.f32 v27, v20  }
0x2a7: {  	s23 =	simm.s32 $0x1;
	v23 =	vld [tilespmem:s17+$0xFAA0];
	[tilespmem:s17+$0xF6B0] =	vst v30;
	v27 =	vadd.f32 v29, v21  }
.LBB2_19:
0x2a8: {  	s24 =	sshrl.u32 s23, $0x3;
	p0 =	sne.s32 s23, $0x1F;
	v29 =	vld [tilespmem:s17+$0xFAB0];
	[tilespmem:s17+$0xF6C0] =	vst v28;
	v25 =	vadd.f32 v25, v17  }
0x2a9: {  	s24 =	smul.u32 $0x6000, s24;
	v28 =	vld [tilespmem:s17+$0xFAC0];
	[tilespmem:s17+$0xF6D0] =	vst v27;
	v26 =	vadd.f32 v26, v13  }
0x2aa: {  	s18 =	sadd.s32 $0x80, s18;
	v27 =	vld [tilespmem:s17+$0xFAD0];
	[tilespmem:s17+$0xF6E0] =	vst v25;
	v24 =	vadd.f32 v24, v14  }
0x2ab: {  	s25 =	sand.u32 $0x380, s18;
	s24 =	sshra.s32 s24, $0x2;
	v25 =	vld [tilespmem:s17+$0xFAE0];
	[tilespmem:s17+$0xF6F0] =	vst v26;
	v22 =	vadd.f32 v22, v9  }
0x2ac: {  	s24 =	sor.u32 s25, s24;
	v26 =	vld [tilespmem:s17+$0xFAF0];
	[tilespmem:s17+$0xFA80] =	vst v24;
	v23 =	vadd.f32 v23, v6  }
0x2ad: {  	v24 =	vld [tilespmem:s24+$0xF680];
	[tilespmem:s17+$0xFA90] =	vst v22;
	v22 =	vadd.f32 v29, v7  }
0x2ae: {  	v29 =	vld [tilespmem:s24+$0xF690];
	[tilespmem:s17+$0xFAA0] =	vst v23;
	v23 =	vadd.f32 v28, v8  }
0x2af: {  	v28 =	vld [tilespmem:s24+$0xF6A0];
	[tilespmem:s17+$0xFAB0] =	vst v22;
	v22 =	vadd.f32 v27, v11  }
0x2b0: {  	v27 =	vld [tilespmem:s24+$0xF6B0];
	[tilespmem:s17+$0xFAC0] =	vst v23;
	v23 =	vadd.f32 v25, v12  }
0x2b1: {  	v30 =	vld [tilespmem:s24+$0xF6C0];
	[tilespmem:s17+$0xFAD0] =	vst v22;
	v22 =	vadd.f32 v26, v10  }
0x2b2: {  	v31 =	vld [tilespmem:s24+$0xF6D0];
	v24 =	vadd.f32 v24, v15;
	[tilespmem:s17+$0xFAE0] =	vst v23  }
.Ltmp8:
0x2b3: {  	v25 =	vld [tilespmem:s24+$0xF6E0];
	v23 =	vadd.f32 v29, v16;
	[tilespmem:s17+$0xFAF0] =	vst v22;
	s17 =	smov.u32 s24;
	(pc) =	sbr.rel @p0 .LBB2_19-.Ltmp8, $4  }
0x2b4: {  	v26 =	vld [tilespmem:s17+$0xF6F0];
	[tilespmem:s17+$0xF680] =	vst v24;
	v28 =	vadd.f32 v28, v18  }
0x2b5: {  	v24 =	vld [tilespmem:s17+$0xFA80];
	[tilespmem:s17+$0xF690] =	vst v23;
	v27 =	vadd.f32 v27, v19  }
0x2b6: {  	v22 =	vld [tilespmem:s17+$0xFA90];
	[tilespmem:s17+$0xF6A0] =	vst v28;
	v28 =	vadd.f32 v30, v20  }
0x2b7: {  	s23 =	sadd.s32 $0x1, s23;
	v23 =	vld [tilespmem:s17+$0xFAA0];
	[tilespmem:s17+$0xF6B0] =	vst v27;
	v27 =	vadd.f32 v31, v21  }
0x2b8: {  	v15 =	vld [tilespmem:s17+$0xFAB0];
	[tilespmem:s17+$0xF6C0] =	vst v28;
	v17 =	vadd.f32 v25, v17  }
0x2b9: {  	v16 =	vld [tilespmem:s17+$0xFAC0];
	[tilespmem:s17+$0xF6D0] =	vst v27;
	v13 =	vadd.f32 v26, v13  }
0x2ba: {  	v18 =	vld [tilespmem:s17+$0xFAD0];
	[tilespmem:s17+$0xF6E0] =	vst v17;
	v14 =	vadd.f32 v24, v14  }
0x2bb: {  	v17 =	vld [tilespmem:s17+$0xFAE0];
	[tilespmem:s17+$0xF6F0] =	vst v13;
	v9 =	vadd.f32 v22, v9  }
0x2bc: {  	v13 =	vld [tilespmem:s17+$0xFAF0];
	[tilespmem:s17+$0xFA80] =	vst v14;
	v6 =	vadd.f32 v23, v6  }
0x2bd: {  	[tilespmem:s17+$0xFA90] =	vst v9;
	v7 =	vadd.f32 v15, v7  }
0x2be: {  	[tilespmem:s17+$0xFAA0] =	vst v6;
	v6 =	vadd.f32 v16, v8  }
0x2bf: {  	[tilespmem:s17+$0xFAB0] =	vst v7;
	v7 =	vadd.f32 v18, v11  }
0x2c0: {  	s10 =	sshrl.u32 s10, $0x3;
	[tilespmem:s17+$0xFAC0] =	vst v6;
	v6 =	vadd.f32 v17, v12  }
0x2c1: {  	s10 =	smul.u32 $0x300, s10;
	[tilespmem:s17+$0xFAD0] =	vst v7;
	v7 =	vadd.f32 v13, v10  }
0x2c2: {  	[tilespmem:s17+$0xFAE0] =	vst v6  }
0x2c3: {  	p0 =	seq.s32 s14, $0x4C;
	s10 =	sadd.s32 s4, s10;
	[tilespmem:s17+$0xFAF0] =	vst v7  }
0x2c4: {  	[hbm4b:s10+s6] =	stream.linear.scatter [tilespmem:s31], [sflag:$0x7], $0x6000, $0x38;
	[tilespmem:$0x1D700] =	vst v63  }
0x2c5: {  	s10 =	simm.s32 @!p0 $0x5  }
0x2c6: {  	_ =	swait.ge @!p0 [sflag:s10], $0x6000  }
0x2c7: {  	s17 =	sshll.u32 @!p0 s14, $0x7;
	[sflag:s10] =	ssyncset.done @!p0 $0x0  }
0x2c8: {  	[sflag:s10] =	ssyncadd.s32 @!p0 $0xFFFFA000;
	s10 =	sand.u32 @!p0 $0x3FFFFF80, s17  }
0x2c9: {  	v6 =	vld @!p0 [tilespmem:s10+$0x80];
	_ =	sdelay $0x4  }
0x2ca: {  	v7 =	vshrl.u32 @!p0 v6, $0x3  }
0x2cb: {  	v7 =	vmul.u32 @!p0 $0x30, v7  }
0x2cc: {  	v8 =	vlaneseq.u32 @!p0;
	v6 =	vand.u32 @!p0 $0x7, v6  }
0x2cd: {  	v9 =	vshrl.u32 @!p0 v8, $0x3;
	v6 =	vor.u32 @!p0 v6, v7;
	v7 =	vand.u32 @!p0 $0x7, v8  }
0x2ce: {  	v9 =	vmul.u32 @!p0 $0x8, v9;
	v10 =	vperm.xlane @!p0 v6, v7;
	_ =	sdelay $0x1  }
0x2cf: {  	v10 =	vadd.s32 @!p0 v9, v10;
	_ =	sdelay $0x2  }
0x2d0: {  	v8 =	vor.u32 @!p0 $0x8, v8  }
0x2d1: {  	vm1 =	vmmov @!p0 $0xffff;
	s18 =	simm.s32 @!p0 $0x2680;
	s17 =	simm.s32 @!p0 $0x0;
	v6 =	vperm.xlane @!p0 v6, v8  }
0x2d2: {  	[tilespmem:s18], [sflag:$0x1] =	stream.indirect_vreg.gather @!p0 [hbm4b:s1+s17], $0x80, v10, vm1, $0xb8;
	[tilespmem:$0x1D700] =	vst v63  }
0x2d3: {  	v6 =	vadd.s32 @!p0 v9, v6;
	s18 =	simm.s32 @!p0 $0x2E80  }
0x2d4: {  	[tilespmem:s18], [sflag:$0x1] =	stream.indirect_vreg.gather @!p0 [hbm4b:s11+s17], $0x80, v10, vm1, $0xb8;
	[tilespmem:$0x1D700] =	vst v63  }
0x2d5: {  	s18 =	simm.s32 @!p0 $0x3680  }
0x2d6: {  	[tilespmem:s18], [sflag:$0x1] =	stream.indirect_vreg.gather @!p0 [hbm4b:s12+s17], $0x80, v10, vm1, $0xb8;
	[tilespmem:$0x1D700] =	vst v63  }
0x2d7: {  	s18 =	simm.s32 @!p0 $0x3E80  }
0x2d8: {  	[tilespmem:s18], [sflag:$0x1] =	stream.indirect_vreg.gather @!p0 [hbm4b:s1+s17], $0x80, v6, vm1, $0xb8;
	[tilespmem:$0x1D700] =	vst v63  }
0x2d9: {  	s18 =	simm.s32 @!p0 $0x4680  }
0x2da: {  	[tilespmem:s18], [sflag:$0x1] =	stream.indirect_vreg.gather @!p0 [hbm4b:s11+s17], $0x80, v6, vm1, $0xb8;
	[tilespmem:$0x1D700] =	vst v63  }
0x2db: {  	s18 =	simm.s32 @!p0 $0x4E80  }
0x2dc: {  	[tilespmem:s18], [sflag:$0x1] =	stream.indirect_vreg.gather @!p0 [hbm4b:s12+s17], $0x80, v6, vm1, $0xb8;
	[tilespmem:$0x1D700] =	vst v63  }
0x2dd: {  	v6 =	vld @!p0 [tilespmem:s10+$0x90];
	_ =	sdelay $0x4  }
0x2de: {  	v10 =	vshrl.u32 @!p0 v6, $0x3  }
0x2df: {  	v10 =	vmul.u32 @!p0 $0x30, v10  }
0x2e0: {  	v6 =	vand.u32 @!p0 $0x7, v6  }
0x2e1: {  	v6 =	vor.u32 @!p0 v6, v10  }
0x2e2: {  	v7 =	vperm.xlane @!p0 v6, v7;
	_ =	sdelay $0x1  }
0x2e3: {  	v7 =	vadd.s32 @!p0 v9, v7;
	_ =	sdelay $0x3  }
0x2e4: {  	s10 =	simm.s32 @!p0 $0x5680;
	v6 =	vperm.xlane @!p0 v6, v8  }
0x2e5: {  	[tilespmem:s10], [sflag:$0x1] =	stream.indirect_vreg.gather @!p0 [hbm4b:s1+s17], $0x80, v7, vm1, $0xb8;
	[tilespmem:$0x1D700] =	vst v63  }
0x2e6: {  	v6 =	vadd.s32 @!p0 v9, v6;
	s10 =	simm.s32 @!p0 $0x5E80  }
0x2e7: {  	[tilespmem:s10], [sflag:$0x1] =	stream.indirect_vreg.gather @!p0 [hbm4b:s11+s17], $0x80, v7, vm1, $0xb8;
	[tilespmem:$0x1D700] =	vst v63  }
0x2e8: {  	s10 =	simm.s32 @!p0 $0x6680  }
0x2e9: {  	[tilespmem:s10], [sflag:$0x1] =	stream.indirect_vreg.gather @!p0 [hbm4b:s12+s17], $0x80, v7, vm1, $0xb8;
	[tilespmem:$0x1D700] =	vst v63  }
0x2ea: {  	s10 =	simm.s32 @!p0 $0x6E80  }
0x2eb: {  	[tilespmem:s10], [sflag:$0x1] =	stream.indirect_vreg.gather @!p0 [hbm4b:s1+s17], $0x80, v6, vm1, $0xb8;
	[tilespmem:$0x1D700] =	vst v63  }
0x2ec: {  	s9 =	sadd.s32 s5, s9;
	s26 =	simm.s32 $0x0;
	s10 =	simm.s32 @!p0 $0x7680  }
0x2ed: {  	[tilespmem:s10], [sflag:$0x1] =	stream.indirect_vreg.gather @!p0 [hbm4b:s11+s17], $0x80, v6, vm1, $0xb8;
	[tilespmem:$0x1D700] =	vst v63  }
0x2ee: {  	s23 =	sshrl.u32 s9, $0xC;
	s18 =	smul.u32 $0x6000, s26;
	s10 =	simm.s32 @!p0 $0x7E80  }
0x2ef: {  	[tilespmem:s10], [sflag:$0x1] =	stream.indirect_vreg.gather @!p0 [hbm4b:s12+s17], $0x80, v6, vm1, $0xb8;
	[tilespmem:$0x1D700] =	vst v63  }
0x2f0: {  	s10 =	ssub.s32 s23, s8;
	s23 =	simm.s32 $0x0  }
0x2f1: {  	s18 =	sshra.s32 s18, $0x2;
	_ =	swait.ge [sflag:s3], $0x6000;
	s23 =	sand.u32 $0x380, s23  }
0x2f2: {  	[sflag:s3] =	ssyncset.done $0x0;
	s23 =	sor.u32 s23, s18  }
0x2f3: {  	[sflag:s3] =	ssyncadd.s32 $0xFFFFA000;
	s18 =	sadd.s32 $0x14A80, s23  }
0x2f4: {  	v26 =	vld [tilespmem:s18+$0x40]  }
0x2f5: {  	v27 =	vld [tilespmem:s18+$0x60]  }
0x2f6: {  	v29 =	vld [tilespmem:s18+$0x20]  }
0x2f7: {  	s24 =	sshrl.u32 s10, $0x3;
	v22 =	vld [tilespmem:s18+$0x10]  }
0x2f8: {  	s17 =	smul.u32 $0x6000, s24;
	v28 =	vld [tilespmem:s23+$0x14A80]  }
0x2f9: {  	s10 =	sshll.u32 s10, $0x7;
	v25 =	vld [tilespmem:s23+$0x14680]  }
0x2fa: {  	s10 =	sand.u32 $0x380, s10;
	s17 =	sshra.s32 s17, $0x2;
	v24 =	vld [tilespmem:s18+$0x70]  }
0x2fb: {  	v23 =	vld [tilespmem:s18+$0x50];
	s25 =	sor.u32 s10, s17  }
0x2fc: {  	s24 =	sadd.s32 $0x1A700, s25;
	v19 =	vld [tilespmem:s25+$0x1A700]  }
0x2fd: {  	v13 =	vld [tilespmem:s24+$0x10]  }
0x2fe: {  	v11 =	vld [tilespmem:s24+$0x20]  }
0x2ff: {  	v16 =	vld [tilespmem:s24+$0x30]  }
0x300: {  	v17 =	vld [tilespmem:s24+$0x40]  }
0x301: {  	v15 =	vld [tilespmem:s24+$0x50]  }
0x302: {  	v12 =	vld [tilespmem:s24+$0x60]  }
0x303: {  	v21 =	vld [tilespmem:s24+$0x70]  }
0x304: {  	v10 =	vld [tilespmem:s24+$0x400]  }
0x305: {  	v9 =	vld [tilespmem:s24+$0x410]  }
0x306: {  	v7 =	vld [tilespmem:s24+$0x420]  }
0x307: {  	v6 =	vld [tilespmem:s24+$0x430]  }
0x308: {  	v18 =	vld [tilespmem:s24+$0x440]  }
0x309: {  	v8 =	vld [tilespmem:s24+$0x450]  }
0x30a: {  	v20 =	vld [tilespmem:s24+$0x460]  }
0x30b: {  	v14 =	vld [tilespmem:s24+$0x470];
	s24 =	sadd.s32 $0x14680, s23  }
0x30c: {  	v33 =	vld [tilespmem:s24+$0x70]  }
0x30d: {  	v30 =	vld [tilespmem:s24+$0x30]  }
0x30e: {  	v35 =	vld [tilespmem:s24+$0x40]  }
0x30f: {  	v32 =	vld [tilespmem:s24+$0x10]  }
0x310: {  	v31 =	vld [tilespmem:s24+$0x20];
	v36 =	vadd.f32 v25, v19  }
0x311: {  	v34 =	vld [tilespmem:s24+$0x50];
	v33 =	vadd.f32 v33, v21  }
0x312: {  	v25 =	vld [tilespmem:s18+$0x30];
	[tilespmem:s23+$0x14680] =	vst v36;
	v30 =	vadd.f32 v30, v16  }
0x313: {  	s25 =	simm.s32 $0x0;
	v37 =	vld [tilespmem:s24+$0x60];
	v35 =	vadd.f32 v35, v17;
	[tilespmem:s24+$0x70] =	vst v33  }
0x314: {  	s25 =	smul.u32 $0x6000, s25;
	v32 =	vadd.f32 v32, v13;
	[tilespmem:s24+$0x30] =	vst v30  }
0x315: {  	s28 =	simm.s32 $0x80;
	v31 =	vadd.f32 v31, v11;
	[tilespmem:s24+$0x40] =	vst v35  }
0x316: {  	s26 =	sand.u32 $0x380, s28;
	s25 =	sshra.s32 s25, $0x2;
	v26 =	vadd.f32 v26, v18;
	v30 =	vadd.f32 v34, v15;
	[tilespmem:s24+$0x10] =	vst v32  }
0x317: {  	s25 =	sor.u32 s26, s25;
	v27 =	vadd.f32 v27, v20;
	v28 =	vadd.f32 v28, v10;
	[tilespmem:s24+$0x20] =	vst v31  }
0x318: {  	s29 =	simm.s32 $0x2;
	s30 =	sadd.s32 $0x14680, s25;
	s26 =	sadd.s32 $0x14A80, s25;
	v29 =	vadd.f32 v29, v7;
	[tilespmem:s24+$0x50] =	vst v30;
	v30 =	vadd.f32 v37, v12  }
.LBB2_21:
0x319: {  	p0 =	sne.s32 s29, $0x1F;
	s28 =	sadd.s32 $0x80, s28  }
0x31a: {  	[tilespmem:s24+$0x60] =	vst v30;
	s2 =	smov.u32 s29;
	s29 =	sadd.s32 $0x1, s29;
	s24 =	smov.u32 s30  }
0x31b: {  	[tilespmem:s18+$0x40] =	vst v26  }
0x31c: {  	v22 =	vadd.f32 v22, v9;
	v26 =	vld [tilespmem:s26+$0x40];
	[tilespmem:s18+$0x60] =	vst v27  }
0x31d: {  	[tilespmem:s23+$0x14A80] =	vst v28;
	s23 =	smov.u32 s25  }
0x31e: {  	v27 =	vld [tilespmem:s26+$0x60];
	[tilespmem:s18+$0x10] =	vst v22;
	v22 =	vadd.f32 v24, v14  }
0x31f: {  	v24 =	vadd.f32 v25, v6;
	[tilespmem:s18+$0x20] =	vst v29  }
0x320: {  	v23 =	vadd.f32 v23, v8;
	v29 =	vld [tilespmem:s26+$0x20];
	[tilespmem:s18+$0x70] =	vst v22  }
0x321: {  	v22 =	vld [tilespmem:s26+$0x10];
	[tilespmem:s18+$0x30] =	vst v24  }
0x322: {  	v26 =	vadd.f32 v26, v18;
	v25 =	vld [tilespmem:s23+$0x14A80];
	[tilespmem:s18+$0x50] =	vst v23;
	s18 =	smov.u32 s26  }
0x323: {  	v30 =	vld [tilespmem:s24+$0x30]  }
0x324: {  	v27 =	vadd.f32 v27, v20;
	v31 =	vld [tilespmem:s24+$0x20]  }
0x325: {  	s2 =	sshrl.u32 s2, $0x3;
	v32 =	vld [tilespmem:s23+$0x14680]  }
0x326: {  	s2 =	smul.u32 $0x6000, s2;
	v33 =	vld [tilespmem:s24+$0x10]  }
0x327: {  	v34 =	vld [tilespmem:s24+$0x70]  }
0x328: {  	s25 =	sand.u32 $0x380, s28;
	s2 =	sshra.s32 s2, $0x2;
	v35 =	vld [tilespmem:s24+$0x50]  }
0x329: {  	s25 =	sor.u32 s25, s2;
	v36 =	vld [tilespmem:s24+$0x40]  }
0x32a: {  	s30 =	sadd.s32 $0x14680, s25;
	v28 =	vadd.f32 v25, v10;
	v24 =	vld [tilespmem:s18+$0x70]  }
0x32b: {  	v31 =	vadd.f32 v31, v11;
	v32 =	vadd.f32 v32, v19;
	v23 =	vld [tilespmem:s18+$0x50]  }
0x32c: {  	v25 =	vld [tilespmem:s18+$0x30];
	v34 =	vadd.f32 v34, v21  }
0x32d: {  	v30 =	vadd.f32 v30, v16;
	v37 =	vld [tilespmem:s24+$0x60];
	[tilespmem:s23+$0x14680] =	vst v32;
	v32 =	vadd.f32 v35, v15  }
0x32e: {  	v35 =	vadd.f32 v36, v17;
	[tilespmem:s24+$0x70] =	vst v34  }
.Ltmp9:
0x32f: {  	v33 =	vadd.f32 v33, v13;
	[tilespmem:s24+$0x30] =	vst v30;
	(pc) =	sbr.rel @p0 .LBB2_21-.Ltmp9, $4  }
0x330: {  	[tilespmem:s24+$0x40] =	vst v35  }
0x331: {  	s26 =	sadd.s32 $0x14A80, s25;
	[tilespmem:s24+$0x10] =	vst v33  }
0x332: {  	[tilespmem:s24+$0x50] =	vst v32;
	v30 =	vadd.f32 v37, v12  }
0x333: {  	v29 =	vadd.f32 v29, v7;
	[tilespmem:s24+$0x20] =	vst v31  }
0x334: {  	[tilespmem:s24+$0x60] =	vst v30  }
0x335: {  	[tilespmem:s18+$0x40] =	vst v26  }
0x336: {  	v22 =	vadd.f32 v22, v9;
	[tilespmem:s23+$0x14A80] =	vst v28  }
0x337: {  	v26 =	vld [tilespmem:s26+$0x40];
	[tilespmem:s18+$0x60] =	vst v27  }
0x338: {  	v24 =	vadd.f32 v24, v14;
	[tilespmem:s18+$0x10] =	vst v22  }
0x339: {  	v25 =	vadd.f32 v25, v6;
	[tilespmem:s18+$0x20] =	vst v29;
	v22 =	vld [tilespmem:s26+$0x60]  }
0x33a: {  	v23 =	vadd.f32 v23, v8;
	v27 =	vld [tilespmem:s26+$0x20];
	[tilespmem:s18+$0x70] =	vst v24  }
0x33b: {  	v24 =	vld [tilespmem:s26+$0x10];
	[tilespmem:s18+$0x30] =	vst v25  }
0x33c: {  	[tilespmem:s18+$0x50] =	vst v23  }
0x33d: {  	v23 =	vld [tilespmem:s30+$0x30]  }
0x33e: {  	v28 =	vld [tilespmem:s30+$0x20]  }
0x33f: {  	v29 =	vld [tilespmem:s25+$0x14680]  }
0x340: {  	v30 =	vld [tilespmem:s30+$0x10]  }
0x341: {  	v31 =	vld [tilespmem:s30+$0x70]  }
0x342: {  	v33 =	vld [tilespmem:s30+$0x40]  }
0x343: {  	v32 =	vld [tilespmem:s30+$0x50]  }
0x344: {  	v34 =	vld [tilespmem:s26+$0x70]  }
0x345: {  	v35 =	vld [tilespmem:s26+$0x50];
	v19 =	vadd.f32 v29, v19  }
0x346: {  	v29 =	vld [tilespmem:s26+$0x30];
	v21 =	vadd.f32 v31, v21  }
0x347: {  	v31 =	vld [tilespmem:s30+$0x60];
	v17 =	vadd.f32 v33, v17;
	[tilespmem:s25+$0x14680] =	vst v19  }
0x348: {  	v25 =	vld [tilespmem:s25+$0x14A80];
	v15 =	vadd.f32 v32, v15;
	[tilespmem:s30+$0x70] =	vst v21  }
0x349: {  	v16 =	vadd.f32 v23, v16;
	[tilespmem:s30+$0x40] =	vst v17  }
0x34a: {  	v13 =	vadd.f32 v30, v13;
	[tilespmem:s30+$0x50] =	vst v15  }
0x34b: {  	v11 =	vadd.f32 v28, v11;
	[tilespmem:s30+$0x30] =	vst v16  }
0x34c: {  	[tilespmem:s30+$0x10] =	vst v13;
	v12 =	vadd.f32 v31, v12  }
0x34d: {  	v13 =	vadd.f32 v26, v18;
	[tilespmem:s30+$0x20] =	vst v11  }
0x34e: {  	v11 =	vadd.f32 v22, v20;
	[tilespmem:s30+$0x60] =	vst v12  }
0x34f: {  	v10 =	vadd.f32 v25, v10;
	[tilespmem:s26+$0x40] =	vst v13  }
0x350: {  	v9 =	vadd.f32 v24, v9;
	[tilespmem:s26+$0x60] =	vst v11  }
0x351: {  	v7 =	vadd.f32 v27, v7;
	[tilespmem:s25+$0x14A80] =	vst v10  }
0x352: {  	v6 =	vadd.f32 v29, v6;
	[tilespmem:s26+$0x10] =	vst v9  }
0x353: {  	v9 =	vadd.f32 v34, v14;
	[tilespmem:s26+$0x20] =	vst v7  }
0x354: {  	v7 =	vadd.f32 v35, v8;
	[tilespmem:s26+$0x30] =	vst v6  }
0x355: {  	[tilespmem:s26+$0x70] =	vst v9  }
0x356: {  	s10 =	sadd.s32 s10, s17;
	[tilespmem:s26+$0x50] =	vst v7  }
0x357: {  	s2 =	sadd.s32 $0x1AF00, s10;
	v19 =	vld [tilespmem:s10+$0x1AF00]  }
0x358: {  	v13 =	vld [tilespmem:s2+$0x10]  }
0x359: {  	v11 =	vld [tilespmem:s2+$0x20]  }
0x35a: {  	v16 =	vld [tilespmem:s2+$0x30]  }
0x35b: {  	v17 =	vld [tilespmem:s2+$0x40]  }
0x35c: {  	v14 =	vld [tilespmem:s2+$0x50]  }
0x35d: {  	v12 =	vld [tilespmem:s2+$0x60]  }
0x35e: {  	v21 =	vld [tilespmem:s2+$0x70]  }
0x35f: {  	s23 =	sadd.s32 $0x1B300, s10;
	v10 =	vld [tilespmem:s10+$0x1B300]  }
0x360: {  	v9 =	vld [tilespmem:s23+$0x10]  }
0x361: {  	s24 =	simm.s32 $0x0;
	v7 =	vld [tilespmem:s23+$0x20]  }
0x362: {  	s17 =	smul.u32 $0x6000, s24;
	v6 =	vld [tilespmem:s23+$0x30]  }
0x363: {  	s25 =	simm.s32 $0x0;
	v18 =	vld [tilespmem:s23+$0x40]  }
0x364: {  	s17 =	sshra.s32 s17, $0x2;
	s18 =	sand.u32 $0x380, s25;
	v8 =	vld [tilespmem:s23+$0x50]  }
0x365: {  	s18 =	sor.u32 s18, s17;
	v20 =	vld [tilespmem:s23+$0x60]  }
0x366: {  	s17 =	sadd.s32 $0x15280, s18;
	v15 =	vld [tilespmem:s23+$0x70]  }
0x367: {  	v26 =	vld [tilespmem:s17+$0x40]  }
0x368: {  	v27 =	vld [tilespmem:s17+$0x60]  }
0x369: {  	v29 =	vld [tilespmem:s17+$0x20]  }
0x36a: {  	v22 =	vld [tilespmem:s17+$0x10]  }
0x36b: {  	v28 =	vld [tilespmem:s18+$0x15280]  }
0x36c: {  	v25 =	vld [tilespmem:s18+$0x14E80]  }
0x36d: {  	v24 =	vld [tilespmem:s17+$0x70]  }
0x36e: {  	s23 =	sadd.s32 $0x14E80, s18;
	v23 =	vld [tilespmem:s17+$0x50]  }
0x36f: {  	v61 =	vld [tilespmem:s23+$0x70]  }
0x370: {  	v30 =	vld [tilespmem:s23+$0x30]  }
0x371: {  	v63 =	vld [tilespmem:s23+$0x40]  }
0x372: {  	v60 =	vld [tilespmem:s23+$0x10]  }
0x373: {  	v31 =	vld [tilespmem:s23+$0x20];
	v36 =	vadd.f32 v25, v19  }
0x374: {  	v62 =	vld [tilespmem:s23+$0x50];
	v33 =	vadd.f32 v61, v21  }
0x375: {  	v25 =	vld [tilespmem:s17+$0x30];
	v30 =	vadd.f32 v30, v16;
	[tilespmem:s18+$0x14E80] =	vst v36  }
0x376: {  	s26 =	simm.s32 $0x0;
	v37 =	vld [tilespmem:s23+$0x60];
	v35 =	vadd.f32 v63, v17;
	[tilespmem:s23+$0x70] =	vst v33  }
0x377: {  	s2 =	smul.u32 $0x6000, s26;
	v32 =	vadd.f32 v60, v13;
	[tilespmem:s23+$0x30] =	vst v30  }
0x378: {  	s26 =	simm.s32 $0x80;
	v31 =	vadd.f32 v31, v11;
	[tilespmem:s23+$0x40] =	vst v35  }
0x379: {  	s30 =	sand.u32 $0x380, s26;
	s2 =	sshra.s32 s2, $0x2;
	v26 =	vadd.f32 v26, v18;
	v30 =	vadd.f32 v62, v14;
	[tilespmem:s23+$0x10] =	vst v32  }
0x37a: {  	s24 =	sor.u32 s30, s2;
	v27 =	vadd.f32 v27, v20;
	v28 =	vadd.f32 v28, v10;
	[tilespmem:s23+$0x20] =	vst v31  }
0x37b: {  	s28 =	simm.s32 $0x2;
	s29 =	sadd.s32 $0x14E80, s24;
	s25 =	sadd.s32 $0x15280, s24;
	v29 =	vadd.f32 v29, v7;
	[tilespmem:s23+$0x50] =	vst v30;
	v30 =	vadd.f32 v37, v12  }
.LBB2_23:
0x37c: {  	p0 =	sne.s32 s28, $0x1F;
	s26 =	sadd.s32 $0x80, s26  }
0x37d: {  	[tilespmem:s23+$0x60] =	vst v30;
	s2 =	smov.u32 s28;
	s28 =	sadd.s32 $0x1, s28;
	s23 =	smov.u32 s29  }
0x37e: {  	[tilespmem:s17+$0x40] =	vst v26  }
0x37f: {  	v22 =	vadd.f32 v22, v9;
	v26 =	vld [tilespmem:s25+$0x40];
	[tilespmem:s17+$0x60] =	vst v27  }
0x380: {  	[tilespmem:s18+$0x15280] =	vst v28;
	s18 =	smov.u32 s24  }
0x381: {  	v27 =	vld [tilespmem:s25+$0x60];
	[tilespmem:s17+$0x10] =	vst v22;
	v22 =	vadd.f32 v24, v15  }
0x382: {  	v24 =	vadd.f32 v25, v6;
	[tilespmem:s17+$0x20] =	vst v29  }
0x383: {  	v23 =	vadd.f32 v23, v8;
	v29 =	vld [tilespmem:s25+$0x20];
	[tilespmem:s17+$0x70] =	vst v22  }
0x384: {  	v22 =	vld [tilespmem:s25+$0x10];
	[tilespmem:s17+$0x30] =	vst v24  }
0x385: {  	v26 =	vadd.f32 v26, v18;
	v25 =	vld [tilespmem:s18+$0x15280];
	[tilespmem:s17+$0x50] =	vst v23;
	s17 =	smov.u32 s25  }
0x386: {  	v30 =	vld [tilespmem:s23+$0x30]  }
0x387: {  	v27 =	vadd.f32 v27, v20;
	v31 =	vld [tilespmem:s23+$0x20]  }
0x388: {  	s2 =	sshrl.u32 s2, $0x3;
	v32 =	vld [tilespmem:s18+$0x14E80]  }
0x389: {  	s2 =	smul.u32 $0x6000, s2;
	v33 =	vld [tilespmem:s23+$0x10]  }
0x38a: {  	v34 =	vld [tilespmem:s23+$0x70]  }
0x38b: {  	s24 =	sand.u32 $0x380, s26;
	s2 =	sshra.s32 s2, $0x2;
	v35 =	vld [tilespmem:s23+$0x50]  }
0x38c: {  	s24 =	sor.u32 s24, s2;
	v36 =	vld [tilespmem:s23+$0x40]  }
0x38d: {  	s29 =	sadd.s32 $0x14E80, s24;
	v28 =	vadd.f32 v25, v10;
	v24 =	vld [tilespmem:s17+$0x70]  }
0x38e: {  	v31 =	vadd.f32 v31, v11;
	v32 =	vadd.f32 v32, v19;
	v23 =	vld [tilespmem:s17+$0x50]  }
0x38f: {  	v25 =	vld [tilespmem:s17+$0x30];
	v34 =	vadd.f32 v34, v21  }
0x390: {  	v30 =	vadd.f32 v30, v16;
	v37 =	vld [tilespmem:s23+$0x60];
	[tilespmem:s18+$0x14E80] =	vst v32;
	v32 =	vadd.f32 v35, v14  }
0x391: {  	v35 =	vadd.f32 v36, v17;
	[tilespmem:s23+$0x70] =	vst v34  }
.Ltmp10:
0x392: {  	v33 =	vadd.f32 v33, v13;
	[tilespmem:s23+$0x30] =	vst v30;
	(pc) =	sbr.rel @p0 .LBB2_23-.Ltmp10, $4  }
0x393: {  	[tilespmem:s23+$0x40] =	vst v35  }
0x394: {  	s25 =	sadd.s32 $0x15280, s24;
	[tilespmem:s23+$0x10] =	vst v33  }
0x395: {  	[tilespmem:s23+$0x50] =	vst v32;
	v30 =	vadd.f32 v37, v12  }
0x396: {  	v29 =	vadd.f32 v29, v7;
	[tilespmem:s23+$0x20] =	vst v31  }
0x397: {  	[tilespmem:s23+$0x60] =	vst v30  }
0x398: {  	[tilespmem:s17+$0x40] =	vst v26  }
0x399: {  	v22 =	vadd.f32 v22, v9;
	[tilespmem:s18+$0x15280] =	vst v28  }
0x39a: {  	v26 =	vld [tilespmem:s25+$0x40];
	[tilespmem:s17+$0x60] =	vst v27  }
0x39b: {  	v24 =	vadd.f32 v24, v15;
	[tilespmem:s17+$0x10] =	vst v22  }
0x39c: {  	v25 =	vadd.f32 v25, v6;
	[tilespmem:s17+$0x20] =	vst v29;
	v22 =	vld [tilespmem:s25+$0x60]  }
0x39d: {  	v23 =	vadd.f32 v23, v8;
	v27 =	vld [tilespmem:s25+$0x20];
	[tilespmem:s17+$0x70] =	vst v24  }
0x39e: {  	v24 =	vld [tilespmem:s25+$0x10];
	[tilespmem:s17+$0x30] =	vst v25  }
0x39f: {  	[tilespmem:s17+$0x50] =	vst v23  }
0x3a0: {  	v23 =	vld [tilespmem:s29+$0x30]  }
0x3a1: {  	v28 =	vld [tilespmem:s29+$0x20]  }
0x3a2: {  	v29 =	vld [tilespmem:s24+$0x14E80]  }
0x3a3: {  	v30 =	vld [tilespmem:s29+$0x10]  }
0x3a4: {  	v31 =	vld [tilespmem:s29+$0x70]  }
0x3a5: {  	v33 =	vld [tilespmem:s29+$0x40]  }
0x3a6: {  	v32 =	vld [tilespmem:s29+$0x50]  }
0x3a7: {  	v34 =	vld [tilespmem:s25+$0x70]  }
0x3a8: {  	v35 =	vld [tilespmem:s25+$0x50];
	v19 =	vadd.f32 v29, v19  }
0x3a9: {  	v29 =	vld [tilespmem:s25+$0x30];
	v21 =	vadd.f32 v31, v21  }
0x3aa: {  	v31 =	vld [tilespmem:s29+$0x60];
	v17 =	vadd.f32 v33, v17;
	[tilespmem:s24+$0x14E80] =	vst v19  }
0x3ab: {  	v25 =	vld [tilespmem:s24+$0x15280];
	v14 =	vadd.f32 v32, v14;
	[tilespmem:s29+$0x70] =	vst v21  }
0x3ac: {  	v16 =	vadd.f32 v23, v16;
	[tilespmem:s29+$0x40] =	vst v17  }
0x3ad: {  	v13 =	vadd.f32 v30, v13;
	[tilespmem:s29+$0x50] =	vst v14  }
0x3ae: {  	v11 =	vadd.f32 v28, v11;
	[tilespmem:s29+$0x30] =	vst v16  }
0x3af: {  	[tilespmem:s29+$0x10] =	vst v13;
	v12 =	vadd.f32 v31, v12  }
0x3b0: {  	v13 =	vadd.f32 v26, v18;
	[tilespmem:s29+$0x20] =	vst v11  }
0x3b1: {  	v11 =	vadd.f32 v22, v20;
	[tilespmem:s29+$0x60] =	vst v12  }
0x3b2: {  	v10 =	vadd.f32 v25, v10;
	[tilespmem:s25+$0x40] =	vst v13  }
0x3b3: {  	v9 =	vadd.f32 v24, v9;
	[tilespmem:s25+$0x60] =	vst v11  }
0x3b4: {  	v7 =	vadd.f32 v27, v7;
	[tilespmem:s24+$0x15280] =	vst v10  }
0x3b5: {  	v6 =	vadd.f32 v29, v6;
	[tilespmem:s25+$0x10] =	vst v9  }
0x3b6: {  	v9 =	vadd.f32 v34, v15;
	[tilespmem:s25+$0x20] =	vst v7  }
0x3b7: {  	v7 =	vadd.f32 v35, v8;
	[tilespmem:s25+$0x30] =	vst v6  }
0x3b8: {  	[tilespmem:s25+$0x70] =	vst v9  }
0x3b9: {  	[tilespmem:s25+$0x50] =	vst v7  }
0x3ba: {  	s2 =	sadd.s32 $0x1B700, s10;
	v19 =	vld [tilespmem:s10+$0x1B700]  }
0x3bb: {  	v13 =	vld [tilespmem:s2+$0x10]  }
0x3bc: {  	v11 =	vld [tilespmem:s2+$0x20]  }
0x3bd: {  	v17 =	vld [tilespmem:s2+$0x30]  }
0x3be: {  	v16 =	vld [tilespmem:s2+$0x40]  }
0x3bf: {  	v14 =	vld [tilespmem:s2+$0x50]  }
0x3c0: {  	v12 =	vld [tilespmem:s2+$0x60]  }
0x3c1: {  	v21 =	vld [tilespmem:s2+$0x70]  }
0x3c2: {  	s24 =	sadd.s32 $0x1BB00, s10;
	v10 =	vld [tilespmem:s10+$0x1BB00]  }
0x3c3: {  	v9 =	vld [tilespmem:s24+$0x10]  }
0x3c4: {  	v8 =	vld [tilespmem:s24+$0x20]  }
0x3c5: {  	s25 =	simm.s32 $0x0;
	v6 =	vld [tilespmem:s24+$0x30]  }
0x3c6: {  	s10 =	smul.u32 $0x6000, s25;
	v18 =	vld [tilespmem:s24+$0x40]  }
0x3c7: {  	s26 =	simm.s32 $0x0;
	v7 =	vld [tilespmem:s24+$0x50]  }
0x3c8: {  	s17 =	sand.u32 $0x380, s26;
	v20 =	vld [tilespmem:s24+$0x60];
	s10 =	sshra.s32 s10, $0x2  }
0x3c9: {  	v15 =	vld [tilespmem:s24+$0x70];
	s17 =	sor.u32 s17, s10  }
0x3ca: {  	v28 =	vld [tilespmem:s17+$0x15A80]  }
0x3cb: {  	s10 =	sadd.s32 $0x15A80, s17;
	v25 =	vld [tilespmem:s17+$0x15680]  }
0x3cc: {  	v26 =	vld [tilespmem:s10+$0x40]  }
0x3cd: {  	v27 =	vld [tilespmem:s10+$0x60]  }
0x3ce: {  	v29 =	vld [tilespmem:s10+$0x20]  }
0x3cf: {  	s18 =	sadd.s32 $0x15680, s17;
	v22 =	vld [tilespmem:s10+$0x10]  }
0x3d0: {  	v30 =	vld [tilespmem:s18+$0x30]  }
0x3d1: {  	v31 =	vld [tilespmem:s18+$0x20]  }
0x3d2: {  	v61 =	vld [tilespmem:s18+$0x70]  }
0x3d3: {  	v60 =	vld [tilespmem:s18+$0x10]  }
0x3d4: {  	v63 =	vld [tilespmem:s18+$0x40]  }
0x3d5: {  	v62 =	vld [tilespmem:s18+$0x50]  }
0x3d6: {  	v24 =	vld [tilespmem:s10+$0x70];
	v36 =	vadd.f32 v25, v19  }
0x3d7: {  	v23 =	vld [tilespmem:s10+$0x50];
	v33 =	vadd.f32 v61, v21  }
0x3d8: {  	v25 =	vld [tilespmem:s10+$0x30];
	v30 =	vadd.f32 v30, v17;
	[tilespmem:s17+$0x15680] =	vst v36  }
0x3d9: {  	s29 =	simm.s32 $0x0;
	v37 =	vld [tilespmem:s18+$0x60];
	v35 =	vadd.f32 v63, v16;
	[tilespmem:s18+$0x70] =	vst v33  }
0x3da: {  	s2 =	smul.u32 $0x6000, s29;
	v32 =	vadd.f32 v60, v13;
	[tilespmem:s18+$0x30] =	vst v30  }
0x3db: {  	s25 =	simm.s32 $0x80;
	v31 =	vadd.f32 v31, v11;
	[tilespmem:s18+$0x40] =	vst v35  }
0x3dc: {  	s30 =	sand.u32 $0x380, s25;
	s2 =	sshra.s32 s2, $0x2;
	v28 =	vadd.f32 v28, v10;
	v30 =	vadd.f32 v62, v14;
	[tilespmem:s18+$0x10] =	vst v32  }
0x3dd: {  	s23 =	sor.u32 s30, s2;
	v26 =	vadd.f32 v26, v18;
	v27 =	vadd.f32 v27, v20;
	[tilespmem:s18+$0x20] =	vst v31  }
0x3de: {  	s26 =	simm.s32 $0x2;
	s28 =	sadd.s32 $0x15680, s23;
	s24 =	sadd.s32 $0x15A80, s23;
	v29 =	vadd.f32 v29, v8;
	[tilespmem:s18+$0x50] =	vst v30;
	v30 =	vadd.f32 v37, v12  }
.LBB2_25:
0x3df: {  	p0 =	sne.s32 s26, $0x1F;
	s25 =	sadd.s32 $0x80, s25  }
0x3e0: {  	[tilespmem:s18+$0x60] =	vst v30;
	s2 =	smov.u32 s26;
	s26 =	sadd.s32 $0x1, s26;
	s18 =	smov.u32 s28  }
0x3e1: {  	[tilespmem:s10+$0x40] =	vst v26  }
0x3e2: {  	v22 =	vadd.f32 v22, v9;
	v26 =	vld [tilespmem:s24+$0x40];
	[tilespmem:s10+$0x60] =	vst v27  }
0x3e3: {  	[tilespmem:s17+$0x15A80] =	vst v28;
	s17 =	smov.u32 s23  }
0x3e4: {  	v27 =	vld [tilespmem:s24+$0x60];
	[tilespmem:s10+$0x10] =	vst v22;
	v22 =	vadd.f32 v24, v15  }
0x3e5: {  	v24 =	vadd.f32 v25, v6;
	[tilespmem:s10+$0x20] =	vst v29  }
0x3e6: {  	v23 =	vadd.f32 v23, v7;
	v29 =	vld [tilespmem:s24+$0x20];
	[tilespmem:s10+$0x70] =	vst v22  }
0x3e7: {  	v22 =	vld [tilespmem:s24+$0x10];
	[tilespmem:s10+$0x30] =	vst v24  }
0x3e8: {  	v26 =	vadd.f32 v26, v18;
	v25 =	vld [tilespmem:s17+$0x15A80];
	[tilespmem:s10+$0x50] =	vst v23;
	s10 =	smov.u32 s24  }
0x3e9: {  	v30 =	vld [tilespmem:s18+$0x30]  }
0x3ea: {  	v27 =	vadd.f32 v27, v20;
	v31 =	vld [tilespmem:s18+$0x20]  }
0x3eb: {  	s2 =	sshrl.u32 s2, $0x3;
	v32 =	vld [tilespmem:s17+$0x15680]  }
0x3ec: {  	s2 =	smul.u32 $0x6000, s2;
	v33 =	vld [tilespmem:s18+$0x10]  }
0x3ed: {  	v34 =	vld [tilespmem:s18+$0x70]  }
0x3ee: {  	s23 =	sand.u32 $0x380, s25;
	s2 =	sshra.s32 s2, $0x2;
	v35 =	vld [tilespmem:s18+$0x50]  }
0x3ef: {  	s23 =	sor.u32 s23, s2;
	v36 =	vld [tilespmem:s18+$0x40]  }
0x3f0: {  	s28 =	sadd.s32 $0x15680, s23;
	v28 =	vadd.f32 v25, v10;
	v24 =	vld [tilespmem:s10+$0x70]  }
0x3f1: {  	v31 =	vadd.f32 v31, v11;
	v32 =	vadd.f32 v32, v19;
	v23 =	vld [tilespmem:s10+$0x50]  }
0x3f2: {  	v25 =	vld [tilespmem:s10+$0x30];
	v34 =	vadd.f32 v34, v21  }
0x3f3: {  	v30 =	vadd.f32 v30, v17;
	v37 =	vld [tilespmem:s18+$0x60];
	[tilespmem:s17+$0x15680] =	vst v32;
	v32 =	vadd.f32 v35, v14  }
0x3f4: {  	v35 =	vadd.f32 v36, v16;
	[tilespmem:s18+$0x70] =	vst v34  }
.Ltmp11:
0x3f5: {  	v33 =	vadd.f32 v33, v13;
	[tilespmem:s18+$0x30] =	vst v30;
	(pc) =	sbr.rel @p0 .LBB2_25-.Ltmp11, $4  }
0x3f6: {  	[tilespmem:s18+$0x40] =	vst v35  }
0x3f7: {  	s24 =	sadd.s32 $0x15A80, s23;
	[tilespmem:s18+$0x10] =	vst v33  }
0x3f8: {  	[tilespmem:s18+$0x50] =	vst v32;
	v30 =	vadd.f32 v37, v12  }
0x3f9: {  	v29 =	vadd.f32 v29, v8;
	[tilespmem:s18+$0x20] =	vst v31  }
0x3fa: {  	[tilespmem:s18+$0x60] =	vst v30  }
0x3fb: {  	[tilespmem:s10+$0x40] =	vst v26  }
0x3fc: {  	v22 =	vadd.f32 v22, v9;
	[tilespmem:s17+$0x15A80] =	vst v28  }
0x3fd: {  	v26 =	vld [tilespmem:s24+$0x40];
	[tilespmem:s10+$0x60] =	vst v27  }
0x3fe: {  	v24 =	vadd.f32 v24, v15;
	[tilespmem:s10+$0x10] =	vst v22  }
0x3ff: {  	v25 =	vadd.f32 v25, v6;
	[tilespmem:s10+$0x20] =	vst v29;
	v53 =	vld [tilespmem:s24+$0x60]  }
0x400: {  	v23 =	vadd.f32 v23, v7;
	v54 =	vld [tilespmem:s24+$0x20];
	[tilespmem:s10+$0x70] =	vst v24  }
0x401: {  	v55 =	vld [tilespmem:s24+$0x10];
	[tilespmem:s10+$0x30] =	vst v25  }
0x402: {  	[tilespmem:s10+$0x50] =	vst v23  }
0x403: {  	v23 =	vld [tilespmem:s28+$0x30]  }
0x404: {  	v28 =	vld [tilespmem:s28+$0x20]  }
0x405: {  	v29 =	vld [tilespmem:s23+$0x15680]  }
0x406: {  	v56 =	vld [tilespmem:s28+$0x10]  }
0x407: {  	v31 =	vld [tilespmem:s28+$0x70]  }
0x408: {  	v33 =	vld [tilespmem:s28+$0x40]  }
0x409: {  	v32 =	vld [tilespmem:s28+$0x50]  }
0x40a: {  	v59 =	vld [tilespmem:s28+$0x60]  }
0x40b: {  	v34 =	vld [tilespmem:s24+$0x70];
	v19 =	vadd.f32 v29, v19  }
0x40c: {  	v57 =	vld [tilespmem:s24+$0x50];
	v21 =	vadd.f32 v31, v21  }
0x40d: {  	v58 =	vld [tilespmem:s24+$0x30];
	v16 =	vadd.f32 v33, v16;
	[tilespmem:s23+$0x15680] =	vst v19  }
0x40e: {  	v25 =	vld [tilespmem:s23+$0x15A80];
	v14 =	vadd.f32 v32, v14;
	[tilespmem:s28+$0x70] =	vst v21  }
0x40f: {  	v12 =	vadd.f32 v59, v12;
	[tilespmem:s28+$0x40] =	vst v16  }
0x410: {  	v17 =	vadd.f32 v23, v17;
	[tilespmem:s28+$0x50] =	vst v14  }
0x411: {  	v13 =	vadd.f32 v56, v13;
	[tilespmem:s28+$0x60] =	vst v12  }
0x412: {  	v11 =	vadd.f32 v28, v11;
	[tilespmem:s28+$0x30] =	vst v17  }
0x413: {  	v60 =	vadd.f32 v26, v18;
	[tilespmem:s28+$0x10] =	vst v13  }
0x414: {  	v61 =	vadd.f32 v53, v20;
	[tilespmem:s28+$0x20] =	vst v11  }
0x415: {  	v10 =	vadd.f32 v25, v10;
	[tilespmem:s24+$0x40] =	vst v60  }
0x416: {  	v63 =	vadd.f32 v34, v15;
	[tilespmem:s24+$0x60] =	vst v61  }
0x417: {  	s14 =	sadd.s32 $0x1, s14;
	v7 =	vadd.f32 v57, v7;
	[tilespmem:s23+$0x15A80] =	vst v10  }
0x418: {  	p0 =	sne.s32 s14, $0x4D;
	v62 =	vadd.f32 v55, v9;
	[tilespmem:s24+$0x70] =	vst v63  }
.Ltmp12:
0x419: {  	s2 =	sshrl.u32 s9, $0x3;
	v8 =	vadd.f32 v54, v8;
	[tilespmem:s24+$0x50] =	vst v7;
	(pc) =	sbr.rel @p0 .LBB2_2-.Ltmp12, $4  }
0x41a: {  	s2 =	smul.u32 $0x300, s2;
	v6 =	vadd.f32 v58, v6;
	[tilespmem:s24+$0x10] =	vst v62  }
0x41b: {  	[tilespmem:s24+$0x20] =	vst v8  }
0x41c: {  	s2 =	sadd.s32 s4, s2;
	[tilespmem:s24+$0x30] =	vst v6  }
0x41d: {  	[hbm4b:s2+s6] =	stream.linear.scatter [tilespmem:s20], [sflag:$0x8], $0x6000, $0x38;
	[tilespmem:$0x1D700] =	vst v63  }
0x41e: {  	s2 =	simm.s32 $0x5  }
0x41f: {  	_ =	swait.ge [sflag:s2], $0x6000  }
0x420: {  	[sflag:s2] =	ssyncset.done $0x0  }
0x421: {  	s28 =	simm.s32 $0x6;
	[sflag:s2] =	ssyncadd.s32 $0xFFFFA000  }
0x422: {  	_ =	swait.ge [sflag:s28], $0x6000  }
0x423: {  	[sflag:s28] =	ssyncset.done $0x0  }
0x424: {  	s29 =	simm.s32 $0x7;
	[sflag:s28] =	ssyncadd.s32 $0xFFFFA000  }
0x425: {  	_ =	swait.ge [sflag:s29], $0x6000  }
0x426: {  	[sflag:s29] =	ssyncset.done $0x0  }
0x427: {  	s9 =	simm.s32 $0x8;
	[sflag:s29] =	ssyncadd.s32 $0xFFFFA000  }
0x428: {  	_ =	swait.ge [sflag:s9], $0x6000  }
0x429: {  	s10 =	rddreg [dreg:$0x9]  }
0x42a: {  	s30 =	rddreg [dreg:$0x8];
	s10 =	sadd.s32 $0x1, s10  }
0x42b: {  	p0 =	sne.s32 s10, s30  }
.Ltmp13:
0x42c: {  	_ = 	snop;
	(pc) =	sbr.rel @p0 .LBB2_1-.Ltmp13, $3  }
0x42d: {  	_ =	sdelay $0x1  }
0x42e: {  	[sflag:s9] =	ssyncset.done $0x0  }
0x42f: {  	[sflag:s9] =	ssyncadd.s32 $0xFFFFA000  }
0x430: {  	_ =	sfence.sel $0x180000  }
0x431: {  	[bflag:$0x0] =	sbarrier.arrive $0xFFFF  }
0x432: {  	_ =	strace $0x90000047  }
0x433: {  	s0 =	stileid.u32;
	[bflag:$0x2] =	sbarrier.arrive $0xFFFF  }
0x434: {  	p0 =	sne.s32 s0, $0x0;
	s0 =	rddreg [dreg:$0x4]  }
0x435: {  	s0 =	sadd.s32 @!p0 $0x100000, s0  }
0x436: {  	[sflag:s0] =	ssyncadd.tile.s32 @!p0 $0x1;
	_ =	shalt  }
.Lfunc_end2:
_tile_overlayer_lowered:
.L_overlay_start_2:
0x437: {  	(tag) =	ssettag $0x2  }
0x438: {  	s0 =	rddreg [dreg:$0x0];
	s2 =	stileid.u32  }
0x439: {  	s1 =	rddreg [dreg:$0x1];
	p0 =	sne.s32 s2, $0x0  }
0x43a: {  	s3 =	rddreg [dreg:$0x2];
	[bflag:$0x3] =	sbarrier.arrive $0xFFFF;
	s2 =	simm.s32 @!p0 $0x1C09  }
0x43b: {  	[timem:s3], [sflag:s2] =	dma.local @!p0 [hbm:s0], s1  }
0x43c: {  	s0 =	simm.s32 @!p0 $0x9  }
0x43d: {  	_ =	swait.ge @!p0 [sflag:s0], s1  }
0x43e: {  	s1 =	ssub.s32 @!p0 $0x0, s1;
	[sflag:s0] =	ssyncset.done @!p0 $0x0  }
0x43f: {  	[sflag:s0] =	ssyncadd.s32 @!p0 s1  }
0x440: {  	[bflag:$0x3] =	sbarrier.arrive $0xFFFF  }
0x441: {  	_ =	shalt  }

</sc_bundles>
